<compile_context>
chip_gen: v7x
topology: tpu7x:2x2x1
jax: 0.10.2.dev20260603
libtpu: 0.0.44.dev20260713+nightly
codegen_flags: <defaults>
</compile_context>

<pallas_src>
import functools
import jax
import jax.numpy as jnp
from jax import lax
from jax.experimental import pallas as pl
from jax.experimental.pallas import tpu as pltpu
from jax.experimental.pallas import tpu_sc as plsc

_VOCAB = 100
_EMBED_DIM = 10
_BATCH = 16384
_HIST = 200
_NC, _NS, _L = 2, 16, 16
_NW = _NC * _NS
_ROWS_W = _BATCH // _NW
_R = 64
_K = _ROWS_W // _R
_VPAD = 112
_COLS = tuple(range(0, _HIST - 16, 16)) + (_HIST - 16,)

_mesh = plsc.VectorSubcoreMesh(core_axis_name="c", subcore_axis_name="s")


@functools.partial(
    pl.kernel,
    mesh=_mesh,
    out_type=jax.ShapeDtypeStruct((_BATCH, _HIST), jnp.float32),
    compiler_params=pltpu.CompilerParams(needs_layout_passes=False),
    scratch_types=[
        pltpu.VMEM((_VOCAB, _EMBED_DIM), jnp.float32),
        pltpu.VMEM((16,), jnp.float32),
        pltpu.VMEM((_VPAD,), jnp.float32),
        pltpu.VMEM((_R, _HIST), jnp.int32),
        pltpu.VMEM((_R, _HIST), jnp.int32),
        pltpu.VMEM((_R, _HIST), jnp.int32),
        pltpu.VMEM((_R, _HIST), jnp.float32),
        pltpu.VMEM((_R, _HIST), jnp.float32),
        pltpu.VMEM((_R, _HIST), jnp.float32),
        pltpu.SemaphoreType.DMA,
        pltpu.SemaphoreType.DMA,
        pltpu.SemaphoreType.DMA,
        pltpu.SemaphoreType.DMA,
        pltpu.SemaphoreType.DMA,
        pltpu.SemaphoreType.DMA,
    ],
)
def _lookup(x_hbm, tbl_hbm, par_hbm, out_hbm, tbl_v, par_v, s_v,
            idx_a, idx_b, idx_c, out_a, out_b, out_c,
            sin_a, sin_b, sin_c, sout_a, sout_b, sout_c):
    wid = lax.axis_index("s") * _NC + lax.axis_index("c")
    base = wid * _ROWS_W
    idx_bufs = (idx_a, idx_b, idx_c)
    out_bufs = (out_a, out_b, out_c)
    sin = (sin_a, sin_b, sin_c)
    sout = (sout_a, sout_b, sout_c)
    _NB = 3

    h_in = [None, None, None]
    h_out = [None, None, None]
    h_in[0] = pltpu.async_copy(x_hbm.at[pl.ds(base, _R)], idx_a, sin_a)
    h_in[1] = pltpu.async_copy(x_hbm.at[pl.ds(base + _R, _R)], idx_b, sin_b)

    pltpu.sync_copy(tbl_hbm, tbl_v)
    pltpu.sync_copy(par_hbm, par_v)

    lanes = lax.iota(jnp.int32, 16)
    for g in range(_VPAD // 16):
        v = jnp.minimum(lanes + g * 16, _VOCAB - 1)
        acc = plsc.load_gather(par_v, [jnp.full((16,), _EMBED_DIM + 1, jnp.int32)])
        for d in range(_EMBED_DIM):
            t = plsc.load_gather(tbl_v, [v, jnp.full((16,), d, jnp.int32)])
            w = plsc.load_gather(par_v, [jnp.full((16,), d + 1, jnp.int32)])
            acc = acc + t * w
        s_v[pl.ds(g * 16, 16)] = acc

    for k in range(_K):
        cur = k % _NB
        if k + 2 < _K:
            nxt = (k + 2) % _NB
            h_in[nxt] = pltpu.async_copy(
                x_hbm.at[pl.ds(base + (k + 2) * _R, _R)], idx_bufs[nxt], sin[nxt])
        h_in[cur].wait()
        if k >= _NB:
            h_out[cur].wait()
        idx_v, out_v = idx_bufs[cur], out_bufs[cur]

        @plsc.parallel_loop(0, _R, 1, unroll=2)
        def gather_body(r):
            for c in _COLS:
                iv = idx_v[r, pl.ds(c, 16)]
                out_v[r, pl.ds(c, 16)] = plsc.load_gather(s_v, [iv])

        h_out[cur] = pltpu.async_copy(
            out_v, out_hbm.at[pl.ds(base + k * _R, _R)], sout[cur])

    for t in range(_NB):
        if _K - 1 - t >= 0:
            h_out[(_K - 1 - t) % _NB].wait()


def kernel(x, embed_table, lin_w, lin_b):
    params = jnp.concatenate(
        [jnp.zeros((1,), jnp.float32), lin_w[0], lin_b,
         jnp.zeros((16 - _EMBED_DIM - 2,), jnp.float32)]
    )
    return _lookup(x, embed_table, params)[:, :, None]

# --- scband reference (transcript-rebuilt; emitter-appended) ---
"""Pipeline reference for scband-model-embed-in-no-get-16174846837270 (READ-ONLY COPY).

The authoritative reference and input builder live on the scoring server;
editing this copy changes nothing except your own understanding.
"""

import jax, jax.numpy as jnp
import numpy as np

VOCAB = 100
EMBED_DIM = 10
OUT_DIM = 1
BATCH = 16384
HIST = 200


def setup_inputs(seed: int = 0) -> dict:
    key = jax.random.key(seed)
    k_idx, k_emb, k_w, k_b = jax.random.split(key, 4)
    x = jax.random.randint(k_idx, (BATCH, HIST), 0, VOCAB, dtype=jnp.int64 if jax.config.jax_enable_x64 else jnp.int32)
    embed_table = jax.random.normal(k_emb, (VOCAB, EMBED_DIM), dtype=jnp.float32)
    # torch Linear init: uniform(-1/sqrt(in), 1/sqrt(in))
    bound = 1.0 / np.sqrt(EMBED_DIM)
    lin_w = jax.random.uniform(k_w, (OUT_DIM, EMBED_DIM), dtype=jnp.float32, minval=-bound, maxval=bound)
    lin_b = jax.random.uniform(k_b, (OUT_DIM,), dtype=jnp.float32, minval=-bound, maxval=bound)
    return {"x": x, "embed_table": embed_table, "lin_w": lin_w, "lin_b": lin_b}


def reference(x, embed_table, lin_w, lin_b):
    # embedding lookup: gather rows of the table
    emb = jnp.take(embed_table, x, axis=0)          # [B, L, EMBED_DIM]
    # linear layer: emb @ W^T + b
    out = jnp.einsum('bld,od->blo', emb, lin_w) + lin_b  # [B, L, 1]
    return out

if __name__ == "__main__":
    import jax
    _d = setup_inputs()
    print(jax.jit(kernel)(*tuple(_d.values())))

</pallas_src>

<mosaic_0001>
#map = affine_map<(d0, d1) -> (0, 0)>
#map1 = affine_map<(d0, d1) -> (0)>
module attributes {stable_mosaic.version = 14 : i64} {
  func.func @_lookup(%arg0: i32, %arg1: i32, %arg2: memref<16384x200xi32, #tpu.memory_space<hbm>>, %arg3: memref<100x10xf32, #tpu.memory_space<hbm>>, %arg4: memref<16xf32, #tpu.memory_space<hbm>>, %arg5: memref<16384x200xf32, #tpu.memory_space<hbm>>, %arg6: memref<100x10xf32, #tpu.memory_space<vmem>>, %arg7: memref<16xf32, #tpu.memory_space<vmem>>, %arg8: memref<112xf32, #tpu.memory_space<vmem>>, %arg9: memref<64x200xi32, #tpu.memory_space<vmem>>, %arg10: memref<64x200xi32, #tpu.memory_space<vmem>>, %arg11: memref<64x200xi32, #tpu.memory_space<vmem>>, %arg12: memref<64x200xf32, #tpu.memory_space<vmem>>, %arg13: memref<64x200xf32, #tpu.memory_space<vmem>>, %arg14: memref<64x200xf32, #tpu.memory_space<vmem>>, %arg15: memref<!tpu.dma_semaphore, #tpu.memory_space<semaphore_mem>>, %arg16: memref<!tpu.dma_semaphore, #tpu.memory_space<semaphore_mem>>, %arg17: memref<!tpu.dma_semaphore, #tpu.memory_space<semaphore_mem>>, %arg18: memref<!tpu.dma_semaphore, #tpu.memory_space<semaphore_mem>>, %arg19: memref<!tpu.dma_semaphore, #tpu.memory_space<semaphore_mem>>, %arg20: memref<!tpu.dma_semaphore, #tpu.memory_space<semaphore_mem>>) attributes {dimension_semantics = [#tpu.dimension_semantics<core_parallel>, #tpu.dimension_semantics<subcore_parallel>], iteration_bounds = array<i64: 2, 16>, scalar_prefetch = 0 : i64, scratch_operands = 15 : i64, tpu.core_type = #tpu.core_type<sc_vector_subcore>, window_params = [{transform_indices = #map}, {transform_indices = #map}, {transform_indices = #map1}, {transform_indices = #map}]} {
    %mul3A = arith.constant 2 : i32
    %mul3A_0 = arith.muli %arg1, %mul3A : i32
    %add3A = arith.addi %mul3A_0, %arg0 : i32
    %mul3A_1 = arith.constant 512 : i32
    %mul3A_2 = arith.muli %add3A, %mul3A_1 : i32
    %dma_start3A = arith.constant 0 : i32
    %dma_start3A_3 = tpu.memref_slice %arg2[%mul3A_2, %dma_start3A] : memref<16384x200xi32, #tpu.memory_space<hbm>> -> memref<64x200xi32, #tpu.memory_space<hbm>>
    %dma_start3A_4 = arith.constant 0 : i32
    %dma_start3A_5 = tpu.memref_slice %arg2[%mul3A_2, %dma_start3A_4] : memref<16384x200xi32, #tpu.memory_space<hbm>> -> memref<64x200xi32, #tpu.memory_space<hbm>>
    tpu.enqueue_dma source(%dma_start3A_5 : memref<64x200xi32, #tpu.memory_space<hbm>>) target(%arg9 : memref<64x200xi32, #tpu.memory_space<vmem>>) target_semaphore(%arg15 : memref<!tpu.dma_semaphore, #tpu.memory_space<semaphore_mem>>)
    %add3A_6 = arith.constant 64 : i32
    %add3A_7 = arith.addi %mul3A_2, %add3A_6 : i32
    %dma_start3A_8 = arith.constant 0 : i32
    %dma_start3A_9 = tpu.memref_slice %arg2[%add3A_7, %dma_start3A_8] : memref<16384x200xi32, #tpu.memory_space<hbm>> -> memref<64x200xi32, #tpu.memory_space<hbm>>
    %dma_start3A_10 = arith.constant 0 : i32
    %dma_start3A_11 = tpu.memref_slice %arg2[%add3A_7, %dma_start3A_10] : memref<16384x200xi32, #tpu.memory_space<hbm>> -> memref<64x200xi32, #tpu.memory_space<hbm>>
    tpu.enqueue_dma source(%dma_start3A_11 : memref<64x200xi32, #tpu.memory_space<hbm>>) target(%arg10 : memref<64x200xi32, #tpu.memory_space<vmem>>) target_semaphore(%arg16 : memref<!tpu.dma_semaphore, #tpu.memory_space<semaphore_mem>>)
    "tpu.region"() ({
      %run_scoped3A = tpu.sem_alloc : memref<!tpu.dma_semaphore, #tpu.memory_space<semaphore_mem>>
      tpu.enqueue_dma source(%arg3 : memref<100x10xf32, #tpu.memory_space<hbm>>) target(%arg6 : memref<100x10xf32, #tpu.memory_space<vmem>>) target_semaphore(%run_scoped3A : memref<!tpu.dma_semaphore, #tpu.memory_space<semaphore_mem>>)
      tpu.wait_dma2 semaphore(%run_scoped3A : memref<!tpu.dma_semaphore, #tpu.memory_space<semaphore_mem>>) src(%arg3 : memref<100x10xf32, #tpu.memory_space<hbm>>) dst(%arg6 : memref<100x10xf32, #tpu.memory_space<vmem>>)
      tpu.yield
    }) : () -> ()
    "tpu.region"() ({
      %run_scoped3A = tpu.sem_alloc : memref<!tpu.dma_semaphore, #tpu.memory_space<semaphore_mem>>
      tpu.enqueue_dma source(%arg4 : memref<16xf32, #tpu.memory_space<hbm>>) target(%arg7 : memref<16xf32, #tpu.memory_space<vmem>>) target_semaphore(%run_scoped3A : memref<!tpu.dma_semaphore, #tpu.memory_space<semaphore_mem>>)
      tpu.wait_dma2 semaphore(%run_scoped3A : memref<!tpu.dma_semaphore, #tpu.memory_space<semaphore_mem>>) src(%arg4 : memref<16xf32, #tpu.memory_space<hbm>>) dst(%arg7 : memref<16xf32, #tpu.memory_space<vmem>>)
      tpu.yield
    }) : () -> ()
    %iota3A = tpu.iota {dimensions = array<i32: 0>} : vector<16xi32>
    %add3A_12 = arith.constant 0 : i32
    %add3A_13 = vector.broadcast %add3A_12 : i32 to vector<16xi32>
    %add3A_14 = arith.addi %iota3A, %add3A_13 : vector<16xi32>
    %min3A = arith.constant 99 : i32
    %min3A_15 = vector.broadcast %min3A : i32 to vector<16xi32>
    %min3A_16 = arith.minsi %add3A_14, %min3A_15 : vector<16xi32>
    %broadcast_in_dim3A = arith.constant 11 : i32
    %broadcast_in_dim3A_17 = vector.broadcast %broadcast_in_dim3A : i32 to vector<16xi32>
    %gather3A = tpu.vector_load_idx %arg7[%broadcast_in_dim3A_17] : memref<16xf32, #tpu.memory_space<vmem>>[vector<16xi32>], vector<16xf32>,
    %broadcast_in_dim3A_18 = arith.constant 0 : i32
    %broadcast_in_dim3A_19 = vector.broadcast %broadcast_in_dim3A_18 : i32 to vector<16xi32>
    %gather3A_20 = tpu.vector_load_idx %arg6[%min3A_16, %broadcast_in_dim3A_19] : memref<100x10xf32, #tpu.memory_space<vmem>>[vector<16xi32>, vector<16xi32>], vector<16xf32>,
    %broadcast_in_dim3A_21 = arith.constant 1 : i32
    %broadcast_in_dim3A_22 = vector.broadcast %broadcast_in_dim3A_21 : i32 to vector<16xi32>
    %gather3A_23 = tpu.vector_load_idx %arg7[%broadcast_in_dim3A_22] : memref<16xf32, #tpu.memory_space<vmem>>[vector<16xi32>], vector<16xf32>,
    %mul3A_24 = arith.mulf %gather3A_20, %gather3A_23 : vector<16xf32>
    %add3A_25 = arith.addf %gather3A, %mul3A_24 : vector<16xf32>
    %broadcast_in_dim3A_26 = arith.constant 1 : i32
    %broadcast_in_dim3A_27 = vector.broadcast %broadcast_in_dim3A_26 : i32 to vector<16xi32>
    %gather3A_28 = tpu.vector_load_idx %arg6[%min3A_16, %broadcast_in_dim3A_27] : memref<100x10xf32, #tpu.memory_space<vmem>>[vector<16xi32>, vector<16xi32>], vector<16xf32>,
    %broadcast_in_dim3A_29 = arith.constant 2 : i32
    %broadcast_in_dim3A_30 = vector.broadcast %broadcast_in_dim3A_29 : i32 to vector<16xi32>
    %gather3A_31 = tpu.vector_load_idx %arg7[%broadcast_in_dim3A_30] : memref<16xf32, #tpu.memory_space<vmem>>[vector<16xi32>], vector<16xf32>,
    %mul3A_32 = arith.mulf %gather3A_28, %gather3A_31 : vector<16xf32>
    %add3A_33 = arith.addf %add3A_25, %mul3A_32 : vector<16xf32>
    %broadcast_in_dim3A_34 = arith.constant 2 : i32
    %broadcast_in_dim3A_35 = vector.broadcast %broadcast_in_dim3A_34 : i32 to vector<16xi32>
    %gather3A_36 = tpu.vector_load_idx %arg6[%min3A_16, %broadcast_in_dim3A_35] : memref<100x10xf32, #tpu.memory_space<vmem>>[vector<16xi32>, vector<16xi32>], vector<16xf32>,
    %broadcast_in_dim3A_37 = arith.constant 3 : i32
    %broadcast_in_dim3A_38 = vector.broadcast %broadcast_in_dim3A_37 : i32 to vector<16xi32>
    %gather3A_39 = tpu.vector_load_idx %arg7[%broadcast_in_dim3A_38] : memref<16xf32, #tpu.memory_space<vmem>>[vector<16xi32>], vector<16xf32>,
    %mul3A_40 = arith.mulf %gather3A_36, %gather3A_39 : vector<16xf32>
    %add3A_41 = arith.addf %add3A_33, %mul3A_40 : vector<16xf32>
    %broadcast_in_dim3A_42 = arith.constant 3 : i32
    %broadcast_in_dim3A_43 = vector.broadcast %broadcast_in_dim3A_42 : i32 to vector<16xi32>
    %gather3A_44 = tpu.vector_load_idx %arg6[%min3A_16, %broadcast_in_dim3A_43] : memref<100x10xf32, #tpu.memory_space<vmem>>[vector<16xi32>, vector<16xi32>], vector<16xf32>,
    %broadcast_in_dim3A_45 = arith.constant 4 : i32
    %broadcast_in_dim3A_46 = vector.broadcast %broadcast_in_dim3A_45 : i32 to vector<16xi32>
    %gather3A_47 = tpu.vector_load_idx %arg7[%broadcast_in_dim3A_46] : memref<16xf32, #tpu.memory_space<vmem>>[vector<16xi32>], vector<16xf32>,
    %mul3A_48 = arith.mulf %gather3A_44, %gather3A_47 : vector<16xf32>
    %add3A_49 = arith.addf %add3A_41, %mul3A_48 : vector<16xf32>
    %broadcast_in_dim3A_50 = arith.constant 4 : i32
    %broadcast_in_dim3A_51 = vector.broadcast %broadcast_in_dim3A_50 : i32 to vector<16xi32>
    %gather3A_52 = tpu.vector_load_idx %arg6[%min3A_16, %broadcast_in_dim3A_51] : memref<100x10xf32, #tpu.memory_space<vmem>>[vector<16xi32>, vector<16xi32>], vector<16xf32>,
    %broadcast_in_dim3A_53 = arith.constant 5 : i32
    %broadcast_in_dim3A_54 = vector.broadcast %broadcast_in_dim3A_53 : i32 to vector<16xi32>
    %gather3A_55 = tpu.vector_load_idx %arg7[%broadcast_in_dim3A_54] : memref<16xf32, #tpu.memory_space<vmem>>[vector<16xi32>], vector<16xf32>,
    %mul3A_56 = arith.mulf %gather3A_52, %gather3A_55 : vector<16xf32>
    %add3A_57 = arith.addf %add3A_49, %mul3A_56 : vector<16xf32>
    %broadcast_in_dim3A_58 = arith.constant 5 : i32
    %broadcast_in_dim3A_59 = vector.broadcast %broadcast_in_dim3A_58 : i32 to vector<16xi32>
    %gather3A_60 = tpu.vector_load_idx %arg6[%min3A_16, %broadcast_in_dim3A_59] : memref<100x10xf32, #tpu.memory_space<vmem>>[vector<16xi32>, vector<16xi32>], vector<16xf32>,
    %broadcast_in_dim3A_61 = arith.constant 6 : i32
    %broadcast_in_dim3A_62 = vector.broadcast %broadcast_in_dim3A_61 : i32 to vector<16xi32>
    %gather3A_63 = tpu.vector_load_idx %arg7[%broadcast_in_dim3A_62] : memref<16xf32, #tpu.memory_space<vmem>>[vector<16xi32>], vector<16xf32>,
    %mul3A_64 = arith.mulf %gather3A_60, %gather3A_63 : vector<16xf32>
    %add3A_65 = arith.addf %add3A_57, %mul3A_64 : vector<16xf32>
    %broadcast_in_dim3A_66 = arith.constant 6 : i32
    %broadcast_in_dim3A_67 = vector.broadcast %broadcast_in_dim3A_66 : i32 to vector<16xi32>
    %gather3A_68 = tpu.vector_load_idx %arg6[%min3A_16, %broadcast_in_dim3A_67] : memref<100x10xf32, #tpu.memory_space<vmem>>[vector<16xi32>, vector<16xi32>], vector<16xf32>,
    %broadcast_in_dim3A_69 = arith.constant 7 : i32
    %broadcast_in_dim3A_70 = vector.broadcast %broadcast_in_dim3A_69 : i32 to vector<16xi32>
    %gather3A_71 = tpu.vector_load_idx %arg7[%broadcast_in_dim3A_70] : memref<16xf32, #tpu.memory_space<vmem>>[vector<16xi32>], vector<16xf32>,
    %mul3A_72 = arith.mulf %gather3A_68, %gather3A_71 : vector<16xf32>
    %add3A_73 = arith.addf %add3A_65, %mul3A_72 : vector<16xf32>
    %broadcast_in_dim3A_74 = arith.constant 7 : i32
    %broadcast_in_dim3A_75 = vector.broadcast %broadcast_in_dim3A_74 : i32 to vector<16xi32>
    %gather3A_76 = tpu.vector_load_idx %arg6[%min3A_16, %broadcast_in_dim3A_75] : memref<100x10xf32, #tpu.memory_space<vmem>>[vector<16xi32>, vector<16xi32>], vector<16xf32>,
    %broadcast_in_dim3A_77 = arith.constant 8 : i32
    %broadcast_in_dim3A_78 = vector.broadcast %broadcast_in_dim3A_77 : i32 to vector<16xi32>
    %gather3A_79 = tpu.vector_load_idx %arg7[%broadcast_in_dim3A_78] : memref<16xf32, #tpu.memory_space<vmem>>[vector<16xi32>], vector<16xf32>,
    %mul3A_80 = arith.mulf %gather3A_76, %gather3A_79 : vector<16xf32>
    %add3A_81 = arith.addf %add3A_73, %mul3A_80 : vector<16xf32>
    %broadcast_in_dim3A_82 = arith.constant 8 : i32
    %broadcast_in_dim3A_83 = vector.broadcast %broadcast_in_dim3A_82 : i32 to vector<16xi32>
    %gather3A_84 = tpu.vector_load_idx %arg6[%min3A_16, %broadcast_in_dim3A_83] : memref<100x10xf32, #tpu.memory_space<vmem>>[vector<16xi32>, vector<16xi32>], vector<16xf32>,
    %broadcast_in_dim3A_85 = arith.constant 9 : i32
    %broadcast_in_dim3A_86 = vector.broadcast %broadcast_in_dim3A_85 : i32 to vector<16xi32>
    %gather3A_87 = tpu.vector_load_idx %arg7[%broadcast_in_dim3A_86] : memref<16xf32, #tpu.memory_space<vmem>>[vector<16xi32>], vector<16xf32>,
    %mul3A_88 = arith.mulf %gather3A_84, %gather3A_87 : vector<16xf32>
    %add3A_89 = arith.addf %add3A_81, %mul3A_88 : vector<16xf32>
    %broadcast_in_dim3A_90 = arith.constant 9 : i32
    %broadcast_in_dim3A_91 = vector.broadcast %broadcast_in_dim3A_90 : i32 to vector<16xi32>
    %gather3A_92 = tpu.vector_load_idx %arg6[%min3A_16, %broadcast_in_dim3A_91] : memref<100x10xf32, #tpu.memory_space<vmem>>[vector<16xi32>, vector<16xi32>], vector<16xf32>,
    %broadcast_in_dim3A_93 = arith.constant 10 : i32
    %broadcast_in_dim3A_94 = vector.broadcast %broadcast_in_dim3A_93 : i32 to vector<16xi32>
    %gather3A_95 = tpu.vector_load_idx %arg7[%broadcast_in_dim3A_94] : memref<16xf32, #tpu.memory_space<vmem>>[vector<16xi32>], vector<16xf32>,
    %mul3A_96 = arith.mulf %gather3A_92, %gather3A_95 : vector<16xf32>
    %add3A_97 = arith.addf %add3A_89, %mul3A_96 : vector<16xf32>
    %swap3A = arith.constant 0 : index
    %swap3A_98 = tpu.vector_load %arg8[%swap3A] {strides = array<i32>} : memref<112xf32, #tpu.memory_space<vmem>>, vector<16xf32>,
    tpu.vector_store %arg8[%swap3A], %add3A_97 {strides = array<i32>} : memref<112xf32, #tpu.memory_space<vmem>>, vector<16xf32>,
    %add3A_99 = arith.constant 16 : i32
    %add3A_100 = vector.broadcast %add3A_99 : i32 to vector<16xi32>
    %add3A_101 = arith.addi %iota3A, %add3A_100 : vector<16xi32>
    %min3A_102 = arith.constant 99 : i32
    %min3A_103 = vector.broadcast %min3A_102 : i32 to vector<16xi32>
    %min3A_104 = arith.minsi %add3A_101, %min3A_103 : vector<16xi32>
    %broadcast_in_dim3A_105 = arith.constant 11 : i32
    %broadcast_in_dim3A_106 = vector.broadcast %broadcast_in_dim3A_105 : i32 to vector<16xi32>
    %gather3A_107 = tpu.vector_load_idx %arg7[%broadcast_in_dim3A_106] : memref<16xf32, #tpu.memory_space<vmem>>[vector<16xi32>], vector<16xf32>,
    %broadcast_in_dim3A_108 = arith.constant 0 : i32
    %broadcast_in_dim3A_109 = vector.broadcast %broadcast_in_dim3A_108 : i32 to vector<16xi32>
    %gather3A_110 = tpu.vector_load_idx %arg6[%min3A_104, %broadcast_in_dim3A_109] : memref<100x10xf32, #tpu.memory_space<vmem>>[vector<16xi32>, vector<16xi32>], vector<16xf32>,
    %broadcast_in_dim3A_111 = arith.constant 1 : i32
    %broadcast_in_dim3A_112 = vector.broadcast %broadcast_in_dim3A_111 : i32 to vector<16xi32>
    %gather3A_113 = tpu.vector_load_idx %arg7[%broadcast_in_dim3A_112] : memref<16xf32, #tpu.memory_space<vmem>>[vector<16xi32>], vector<16xf32>,
    %mul3A_114 = arith.mulf %gather3A_110, %gather3A_113 : vector<16xf32>
    %add3A_115 = arith.addf %gather3A_107, %mul3A_114 : vector<16xf32>
    %broadcast_in_dim3A_116 = arith.constant 1 : i32
    %broadcast_in_dim3A_117 = vector.broadcast %broadcast_in_dim3A_116 : i32 to vector<16xi32>
    %gather3A_118 = tpu.vector_load_idx %arg6[%min3A_104, %broadcast_in_dim3A_117] : memref<100x10xf32, #tpu.memory_space<vmem>>[vector<16xi32>, vector<16xi32>], vector<16xf32>,
    %broadcast_in_dim3A_119 = arith.constant 2 : i32
    %broadcast_in_dim3A_120 = vector.broadcast %broadcast_in_dim3A_119 : i32 to vector<16xi32>
    %gather3A_121 = tpu.vector_load_idx %arg7[%broadcast_in_dim3A_120] : memref<16xf32, #tpu.memory_space<vmem>>[vector<16xi32>], vector<16xf32>,
    %mul3A_122 = arith.mulf %gather3A_118, %gather3A_121 : vector<16xf32>
    %add3A_123 = arith.addf %add3A_115, %mul3A_122 : vector<16xf32>
    %broadcast_in_dim3A_124 = arith.constant 2 : i32
    %broadcast_in_dim3A_125 = vector.broadcast %broadcast_in_dim3A_124 : i32 to vector<16xi32>
    %gather3A_126 = tpu.vector_load_idx %arg6[%min3A_104, %broadcast_in_dim3A_125] : memref<100x10xf32, #tpu.memory_space<vmem>>[vector<16xi32>, vector<16xi32>], vector<16xf32>,
    %broadcast_in_dim3A_127 = arith.constant 3 : i32
    %broadcast_in_dim3A_128 = vector.broadcast %broadcast_in_dim3A_127 : i32 to vector<16xi32>
    %gather3A_129 = tpu.vector_load_idx %arg7[%broadcast_in_dim3A_128] : memref<16xf32, #tpu.memory_space<vmem>>[vector<16xi32>], vector<16xf32>,
    %mul3A_130 = arith.mulf %gather3A_126, %gather3A_129 : vector<16xf32>
    %add3A_131 = arith.addf %add3A_123, %mul3A_130 : vector<16xf32>
    %broadcast_in_dim3A_132 = arith.constant 3 : i32
    %broadcast_in_dim3A_133 = vector.broadcast %broadcast_in_dim3A_132 : i32 to vector<16xi32>
    %gather3A_134 = tpu.vector_load_idx %arg6[%min3A_104, %broadcast_in_dim3A_133] : memref<100x10xf32, #tpu.memory_space<vmem>>[vector<16xi32>, vector<16xi32>], vector<16xf32>,
    %broadcast_in_dim3A_135 = arith.constant 4 : i32
    %broadcast_in_dim3A_136 = vector.broadcast %broadcast_in_dim3A_135 : i32 to vector<16xi32>
    %gather3A_137 = tpu.vector_load_idx %arg7[%broadcast_in_dim3A_136] : memref<16xf32, #tpu.memory_space<vmem>>[vector<16xi32>], vector<16xf32>,
    %mul3A_138 = arith.mulf %gather3A_134, %gather3A_137 : vector<16xf32>
    %add3A_139 = arith.addf %add3A_131, %mul3A_138 : vector<16xf32>
    %broadcast_in_dim3A_140 = arith.constant 4 : i32
    %broadcast_in_dim3A_141 = vector.broadcast %broadcast_in_dim3A_140 : i32 to vector<16xi32>
    %gather3A_142 = tpu.vector_load_idx %arg6[%min3A_104, %broadcast_in_dim3A_141] : memref<100x10xf32, #tpu.memory_space<vmem>>[vector<16xi32>, vector<16xi32>], vector<16xf32>,
    %broadcast_in_dim3A_143 = arith.constant 5 : i32
    %broadcast_in_dim3A_144 = vector.broadcast %broadcast_in_dim3A_143 : i32 to vector<16xi32>
    %gather3A_145 = tpu.vector_load_idx %arg7[%broadcast_in_dim3A_144] : memref<16xf32, #tpu.memory_space<vmem>>[vector<16xi32>], vector<16xf32>,
    %mul3A_146 = arith.mulf %gather3A_142, %gather3A_145 : vector<16xf32>
    %add3A_147 = arith.addf %add3A_139, %mul3A_146 : vector<16xf32>
    %broadcast_in_dim3A_148 = arith.constant 5 : i32
    %broadcast_in_dim3A_149 = vector.broadcast %broadcast_in_dim3A_148 : i32 to vector<16xi32>
    %gather3A_150 = tpu.vector_load_idx %arg6[%min3A_104, %broadcast_in_dim3A_149] : memref<100x10xf32, #tpu.memory_space<vmem>>[vector<16xi32>, vector<16xi32>], vector<16xf32>,
    %broadcast_in_dim3A_151 = arith.constant 6 : i32
    %broadcast_in_dim3A_152 = vector.broadcast %broadcast_in_dim3A_151 : i32 to vector<16xi32>
    %gather3A_153 = tpu.vector_load_idx %arg7[%broadcast_in_dim3A_152] : memref<16xf32, #tpu.memory_space<vmem>>[vector<16xi32>], vector<16xf32>,
    %mul3A_154 = arith.mulf %gather3A_150, %gather3A_153 : vector<16xf32>
    %add3A_155 = arith.addf %add3A_147, %mul3A_154 : vector<16xf32>
    %broadcast_in_dim3A_156 = arith.constant 6 : i32
    %broadcast_in_dim3A_157 = vector.broadcast %broadcast_in_dim3A_156 : i32 to vector<16xi32>
    %gather3A_158 = tpu.vector_load_idx %arg6[%min3A_104, %broadcast_in_dim3A_157] : memref<100x10xf32, #tpu.memory_space<vmem>>[vector<16xi32>, vector<16xi32>], vector<16xf32>,
    %broadcast_in_dim3A_159 = arith.constant 7 : i32
    %broadcast_in_dim3A_160 = vector.broadcast %broadcast_in_dim3A_159 : i32 to vector<16xi32>
    %gather3A_161 = tpu.vector_load_idx %arg7[%broadcast_in_dim3A_160] : memref<16xf32, #tpu.memory_space<vmem>>[vector<16xi32>], vector<16xf32>,
    %mul3A_162 = arith.mulf %gather3A_158, %gather3A_161 : vector<16xf32>
    %add3A_163 = arith.addf %add3A_155, %mul3A_162 : vector<16xf32>
    %broadcast_in_dim3A_164 = arith.constant 7 : i32
    %broadcast_in_dim3A_165 = vector.broadcast %broadcast_in_dim3A_164 : i32 to vector<16xi32>
    %gather3A_166 = tpu.vector_load_idx %arg6[%min3A_104, %broadcast_in_dim3A_165] : memref<100x10xf32, #tpu.memory_space<vmem>>[vector<16xi32>, vector<16xi32>], vector<16xf32>,
    %broadcast_in_dim3A_167 = arith.constant 8 : i32
    %broadcast_in_dim3A_168 = vector.broadcast %broadcast_in_dim3A_167 : i32 to vector<16xi32>
    %gather3A_169 = tpu.vector_load_idx %arg7[%broadcast_in_dim3A_168] : memref<16xf32, #tpu.memory_space<vmem>>[vector<16xi32>], vector<16xf32>,
    %mul3A_170 = arith.mulf %gather3A_166, %gather3A_169 : vector<16xf32>
    %add3A_171 = arith.addf %add3A_163, %mul3A_170 : vector<16xf32>
    %broadcast_in_dim3A_172 = arith.constant 8 : i32
    %broadcast_in_dim3A_173 = vector.broadcast %broadcast_in_dim3A_172 : i32 to vector<16xi32>
    %gather3A_174 = tpu.vector_load_idx %arg6[%min3A_104, %broadcast_in_dim3A_173] : memref<100x10xf32, #tpu.memory_space<vmem>>[vector<16xi32>, vector<16xi32>], vector<16xf32>,
    %broadcast_in_dim3A_175 = arith.constant 9 : i32
    %broadcast_in_dim3A_176 = vector.broadcast %broadcast_in_dim3A_175 : i32 to vector<16xi32>
    %gather3A_177 = tpu.vector_load_idx %arg7[%broadcast_in_dim3A_176] : memref<16xf32, #tpu.memory_space<vmem>>[vector<16xi32>], vector<16xf32>,
    %mul3A_178 = arith.mulf %gather3A_174, %gather3A_177 : vector<16xf32>
    %add3A_179 = arith.addf %add3A_171, %mul3A_178 : vector<16xf32>
    %broadcast_in_dim3A_180 = arith.constant 9 : i32
    %broadcast_in_dim3A_181 = vector.broadcast %broadcast_in_dim3A_180 : i32 to vector<16xi32>
    %gather3A_182 = tpu.vector_load_idx %arg6[%min3A_104, %broadcast_in_dim3A_181] : memref<100x10xf32, #tpu.memory_space<vmem>>[vector<16xi32>, vector<16xi32>], vector<16xf32>,
    %broadcast_in_dim3A_183 = arith.constant 10 : i32
    %broadcast_in_dim3A_184 = vector.broadcast %broadcast_in_dim3A_183 : i32 to vector<16xi32>
    %gather3A_185 = tpu.vector_load_idx %arg7[%broadcast_in_dim3A_184] : memref<16xf32, #tpu.memory_space<vmem>>[vector<16xi32>], vector<16xf32>,
    %mul3A_186 = arith.mulf %gather3A_182, %gather3A_185 : vector<16xf32>
    %add3A_187 = arith.addf %add3A_179, %mul3A_186 : vector<16xf32>
    %swap3A_188 = arith.constant 16 : index
    %swap3A_189 = tpu.vector_load %arg8[%swap3A_188] {strides = array<i32>} : memref<112xf32, #tpu.memory_space<vmem>>, vector<16xf32>,
    tpu.vector_store %arg8[%swap3A_188], %add3A_187 {strides = array<i32>} : memref<112xf32, #tpu.memory_space<vmem>>, vector<16xf32>,
    %add3A_190 = arith.constant 32 : i32
    %add3A_191 = vector.broadcast %add3A_190 : i32 to vector<16xi32>
    %add3A_192 = arith.addi %iota3A, %add3A_191 : vector<16xi32>
    %min3A_193 = arith.constant 99 : i32
    %min3A_194 = vector.broadcast %min3A_193 : i32 to vector<16xi32>
    %min3A_195 = arith.minsi %add3A_192, %min3A_194 : vector<16xi32>
    %broadcast_in_dim3A_196 = arith.constant 11 : i32
    %broadcast_in_dim3A_197 = vector.broadcast %broadcast_in_dim3A_196 : i32 to vector<16xi32>
    %gather3A_198 = tpu.vector_load_idx %arg7[%broadcast_in_dim3A_197] : memref<16xf32, #tpu.memory_space<vmem>>[vector<16xi32>], vector<16xf32>,
    %broadcast_in_dim3A_199 = arith.constant 0 : i32
    %broadcast_in_dim3A_200 = vector.broadcast %broadcast_in_dim3A_199 : i32 to vector<16xi32>
    %gather3A_201 = tpu.vector_load_idx %arg6[%min3A_195, %broadcast_in_dim3A_200] : memref<100x10xf32, #tpu.memory_space<vmem>>[vector<16xi32>, vector<16xi32>], vector<16xf32>,
    %broadcast_in_dim3A_202 = arith.constant 1 : i32
    %broadcast_in_dim3A_203 = vector.broadcast %broadcast_in_dim3A_202 : i32 to vector<16xi32>
    %gather3A_204 = tpu.vector_load_idx %arg7[%broadcast_in_dim3A_203] : memref<16xf32, #tpu.memory_space<vmem>>[vector<16xi32>], vector<16xf32>,
    %mul3A_205 = arith.mulf %gather3A_201, %gather3A_204 : vector<16xf32>
    %add3A_206 = arith.addf %gather3A_198, %mul3A_205 : vector<16xf32>
    %broadcast_in_dim3A_207 = arith.constant 1 : i32
    %broadcast_in_dim3A_208 = vector.broadcast %broadcast_in_dim3A_207 : i32 to vector<16xi32>
    %gather3A_209 = tpu.vector_load_idx %arg6[%min3A_195, %broadcast_in_dim3A_208] : memref<100x10xf32, #tpu.memory_space<vmem>>[vector<16xi32>, vector<16xi32>], vector<16xf32>,
    %broadcast_in_dim3A_210 = arith.constant 2 : i32
    %broadcast_in_dim3A_211 = vector.broadcast %broadcast_in_dim3A_210 : i32 to vector<16xi32>
    %gather3A_212 = tpu.vector_load_idx %arg7[%broadcast_in_dim3A_211] : memref<16xf32, #tpu.memory_space<vmem>>[vector<16xi32>], vector<16xf32>,
    %mul3A_213 = arith.mulf %gather3A_209, %gather3A_212 : vector<16xf32>
    %add3A_214 = arith.addf %add3A_206, %mul3A_213 : vector<16xf32>
    %broadcast_in_dim3A_215 = arith.constant 2 : i32
    %broadcast_in_dim3A_216 = vector.broadcast %broadcast_in_dim3A_215 : i32 to vector<16xi32>
    %gather3A_217 = tpu.vector_load_idx %arg6[%min3A_195, %broadcast_in_dim3A_216] : memref<100x10xf32, #tpu.memory_space<vmem>>[vector<16xi32>, vector<16xi32>], vector<16xf32>,
    %broadcast_in_dim3A_218 = arith.constant 3 : i32
    %broadcast_in_dim3A_219 = vector.broadcast %broadcast_in_dim3A_218 : i32 to vector<16xi32>
    %gather3A_220 = tpu.vector_load_idx %arg7[%broadcast_in_dim3A_219] : memref<16xf32, #tpu.memory_space<vmem>>[vector<16xi32>], vector<16xf32>,
    %mul3A_221 = arith.mulf %gather3A_217, %gather3A_220 : vector<16xf32>
    %add3A_222 = arith.addf %add3A_214, %mul3A_221 : vector<16xf32>
    %broadcast_in_dim3A_223 = arith.constant 3 : i32
    %broadcast_in_dim3A_224 = vector.broadcast %broadcast_in_dim3A_223 : i32 to vector<16xi32>
    %gather3A_225 = tpu.vector_load_idx %arg6[%min3A_195, %broadcast_in_dim3A_224] : memref<100x10xf32, #tpu.memory_space<vmem>>[vector<16xi32>, vector<16xi32>], vector<16xf32>,
    %broadcast_in_dim3A_226 = arith.constant 4 : i32
    %broadcast_in_dim3A_227 = vector.broadcast %broadcast_in_dim3A_226 : i32 to vector<16xi32>
    %gather3A_228 = tpu.vector_load_idx %arg7[%broadcast_in_dim3A_227] : memref<16xf32, #tpu.memory_space<vmem>>[vector<16xi32>], vector<16xf32>,
    %mul3A_229 = arith.mulf %gather3A_225, %gather3A_228 : vector<16xf32>
    %add3A_230 = arith.addf %add3A_222, %mul3A_229 : vector<16xf32>
    %broadcast_in_dim3A_231 = arith.constant 4 : i32
    %broadcast_in_dim3A_232 = vector.broadcast %broadcast_in_dim3A_231 : i32 to vector<16xi32>
    %gather3A_233 = tpu.vector_load_idx %arg6[%min3A_195, %broadcast_in_dim3A_232] : memref<100x10xf32, #tpu.memory_space<vmem>>[vector<16xi32>, vector<16xi32>], vector<16xf32>,
    %broadcast_in_dim3A_234 = arith.constant 5 : i32
    %broadcast_in_dim3A_235 = vector.broadcast %broadcast_in_dim3A_234 : i32 to vector<16xi32>
    %gather3A_236 = tpu.vector_load_idx %arg7[%broadcast_in_dim3A_235] : memref<16xf32, #tpu.memory_space<vmem>>[vector<16xi32>], vector<16xf32>,
    %mul3A_237 = arith.mulf %gather3A_233, %gather3A_236 : vector<16xf32>
    %add3A_238 = arith.addf %add3A_230, %mul3A_237 : vector<16xf32>
    %broadcast_in_dim3A_239 = arith.constant 5 : i32
    %broadcast_in_dim3A_240 = vector.broadcast %broadcast_in_dim3A_239 : i32 to vector<16xi32>
    %gather3A_241 = tpu.vector_load_idx %arg6[%min3A_195, %broadcast_in_dim3A_240] : memref<100x10xf32, #tpu.memory_space<vmem>>[vector<16xi32>, vector<16xi32>], vector<16xf32>,
    %broadcast_in_dim3A_242 = arith.constant 6 : i32
    %broadcast_in_dim3A_243 = vector.broadcast %broadcast_in_dim3A_242 : i32 to vector<16xi32>
    %gather3A_244 = tpu.vector_load_idx %arg7[%broadcast_in_dim3A_243] : memref<16xf32, #tpu.memory_space<vmem>>[vector<16xi32>], vector<16xf32>,
    %mul3A_245 = arith.mulf %gather3A_241, %gather3A_244 : vector<16xf32>
    %add3A_246 = arith.addf %add3A_238, %mul3A_245 : vector<16xf32>
    %broadcast_in_dim3A_247 = arith.constant 6 : i32
    %broadcast_in_dim3A_248 = vector.broadcast %broadcast_in_dim3A_247 : i32 to vector<16xi32>
    %gather3A_249 = tpu.vector_load_idx %arg6[%min3A_195, %broadcast_in_dim3A_248] : memref<100x10xf32, #tpu.memory_space<vmem>>[vector<16xi32>, vector<16xi32>], vector<16xf32>,
    %broadcast_in_dim3A_250 = arith.constant 7 : i32
    %broadcast_in_dim3A_251 = vector.broadcast %broadcast_in_dim3A_250 : i32 to vector<16xi32>
    %gather3A_252 = tpu.vector_load_idx %arg7[%broadcast_in_dim3A_251] : memref<16xf32, #tpu.memory_space<vmem>>[vector<16xi32>], vector<16xf32>,
    %mul3A_253 = arith.mulf %gather3A_249, %gather3A_252 : vector<16xf32>
    %add3A_254 = arith.addf %add3A_246, %mul3A_253 : vector<16xf32>
    %broadcast_in_dim3A_255 = arith.constant 7 : i32
    %broadcast_in_dim3A_256 = vector.broadcast %broadcast_in_dim3A_255 : i32 to vector<16xi32>
    %gather3A_257 = tpu.vector_load_idx %arg6[%min3A_195, %broadcast_in_dim3A_256] : memref<100x10xf32, #tpu.memory_space<vmem>>[vector<16xi32>, vector<16xi32>], vector<16xf32>,
    %broadcast_in_dim3A_258 = arith.constant 8 : i32
    %broadcast_in_dim3A_259 = vector.broadcast %broadcast_in_dim3A_258 : i32 to vector<16xi32>
    %gather3A_260 = tpu.vector_load_idx %arg7[%broadcast_in_dim3A_259] : memref<16xf32, #tpu.memory_space<vmem>>[vector<16xi32>], vector<16xf32>,
    %mul3A_261 = arith.mulf %gather3A_257, %gather3A_260 : vector<16xf32>
    %add3A_262 = arith.addf %add3A_254, %mul3A_261 : vector<16xf32>
    %broadcast_in_dim3A_263 = arith.constant 8 : i32
    %broadcast_in_dim3A_264 = vector.broadcast %broadcast_in_dim3A_263 : i32 to vector<16xi32>
    %gather3A_265 = tpu.vector_load_idx %arg6[%min3A_195, %broadcast_in_dim3A_264] : memref<100x10xf32, #tpu.memory_space<vmem>>[vector<16xi32>, vector<16xi32>], vector<16xf32>,
    %broadcast_in_dim3A_266 = arith.constant 9 : i32
    %broadcast_in_dim3A_267 = vector.broadcast %broadcast_in_dim3A_266 : i32 to vector<16xi32>
    %gather3A_268 = tpu.vector_load_idx %arg7[%broadcast_in_dim3A_267] : memref<16xf32, #tpu.memory_space<vmem>>[vector<16xi32>], vector<16xf32>,
    %mul3A_269 = arith.mulf %gather3A_265, %gather3A_268 : vector<16xf32>
    %add3A_270 = arith.addf %add3A_262, %mul3A_269 : vector<16xf32>
    %broadcast_in_dim3A_271 = arith.constant 9 : i32
    %broadcast_in_dim3A_272 = vector.broadcast %broadcast_in_dim3A_271 : i32 to vector<16xi32>
    %gather3A_273 = tpu.vector_load_idx %arg6[%min3A_195, %broadcast_in_dim3A_272] : memref<100x10xf32, #tpu.memory_space<vmem>>[vector<16xi32>, vector<16xi32>], vector<16xf32>,
    %broadcast_in_dim3A_274 = arith.constant 10 : i32
    %broadcast_in_dim3A_275 = vector.broadcast %broadcast_in_dim3A_274 : i32 to vector<16xi32>
    %gather3A_276 = tpu.vector_load_idx %arg7[%broadcast_in_dim3A_275] : memref<16xf32, #tpu.memory_space<vmem>>[vector<16xi32>], vector<16xf32>,
    %mul3A_277 = arith.mulf %gather3A_273, %gather3A_276 : vector<16xf32>
    %add3A_278 = arith.addf %add3A_270, %mul3A_277 : vector<16xf32>
    %swap3A_279 = arith.constant 32 : index
    %swap3A_280 = tpu.vector_load %arg8[%swap3A_279] {strides = array<i32>} : memref<112xf32, #tpu.memory_space<vmem>>, vector<16xf32>,
    tpu.vector_store %arg8[%swap3A_279], %add3A_278 {strides = array<i32>} : memref<112xf32, #tpu.memory_space<vmem>>, vector<16xf32>,
    %add3A_281 = arith.constant 48 : i32
    %add3A_282 = vector.broadcast %add3A_281 : i32 to vector<16xi32>
    %add3A_283 = arith.addi %iota3A, %add3A_282 : vector<16xi32>
    %min3A_284 = arith.constant 99 : i32
    %min3A_285 = vector.broadcast %min3A_284 : i32 to vector<16xi32>
    %min3A_286 = arith.minsi %add3A_283, %min3A_285 : vector<16xi32>
    %broadcast_in_dim3A_287 = arith.constant 11 : i32
    %broadcast_in_dim3A_288 = vector.broadcast %broadcast_in_dim3A_287 : i32 to vector<16xi32>
    %gather3A_289 = tpu.vector_load_idx %arg7[%broadcast_in_dim3A_288] : memref<16xf32, #tpu.memory_space<vmem>>[vector<16xi32>], vector<16xf32>,
    %broadcast_in_dim3A_290 = arith.constant 0 : i32
    %broadcast_in_dim3A_291 = vector.broadcast %broadcast_in_dim3A_290 : i32 to vector<16xi32>
    %gather3A_292 = tpu.vector_load_idx %arg6[%min3A_286, %broadcast_in_dim3A_291] : memref<100x10xf32, #tpu.memory_space<vmem>>[vector<16xi32>, vector<16xi32>], vector<16xf32>,
    %broadcast_in_dim3A_293 = arith.constant 1 : i32
    %broadcast_in_dim3A_294 = vector.broadcast %broadcast_in_dim3A_293 : i32 to vector<16xi32>
    %gather3A_295 = tpu.vector_load_idx %arg7[%broadcast_in_dim3A_294] : memref<16xf32, #tpu.memory_space<vmem>>[vector<16xi32>], vector<16xf32>,
    %mul3A_296 = arith.mulf %gather3A_292, %gather3A_295 : vector<16xf32>
    %add3A_297 = arith.addf %gather3A_289, %mul3A_296 : vector<16xf32>
    %broadcast_in_dim3A_298 = arith.constant 1 : i32
    %broadcast_in_dim3A_299 = vector.broadcast %broadcast_in_dim3A_298 : i32 to vector<16xi32>
    %gather3A_300 = tpu.vector_load_idx %arg6[%min3A_286, %broadcast_in_dim3A_299] : memref<100x10xf32, #tpu.memory_space<vmem>>[vector<16xi32>, vector<16xi32>], vector<16xf32>,
    %broadcast_in_dim3A_301 = arith.constant 2 : i32
    %broadcast_in_dim3A_302 = vector.broadcast %broadcast_in_dim3A_301 : i32 to vector<16xi32>
    %gather3A_303 = tpu.vector_load_idx %arg7[%broadcast_in_dim3A_302] : memref<16xf32, #tpu.memory_space<vmem>>[vector<16xi32>], vector<16xf32>,
    %mul3A_304 = arith.mulf %gather3A_300, %gather3A_303 : vector<16xf32>
    %add3A_305 = arith.addf %add3A_297, %mul3A_304 : vector<16xf32>
    %broadcast_in_dim3A_306 = arith.constant 2 : i32
    %broadcast_in_dim3A_307 = vector.broadcast %broadcast_in_dim3A_306 : i32 to vector<16xi32>
    %gather3A_308 = tpu.vector_load_idx %arg6[%min3A_286, %broadcast_in_dim3A_307] : memref<100x10xf32, #tpu.memory_space<vmem>>[vector<16xi32>, vector<16xi32>], vector<16xf32>,
    %broadcast_in_dim3A_309 = arith.constant 3 : i32
    %broadcast_in_dim3A_310 = vector.broadcast %broadcast_in_dim3A_309 : i32 to vector<16xi32>
    %gather3A_311 = tpu.vector_load_idx %arg7[%broadcast_in_dim3A_310] : memref<16xf32, #tpu.memory_space<vmem>>[vector<16xi32>], vector<16xf32>,
    %mul3A_312 = arith.mulf %gather3A_308, %gather3A_311 : vector<16xf32>
    %add3A_313 = arith.addf %add3A_305, %mul3A_312 : vector<16xf32>
    %broadcast_in_dim3A_314 = arith.constant 3 : i32
    %broadcast_in_dim3A_315 = vector.broadcast %broadcast_in_dim3A_314 : i32 to vector<16xi32>
    %gather3A_316 = tpu.vector_load_idx %arg6[%min3A_286, %broadcast_in_dim3A_315] : memref<100x10xf32, #tpu.memory_space<vmem>>[vector<16xi32>, vector<16xi32>], vector<16xf32>,
    %broadcast_in_dim3A_317 = arith.constant 4 : i32
    %broadcast_in_dim3A_318 = vector.broadcast %broadcast_in_dim3A_317 : i32 to vector<16xi32>
    %gather3A_319 = tpu.vector_load_idx %arg7[%broadcast_in_dim3A_318] : memref<16xf32, #tpu.memory_space<vmem>>[vector<16xi32>], vector<16xf32>,
    %mul3A_320 = arith.mulf %gather3A_316, %gather3A_319 : vector<16xf32>
    %add3A_321 = arith.addf %add3A_313, %mul3A_320 : vector<16xf32>
    %broadcast_in_dim3A_322 = arith.constant 4 : i32
    %broadcast_in_dim3A_323 = vector.broadcast %broadcast_in_dim3A_322 : i32 to vector<16xi32>
    %gather3A_324 = tpu.vector_load_idx %arg6[%min3A_286, %broadcast_in_dim3A_323] : memref<100x10xf32, #tpu.memory_space<vmem>>[vector<16xi32>, vector<16xi32>], vector<16xf32>,
    %broadcast_in_dim3A_325 = arith.constant 5 : i32
    %broadcast_in_dim3A_326 = vector.broadcast %broadcast_in_dim3A_325 : i32 to vector<16xi32>
    %gather3A_327 = tpu.vector_load_idx %arg7[%broadcast_in_dim3A_326] : memref<16xf32, #tpu.memory_space<vmem>>[vector<16xi32>], vector<16xf32>,
    %mul3A_328 = arith.mulf %gather3A_324, %gather3A_327 : vector<16xf32>
    %add3A_329 = arith.addf %add3A_321, %mul3A_328 : vector<16xf32>
    %broadcast_in_dim3A_330 = arith.constant 5 : i32
    %broadcast_in_dim3A_331 = vector.broadcast %broadcast_in_dim3A_330 : i32 to vector<16xi32>
    %gather3A_332 = tpu.vector_load_idx %arg6[%min3A_286, %broadcast_in_dim3A_331] : memref<100x10xf32, #tpu.memory_space<vmem>>[vector<16xi32>, vector<16xi32>], vector<16xf32>,
    %broadcast_in_dim3A_333 = arith.constant 6 : i32
    %broadcast_in_dim3A_334 = vector.broadcast %broadcast_in_dim3A_333 : i32 to vector<16xi32>
    %gather3A_335 = tpu.vector_load_idx %arg7[%broadcast_in_dim3A_334] : memref<16xf32, #tpu.memory_space<vmem>>[vector<16xi32>], vector<16xf32>,
    %mul3A_336 = arith.mulf %gather3A_332, %gather3A_335 : vector<16xf32>
    %add3A_337 = arith.addf %add3A_329, %mul3A_336 : vector<16xf32>
    %broadcast_in_dim3A_338 = arith.constant 6 : i32
    %broadcast_in_dim3A_339 = vector.broadcast %broadcast_in_dim3A_338 : i32 to vector<16xi32>
    %gather3A_340 = tpu.vector_load_idx %arg6[%min3A_286, %broadcast_in_dim3A_339] : memref<100x10xf32, #tpu.memory_space<vmem>>[vector<16xi32>, vector<16xi32>], vector<16xf32>,
    %broadcast_in_dim3A_341 = arith.constant 7 : i32
    %broadcast_in_dim3A_342 = vector.broadcast %broadcast_in_dim3A_341 : i32 to vector<16xi32>
    %gather3A_343 = tpu.vector_load_idx %arg7[%broadcast_in_dim3A_342] : memref<16xf32, #tpu.memory_space<vmem>>[vector<16xi32>], vector<16xf32>,
    %mul3A_344 = arith.mulf %gather3A_340, %gather3A_343 : vector<16xf32>
    %add3A_345 = arith.addf %add3A_337, %mul3A_344 : vector<16xf32>
    %broadcast_in_dim3A_346 = arith.constant 7 : i32
    %broadcast_in_dim3A_347 = vector.broadcast %broadcast_in_dim3A_346 : i32 to vector<16xi32>
    %gather3A_348 = tpu.vector_load_idx %arg6[%min3A_286, %broadcast_in_dim3A_347] : memref<100x10xf32, #tpu.memory_space<vmem>>[vector<16xi32>, vector<16xi32>], vector<16xf32>,
    %broadcast_in_dim3A_349 = arith.constant 8 : i32
    %broadcast_in_dim3A_350 = vector.broadcast %broadcast_in_dim3A_349 : i32 to vector<16xi32>
    %gather3A_351 = tpu.vector_load_idx %arg7[%broadcast_in_dim3A_350] : memref<16xf32, #tpu.memory_space<vmem>>[vector<16xi32>], vector<16xf32>,
    %mul3A_352 = arith.mulf %gather3A_348, %gather3A_351 : vector<16xf32>
    %add3A_353 = arith.addf %add3A_345, %mul3A_352 : vector<16xf32>
    %broadcast_in_dim3A_354 = arith.constant 8 : i32
    %broadcast_in_dim3A_355 = vector.broadcast %broadcast_in_dim3A_354 : i32 to vector<16xi32>
    %gather3A_356 = tpu.vector_load_idx %arg6[%min3A_286, %broadcast_in_dim3A_355] : memref<100x10xf32, #tpu.memory_space<vmem>>[vector<16xi32>, vector<16xi32>], vector<16xf32>,
    %broadcast_in_dim3A_357 = arith.constant 9 : i32
    %broadcast_in_dim3A_358 = vector.broadcast %broadcast_in_dim3A_357 : i32 to vector<16xi32>
    %gather3A_359 = tpu.vector_load_idx %arg7[%broadcast_in_dim3A_358] : memref<16xf32, #tpu.memory_space<vmem>>[vector<16xi32>], vector<16xf32>,
    %mul3A_360 = arith.mulf %gather3A_356, %gather3A_359 : vector<16xf32>
    %add3A_361 = arith.addf %add3A_353, %mul3A_360 : vector<16xf32>
    %broadcast_in_dim3A_362 = arith.constant 9 : i32
    %broadcast_in_dim3A_363 = vector.broadcast %broadcast_in_dim3A_362 : i32 to vector<16xi32>
    %gather3A_364 = tpu.vector_load_idx %arg6[%min3A_286, %broadcast_in_dim3A_363] : memref<100x10xf32, #tpu.memory_space<vmem>>[vector<16xi32>, vector<16xi32>], vector<16xf32>,
    %broadcast_in_dim3A_365 = arith.constant 10 : i32
    %broadcast_in_dim3A_366 = vector.broadcast %broadcast_in_dim3A_365 : i32 to vector<16xi32>
    %gather3A_367 = tpu.vector_load_idx %arg7[%broadcast_in_dim3A_366] : memref<16xf32, #tpu.memory_space<vmem>>[vector<16xi32>], vector<16xf32>,
    %mul3A_368 = arith.mulf %gather3A_364, %gather3A_367 : vector<16xf32>
    %add3A_369 = arith.addf %add3A_361, %mul3A_368 : vector<16xf32>
    %swap3A_370 = arith.constant 48 : index
    %swap3A_371 = tpu.vector_load %arg8[%swap3A_370] {strides = array<i32>} : memref<112xf32, #tpu.memory_space<vmem>>, vector<16xf32>,
    tpu.vector_store %arg8[%swap3A_370], %add3A_369 {strides = array<i32>} : memref<112xf32, #tpu.memory_space<vmem>>, vector<16xf32>,
    %add3A_372 = arith.constant 64 : i32
    %add3A_373 = vector.broadcast %add3A_372 : i32 to vector<16xi32>
    %add3A_374 = arith.addi %iota3A, %add3A_373 : vector<16xi32>
    %min3A_375 = arith.constant 99 : i32
    %min3A_376 = vector.broadcast %min3A_375 : i32 to vector<16xi32>
    %min3A_377 = arith.minsi %add3A_374, %min3A_376 : vector<16xi32>
    %broadcast_in_dim3A_378 = arith.constant 11 : i32
    %broadcast_in_dim3A_379 = vector.broadcast %broadcast_in_dim3A_378 : i32 to vector<16xi32>
    %gather3A_380 = tpu.vector_load_idx %arg7[%broadcast_in_dim3A_379] : memref<16xf32, #tpu.memory_space<vmem>>[vector<16xi32>], vector<16xf32>,
    %broadcast_in_dim3A_381 = arith.constant 0 : i32
    %broadcast_in_dim3A_382 = vector.broadcast %broadcast_in_dim3A_381 : i32 to vector<16xi32>
    %gather3A_383 = tpu.vector_load_idx %arg6[%min3A_377, %broadcast_in_dim3A_382] : memref<100x10xf32, #tpu.memory_space<vmem>>[vector<16xi32>, vector<16xi32>], vector<16xf32>,
    %broadcast_in_dim3A_384 = arith.constant 1 : i32
    %broadcast_in_dim3A_385 = vector.broadcast %broadcast_in_dim3A_384 : i32 to vector<16xi32>
    %gather3A_386 = tpu.vector_load_idx %arg7[%broadcast_in_dim3A_385] : memref<16xf32, #tpu.memory_space<vmem>>[vector<16xi32>], vector<16xf32>,
    %mul3A_387 = arith.mulf %gather3A_383, %gather3A_386 : vector<16xf32>
    %add3A_388 = arith.addf %gather3A_380, %mul3A_387 : vector<16xf32>
    %broadcast_in_dim3A_389 = arith.constant 1 : i32
    %broadcast_in_dim3A_390 = vector.broadcast %broadcast_in_dim3A_389 : i32 to vector<16xi32>
    %gather3A_391 = tpu.vector_load_idx %arg6[%min3A_377, %broadcast_in_dim3A_390] : memref<100x10xf32, #tpu.memory_space<vmem>>[vector<16xi32>, vector<16xi32>], vector<16xf32>,
    %broadcast_in_dim3A_392 = arith.constant 2 : i32
    %broadcast_in_dim3A_393 = vector.broadcast %broadcast_in_dim3A_392 : i32 to vector<16xi32>
    %gather3A_394 = tpu.vector_load_idx %arg7[%broadcast_in_dim3A_393] : memref<16xf32, #tpu.memory_space<vmem>>[vector<16xi32>], vector<16xf32>,
    %mul3A_395 = arith.mulf %gather3A_391, %gather3A_394 : vector<16xf32>
    %add3A_396 = arith.addf %add3A_388, %mul3A_395 : vector<16xf32>
    %broadcast_in_dim3A_397 = arith.constant 2 : i32
    %broadcast_in_dim3A_398 = vector.broadcast %broadcast_in_dim3A_397 : i32 to vector<16xi32>
    %gather3A_399 = tpu.vector_load_idx %arg6[%min3A_377, %broadcast_in_dim3A_398] : memref<100x10xf32, #tpu.memory_space<vmem>>[vector<16xi32>, vector<16xi32>], vector<16xf32>,
    %broadcast_in_dim3A_400 = arith.constant 3 : i32
    %broadcast_in_dim3A_401 = vector.broadcast %broadcast_in_dim3A_400 : i32 to vector<16xi32>
    %gather3A_402 = tpu.vector_load_idx %arg7[%broadcast_in_dim3A_401] : memref<16xf32, #tpu.memory_space<vmem>>[vector<16xi32>], vector<16xf32>,
    %mul3A_403 = arith.mulf %gather3A_399, %gather3A_402 : vector<16xf32>
    %add3A_404 = arith.addf %add3A_396, %mul3A_403 : vector<16xf32>
    %broadcast_in_dim3A_405 = arith.constant 3 : i32
    %broadcast_in_dim3A_406 = vector.broadcast %broadcast_in_dim3A_405 : i32 to vector<16xi32>
    %gather3A_407 = tpu.vector_load_idx %arg6[%min3A_377, %broadcast_in_dim3A_406] : memref<100x10xf32, #tpu.memory_space<vmem>>[vector<16xi32>, vector<16xi32>], vector<16xf32>,
    %broadcast_in_dim3A_408 = arith.constant 4 : i32
    %broadcast_in_dim3A_409 = vector.broadcast %broadcast_in_dim3A_408 : i32 to vector<16xi32>
    %gather3A_410 = tpu.vector_load_idx %arg7[%broadcast_in_dim3A_409] : memref<16xf32, #tpu.memory_space<vmem>>[vector<16xi32>], vector<16xf32>,
    %mul3A_411 = arith.mulf %gather3A_407, %gather3A_410 : vector<16xf32>
    %add3A_412 = arith.addf %add3A_404, %mul3A_411 : vector<16xf32>
    %broadcast_in_dim3A_413 = arith.constant 4 : i32
    %broadcast_in_dim3A_414 = vector.broadcast %broadcast_in_dim3A_413 : i32 to vector<16xi32>
    %gather3A_415 = tpu.vector_load_idx %arg6[%min3A_377, %broadcast_in_dim3A_414] : memref<100x10xf32, #tpu.memory_space<vmem>>[vector<16xi32>, vector<16xi32>], vector<16xf32>,
    %broadcast_in_dim3A_416 = arith.constant 5 : i32
    %broadcast_in_dim3A_417 = vector.broadcast %broadcast_in_dim3A_416 : i32 to vector<16xi32>
    %gather3A_418 = tpu.vector_load_idx %arg7[%broadcast_in_dim3A_417] : memref<16xf32, #tpu.memory_space<vmem>>[vector<16xi32>], vector<16xf32>,
    %mul3A_419 = arith.mulf %gather3A_415, %gather3A_418 : vector<16xf32>
    %add3A_420 = arith.addf %add3A_412, %mul3A_419 : vector<16xf32>
    %broadcast_in_dim3A_421 = arith.constant 5 : i32
    %broadcast_in_dim3A_422 = vector.broadcast %broadcast_in_dim3A_421 : i32 to vector<16xi32>
    %gather3A_423 = tpu.vector_load_idx %arg6[%min3A_377, %broadcast_in_dim3A_422] : memref<100x10xf32, #tpu.memory_space<vmem>>[vector<16xi32>, vector<16xi32>], vector<16xf32>,
    %broadcast_in_dim3A_424 = arith.constant 6 : i32
    %broadcast_in_dim3A_425 = vector.broadcast %broadcast_in_dim3A_424 : i32 to vector<16xi32>
    %gather3A_426 = tpu.vector_load_idx %arg7[%broadcast_in_dim3A_425] : memref<16xf32, #tpu.memory_space<vmem>>[vector<16xi32>], vector<16xf32>,
    %mul3A_427 = arith.mulf %gather3A_423, %gather3A_426 : vector<16xf32>
    %add3A_428 = arith.addf %add3A_420, %mul3A_427 : vector<16xf32>
    %broadcast_in_dim3A_429 = arith.constant 6 : i32
    %broadcast_in_dim3A_430 = vector.broadcast %broadcast_in_dim3A_429 : i32 to vector<16xi32>
    %gather3A_431 = tpu.vector_load_idx %arg6[%min3A_377, %broadcast_in_dim3A_430] : memref<100x10xf32, #tpu.memory_space<vmem>>[vector<16xi32>, vector<16xi32>], vector<16xf32>,
    %broadcast_in_dim3A_432 = arith.constant 7 : i32
    %broadcast_in_dim3A_433 = vector.broadcast %broadcast_in_dim3A_432 : i32 to vector<16xi32>
    %gather3A_434 = tpu.vector_load_idx %arg7[%broadcast_in_dim3A_433] : memref<16xf32, #tpu.memory_space<vmem>>[vector<16xi32>], vector<16xf32>,
    %mul3A_435 = arith.mulf %gather3A_431, %gather3A_434 : vector<16xf32>
    %add3A_436 = arith.addf %add3A_428, %mul3A_435 : vector<16xf32>
    %broadcast_in_dim3A_437 = arith.constant 7 : i32
    %broadcast_in_dim3A_438 = vector.broadcast %broadcast_in_dim3A_437 : i32 to vector<16xi32>
    %gather3A_439 = tpu.vector_load_idx %arg6[%min3A_377, %broadcast_in_dim3A_438] : memref<100x10xf32, #tpu.memory_space<vmem>>[vector<16xi32>, vector<16xi32>], vector<16xf32>,
    %broadcast_in_dim3A_440 = arith.constant 8 : i32
    %broadcast_in_dim3A_441 = vector.broadcast %broadcast_in_dim3A_440 : i32 to vector<16xi32>
    %gather3A_442 = tpu.vector_load_idx %arg7[%broadcast_in_dim3A_441] : memref<16xf32, #tpu.memory_space<vmem>>[vector<16xi32>], vector<16xf32>,
    %mul3A_443 = arith.mulf %gather3A_439, %gather3A_442 : vector<16xf32>
    %add3A_444 = arith.addf %add3A_436, %mul3A_443 : vector<16xf32>
    %broadcast_in_dim3A_445 = arith.constant 8 : i32
    %broadcast_in_dim3A_446 = vector.broadcast %broadcast_in_dim3A_445 : i32 to vector<16xi32>
    %gather3A_447 = tpu.vector_load_idx %arg6[%min3A_377, %broadcast_in_dim3A_446] : memref<100x10xf32, #tpu.memory_space<vmem>>[vector<16xi32>, vector<16xi32>], vector<16xf32>,
    %broadcast_in_dim3A_448 = arith.constant 9 : i32
    %broadcast_in_dim3A_449 = vector.broadcast %broadcast_in_dim3A_448 : i32 to vector<16xi32>
    %gather3A_450 = tpu.vector_load_idx %arg7[%broadcast_in_dim3A_449] : memref<16xf32, #tpu.memory_space<vmem>>[vector<16xi32>], vector<16xf32>,
    %mul3A_451 = arith.mulf %gather3A_447, %gather3A_450 : vector<16xf32>
    %add3A_452 = arith.addf %add3A_444, %mul3A_451 : vector<16xf32>
    %broadcast_in_dim3A_453 = arith.constant 9 : i32
    %broadcast_in_dim3A_454 = vector.broadcast %broadcast_in_dim3A_453 : i32 to vector<16xi32>
    %gather3A_455 = tpu.vector_load_idx %arg6[%min3A_377, %broadcast_in_dim3A_454] : memref<100x10xf32, #tpu.memory_space<vmem>>[vector<16xi32>, vector<16xi32>], vector<16xf32>,
    %broadcast_in_dim3A_456 = arith.constant 10 : i32
    %broadcast_in_dim3A_457 = vector.broadcast %broadcast_in_dim3A_456 : i32 to vector<16xi32>
    %gather3A_458 = tpu.vector_load_idx %arg7[%broadcast_in_dim3A_457] : memref<16xf32, #tpu.memory_space<vmem>>[vector<16xi32>], vector<16xf32>,
    %mul3A_459 = arith.mulf %gather3A_455, %gather3A_458 : vector<16xf32>
    %add3A_460 = arith.addf %add3A_452, %mul3A_459 : vector<16xf32>
    %swap3A_461 = arith.constant 64 : index
    %swap3A_462 = tpu.vector_load %arg8[%swap3A_461] {strides = array<i32>} : memref<112xf32, #tpu.memory_space<vmem>>, vector<16xf32>,
    tpu.vector_store %arg8[%swap3A_461], %add3A_460 {strides = array<i32>} : memref<112xf32, #tpu.memory_space<vmem>>, vector<16xf32>,
    %add3A_463 = arith.constant 80 : i32
    %add3A_464 = vector.broadcast %add3A_463 : i32 to vector<16xi32>
    %add3A_465 = arith.addi %iota3A, %add3A_464 : vector<16xi32>
    %min3A_466 = arith.constant 99 : i32
    %min3A_467 = vector.broadcast %min3A_466 : i32 to vector<16xi32>
    %min3A_468 = arith.minsi %add3A_465, %min3A_467 : vector<16xi32>
    %broadcast_in_dim3A_469 = arith.constant 11 : i32
    %broadcast_in_dim3A_470 = vector.broadcast %broadcast_in_dim3A_469 : i32 to vector<16xi32>
    %gather3A_471 = tpu.vector_load_idx %arg7[%broadcast_in_dim3A_470] : memref<16xf32, #tpu.memory_space<vmem>>[vector<16xi32>], vector<16xf32>,
    %broadcast_in_dim3A_472 = arith.constant 0 : i32
    %broadcast_in_dim3A_473 = vector.broadcast %broadcast_in_dim3A_472 : i32 to vector<16xi32>
    %gather3A_474 = tpu.vector_load_idx %arg6[%min3A_468, %broadcast_in_dim3A_473] : memref<100x10xf32, #tpu.memory_space<vmem>>[vector<16xi32>, vector<16xi32>], vector<16xf32>,
    %broadcast_in_dim3A_475 = arith.constant 1 : i32
    %broadcast_in_dim3A_476 = vector.broadcast %broadcast_in_dim3A_475 : i32 to vector<16xi32>
    %gather3A_477 = tpu.vector_load_idx %arg7[%broadcast_in_dim3A_476] : memref<16xf32, #tpu.memory_space<vmem>>[vector<16xi32>], vector<16xf32>,
    %mul3A_478 = arith.mulf %gather3A_474, %gather3A_477 : vector<16xf32>
    %add3A_479 = arith.addf %gather3A_471, %mul3A_478 : vector<16xf32>
    %broadcast_in_dim3A_480 = arith.constant 1 : i32
    %broadcast_in_dim3A_481 = vector.broadcast %broadcast_in_dim3A_480 : i32 to vector<16xi32>
    %gather3A_482 = tpu.vector_load_idx %arg6[%min3A_468, %broadcast_in_dim3A_481] : memref<100x10xf32, #tpu.memory_space<vmem>>[vector<16xi32>, vector<16xi32>], vector<16xf32>,
    %broadcast_in_dim3A_483 = arith.constant 2 : i32
    %broadcast_in_dim3A_484 = vector.broadcast %broadcast_in_dim3A_483 : i32 to vector<16xi32>
    %gather3A_485 = tpu.vector_load_idx %arg7[%broadcast_in_dim3A_484] : memref<16xf32, #tpu.memory_space<vmem>>[vector<16xi32>], vector<16xf32>,
    %mul3A_486 = arith.mulf %gather3A_482, %gather3A_485 : vector<16xf32>
    %add3A_487 = arith.addf %add3A_479, %mul3A_486 : vector<16xf32>
    %broadcast_in_dim3A_488 = arith.constant 2 : i32
    %broadcast_in_dim3A_489 = vector.broadcast %broadcast_in_dim3A_488 : i32 to vector<16xi32>
    %gather3A_490 = tpu.vector_load_idx %arg6[%min3A_468, %broadcast_in_dim3A_489] : memref<100x10xf32, #tpu.memory_space<vmem>>[vector<16xi32>, vector<16xi32>], vector<16xf32>,
    %broadcast_in_dim3A_491 = arith.constant 3 : i32
    %broadcast_in_dim3A_492 = vector.broadcast %broadcast_in_dim3A_491 : i32 to vector<16xi32>
    %gather3A_493 = tpu.vector_load_idx %arg7[%broadcast_in_dim3A_492] : memref<16xf32, #tpu.memory_space<vmem>>[vector<16xi32>], vector<16xf32>,
    %mul3A_494 = arith.mulf %gather3A_490, %gather3A_493 : vector<16xf32>
    %add3A_495 = arith.addf %add3A_487, %mul3A_494 : vector<16xf32>
    %broadcast_in_dim3A_496 = arith.constant 3 : i32
    %broadcast_in_dim3A_497 = vector.broadcast %broadcast_in_dim3A_496 : i32 to vector<16xi32>
    %gather3A_498 = tpu.vector_load_idx %arg6[%min3A_468, %broadcast_in_dim3A_497] : memref<100x10xf32, #tpu.memory_space<vmem>>[vector<16xi32>, vector<16xi32>], vector<16xf32>,
    %broadcast_in_dim3A_499 = arith.constant 4 : i32
    %broadcast_in_dim3A_500 = vector.broadcast %broadcast_in_dim3A_499 : i32 to vector<16xi32>
    %gather3A_501 = tpu.vector_load_idx %arg7[%broadcast_in_dim3A_500] : memref<16xf32, #tpu.memory_space<vmem>>[vector<16xi32>], vector<16xf32>,
    %mul3A_502 = arith.mulf %gather3A_498, %gather3A_501 : vector<16xf32>
    %add3A_503 = arith.addf %add3A_495, %mul3A_502 : vector<16xf32>
    %broadcast_in_dim3A_504 = arith.constant 4 : i32
    %broadcast_in_dim3A_505 = vector.broadcast %broadcast_in_dim3A_504 : i32 to vector<16xi32>
    %gather3A_506 = tpu.vector_load_idx %arg6[%min3A_468, %broadcast_in_dim3A_505] : memref<100x10xf32, #tpu.memory_space<vmem>>[vector<16xi32>, vector<16xi32>], vector<16xf32>,
    %broadcast_in_dim3A_507 = arith.constant 5 : i32
    %broadcast_in_dim3A_508 = vector.broadcast %broadcast_in_dim3A_507 : i32 to vector<16xi32>
    %gather3A_509 = tpu.vector_load_idx %arg7[%broadcast_in_dim3A_508] : memref<16xf32, #tpu.memory_space<vmem>>[vector<16xi32>], vector<16xf32>,
    %mul3A_510 = arith.mulf %gather3A_506, %gather3A_509 : vector<16xf32>
    %add3A_511 = arith.addf %add3A_503, %mul3A_510 : vector<16xf32>
    %broadcast_in_dim3A_512 = arith.constant 5 : i32
    %broadcast_in_dim3A_513 = vector.broadcast %broadcast_in_dim3A_512 : i32 to vector<16xi32>
    %gather3A_514 = tpu.vector_load_idx %arg6[%min3A_468, %broadcast_in_dim3A_513] : memref<100x10xf32, #tpu.memory_space<vmem>>[vector<16xi32>, vector<16xi32>], vector<16xf32>,
    %broadcast_in_dim3A_515 = arith.constant 6 : i32
    %broadcast_in_dim3A_516 = vector.broadcast %broadcast_in_dim3A_515 : i32 to vector<16xi32>
    %gather3A_517 = tpu.vector_load_idx %arg7[%broadcast_in_dim3A_516] : memref<16xf32, #tpu.memory_space<vmem>>[vector<16xi32>], vector<16xf32>,
    %mul3A_518 = arith.mulf %gather3A_514, %gather3A_517 : vector<16xf32>
    %add3A_519 = arith.addf %add3A_511, %mul3A_518 : vector<16xf32>
    %broadcast_in_dim3A_520 = arith.constant 6 : i32
    %broadcast_in_dim3A_521 = vector.broadcast %broadcast_in_dim3A_520 : i32 to vector<16xi32>
    %gather3A_522 = tpu.vector_load_idx %arg6[%min3A_468, %broadcast_in_dim3A_521] : memref<100x10xf32, #tpu.memory_space<vmem>>[vector<16xi32>, vector<16xi32>], vector<16xf32>,
    %broadcast_in_dim3A_523 = arith.constant 7 : i32
    %broadcast_in_dim3A_524 = vector.broadcast %broadcast_in_dim3A_523 : i32 to vector<16xi32>
    %gather3A_525 = tpu.vector_load_idx %arg7[%broadcast_in_dim3A_524] : memref<16xf32, #tpu.memory_space<vmem>>[vector<16xi32>], vector<16xf32>,
    %mul3A_526 = arith.mulf %gather3A_522, %gather3A_525 : vector<16xf32>
    %add3A_527 = arith.addf %add3A_519, %mul3A_526 : vector<16xf32>
    %broadcast_in_dim3A_528 = arith.constant 7 : i32
    %broadcast_in_dim3A_529 = vector.broadcast %broadcast_in_dim3A_528 : i32 to vector<16xi32>
    %gather3A_530 = tpu.vector_load_idx %arg6[%min3A_468, %broadcast_in_dim3A_529] : memref<100x10xf32, #tpu.memory_space<vmem>>[vector<16xi32>, vector<16xi32>], vector<16xf32>,
    %broadcast_in_dim3A_531 = arith.constant 8 : i32
    %broadcast_in_dim3A_532 = vector.broadcast %broadcast_in_dim3A_531 : i32 to vector<16xi32>
    %gather3A_533 = tpu.vector_load_idx %arg7[%broadcast_in_dim3A_532] : memref<16xf32, #tpu.memory_space<vmem>>[vector<16xi32>], vector<16xf32>,
    %mul3A_534 = arith.mulf %gather3A_530, %gather3A_533 : vector<16xf32>
    %add3A_535 = arith.addf %add3A_527, %mul3A_534 : vector<16xf32>
    %broadcast_in_dim3A_536 = arith.constant 8 : i32
    %broadcast_in_dim3A_537 = vector.broadcast %broadcast_in_dim3A_536 : i32 to vector<16xi32>
    %gather3A_538 = tpu.vector_load_idx %arg6[%min3A_468, %broadcast_in_dim3A_537] : memref<100x10xf32, #tpu.memory_space<vmem>>[vector<16xi32>, vector<16xi32>], vector<16xf32>,
    %broadcast_in_dim3A_539 = arith.constant 9 : i32
    %broadcast_in_dim3A_540 = vector.broadcast %broadcast_in_dim3A_539 : i32 to vector<16xi32>
    %gather3A_541 = tpu.vector_load_idx %arg7[%broadcast_in_dim3A_540] : memref<16xf32, #tpu.memory_space<vmem>>[vector<16xi32>], vector<16xf32>,
    %mul3A_542 = arith.mulf %gather3A_538, %gather3A_541 : vector<16xf32>
    %add3A_543 = arith.addf %add3A_535, %mul3A_542 : vector<16xf32>
    %broadcast_in_dim3A_544 = arith.constant 9 : i32
    %broadcast_in_dim3A_545 = vector.broadcast %broadcast_in_dim3A_544 : i32 to vector<16xi32>
    %gather3A_546 = tpu.vector_load_idx %arg6[%min3A_468, %broadcast_in_dim3A_545] : memref<100x10xf32, #tpu.memory_space<vmem>>[vector<16xi32>, vector<16xi32>], vector<16xf32>,
    %broadcast_in_dim3A_547 = arith.constant 10 : i32
    %broadcast_in_dim3A_548 = vector.broadcast %broadcast_in_dim3A_547 : i32 to vector<16xi32>
    %gather3A_549 = tpu.vector_load_idx %arg7[%broadcast_in_dim3A_548] : memref<16xf32, #tpu.memory_space<vmem>>[vector<16xi32>], vector<16xf32>,
    %mul3A_550 = arith.mulf %gather3A_546, %gather3A_549 : vector<16xf32>
    %add3A_551 = arith.addf %add3A_543, %mul3A_550 : vector<16xf32>
    %swap3A_552 = arith.constant 80 : index
    %swap3A_553 = tpu.vector_load %arg8[%swap3A_552] {strides = array<i32>} : memref<112xf32, #tpu.memory_space<vmem>>, vector<16xf32>,
    tpu.vector_store %arg8[%swap3A_552], %add3A_551 {strides = array<i32>} : memref<112xf32, #tpu.memory_space<vmem>>, vector<16xf32>,
    %add3A_554 = arith.constant 96 : i32
    %add3A_555 = vector.broadcast %add3A_554 : i32 to vector<16xi32>
    %add3A_556 = arith.addi %iota3A, %add3A_555 : vector<16xi32>
    %min3A_557 = arith.constant 99 : i32
    %min3A_558 = vector.broadcast %min3A_557 : i32 to vector<16xi32>
    %min3A_559 = arith.minsi %add3A_556, %min3A_558 : vector<16xi32>
    %broadcast_in_dim3A_560 = arith.constant 11 : i32
    %broadcast_in_dim3A_561 = vector.broadcast %broadcast_in_dim3A_560 : i32 to vector<16xi32>
    %gather3A_562 = tpu.vector_load_idx %arg7[%broadcast_in_dim3A_561] : memref<16xf32, #tpu.memory_space<vmem>>[vector<16xi32>], vector<16xf32>,
    %broadcast_in_dim3A_563 = arith.constant 0 : i32
    %broadcast_in_dim3A_564 = vector.broadcast %broadcast_in_dim3A_563 : i32 to vector<16xi32>
    %gather3A_565 = tpu.vector_load_idx %arg6[%min3A_559, %broadcast_in_dim3A_564] : memref<100x10xf32, #tpu.memory_space<vmem>>[vector<16xi32>, vector<16xi32>], vector<16xf32>,
    %broadcast_in_dim3A_566 = arith.constant 1 : i32
    %broadcast_in_dim3A_567 = vector.broadcast %broadcast_in_dim3A_566 : i32 to vector<16xi32>
    %gather3A_568 = tpu.vector_load_idx %arg7[%broadcast_in_dim3A_567] : memref<16xf32, #tpu.memory_space<vmem>>[vector<16xi32>], vector<16xf32>,
    %mul3A_569 = arith.mulf %gather3A_565, %gather3A_568 : vector<16xf32>
    %add3A_570 = arith.addf %gather3A_562, %mul3A_569 : vector<16xf32>
    %broadcast_in_dim3A_571 = arith.constant 1 : i32
    %broadcast_in_dim3A_572 = vector.broadcast %broadcast_in_dim3A_571 : i32 to vector<16xi32>
    %gather3A_573 = tpu.vector_load_idx %arg6[%min3A_559, %broadcast_in_dim3A_572] : memref<100x10xf32, #tpu.memory_space<vmem>>[vector<16xi32>, vector<16xi32>], vector<16xf32>,
    %broadcast_in_dim3A_574 = arith.constant 2 : i32
    %broadcast_in_dim3A_575 = vector.broadcast %broadcast_in_dim3A_574 : i32 to vector<16xi32>
    %gather3A_576 = tpu.vector_load_idx %arg7[%broadcast_in_dim3A_575] : memref<16xf32, #tpu.memory_space<vmem>>[vector<16xi32>], vector<16xf32>,
    %mul3A_577 = arith.mulf %gather3A_573, %gather3A_576 : vector<16xf32>
    %add3A_578 = arith.addf %add3A_570, %mul3A_577 : vector<16xf32>
    %broadcast_in_dim3A_579 = arith.constant 2 : i32
    %broadcast_in_dim3A_580 = vector.broadcast %broadcast_in_dim3A_579 : i32 to vector<16xi32>
    %gather3A_581 = tpu.vector_load_idx %arg6[%min3A_559, %broadcast_in_dim3A_580] : memref<100x10xf32, #tpu.memory_space<vmem>>[vector<16xi32>, vector<16xi32>], vector<16xf32>,
    %broadcast_in_dim3A_582 = arith.constant 3 : i32
    %broadcast_in_dim3A_583 = vector.broadcast %broadcast_in_dim3A_582 : i32 to vector<16xi32>
    %gather3A_584 = tpu.vector_load_idx %arg7[%broadcast_in_dim3A_583] : memref<16xf32, #tpu.memory_space<vmem>>[vector<16xi32>], vector<16xf32>,
    %mul3A_585 = arith.mulf %gather3A_581, %gather3A_584 : vector<16xf32>
    %add3A_586 = arith.addf %add3A_578, %mul3A_585 : vector<16xf32>
    %broadcast_in_dim3A_587 = arith.constant 3 : i32
    %broadcast_in_dim3A_588 = vector.broadcast %broadcast_in_dim3A_587 : i32 to vector<16xi32>
    %gather3A_589 = tpu.vector_load_idx %arg6[%min3A_559, %broadcast_in_dim3A_588] : memref<100x10xf32, #tpu.memory_space<vmem>>[vector<16xi32>, vector<16xi32>], vector<16xf32>,
    %broadcast_in_dim3A_590 = arith.constant 4 : i32
    %broadcast_in_dim3A_591 = vector.broadcast %broadcast_in_dim3A_590 : i32 to vector<16xi32>
    %gather3A_592 = tpu.vector_load_idx %arg7[%broadcast_in_dim3A_591] : memref<16xf32, #tpu.memory_space<vmem>>[vector<16xi32>], vector<16xf32>,
    %mul3A_593 = arith.mulf %gather3A_589, %gather3A_592 : vector<16xf32>
    %add3A_594 = arith.addf %add3A_586, %mul3A_593 : vector<16xf32>
    %broadcast_in_dim3A_595 = arith.constant 4 : i32
    %broadcast_in_dim3A_596 = vector.broadcast %broadcast_in_dim3A_595 : i32 to vector<16xi32>
    %gather3A_597 = tpu.vector_load_idx %arg6[%min3A_559, %broadcast_in_dim3A_596] : memref<100x10xf32, #tpu.memory_space<vmem>>[vector<16xi32>, vector<16xi32>], vector<16xf32>,
    %broadcast_in_dim3A_598 = arith.constant 5 : i32
    %broadcast_in_dim3A_599 = vector.broadcast %broadcast_in_dim3A_598 : i32 to vector<16xi32>
    %gather3A_600 = tpu.vector_load_idx %arg7[%broadcast_in_dim3A_599] : memref<16xf32, #tpu.memory_space<vmem>>[vector<16xi32>], vector<16xf32>,
    %mul3A_601 = arith.mulf %gather3A_597, %gather3A_600 : vector<16xf32>
    %add3A_602 = arith.addf %add3A_594, %mul3A_601 : vector<16xf32>
    %broadcast_in_dim3A_603 = arith.constant 5 : i32
    %broadcast_in_dim3A_604 = vector.broadcast %broadcast_in_dim3A_603 : i32 to vector<16xi32>
    %gather3A_605 = tpu.vector_load_idx %arg6[%min3A_559, %broadcast_in_dim3A_604] : memref<100x10xf32, #tpu.memory_space<vmem>>[vector<16xi32>, vector<16xi32>], vector<16xf32>,
    %broadcast_in_dim3A_606 = arith.constant 6 : i32
    %broadcast_in_dim3A_607 = vector.broadcast %broadcast_in_dim3A_606 : i32 to vector<16xi32>
    %gather3A_608 = tpu.vector_load_idx %arg7[%broadcast_in_dim3A_607] : memref<16xf32, #tpu.memory_space<vmem>>[vector<16xi32>], vector<16xf32>,
    %mul3A_609 = arith.mulf %gather3A_605, %gather3A_608 : vector<16xf32>
    %add3A_610 = arith.addf %add3A_602, %mul3A_609 : vector<16xf32>
    %broadcast_in_dim3A_611 = arith.constant 6 : i32
    %broadcast_in_dim3A_612 = vector.broadcast %broadcast_in_dim3A_611 : i32 to vector<16xi32>
    %gather3A_613 = tpu.vector_load_idx %arg6[%min3A_559, %broadcast_in_dim3A_612] : memref<100x10xf32, #tpu.memory_space<vmem>>[vector<16xi32>, vector<16xi32>], vector<16xf32>,
    %broadcast_in_dim3A_614 = arith.constant 7 : i32
    %broadcast_in_dim3A_615 = vector.broadcast %broadcast_in_dim3A_614 : i32 to vector<16xi32>
    %gather3A_616 = tpu.vector_load_idx %arg7[%broadcast_in_dim3A_615] : memref<16xf32, #tpu.memory_space<vmem>>[vector<16xi32>], vector<16xf32>,
    %mul3A_617 = arith.mulf %gather3A_613, %gather3A_616 : vector<16xf32>
    %add3A_618 = arith.addf %add3A_610, %mul3A_617 : vector<16xf32>
    %broadcast_in_dim3A_619 = arith.constant 7 : i32
    %broadcast_in_dim3A_620 = vector.broadcast %broadcast_in_dim3A_619 : i32 to vector<16xi32>
    %gather3A_621 = tpu.vector_load_idx %arg6[%min3A_559, %broadcast_in_dim3A_620] : memref<100x10xf32, #tpu.memory_space<vmem>>[vector<16xi32>, vector<16xi32>], vector<16xf32>,
    %broadcast_in_dim3A_622 = arith.constant 8 : i32
    %broadcast_in_dim3A_623 = vector.broadcast %broadcast_in_dim3A_622 : i32 to vector<16xi32>
    %gather3A_624 = tpu.vector_load_idx %arg7[%broadcast_in_dim3A_623] : memref<16xf32, #tpu.memory_space<vmem>>[vector<16xi32>], vector<16xf32>,
    %mul3A_625 = arith.mulf %gather3A_621, %gather3A_624 : vector<16xf32>
    %add3A_626 = arith.addf %add3A_618, %mul3A_625 : vector<16xf32>
    %broadcast_in_dim3A_627 = arith.constant 8 : i32
    %broadcast_in_dim3A_628 = vector.broadcast %broadcast_in_dim3A_627 : i32 to vector<16xi32>
    %gather3A_629 = tpu.vector_load_idx %arg6[%min3A_559, %broadcast_in_dim3A_628] : memref<100x10xf32, #tpu.memory_space<vmem>>[vector<16xi32>, vector<16xi32>], vector<16xf32>,
    %broadcast_in_dim3A_630 = arith.constant 9 : i32
    %broadcast_in_dim3A_631 = vector.broadcast %broadcast_in_dim3A_630 : i32 to vector<16xi32>
    %gather3A_632 = tpu.vector_load_idx %arg7[%broadcast_in_dim3A_631] : memref<16xf32, #tpu.memory_space<vmem>>[vector<16xi32>], vector<16xf32>,
    %mul3A_633 = arith.mulf %gather3A_629, %gather3A_632 : vector<16xf32>
    %add3A_634 = arith.addf %add3A_626, %mul3A_633 : vector<16xf32>
    %broadcast_in_dim3A_635 = arith.constant 9 : i32
    %broadcast_in_dim3A_636 = vector.broadcast %broadcast_in_dim3A_635 : i32 to vector<16xi32>
    %gather3A_637 = tpu.vector_load_idx %arg6[%min3A_559, %broadcast_in_dim3A_636] : memref<100x10xf32, #tpu.memory_space<vmem>>[vector<16xi32>, vector<16xi32>], vector<16xf32>,
    %broadcast_in_dim3A_638 = arith.constant 10 : i32
    %broadcast_in_dim3A_639 = vector.broadcast %broadcast_in_dim3A_638 : i32 to vector<16xi32>
    %gather3A_640 = tpu.vector_load_idx %arg7[%broadcast_in_dim3A_639] : memref<16xf32, #tpu.memory_space<vmem>>[vector<16xi32>], vector<16xf32>,
    %mul3A_641 = arith.mulf %gather3A_637, %gather3A_640 : vector<16xf32>
    %add3A_642 = arith.addf %add3A_634, %mul3A_641 : vector<16xf32>
    %swap3A_643 = arith.constant 96 : index
    %swap3A_644 = tpu.vector_load %arg8[%swap3A_643] {strides = array<i32>} : memref<112xf32, #tpu.memory_space<vmem>>, vector<16xf32>,
    tpu.vector_store %arg8[%swap3A_643], %add3A_642 {strides = array<i32>} : memref<112xf32, #tpu.memory_space<vmem>>, vector<16xf32>,
    %add3A_645 = arith.constant 128 : i32
    %add3A_646 = arith.addi %mul3A_2, %add3A_645 : i32
    %dma_start3A_647 = arith.constant 0 : i32
    %dma_start3A_648 = tpu.memref_slice %arg2[%add3A_646, %dma_start3A_647] : memref<16384x200xi32, #tpu.memory_space<hbm>> -> memref<64x200xi32, #tpu.memory_space<hbm>>
    %dma_start3A_649 = arith.constant 0 : i32
    %dma_start3A_650 = tpu.memref_slice %arg2[%add3A_646, %dma_start3A_649] : memref<16384x200xi32, #tpu.memory_space<hbm>> -> memref<64x200xi32, #tpu.memory_space<hbm>>
    tpu.enqueue_dma source(%dma_start3A_650 : memref<64x200xi32, #tpu.memory_space<hbm>>) target(%arg11 : memref<64x200xi32, #tpu.memory_space<vmem>>) target_semaphore(%arg17 : memref<!tpu.dma_semaphore, #tpu.memory_space<semaphore_mem>>)
    %dma_wait3A = arith.constant 0 : i32
    %dma_wait3A_651 = tpu.memref_slice %arg2[%mul3A_2, %dma_wait3A] : memref<16384x200xi32, #tpu.memory_space<hbm>> -> memref<64x200xi32, #tpu.memory_space<hbm>>
    %dma_wait3A_652 = arith.constant 0 : i32
    %dma_wait3A_653 = tpu.memref_slice %arg2[%mul3A_2, %dma_wait3A_652] : memref<16384x200xi32, #tpu.memory_space<hbm>> -> memref<64x200xi32, #tpu.memory_space<hbm>>
    tpu.wait_dma2 semaphore(%arg15 : memref<!tpu.dma_semaphore, #tpu.memory_space<semaphore_mem>>) src(%dma_wait3A_653 : memref<64x200xi32, #tpu.memory_space<hbm>>) dst(%arg9 : memref<64x200xi32, #tpu.memory_space<vmem>>)
    %parallel_loop3A = arith.constant 0 : i32
    %parallel_loop3A_654 = arith.constant 64 : i32
    %parallel_loop3A_655 = arith.constant 1 : i32
    scf.for %parallel_loop3A_815 = %parallel_loop3A to %parallel_loop3A_654 step %parallel_loop3A_655  : i32 {
      %parallel_loop3A_816 = arith.index_cast %parallel_loop3A_815 : i32 to index
      %parallel_loop3A_817 = arith.constant 0 : index
      %parallel_loop3A_818 = tpu.vector_load %arg9[%parallel_loop3A_816, %parallel_loop3A_817] {strides = array<i32>} : memref<64x200xi32, #tpu.memory_space<vmem>>, vector<16xi32>,
      %parallel_loop3A_819 = tpu.vector_load_idx %arg8[%parallel_loop3A_818] : memref<112xf32, #tpu.memory_space<vmem>>[vector<16xi32>], vector<16xf32>,
      %parallel_loop3A_820 = arith.index_cast %parallel_loop3A_815 : i32 to index
      %parallel_loop3A_821 = arith.constant 0 : index
      %parallel_loop3A_822 = tpu.vector_load %arg12[%parallel_loop3A_820, %parallel_loop3A_821] {strides = array<i32>} : memref<64x200xf32, #tpu.memory_space<vmem>>, vector<16xf32>,
      tpu.vector_store %arg12[%parallel_loop3A_820, %parallel_loop3A_821], %parallel_loop3A_819 {strides = array<i32>} : memref<64x200xf32, #tpu.memory_space<vmem>>, vector<16xf32>,
      %parallel_loop3A_823 = arith.index_cast %parallel_loop3A_815 : i32 to index
      %parallel_loop3A_824 = arith.constant 16 : index
      %parallel_loop3A_825 = tpu.vector_load %arg9[%parallel_loop3A_823, %parallel_loop3A_824] {strides = array<i32>} : memref<64x200xi32, #tpu.memory_space<vmem>>, vector<16xi32>,
      %parallel_loop3A_826 = tpu.vector_load_idx %arg8[%parallel_loop3A_825] : memref<112xf32, #tpu.memory_space<vmem>>[vector<16xi32>], vector<16xf32>,
      %parallel_loop3A_827 = arith.index_cast %parallel_loop3A_815 : i32 to index
      %parallel_loop3A_828 = arith.constant 16 : index
      %parallel_loop3A_829 = tpu.vector_load %arg12[%parallel_loop3A_827, %parallel_loop3A_828] {strides = array<i32>} : memref<64x200xf32, #tpu.memory_space<vmem>>, vector<16xf32>,
      tpu.vector_store %arg12[%parallel_loop3A_827, %parallel_loop3A_828], %parallel_loop3A_826 {strides = array<i32>} : memref<64x200xf32, #tpu.memory_space<vmem>>, vector<16xf32>,
      %parallel_loop3A_830 = arith.index_cast %parallel_loop3A_815 : i32 to index
      %parallel_loop3A_831 = arith.constant 32 : index
      %parallel_loop3A_832 = tpu.vector_load %arg9[%parallel_loop3A_830, %parallel_loop3A_831] {strides = array<i32>} : memref<64x200xi32, #tpu.memory_space<vmem>>, vector<16xi32>,
      %parallel_loop3A_833 = tpu.vector_load_idx %arg8[%parallel_loop3A_832] : memref<112xf32, #tpu.memory_space<vmem>>[vector<16xi32>], vector<16xf32>,
      %parallel_loop3A_834 = arith.index_cast %parallel_loop3A_815 : i32 to index
      %parallel_loop3A_835 = arith.constant 32 : index
      %parallel_loop3A_836 = tpu.vector_load %arg12[%parallel_loop3A_834, %parallel_loop3A_835] {strides = array<i32>} : memref<64x200xf32, #tpu.memory_space<vmem>>, vector<16xf32>,
      tpu.vector_store %arg12[%parallel_loop3A_834, %parallel_loop3A_835], %parallel_loop3A_833 {strides = array<i32>} : memref<64x200xf32, #tpu.memory_space<vmem>>, vector<16xf32>,
      %parallel_loop3A_837 = arith.index_cast %parallel_loop3A_815 : i32 to index
      %parallel_loop3A_838 = arith.constant 48 : index
      %parallel_loop3A_839 = tpu.vector_load %arg9[%parallel_loop3A_837, %parallel_loop3A_838] {strides = array<i32>} : memref<64x200xi32, #tpu.memory_space<vmem>>, vector<16xi32>,
      %parallel_loop3A_840 = tpu.vector_load_idx %arg8[%parallel_loop3A_839] : memref<112xf32, #tpu.memory_space<vmem>>[vector<16xi32>], vector<16xf32>,
      %parallel_loop3A_841 = arith.index_cast %parallel_loop3A_815 : i32 to index
      %parallel_loop3A_842 = arith.constant 48 : index
      %parallel_loop3A_843 = tpu.vector_load %arg12[%parallel_loop3A_841, %parallel_loop3A_842] {strides = array<i32>} : memref<64x200xf32, #tpu.memory_space<vmem>>, vector<16xf32>,
      tpu.vector_store %arg12[%parallel_loop3A_841, %parallel_loop3A_842], %parallel_loop3A_840 {strides = array<i32>} : memref<64x200xf32, #tpu.memory_space<vmem>>, vector<16xf32>,
      %parallel_loop3A_844 = arith.index_cast %parallel_loop3A_815 : i32 to index
      %parallel_loop3A_845 = arith.constant 64 : index
      %parallel_loop3A_846 = tpu.vector_load %arg9[%parallel_loop3A_844, %parallel_loop3A_845] {strides = array<i32>} : memref<64x200xi32, #tpu.memory_space<vmem>>, vector<16xi32>,
      %parallel_loop3A_847 = tpu.vector_load_idx %arg8[%parallel_loop3A_846] : memref<112xf32, #tpu.memory_space<vmem>>[vector<16xi32>], vector<16xf32>,
      %parallel_loop3A_848 = arith.index_cast %parallel_loop3A_815 : i32 to index
      %parallel_loop3A_849 = arith.constant 64 : index
      %parallel_loop3A_850 = tpu.vector_load %arg12[%parallel_loop3A_848, %parallel_loop3A_849] {strides = array<i32>} : memref<64x200xf32, #tpu.memory_space<vmem>>, vector<16xf32>,
      tpu.vector_store %arg12[%parallel_loop3A_848, %parallel_loop3A_849], %parallel_loop3A_847 {strides = array<i32>} : memref<64x200xf32, #tpu.memory_space<vmem>>, vector<16xf32>,
      %parallel_loop3A_851 = arith.index_cast %parallel_loop3A_815 : i32 to index
      %parallel_loop3A_852 = arith.constant 80 : index
      %parallel_loop3A_853 = tpu.vector_load %arg9[%parallel_loop3A_851, %parallel_loop3A_852] {strides = array<i32>} : memref<64x200xi32, #tpu.memory_space<vmem>>, vector<16xi32>,
      %parallel_loop3A_854 = tpu.vector_load_idx %arg8[%parallel_loop3A_853] : memref<112xf32, #tpu.memory_space<vmem>>[vector<16xi32>], vector<16xf32>,
      %parallel_loop3A_855 = arith.index_cast %parallel_loop3A_815 : i32 to index
      %parallel_loop3A_856 = arith.constant 80 : index
      %parallel_loop3A_857 = tpu.vector_load %arg12[%parallel_loop3A_855, %parallel_loop3A_856] {strides = array<i32>} : memref<64x200xf32, #tpu.memory_space<vmem>>, vector<16xf32>,
      tpu.vector_store %arg12[%parallel_loop3A_855, %parallel_loop3A_856], %parallel_loop3A_854 {strides = array<i32>} : memref<64x200xf32, #tpu.memory_space<vmem>>, vector<16xf32>,
      %parallel_loop3A_858 = arith.index_cast %parallel_loop3A_815 : i32 to index
      %parallel_loop3A_859 = arith.constant 96 : index
      %parallel_loop3A_860 = tpu.vector_load %arg9[%parallel_loop3A_858, %parallel_loop3A_859] {strides = array<i32>} : memref<64x200xi32, #tpu.memory_space<vmem>>, vector<16xi32>,
      %parallel_loop3A_861 = tpu.vector_load_idx %arg8[%parallel_loop3A_860] : memref<112xf32, #tpu.memory_space<vmem>>[vector<16xi32>], vector<16xf32>,
      %parallel_loop3A_862 = arith.index_cast %parallel_loop3A_815 : i32 to index
      %parallel_loop3A_863 = arith.constant 96 : index
      %parallel_loop3A_864 = tpu.vector_load %arg12[%parallel_loop3A_862, %parallel_loop3A_863] {strides = array<i32>} : memref<64x200xf32, #tpu.memory_space<vmem>>, vector<16xf32>,
      tpu.vector_store %arg12[%parallel_loop3A_862, %parallel_loop3A_863], %parallel_loop3A_861 {strides = array<i32>} : memref<64x200xf32, #tpu.memory_space<vmem>>, vector<16xf32>,
      %parallel_loop3A_865 = arith.index_cast %parallel_loop3A_815 : i32 to index
      %parallel_loop3A_866 = arith.constant 112 : index
      %parallel_loop3A_867 = tpu.vector_load %arg9[%parallel_loop3A_865, %parallel_loop3A_866] {strides = array<i32>} : memref<64x200xi32, #tpu.memory_space<vmem>>, vector<16xi32>,
      %parallel_loop3A_868 = tpu.vector_load_idx %arg8[%parallel_loop3A_867] : memref<112xf32, #tpu.memory_space<vmem>>[vector<16xi32>], vector<16xf32>,
      %parallel_loop3A_869 = arith.index_cast %parallel_loop3A_815 : i32 to index
      %parallel_loop3A_870 = arith.constant 112 : index
      %parallel_loop3A_871 = tpu.vector_load %arg12[%parallel_loop3A_869, %parallel_loop3A_870] {strides = array<i32>} : memref<64x200xf32, #tpu.memory_space<vmem>>, vector<16xf32>,
      tpu.vector_store %arg12[%parallel_loop3A_869, %parallel_loop3A_870], %parallel_loop3A_868 {strides = array<i32>} : memref<64x200xf32, #tpu.memory_space<vmem>>, vector<16xf32>,
      %parallel_loop3A_872 = arith.index_cast %parallel_loop3A_815 : i32 to index
      %parallel_loop3A_873 = arith.constant 128 : index
      %parallel_loop3A_874 = tpu.vector_load %arg9[%parallel_loop3A_872, %parallel_loop3A_873] {strides = array<i32>} : memref<64x200xi32, #tpu.memory_space<vmem>>, vector<16xi32>,
      %parallel_loop3A_875 = tpu.vector_load_idx %arg8[%parallel_loop3A_874] : memref<112xf32, #tpu.memory_space<vmem>>[vector<16xi32>], vector<16xf32>,
      %parallel_loop3A_876 = arith.index_cast %parallel_loop3A_815 : i32 to index
      %parallel_loop3A_877 = arith.constant 128 : index
      %parallel_loop3A_878 = tpu.vector_load %arg12[%parallel_loop3A_876, %parallel_loop3A_877] {strides = array<i32>} : memref<64x200xf32, #tpu.memory_space<vmem>>, vector<16xf32>,
      tpu.vector_store %arg12[%parallel_loop3A_876, %parallel_loop3A_877], %parallel_loop3A_875 {strides = array<i32>} : memref<64x200xf32, #tpu.memory_space<vmem>>, vector<16xf32>,
      %parallel_loop3A_879 = arith.index_cast %parallel_loop3A_815 : i32 to index
      %parallel_loop3A_880 = arith.constant 144 : index
      %parallel_loop3A_881 = tpu.vector_load %arg9[%parallel_loop3A_879, %parallel_loop3A_880] {strides = array<i32>} : memref<64x200xi32, #tpu.memory_space<vmem>>, vector<16xi32>,
      %parallel_loop3A_882 = tpu.vector_load_idx %arg8[%parallel_loop3A_881] : memref<112xf32, #tpu.memory_space<vmem>>[vector<16xi32>], vector<16xf32>,
      %parallel_loop3A_883 = arith.index_cast %parallel_loop3A_815 : i32 to index
      %parallel_loop3A_884 = arith.constant 144 : index
      %parallel_loop3A_885 = tpu.vector_load %arg12[%parallel_loop3A_883, %parallel_loop3A_884] {strides = array<i32>} : memref<64x200xf32, #tpu.memory_space<vmem>>, vector<16xf32>,
      tpu.vector_store %arg12[%parallel_loop3A_883, %parallel_loop3A_884], %parallel_loop3A_882 {strides = array<i32>} : memref<64x200xf32, #tpu.memory_space<vmem>>, vector<16xf32>,
      %parallel_loop3A_886 = arith.index_cast %parallel_loop3A_815 : i32 to index
      %parallel_loop3A_887 = arith.constant 160 : index
      %parallel_loop3A_888 = tpu.vector_load %arg9[%parallel_loop3A_886, %parallel_loop3A_887] {strides = array<i32>} : memref<64x200xi32, #tpu.memory_space<vmem>>, vector<16xi32>,
      %parallel_loop3A_889 = tpu.vector_load_idx %arg8[%parallel_loop3A_888] : memref<112xf32, #tpu.memory_space<vmem>>[vector<16xi32>], vector<16xf32>,
      %parallel_loop3A_890 = arith.index_cast %parallel_loop3A_815 : i32 to index
      %parallel_loop3A_891 = arith.constant 160 : index
      %parallel_loop3A_892 = tpu.vector_load %arg12[%parallel_loop3A_890, %parallel_loop3A_891] {strides = array<i32>} : memref<64x200xf32, #tpu.memory_space<vmem>>, vector<16xf32>,
      tpu.vector_store %arg12[%parallel_loop3A_890, %parallel_loop3A_891], %parallel_loop3A_889 {strides = array<i32>} : memref<64x200xf32, #tpu.memory_space<vmem>>, vector<16xf32>,
      %parallel_loop3A_893 = arith.index_cast %parallel_loop3A_815 : i32 to index
      %parallel_loop3A_894 = arith.constant 176 : index
      %parallel_loop3A_895 = tpu.vector_load %arg9[%parallel_loop3A_893, %parallel_loop3A_894] {strides = array<i32>} : memref<64x200xi32, #tpu.memory_space<vmem>>, vector<16xi32>,
      %parallel_loop3A_896 = tpu.vector_load_idx %arg8[%parallel_loop3A_895] : memref<112xf32, #tpu.memory_space<vmem>>[vector<16xi32>], vector<16xf32>,
      %parallel_loop3A_897 = arith.index_cast %parallel_loop3A_815 : i32 to index
      %parallel_loop3A_898 = arith.constant 176 : index
      %parallel_loop3A_899 = tpu.vector_load %arg12[%parallel_loop3A_897, %parallel_loop3A_898] {strides = array<i32>} : memref<64x200xf32, #tpu.memory_space<vmem>>, vector<16xf32>,
      tpu.vector_store %arg12[%parallel_loop3A_897, %parallel_loop3A_898], %parallel_loop3A_896 {strides = array<i32>} : memref<64x200xf32, #tpu.memory_space<vmem>>, vector<16xf32>,
      %parallel_loop3A_900 = arith.index_cast %parallel_loop3A_815 : i32 to index
      %parallel_loop3A_901 = arith.constant 184 : index
      %parallel_loop3A_902 = tpu.vector_load %arg9[%parallel_loop3A_900, %parallel_loop3A_901] {strides = array<i32>} : memref<64x200xi32, #tpu.memory_space<vmem>>, vector<16xi32>,
      %parallel_loop3A_903 = tpu.vector_load_idx %arg8[%parallel_loop3A_902] : memref<112xf32, #tpu.memory_space<vmem>>[vector<16xi32>], vector<16xf32>,
      %parallel_loop3A_904 = arith.index_cast %parallel_loop3A_815 : i32 to index
      %parallel_loop3A_905 = arith.constant 184 : index
      %parallel_loop3A_906 = tpu.vector_load %arg12[%parallel_loop3A_904, %parallel_loop3A_905] {strides = array<i32>} : memref<64x200xf32, #tpu.memory_space<vmem>>, vector<16xf32>,
      tpu.vector_store %arg12[%parallel_loop3A_904, %parallel_loop3A_905], %parallel_loop3A_903 {strides = array<i32>} : memref<64x200xf32, #tpu.memory_space<vmem>>, vector<16xf32>,
    } {sc.loop_unroll_factor = 2 : i64, sc.parallel_access}
    %add3A_656 = arith.constant 0 : i32
    %add3A_657 = arith.addi %mul3A_2, %add3A_656 : i32
    %dma_start3A_658 = arith.constant 0 : i32
    %dma_start3A_659 = tpu.memref_slice %arg5[%add3A_657, %dma_start3A_658] : memref<16384x200xf32, #tpu.memory_space<hbm>> -> memref<64x200xf32, #tpu.memory_space<hbm>>
    %dma_start3A_660 = arith.constant 0 : i32
    %dma_start3A_661 = tpu.memref_slice %arg5[%add3A_657, %dma_start3A_660] : memref<16384x200xf32, #tpu.memory_space<hbm>> -> memref<64x200xf32, #tpu.memory_space<hbm>>
    tpu.enqueue_dma source(%arg12 : memref<64x200xf32, #tpu.memory_space<vmem>>) target(%dma_start3A_661 : memref<64x200xf32, #tpu.memory_space<hbm>>) target_semaphore(%arg18 : memref<!tpu.dma_semaphore, #tpu.memory_space<semaphore_mem>>)
    %add3A_662 = arith.constant 192 : i32
    %add3A_663 = arith.addi %mul3A_2, %add3A_662 : i32
    %dma_start3A_664 = arith.constant 0 : i32
    %dma_start3A_665 = tpu.memref_slice %arg2[%add3A_663, %dma_start3A_664] : memref<16384x200xi32, #tpu.memory_space<hbm>> -> memref<64x200xi32, #tpu.memory_space<hbm>>
    %dma_start3A_666 = arith.constant 0 : i32
    %dma_start3A_667 = tpu.memref_slice %arg2[%add3A_663, %dma_start3A_666] : memref<16384x200xi32, #tpu.memory_space<hbm>> -> memref<64x200xi32, #tpu.memory_space<hbm>>
    tpu.enqueue_dma source(%dma_start3A_667 : memref<64x200xi32, #tpu.memory_space<hbm>>) target(%arg9 : memref<64x200xi32, #tpu.memory_space<vmem>>) target_semaphore(%arg15 : memref<!tpu.dma_semaphore, #tpu.memory_space<semaphore_mem>>)
    %dma_wait3A_668 = arith.constant 0 : i32
    %dma_wait3A_669 = tpu.memref_slice %arg2[%add3A_7, %dma_wait3A_668] : memref<16384x200xi32, #tpu.memory_space<hbm>> -> memref<64x200xi32, #tpu.memory_space<hbm>>
    %dma_wait3A_670 = arith.constant 0 : i32
    %dma_wait3A_671 = tpu.memref_slice %arg2[%add3A_7, %dma_wait3A_670] : memref<16384x200xi32, #tpu.memory_space<hbm>> -> memref<64x200xi32, #tpu.memory_space<hbm>>
    tpu.wait_dma2 semaphore(%arg16 : memref<!tpu.dma_semaphore, #tpu.memory_space<semaphore_mem>>) src(%dma_wait3A_671 : memref<64x200xi32, #tpu.memory_space<hbm>>) dst(%arg10 : memref<64x200xi32, #tpu.memory_space<vmem>>)
    %parallel_loop3A_672 = arith.constant 0 : i32
    %parallel_loop3A_673 = arith.constant 64 : i32
    %parallel_loop3A_674 = arith.constant 1 : i32
    scf.for %parallel_loop3A_815 = %parallel_loop3A_672 to %parallel_loop3A_673 step %parallel_loop3A_674  : i32 {
      %parallel_loop3A_816 = arith.index_cast %parallel_loop3A_815 : i32 to index
      %parallel_loop3A_817 = arith.constant 0 : index
      %parallel_loop3A_818 = tpu.vector_load %arg10[%parallel_loop3A_816, %parallel_loop3A_817] {strides = array<i32>} : memref<64x200xi32, #tpu.memory_space<vmem>>, vector<16xi32>,
      %parallel_loop3A_819 = tpu.vector_load_idx %arg8[%parallel_loop3A_818] : memref<112xf32, #tpu.memory_space<vmem>>[vector<16xi32>], vector<16xf32>,
      %parallel_loop3A_820 = arith.index_cast %parallel_loop3A_815 : i32 to index
      %parallel_loop3A_821 = arith.constant 0 : index
      %parallel_loop3A_822 = tpu.vector_load %arg13[%parallel_loop3A_820, %parallel_loop3A_821] {strides = array<i32>} : memref<64x200xf32, #tpu.memory_space<vmem>>, vector<16xf32>,
      tpu.vector_store %arg13[%parallel_loop3A_820, %parallel_loop3A_821], %parallel_loop3A_819 {strides = array<i32>} : memref<64x200xf32, #tpu.memory_space<vmem>>, vector<16xf32>,
      %parallel_loop3A_823 = arith.index_cast %parallel_loop3A_815 : i32 to index
      %parallel_loop3A_824 = arith.constant 16 : index
      %parallel_loop3A_825 = tpu.vector_load %arg10[%parallel_loop3A_823, %parallel_loop3A_824] {strides = array<i32>} : memref<64x200xi32, #tpu.memory_space<vmem>>, vector<16xi32>,
      %parallel_loop3A_826 = tpu.vector_load_idx %arg8[%parallel_loop3A_825] : memref<112xf32, #tpu.memory_space<vmem>>[vector<16xi32>], vector<16xf32>,
      %parallel_loop3A_827 = arith.index_cast %parallel_loop3A_815 : i32 to index
      %parallel_loop3A_828 = arith.constant 16 : index
      %parallel_loop3A_829 = tpu.vector_load %arg13[%parallel_loop3A_827, %parallel_loop3A_828] {strides = array<i32>} : memref<64x200xf32, #tpu.memory_space<vmem>>, vector<16xf32>,
      tpu.vector_store %arg13[%parallel_loop3A_827, %parallel_loop3A_828], %parallel_loop3A_826 {strides = array<i32>} : memref<64x200xf32, #tpu.memory_space<vmem>>, vector<16xf32>,
      %parallel_loop3A_830 = arith.index_cast %parallel_loop3A_815 : i32 to index
      %parallel_loop3A_831 = arith.constant 32 : index
      %parallel_loop3A_832 = tpu.vector_load %arg10[%parallel_loop3A_830, %parallel_loop3A_831] {strides = array<i32>} : memref<64x200xi32, #tpu.memory_space<vmem>>, vector<16xi32>,
      %parallel_loop3A_833 = tpu.vector_load_idx %arg8[%parallel_loop3A_832] : memref<112xf32, #tpu.memory_space<vmem>>[vector<16xi32>], vector<16xf32>,
      %parallel_loop3A_834 = arith.index_cast %parallel_loop3A_815 : i32 to index
      %parallel_loop3A_835 = arith.constant 32 : index
      %parallel_loop3A_836 = tpu.vector_load %arg13[%parallel_loop3A_834, %parallel_loop3A_835] {strides = array<i32>} : memref<64x200xf32, #tpu.memory_space<vmem>>, vector<16xf32>,
      tpu.vector_store %arg13[%parallel_loop3A_834, %parallel_loop3A_835], %parallel_loop3A_833 {strides = array<i32>} : memref<64x200xf32, #tpu.memory_space<vmem>>, vector<16xf32>,
      %parallel_loop3A_837 = arith.index_cast %parallel_loop3A_815 : i32 to index
      %parallel_loop3A_838 = arith.constant 48 : index
      %parallel_loop3A_839 = tpu.vector_load %arg10[%parallel_loop3A_837, %parallel_loop3A_838] {strides = array<i32>} : memref<64x200xi32, #tpu.memory_space<vmem>>, vector<16xi32>,
      %parallel_loop3A_840 = tpu.vector_load_idx %arg8[%parallel_loop3A_839] : memref<112xf32, #tpu.memory_space<vmem>>[vector<16xi32>], vector<16xf32>,
      %parallel_loop3A_841 = arith.index_cast %parallel_loop3A_815 : i32 to index
      %parallel_loop3A_842 = arith.constant 48 : index
      %parallel_loop3A_843 = tpu.vector_load %arg13[%parallel_loop3A_841, %parallel_loop3A_842] {strides = array<i32>} : memref<64x200xf32, #tpu.memory_space<vmem>>, vector<16xf32>,
      tpu.vector_store %arg13[%parallel_loop3A_841, %parallel_loop3A_842], %parallel_loop3A_840 {strides = array<i32>} : memref<64x200xf32, #tpu.memory_space<vmem>>, vector<16xf32>,
      %parallel_loop3A_844 = arith.index_cast %parallel_loop3A_815 : i32 to index
      %parallel_loop3A_845 = arith.constant 64 : index
      %parallel_loop3A_846 = tpu.vector_load %arg10[%parallel_loop3A_844, %parallel_loop3A_845] {strides = array<i32>} : memref<64x200xi32, #tpu.memory_space<vmem>>, vector<16xi32>,
      %parallel_loop3A_847 = tpu.vector_load_idx %arg8[%parallel_loop3A_846] : memref<112xf32, #tpu.memory_space<vmem>>[vector<16xi32>], vector<16xf32>,
      %parallel_loop3A_848 = arith.index_cast %parallel_loop3A_815 : i32 to index
      %parallel_loop3A_849 = arith.constant 64 : index
      %parallel_loop3A_850 = tpu.vector_load %arg13[%parallel_loop3A_848, %parallel_loop3A_849] {strides = array<i32>} : memref<64x200xf32, #tpu.memory_space<vmem>>, vector<16xf32>,
      tpu.vector_store %arg13[%parallel_loop3A_848, %parallel_loop3A_849], %parallel_loop3A_847 {strides = array<i32>} : memref<64x200xf32, #tpu.memory_space<vmem>>, vector<16xf32>,
      %parallel_loop3A_851 = arith.index_cast %parallel_loop3A_815 : i32 to index
      %parallel_loop3A_852 = arith.constant 80 : index
      %parallel_loop3A_853 = tpu.vector_load %arg10[%parallel_loop3A_851, %parallel_loop3A_852] {strides = array<i32>} : memref<64x200xi32, #tpu.memory_space<vmem>>, vector<16xi32>,
      %parallel_loop3A_854 = tpu.vector_load_idx %arg8[%parallel_loop3A_853] : memref<112xf32, #tpu.memory_space<vmem>>[vector<16xi32>], vector<16xf32>,
      %parallel_loop3A_855 = arith.index_cast %parallel_loop3A_815 : i32 to index
      %parallel_loop3A_856 = arith.constant 80 : index
      %parallel_loop3A_857 = tpu.vector_load %arg13[%parallel_loop3A_855, %parallel_loop3A_856] {strides = array<i32>} : memref<64x200xf32, #tpu.memory_space<vmem>>, vector<16xf32>,
      tpu.vector_store %arg13[%parallel_loop3A_855, %parallel_loop3A_856], %parallel_loop3A_854 {strides = array<i32>} : memref<64x200xf32, #tpu.memory_space<vmem>>, vector<16xf32>,
      %parallel_loop3A_858 = arith.index_cast %parallel_loop3A_815 : i32 to index
      %parallel_loop3A_859 = arith.constant 96 : index
      %parallel_loop3A_860 = tpu.vector_load %arg10[%parallel_loop3A_858, %parallel_loop3A_859] {strides = array<i32>} : memref<64x200xi32, #tpu.memory_space<vmem>>, vector<16xi32>,
      %parallel_loop3A_861 = tpu.vector_load_idx %arg8[%parallel_loop3A_860] : memref<112xf32, #tpu.memory_space<vmem>>[vector<16xi32>], vector<16xf32>,
      %parallel_loop3A_862 = arith.index_cast %parallel_loop3A_815 : i32 to index
      %parallel_loop3A_863 = arith.constant 96 : index
      %parallel_loop3A_864 = tpu.vector_load %arg13[%parallel_loop3A_862, %parallel_loop3A_863] {strides = array<i32>} : memref<64x200xf32, #tpu.memory_space<vmem>>, vector<16xf32>,
      tpu.vector_store %arg13[%parallel_loop3A_862, %parallel_loop3A_863], %parallel_loop3A_861 {strides = array<i32>} : memref<64x200xf32, #tpu.memory_space<vmem>>, vector<16xf32>,
      %parallel_loop3A_865 = arith.index_cast %parallel_loop3A_815 : i32 to index
      %parallel_loop3A_866 = arith.constant 112 : index
      %parallel_loop3A_867 = tpu.vector_load %arg10[%parallel_loop3A_865, %parallel_loop3A_866] {strides = array<i32>} : memref<64x200xi32, #tpu.memory_space<vmem>>, vector<16xi32>,
      %parallel_loop3A_868 = tpu.vector_load_idx %arg8[%parallel_loop3A_867] : memref<112xf32, #tpu.memory_space<vmem>>[vector<16xi32>], vector<16xf32>,
      %parallel_loop3A_869 = arith.index_cast %parallel_loop3A_815 : i32 to index
      %parallel_loop3A_870 = arith.constant 112 : index
      %parallel_loop3A_871 = tpu.vector_load %arg13[%parallel_loop3A_869, %parallel_loop3A_870] {strides = array<i32>} : memref<64x200xf32, #tpu.memory_space<vmem>>, vector<16xf32>,
      tpu.vector_store %arg13[%parallel_loop3A_869, %parallel_loop3A_870], %parallel_loop3A_868 {strides = array<i32>} : memref<64x200xf32, #tpu.memory_space<vmem>>, vector<16xf32>,
      %parallel_loop3A_872 = arith.index_cast %parallel_loop3A_815 : i32 to index
      %parallel_loop3A_873 = arith.constant 128 : index
      %parallel_loop3A_874 = tpu.vector_load %arg10[%parallel_loop3A_872, %parallel_loop3A_873] {strides = array<i32>} : memref<64x200xi32, #tpu.memory_space<vmem>>, vector<16xi32>,
      %parallel_loop3A_875 = tpu.vector_load_idx %arg8[%parallel_loop3A_874] : memref<112xf32, #tpu.memory_space<vmem>>[vector<16xi32>], vector<16xf32>,
      %parallel_loop3A_876 = arith.index_cast %parallel_loop3A_815 : i32 to index
      %parallel_loop3A_877 = arith.constant 128 : index
      %parallel_loop3A_878 = tpu.vector_load %arg13[%parallel_loop3A_876, %parallel_loop3A_877] {strides = array<i32>} : memref<64x200xf32, #tpu.memory_space<vmem>>, vector<16xf32>,
      tpu.vector_store %arg13[%parallel_loop3A_876, %parallel_loop3A_877], %parallel_loop3A_875 {strides = array<i32>} : memref<64x200xf32, #tpu.memory_space<vmem>>, vector<16xf32>,
      %parallel_loop3A_879 = arith.index_cast %parallel_loop3A_815 : i32 to index
      %parallel_loop3A_880 = arith.constant 144 : index
      %parallel_loop3A_881 = tpu.vector_load %arg10[%parallel_loop3A_879, %parallel_loop3A_880] {strides = array<i32>} : memref<64x200xi32, #tpu.memory_space<vmem>>, vector<16xi32>,
      %parallel_loop3A_882 = tpu.vector_load_idx %arg8[%parallel_loop3A_881] : memref<112xf32, #tpu.memory_space<vmem>>[vector<16xi32>], vector<16xf32>,
      %parallel_loop3A_883 = arith.index_cast %parallel_loop3A_815 : i32 to index
      %parallel_loop3A_884 = arith.constant 144 : index
      %parallel_loop3A_885 = tpu.vector_load %arg13[%parallel_loop3A_883, %parallel_loop3A_884] {strides = array<i32>} : memref<64x200xf32, #tpu.memory_space<vmem>>, vector<16xf32>,
      tpu.vector_store %arg13[%parallel_loop3A_883, %parallel_loop3A_884], %parallel_loop3A_882 {strides = array<i32>} : memref<64x200xf32, #tpu.memory_space<vmem>>, vector<16xf32>,
      %parallel_loop3A_886 = arith.index_cast %parallel_loop3A_815 : i32 to index
      %parallel_loop3A_887 = arith.constant 160 : index
      %parallel_loop3A_888 = tpu.vector_load %arg10[%parallel_loop3A_886, %parallel_loop3A_887] {strides = array<i32>} : memref<64x200xi32, #tpu.memory_space<vmem>>, vector<16xi32>,
      %parallel_loop3A_889 = tpu.vector_load_idx %arg8[%parallel_loop3A_888] : memref<112xf32, #tpu.memory_space<vmem>>[vector<16xi32>], vector<16xf32>,
      %parallel_loop3A_890 = arith.index_cast %parallel_loop3A_815 : i32 to index
      %parallel_loop3A_891 = arith.constant 160 : index
      %parallel_loop3A_892 = tpu.vector_load %arg13[%parallel_loop3A_890, %parallel_loop3A_891] {strides = array<i32>} : memref<64x200xf32, #tpu.memory_space<vmem>>, vector<16xf32>,
      tpu.vector_store %arg13[%parallel_loop3A_890, %parallel_loop3A_891], %parallel_loop3A_889 {strides = array<i32>} : memref<64x200xf32, #tpu.memory_space<vmem>>, vector<16xf32>,
      %parallel_loop3A_893 = arith.index_cast %parallel_loop3A_815 : i32 to index
      %parallel_loop3A_894 = arith.constant 176 : index
      %parallel_loop3A_895 = tpu.vector_load %arg10[%parallel_loop3A_893, %parallel_loop3A_894] {strides = array<i32>} : memref<64x200xi32, #tpu.memory_space<vmem>>, vector<16xi32>,
      %parallel_loop3A_896 = tpu.vector_load_idx %arg8[%parallel_loop3A_895] : memref<112xf32, #tpu.memory_space<vmem>>[vector<16xi32>], vector<16xf32>,
      %parallel_loop3A_897 = arith.index_cast %parallel_loop3A_815 : i32 to index
      %parallel_loop3A_898 = arith.constant 176 : index
      %parallel_loop3A_899 = tpu.vector_load %arg13[%parallel_loop3A_897, %parallel_loop3A_898] {strides = array<i32>} : memref<64x200xf32, #tpu.memory_space<vmem>>, vector<16xf32>,
      tpu.vector_store %arg13[%parallel_loop3A_897, %parallel_loop3A_898], %parallel_loop3A_896 {strides = array<i32>} : memref<64x200xf32, #tpu.memory_space<vmem>>, vector<16xf32>,
      %parallel_loop3A_900 = arith.index_cast %parallel_loop3A_815 : i32 to index
      %parallel_loop3A_901 = arith.constant 184 : index
      %parallel_loop3A_902 = tpu.vector_load %arg10[%parallel_loop3A_900, %parallel_loop3A_901] {strides = array<i32>} : memref<64x200xi32, #tpu.memory_space<vmem>>, vector<16xi32>,
      %parallel_loop3A_903 = tpu.vector_load_idx %arg8[%parallel_loop3A_902] : memref<112xf32, #tpu.memory_space<vmem>>[vector<16xi32>], vector<16xf32>,
      %parallel_loop3A_904 = arith.index_cast %parallel_loop3A_815 : i32 to index
      %parallel_loop3A_905 = arith.constant 184 : index
      %parallel_loop3A_906 = tpu.vector_load %arg13[%parallel_loop3A_904, %parallel_loop3A_905] {strides = array<i32>} : memref<64x200xf32, #tpu.memory_space<vmem>>, vector<16xf32>,
      tpu.vector_store %arg13[%parallel_loop3A_904, %parallel_loop3A_905], %parallel_loop3A_903 {strides = array<i32>} : memref<64x200xf32, #tpu.memory_space<vmem>>, vector<16xf32>,
    } {sc.loop_unroll_factor = 2 : i64, sc.parallel_access}
    %add3A_675 = arith.constant 64 : i32
    %add3A_676 = arith.addi %mul3A_2, %add3A_675 : i32
    %dma_start3A_677 = arith.constant 0 : i32
    %dma_start3A_678 = tpu.memref_slice %arg5[%add3A_676, %dma_start3A_677] : memref<16384x200xf32, #tpu.memory_space<hbm>> -> memref<64x200xf32, #tpu.memory_space<hbm>>
    %dma_start3A_679 = arith.constant 0 : i32
    %dma_start3A_680 = tpu.memref_slice %arg5[%add3A_676, %dma_start3A_679] : memref<16384x200xf32, #tpu.memory_space<hbm>> -> memref<64x200xf32, #tpu.memory_space<hbm>>
    tpu.enqueue_dma source(%arg13 : memref<64x200xf32, #tpu.memory_space<vmem>>) target(%dma_start3A_680 : memref<64x200xf32, #tpu.memory_space<hbm>>) target_semaphore(%arg19 : memref<!tpu.dma_semaphore, #tpu.memory_space<semaphore_mem>>)
    %add3A_681 = arith.constant 256 : i32
    %add3A_682 = arith.addi %mul3A_2, %add3A_681 : i32
    %dma_start3A_683 = arith.constant 0 : i32
    %dma_start3A_684 = tpu.memref_slice %arg2[%add3A_682, %dma_start3A_683] : memref<16384x200xi32, #tpu.memory_space<hbm>> -> memref<64x200xi32, #tpu.memory_space<hbm>>
    %dma_start3A_685 = arith.constant 0 : i32
    %dma_start3A_686 = tpu.memref_slice %arg2[%add3A_682, %dma_start3A_685] : memref<16384x200xi32, #tpu.memory_space<hbm>> -> memref<64x200xi32, #tpu.memory_space<hbm>>
    tpu.enqueue_dma source(%dma_start3A_686 : memref<64x200xi32, #tpu.memory_space<hbm>>) target(%arg10 : memref<64x200xi32, #tpu.memory_space<vmem>>) target_semaphore(%arg16 : memref<!tpu.dma_semaphore, #tpu.memory_space<semaphore_mem>>)
    %dma_wait3A_687 = arith.constant 0 : i32
    %dma_wait3A_688 = tpu.memref_slice %arg2[%add3A_646, %dma_wait3A_687] : memref<16384x200xi32, #tpu.memory_space<hbm>> -> memref<64x200xi32, #tpu.memory_space<hbm>>
    %dma_wait3A_689 = arith.constant 0 : i32
    %dma_wait3A_690 = tpu.memref_slice %arg2[%add3A_646, %dma_wait3A_689] : memref<16384x200xi32, #tpu.memory_space<hbm>> -> memref<64x200xi32, #tpu.memory_space<hbm>>
    tpu.wait_dma2 semaphore(%arg17 : memref<!tpu.dma_semaphore, #tpu.memory_space<semaphore_mem>>) src(%dma_wait3A_690 : memref<64x200xi32, #tpu.memory_space<hbm>>) dst(%arg11 : memref<64x200xi32, #tpu.memory_space<vmem>>)
    %parallel_loop3A_691 = arith.constant 0 : i32
    %parallel_loop3A_692 = arith.constant 64 : i32
    %parallel_loop3A_693 = arith.constant 1 : i32
    scf.for %parallel_loop3A_815 = %parallel_loop3A_691 to %parallel_loop3A_692 step %parallel_loop3A_693  : i32 {
      %parallel_loop3A_816 = arith.index_cast %parallel_loop3A_815 : i32 to index
      %parallel_loop3A_817 = arith.constant 0 : index
      %parallel_loop3A_818 = tpu.vector_load %arg11[%parallel_loop3A_816, %parallel_loop3A_817] {strides = array<i32>} : memref<64x200xi32, #tpu.memory_space<vmem>>, vector<16xi32>,
      %parallel_loop3A_819 = tpu.vector_load_idx %arg8[%parallel_loop3A_818] : memref<112xf32, #tpu.memory_space<vmem>>[vector<16xi32>], vector<16xf32>,
      %parallel_loop3A_820 = arith.index_cast %parallel_loop3A_815 : i32 to index
      %parallel_loop3A_821 = arith.constant 0 : index
      %parallel_loop3A_822 = tpu.vector_load %arg14[%parallel_loop3A_820, %parallel_loop3A_821] {strides = array<i32>} : memref<64x200xf32, #tpu.memory_space<vmem>>, vector<16xf32>,
      tpu.vector_store %arg14[%parallel_loop3A_820, %parallel_loop3A_821], %parallel_loop3A_819 {strides = array<i32>} : memref<64x200xf32, #tpu.memory_space<vmem>>, vector<16xf32>,
      %parallel_loop3A_823 = arith.index_cast %parallel_loop3A_815 : i32 to index
      %parallel_loop3A_824 = arith.constant 16 : index
      %parallel_loop3A_825 = tpu.vector_load %arg11[%parallel_loop3A_823, %parallel_loop3A_824] {strides = array<i32>} : memref<64x200xi32, #tpu.memory_space<vmem>>, vector<16xi32>,
      %parallel_loop3A_826 = tpu.vector_load_idx %arg8[%parallel_loop3A_825] : memref<112xf32, #tpu.memory_space<vmem>>[vector<16xi32>], vector<16xf32>,
      %parallel_loop3A_827 = arith.index_cast %parallel_loop3A_815 : i32 to index
      %parallel_loop3A_828 = arith.constant 16 : index
      %parallel_loop3A_829 = tpu.vector_load %arg14[%parallel_loop3A_827, %parallel_loop3A_828] {strides = array<i32>} : memref<64x200xf32, #tpu.memory_space<vmem>>, vector<16xf32>,
      tpu.vector_store %arg14[%parallel_loop3A_827, %parallel_loop3A_828], %parallel_loop3A_826 {strides = array<i32>} : memref<64x200xf32, #tpu.memory_space<vmem>>, vector<16xf32>,
      %parallel_loop3A_830 = arith.index_cast %parallel_loop3A_815 : i32 to index
      %parallel_loop3A_831 = arith.constant 32 : index
      %parallel_loop3A_832 = tpu.vector_load %arg11[%parallel_loop3A_830, %parallel_loop3A_831] {strides = array<i32>} : memref<64x200xi32, #tpu.memory_space<vmem>>, vector<16xi32>,
      %parallel_loop3A_833 = tpu.vector_load_idx %arg8[%parallel_loop3A_832] : memref<112xf32, #tpu.memory_space<vmem>>[vector<16xi32>], vector<16xf32>,
      %parallel_loop3A_834 = arith.index_cast %parallel_loop3A_815 : i32 to index
      %parallel_loop3A_835 = arith.constant 32 : index
      %parallel_loop3A_836 = tpu.vector_load %arg14[%parallel_loop3A_834, %parallel_loop3A_835] {strides = array<i32>} : memref<64x200xf32, #tpu.memory_space<vmem>>, vector<16xf32>,
      tpu.vector_store %arg14[%parallel_loop3A_834, %parallel_loop3A_835], %parallel_loop3A_833 {strides = array<i32>} : memref<64x200xf32, #tpu.memory_space<vmem>>, vector<16xf32>,
      %parallel_loop3A_837 = arith.index_cast %parallel_loop3A_815 : i32 to index
      %parallel_loop3A_838 = arith.constant 48 : index
      %parallel_loop3A_839 = tpu.vector_load %arg11[%parallel_loop3A_837, %parallel_loop3A_838] {strides = array<i32>} : memref<64x200xi32, #tpu.memory_space<vmem>>, vector<16xi32>,
      %parallel_loop3A_840 = tpu.vector_load_idx %arg8[%parallel_loop3A_839] : memref<112xf32, #tpu.memory_space<vmem>>[vector<16xi32>], vector<16xf32>,
      %parallel_loop3A_841 = arith.index_cast %parallel_loop3A_815 : i32 to index
      %parallel_loop3A_842 = arith.constant 48 : index
      %parallel_loop3A_843 = tpu.vector_load %arg14[%parallel_loop3A_841, %parallel_loop3A_842] {strides = array<i32>} : memref<64x200xf32, #tpu.memory_space<vmem>>, vector<16xf32>,
      tpu.vector_store %arg14[%parallel_loop3A_841, %parallel_loop3A_842], %parallel_loop3A_840 {strides = array<i32>} : memref<64x200xf32, #tpu.memory_space<vmem>>, vector<16xf32>,
      %parallel_loop3A_844 = arith.index_cast %parallel_loop3A_815 : i32 to index
      %parallel_loop3A_845 = arith.constant 64 : index
      %parallel_loop3A_846 = tpu.vector_load %arg11[%parallel_loop3A_844, %parallel_loop3A_845] {strides = array<i32>} : memref<64x200xi32, #tpu.memory_space<vmem>>, vector<16xi32>,
      %parallel_loop3A_847 = tpu.vector_load_idx %arg8[%parallel_loop3A_846] : memref<112xf32, #tpu.memory_space<vmem>>[vector<16xi32>], vector<16xf32>,
      %parallel_loop3A_848 = arith.index_cast %parallel_loop3A_815 : i32 to index
      %parallel_loop3A_849 = arith.constant 64 : index
      %parallel_loop3A_850 = tpu.vector_load %arg14[%parallel_loop3A_848, %parallel_loop3A_849] {strides = array<i32>} : memref<64x200xf32, #tpu.memory_space<vmem>>, vector<16xf32>,
      tpu.vector_store %arg14[%parallel_loop3A_848, %parallel_loop3A_849], %parallel_loop3A_847 {strides = array<i32>} : memref<64x200xf32, #tpu.memory_space<vmem>>, vector<16xf32>,
      %parallel_loop3A_851 = arith.index_cast %parallel_loop3A_815 : i32 to index
      %parallel_loop3A_852 = arith.constant 80 : index
      %parallel_loop3A_853 = tpu.vector_load %arg11[%parallel_loop3A_851, %parallel_loop3A_852] {strides = array<i32>} : memref<64x200xi32, #tpu.memory_space<vmem>>, vector<16xi32>,
      %parallel_loop3A_854 = tpu.vector_load_idx %arg8[%parallel_loop3A_853] : memref<112xf32, #tpu.memory_space<vmem>>[vector<16xi32>], vector<16xf32>,
      %parallel_loop3A_855 = arith.index_cast %parallel_loop3A_815 : i32 to index
      %parallel_loop3A_856 = arith.constant 80 : index
      %parallel_loop3A_857 = tpu.vector_load %arg14[%parallel_loop3A_855, %parallel_loop3A_856] {strides = array<i32>} : memref<64x200xf32, #tpu.memory_space<vmem>>, vector<16xf32>,
      tpu.vector_store %arg14[%parallel_loop3A_855, %parallel_loop3A_856], %parallel_loop3A_854 {strides = array<i32>} : memref<64x200xf32, #tpu.memory_space<vmem>>, vector<16xf32>,
      %parallel_loop3A_858 = arith.index_cast %parallel_loop3A_815 : i32 to index
      %parallel_loop3A_859 = arith.constant 96 : index
      %parallel_loop3A_860 = tpu.vector_load %arg11[%parallel_loop3A_858, %parallel_loop3A_859] {strides = array<i32>} : memref<64x200xi32, #tpu.memory_space<vmem>>, vector<16xi32>,
      %parallel_loop3A_861 = tpu.vector_load_idx %arg8[%parallel_loop3A_860] : memref<112xf32, #tpu.memory_space<vmem>>[vector<16xi32>], vector<16xf32>,
      %parallel_loop3A_862 = arith.index_cast %parallel_loop3A_815 : i32 to index
      %parallel_loop3A_863 = arith.constant 96 : index
      %parallel_loop3A_864 = tpu.vector_load %arg14[%parallel_loop3A_862, %parallel_loop3A_863] {strides = array<i32>} : memref<64x200xf32, #tpu.memory_space<vmem>>, vector<16xf32>,
      tpu.vector_store %arg14[%parallel_loop3A_862, %parallel_loop3A_863], %parallel_loop3A_861 {strides = array<i32>} : memref<64x200xf32, #tpu.memory_space<vmem>>, vector<16xf32>,
      %parallel_loop3A_865 = arith.index_cast %parallel_loop3A_815 : i32 to index
      %parallel_loop3A_866 = arith.constant 112 : index
      %parallel_loop3A_867 = tpu.vector_load %arg11[%parallel_loop3A_865, %parallel_loop3A_866] {strides = array<i32>} : memref<64x200xi32, #tpu.memory_space<vmem>>, vector<16xi32>,
      %parallel_loop3A_868 = tpu.vector_load_idx %arg8[%parallel_loop3A_867] : memref<112xf32, #tpu.memory_space<vmem>>[vector<16xi32>], vector<16xf32>,
      %parallel_loop3A_869 = arith.index_cast %parallel_loop3A_815 : i32 to index
      %parallel_loop3A_870 = arith.constant 112 : index
      %parallel_loop3A_871 = tpu.vector_load %arg14[%parallel_loop3A_869, %parallel_loop3A_870] {strides = array<i32>} : memref<64x200xf32, #tpu.memory_space<vmem>>, vector<16xf32>,
      tpu.vector_store %arg14[%parallel_loop3A_869, %parallel_loop3A_870], %parallel_loop3A_868 {strides = array<i32>} : memref<64x200xf32, #tpu.memory_space<vmem>>, vector<16xf32>,
      %parallel_loop3A_872 = arith.index_cast %parallel_loop3A_815 : i32 to index
      %parallel_loop3A_873 = arith.constant 128 : index
      %parallel_loop3A_874 = tpu.vector_load %arg11[%parallel_loop3A_872, %parallel_loop3A_873] {strides = array<i32>} : memref<64x200xi32, #tpu.memory_space<vmem>>, vector<16xi32>,
      %parallel_loop3A_875 = tpu.vector_load_idx %arg8[%parallel_loop3A_874] : memref<112xf32, #tpu.memory_space<vmem>>[vector<16xi32>], vector<16xf32>,
      %parallel_loop3A_876 = arith.index_cast %parallel_loop3A_815 : i32 to index
      %parallel_loop3A_877 = arith.constant 128 : index
      %parallel_loop3A_878 = tpu.vector_load %arg14[%parallel_loop3A_876, %parallel_loop3A_877] {strides = array<i32>} : memref<64x200xf32, #tpu.memory_space<vmem>>, vector<16xf32>,
      tpu.vector_store %arg14[%parallel_loop3A_876, %parallel_loop3A_877], %parallel_loop3A_875 {strides = array<i32>} : memref<64x200xf32, #tpu.memory_space<vmem>>, vector<16xf32>,
      %parallel_loop3A_879 = arith.index_cast %parallel_loop3A_815 : i32 to index
      %parallel_loop3A_880 = arith.constant 144 : index
      %parallel_loop3A_881 = tpu.vector_load %arg11[%parallel_loop3A_879, %parallel_loop3A_880] {strides = array<i32>} : memref<64x200xi32, #tpu.memory_space<vmem>>, vector<16xi32>,
      %parallel_loop3A_882 = tpu.vector_load_idx %arg8[%parallel_loop3A_881] : memref<112xf32, #tpu.memory_space<vmem>>[vector<16xi32>], vector<16xf32>,
      %parallel_loop3A_883 = arith.index_cast %parallel_loop3A_815 : i32 to index
      %parallel_loop3A_884 = arith.constant 144 : index
      %parallel_loop3A_885 = tpu.vector_load %arg14[%parallel_loop3A_883, %parallel_loop3A_884] {strides = array<i32>} : memref<64x200xf32, #tpu.memory_space<vmem>>, vector<16xf32>,
      tpu.vector_store %arg14[%parallel_loop3A_883, %parallel_loop3A_884], %parallel_loop3A_882 {strides = array<i32>} : memref<64x200xf32, #tpu.memory_space<vmem>>, vector<16xf32>,
      %parallel_loop3A_886 = arith.index_cast %parallel_loop3A_815 : i32 to index
      %parallel_loop3A_887 = arith.constant 160 : index
      %parallel_loop3A_888 = tpu.vector_load %arg11[%parallel_loop3A_886, %parallel_loop3A_887] {strides = array<i32>} : memref<64x200xi32, #tpu.memory_space<vmem>>, vector<16xi32>,
      %parallel_loop3A_889 = tpu.vector_load_idx %arg8[%parallel_loop3A_888] : memref<112xf32, #tpu.memory_space<vmem>>[vector<16xi32>], vector<16xf32>,
      %parallel_loop3A_890 = arith.index_cast %parallel_loop3A_815 : i32 to index
      %parallel_loop3A_891 = arith.constant 160 : index
      %parallel_loop3A_892 = tpu.vector_load %arg14[%parallel_loop3A_890, %parallel_loop3A_891] {strides = array<i32>} : memref<64x200xf32, #tpu.memory_space<vmem>>, vector<16xf32>,
      tpu.vector_store %arg14[%parallel_loop3A_890, %parallel_loop3A_891], %parallel_loop3A_889 {strides = array<i32>} : memref<64x200xf32, #tpu.memory_space<vmem>>, vector<16xf32>,
      %parallel_loop3A_893 = arith.index_cast %parallel_loop3A_815 : i32 to index
      %parallel_loop3A_894 = arith.constant 176 : index
      %parallel_loop3A_895 = tpu.vector_load %arg11[%parallel_loop3A_893, %parallel_loop3A_894] {strides = array<i32>} : memref<64x200xi32, #tpu.memory_space<vmem>>, vector<16xi32>,
      %parallel_loop3A_896 = tpu.vector_load_idx %arg8[%parallel_loop3A_895] : memref<112xf32, #tpu.memory_space<vmem>>[vector<16xi32>], vector<16xf32>,
      %parallel_loop3A_897 = arith.index_cast %parallel_loop3A_815 : i32 to index
      %parallel_loop3A_898 = arith.constant 176 : index
      %parallel_loop3A_899 = tpu.vector_load %arg14[%parallel_loop3A_897, %parallel_loop3A_898] {strides = array<i32>} : memref<64x200xf32, #tpu.memory_space<vmem>>, vector<16xf32>,
      tpu.vector_store %arg14[%parallel_loop3A_897, %parallel_loop3A_898], %parallel_loop3A_896 {strides = array<i32>} : memref<64x200xf32, #tpu.memory_space<vmem>>, vector<16xf32>,
      %parallel_loop3A_900 = arith.index_cast %parallel_loop3A_815 : i32 to index
      %parallel_loop3A_901 = arith.constant 184 : index
      %parallel_loop3A_902 = tpu.vector_load %arg11[%parallel_loop3A_900, %parallel_loop3A_901] {strides = array<i32>} : memref<64x200xi32, #tpu.memory_space<vmem>>, vector<16xi32>,
      %parallel_loop3A_903 = tpu.vector_load_idx %arg8[%parallel_loop3A_902] : memref<112xf32, #tpu.memory_space<vmem>>[vector<16xi32>], vector<16xf32>,
      %parallel_loop3A_904 = arith.index_cast %parallel_loop3A_815 : i32 to index
      %parallel_loop3A_905 = arith.constant 184 : index
      %parallel_loop3A_906 = tpu.vector_load %arg14[%parallel_loop3A_904, %parallel_loop3A_905] {strides = array<i32>} : memref<64x200xf32, #tpu.memory_space<vmem>>, vector<16xf32>,
      tpu.vector_store %arg14[%parallel_loop3A_904, %parallel_loop3A_905], %parallel_loop3A_903 {strides = array<i32>} : memref<64x200xf32, #tpu.memory_space<vmem>>, vector<16xf32>,
    } {sc.loop_unroll_factor = 2 : i64, sc.parallel_access}
    %add3A_694 = arith.constant 128 : i32
    %add3A_695 = arith.addi %mul3A_2, %add3A_694 : i32
    %dma_start3A_696 = arith.constant 0 : i32
    %dma_start3A_697 = tpu.memref_slice %arg5[%add3A_695, %dma_start3A_696] : memref<16384x200xf32, #tpu.memory_space<hbm>> -> memref<64x200xf32, #tpu.memory_space<hbm>>
    %dma_start3A_698 = arith.constant 0 : i32
    %dma_start3A_699 = tpu.memref_slice %arg5[%add3A_695, %dma_start3A_698] : memref<16384x200xf32, #tpu.memory_space<hbm>> -> memref<64x200xf32, #tpu.memory_space<hbm>>
    tpu.enqueue_dma source(%arg14 : memref<64x200xf32, #tpu.memory_space<vmem>>) target(%dma_start3A_699 : memref<64x200xf32, #tpu.memory_space<hbm>>) target_semaphore(%arg20 : memref<!tpu.dma_semaphore, #tpu.memory_space<semaphore_mem>>)
    %add3A_700 = arith.constant 320 : i32
    %add3A_701 = arith.addi %mul3A_2, %add3A_700 : i32
    %dma_start3A_702 = arith.constant 0 : i32
    %dma_start3A_703 = tpu.memref_slice %arg2[%add3A_701, %dma_start3A_702] : memref<16384x200xi32, #tpu.memory_space<hbm>> -> memref<64x200xi32, #tpu.memory_space<hbm>>
    %dma_start3A_704 = arith.constant 0 : i32
    %dma_start3A_705 = tpu.memref_slice %arg2[%add3A_701, %dma_start3A_704] : memref<16384x200xi32, #tpu.memory_space<hbm>> -> memref<64x200xi32, #tpu.memory_space<hbm>>
    tpu.enqueue_dma source(%dma_start3A_705 : memref<64x200xi32, #tpu.memory_space<hbm>>) target(%arg11 : memref<64x200xi32, #tpu.memory_space<vmem>>) target_semaphore(%arg17 : memref<!tpu.dma_semaphore, #tpu.memory_space<semaphore_mem>>)
    %dma_wait3A_706 = arith.constant 0 : i32
    %dma_wait3A_707 = tpu.memref_slice %arg2[%add3A_663, %dma_wait3A_706] : memref<16384x200xi32, #tpu.memory_space<hbm>> -> memref<64x200xi32, #tpu.memory_space<hbm>>
    %dma_wait3A_708 = arith.constant 0 : i32
    %dma_wait3A_709 = tpu.memref_slice %arg2[%add3A_663, %dma_wait3A_708] : memref<16384x200xi32, #tpu.memory_space<hbm>> -> memref<64x200xi32, #tpu.memory_space<hbm>>
    tpu.wait_dma2 semaphore(%arg15 : memref<!tpu.dma_semaphore, #tpu.memory_space<semaphore_mem>>) src(%dma_wait3A_709 : memref<64x200xi32, #tpu.memory_space<hbm>>) dst(%arg9 : memref<64x200xi32, #tpu.memory_space<vmem>>)
    %dma_wait3A_710 = arith.constant 0 : i32
    %dma_wait3A_711 = tpu.memref_slice %arg5[%add3A_657, %dma_wait3A_710] : memref<16384x200xf32, #tpu.memory_space<hbm>> -> memref<64x200xf32, #tpu.memory_space<hbm>>
    %dma_wait3A_712 = arith.constant 0 : i32
    %dma_wait3A_713 = tpu.memref_slice %arg5[%add3A_657, %dma_wait3A_712] : memref<16384x200xf32, #tpu.memory_space<hbm>> -> memref<64x200xf32, #tpu.memory_space<hbm>>
    tpu.wait_dma2 semaphore(%arg18 : memref<!tpu.dma_semaphore, #tpu.memory_space<semaphore_mem>>) src(%arg12 : memref<64x200xf32, #tpu.memory_space<vmem>>) dst(%dma_wait3A_713 : memref<64x200xf32, #tpu.memory_space<hbm>>)
    %parallel_loop3A_714 = arith.constant 0 : i32
    %parallel_loop3A_715 = arith.constant 64 : i32
    %parallel_loop3A_716 = arith.constant 1 : i32
    scf.for %parallel_loop3A_815 = %parallel_loop3A_714 to %parallel_loop3A_715 step %parallel_loop3A_716  : i32 {
      %parallel_loop3A_816 = arith.index_cast %parallel_loop3A_815 : i32 to index
      %parallel_loop3A_817 = arith.constant 0 : index
      %parallel_loop3A_818 = tpu.vector_load %arg9[%parallel_loop3A_816, %parallel_loop3A_817] {strides = array<i32>} : memref<64x200xi32, #tpu.memory_space<vmem>>, vector<16xi32>,
      %parallel_loop3A_819 = tpu.vector_load_idx %arg8[%parallel_loop3A_818] : memref<112xf32, #tpu.memory_space<vmem>>[vector<16xi32>], vector<16xf32>,
      %parallel_loop3A_820 = arith.index_cast %parallel_loop3A_815 : i32 to index
      %parallel_loop3A_821 = arith.constant 0 : index
      %parallel_loop3A_822 = tpu.vector_load %arg12[%parallel_loop3A_820, %parallel_loop3A_821] {strides = array<i32>} : memref<64x200xf32, #tpu.memory_space<vmem>>, vector<16xf32>,
      tpu.vector_store %arg12[%parallel_loop3A_820, %parallel_loop3A_821], %parallel_loop3A_819 {strides = array<i32>} : memref<64x200xf32, #tpu.memory_space<vmem>>, vector<16xf32>,
      %parallel_loop3A_823 = arith.index_cast %parallel_loop3A_815 : i32 to index
      %parallel_loop3A_824 = arith.constant 16 : index
      %parallel_loop3A_825 = tpu.vector_load %arg9[%parallel_loop3A_823, %parallel_loop3A_824] {strides = array<i32>} : memref<64x200xi32, #tpu.memory_space<vmem>>, vector<16xi32>,
      %parallel_loop3A_826 = tpu.vector_load_idx %arg8[%parallel_loop3A_825] : memref<112xf32, #tpu.memory_space<vmem>>[vector<16xi32>], vector<16xf32>,
      %parallel_loop3A_827 = arith.index_cast %parallel_loop3A_815 : i32 to index
      %parallel_loop3A_828 = arith.constant 16 : index
      %parallel_loop3A_829 = tpu.vector_load %arg12[%parallel_loop3A_827, %parallel_loop3A_828] {strides = array<i32>} : memref<64x200xf32, #tpu.memory_space<vmem>>, vector<16xf32>,
      tpu.vector_store %arg12[%parallel_loop3A_827, %parallel_loop3A_828], %parallel_loop3A_826 {strides = array<i32>} : memref<64x200xf32, #tpu.memory_space<vmem>>, vector<16xf32>,
      %parallel_loop3A_830 = arith.index_cast %parallel_loop3A_815 : i32 to index
      %parallel_loop3A_831 = arith.constant 32 : index
      %parallel_loop3A_832 = tpu.vector_load %arg9[%parallel_loop3A_830, %parallel_loop3A_831] {strides = array<i32>} : memref<64x200xi32, #tpu.memory_space<vmem>>, vector<16xi32>,
      %parallel_loop3A_833 = tpu.vector_load_idx %arg8[%parallel_loop3A_832] : memref<112xf32, #tpu.memory_space<vmem>>[vector<16xi32>], vector<16xf32>,
      %parallel_loop3A_834 = arith.index_cast %parallel_loop3A_815 : i32 to index
      %parallel_loop3A_835 = arith.constant 32 : index
      %parallel_loop3A_836 = tpu.vector_load %arg12[%parallel_loop3A_834, %parallel_loop3A_835] {strides = array<i32>} : memref<64x200xf32, #tpu.memory_space<vmem>>, vector<16xf32>,
      tpu.vector_store %arg12[%parallel_loop3A_834, %parallel_loop3A_835], %parallel_loop3A_833 {strides = array<i32>} : memref<64x200xf32, #tpu.memory_space<vmem>>, vector<16xf32>,
      %parallel_loop3A_837 = arith.index_cast %parallel_loop3A_815 : i32 to index
      %parallel_loop3A_838 = arith.constant 48 : index
      %parallel_loop3A_839 = tpu.vector_load %arg9[%parallel_loop3A_837, %parallel_loop3A_838] {strides = array<i32>} : memref<64x200xi32, #tpu.memory_space<vmem>>, vector<16xi32>,
      %parallel_loop3A_840 = tpu.vector_load_idx %arg8[%parallel_loop3A_839] : memref<112xf32, #tpu.memory_space<vmem>>[vector<16xi32>], vector<16xf32>,
      %parallel_loop3A_841 = arith.index_cast %parallel_loop3A_815 : i32 to index
      %parallel_loop3A_842 = arith.constant 48 : index
      %parallel_loop3A_843 = tpu.vector_load %arg12[%parallel_loop3A_841, %parallel_loop3A_842] {strides = array<i32>} : memref<64x200xf32, #tpu.memory_space<vmem>>, vector<16xf32>,
      tpu.vector_store %arg12[%parallel_loop3A_841, %parallel_loop3A_842], %parallel_loop3A_840 {strides = array<i32>} : memref<64x200xf32, #tpu.memory_space<vmem>>, vector<16xf32>,
      %parallel_loop3A_844 = arith.index_cast %parallel_loop3A_815 : i32 to index
      %parallel_loop3A_845 = arith.constant 64 : index
      %parallel_loop3A_846 = tpu.vector_load %arg9[%parallel_loop3A_844, %parallel_loop3A_845] {strides = array<i32>} : memref<64x200xi32, #tpu.memory_space<vmem>>, vector<16xi32>,
      %parallel_loop3A_847 = tpu.vector_load_idx %arg8[%parallel_loop3A_846] : memref<112xf32, #tpu.memory_space<vmem>>[vector<16xi32>], vector<16xf32>,
      %parallel_loop3A_848 = arith.index_cast %parallel_loop3A_815 : i32 to index
      %parallel_loop3A_849 = arith.constant 64 : index
      %parallel_loop3A_850 = tpu.vector_load %arg12[%parallel_loop3A_848, %parallel_loop3A_849] {strides = array<i32>} : memref<64x200xf32, #tpu.memory_space<vmem>>, vector<16xf32>,
      tpu.vector_store %arg12[%parallel_loop3A_848, %parallel_loop3A_849], %parallel_loop3A_847 {strides = array<i32>} : memref<64x200xf32, #tpu.memory_space<vmem>>, vector<16xf32>,
      %parallel_loop3A_851 = arith.index_cast %parallel_loop3A_815 : i32 to index
      %parallel_loop3A_852 = arith.constant 80 : index
      %parallel_loop3A_853 = tpu.vector_load %arg9[%parallel_loop3A_851, %parallel_loop3A_852] {strides = array<i32>} : memref<64x200xi32, #tpu.memory_space<vmem>>, vector<16xi32>,
      %parallel_loop3A_854 = tpu.vector_load_idx %arg8[%parallel_loop3A_853] : memref<112xf32, #tpu.memory_space<vmem>>[vector<16xi32>], vector<16xf32>,
      %parallel_loop3A_855 = arith.index_cast %parallel_loop3A_815 : i32 to index
      %parallel_loop3A_856 = arith.constant 80 : index
      %parallel_loop3A_857 = tpu.vector_load %arg12[%parallel_loop3A_855, %parallel_loop3A_856] {strides = array<i32>} : memref<64x200xf32, #tpu.memory_space<vmem>>, vector<16xf32>,
      tpu.vector_store %arg12[%parallel_loop3A_855, %parallel_loop3A_856], %parallel_loop3A_854 {strides = array<i32>} : memref<64x200xf32, #tpu.memory_space<vmem>>, vector<16xf32>,
      %parallel_loop3A_858 = arith.index_cast %parallel_loop3A_815 : i32 to index
      %parallel_loop3A_859 = arith.constant 96 : index
      %parallel_loop3A_860 = tpu.vector_load %arg9[%parallel_loop3A_858, %parallel_loop3A_859] {strides = array<i32>} : memref<64x200xi32, #tpu.memory_space<vmem>>, vector<16xi32>,
      %parallel_loop3A_861 = tpu.vector_load_idx %arg8[%parallel_loop3A_860] : memref<112xf32, #tpu.memory_space<vmem>>[vector<16xi32>], vector<16xf32>,
      %parallel_loop3A_862 = arith.index_cast %parallel_loop3A_815 : i32 to index
      %parallel_loop3A_863 = arith.constant 96 : index
      %parallel_loop3A_864 = tpu.vector_load %arg12[%parallel_loop3A_862, %parallel_loop3A_863] {strides = array<i32>} : memref<64x200xf32, #tpu.memory_space<vmem>>, vector<16xf32>,
      tpu.vector_store %arg12[%parallel_loop3A_862, %parallel_loop3A_863], %parallel_loop3A_861 {strides = array<i32>} : memref<64x200xf32, #tpu.memory_space<vmem>>, vector<16xf32>,
      %parallel_loop3A_865 = arith.index_cast %parallel_loop3A_815 : i32 to index
      %parallel_loop3A_866 = arith.constant 112 : index
      %parallel_loop3A_867 = tpu.vector_load %arg9[%parallel_loop3A_865, %parallel_loop3A_866] {strides = array<i32>} : memref<64x200xi32, #tpu.memory_space<vmem>>, vector<16xi32>,
      %parallel_loop3A_868 = tpu.vector_load_idx %arg8[%parallel_loop3A_867] : memref<112xf32, #tpu.memory_space<vmem>>[vector<16xi32>], vector<16xf32>,
      %parallel_loop3A_869 = arith.index_cast %parallel_loop3A_815 : i32 to index
      %parallel_loop3A_870 = arith.constant 112 : index
      %parallel_loop3A_871 = tpu.vector_load %arg12[%parallel_loop3A_869, %parallel_loop3A_870] {strides = array<i32>} : memref<64x200xf32, #tpu.memory_space<vmem>>, vector<16xf32>,
      tpu.vector_store %arg12[%parallel_loop3A_869, %parallel_loop3A_870], %parallel_loop3A_868 {strides = array<i32>} : memref<64x200xf32, #tpu.memory_space<vmem>>, vector<16xf32>,
      %parallel_loop3A_872 = arith.index_cast %parallel_loop3A_815 : i32 to index
      %parallel_loop3A_873 = arith.constant 128 : index
      %parallel_loop3A_874 = tpu.vector_load %arg9[%parallel_loop3A_872, %parallel_loop3A_873] {strides = array<i32>} : memref<64x200xi32, #tpu.memory_space<vmem>>, vector<16xi32>,
      %parallel_loop3A_875 = tpu.vector_load_idx %arg8[%parallel_loop3A_874] : memref<112xf32, #tpu.memory_space<vmem>>[vector<16xi32>], vector<16xf32>,
      %parallel_loop3A_876 = arith.index_cast %parallel_loop3A_815 : i32 to index
      %parallel_loop3A_877 = arith.constant 128 : index
      %parallel_loop3A_878 = tpu.vector_load %arg12[%parallel_loop3A_876, %parallel_loop3A_877] {strides = array<i32>} : memref<64x200xf32, #tpu.memory_space<vmem>>, vector<16xf32>,
      tpu.vector_store %arg12[%parallel_loop3A_876, %parallel_loop3A_877], %parallel_loop3A_875 {strides = array<i32>} : memref<64x200xf32, #tpu.memory_space<vmem>>, vector<16xf32>,
      %parallel_loop3A_879 = arith.index_cast %parallel_loop3A_815 : i32 to index
      %parallel_loop3A_880 = arith.constant 144 : index
      %parallel_loop3A_881 = tpu.vector_load %arg9[%parallel_loop3A_879, %parallel_loop3A_880] {strides = array<i32>} : memref<64x200xi32, #tpu.memory_space<vmem>>, vector<16xi32>,
      %parallel_loop3A_882 = tpu.vector_load_idx %arg8[%parallel_loop3A_881] : memref<112xf32, #tpu.memory_space<vmem>>[vector<16xi32>], vector<16xf32>,
      %parallel_loop3A_883 = arith.index_cast %parallel_loop3A_815 : i32 to index
      %parallel_loop3A_884 = arith.constant 144 : index
      %parallel_loop3A_885 = tpu.vector_load %arg12[%parallel_loop3A_883, %parallel_loop3A_884] {strides = array<i32>} : memref<64x200xf32, #tpu.memory_space<vmem>>, vector<16xf32>,
      tpu.vector_store %arg12[%parallel_loop3A_883, %parallel_loop3A_884], %parallel_loop3A_882 {strides = array<i32>} : memref<64x200xf32, #tpu.memory_space<vmem>>, vector<16xf32>,
      %parallel_loop3A_886 = arith.index_cast %parallel_loop3A_815 : i32 to index
      %parallel_loop3A_887 = arith.constant 160 : index
      %parallel_loop3A_888 = tpu.vector_load %arg9[%parallel_loop3A_886, %parallel_loop3A_887] {strides = array<i32>} : memref<64x200xi32, #tpu.memory_space<vmem>>, vector<16xi32>,
      %parallel_loop3A_889 = tpu.vector_load_idx %arg8[%parallel_loop3A_888] : memref<112xf32, #tpu.memory_space<vmem>>[vector<16xi32>], vector<16xf32>,
      %parallel_loop3A_890 = arith.index_cast %parallel_loop3A_815 : i32 to index
      %parallel_loop3A_891 = arith.constant 160 : index
      %parallel_loop3A_892 = tpu.vector_load %arg12[%parallel_loop3A_890, %parallel_loop3A_891] {strides = array<i32>} : memref<64x200xf32, #tpu.memory_space<vmem>>, vector<16xf32>,
      tpu.vector_store %arg12[%parallel_loop3A_890, %parallel_loop3A_891], %parallel_loop3A_889 {strides = array<i32>} : memref<64x200xf32, #tpu.memory_space<vmem>>, vector<16xf32>,
      %parallel_loop3A_893 = arith.index_cast %parallel_loop3A_815 : i32 to index
      %parallel_loop3A_894 = arith.constant 176 : index
      %parallel_loop3A_895 = tpu.vector_load %arg9[%parallel_loop3A_893, %parallel_loop3A_894] {strides = array<i32>} : memref<64x200xi32, #tpu.memory_space<vmem>>, vector<16xi32>,
      %parallel_loop3A_896 = tpu.vector_load_idx %arg8[%parallel_loop3A_895] : memref<112xf32, #tpu.memory_space<vmem>>[vector<16xi32>], vector<16xf32>,
      %parallel_loop3A_897 = arith.index_cast %parallel_loop3A_815 : i32 to index
      %parallel_loop3A_898 = arith.constant 176 : index
      %parallel_loop3A_899 = tpu.vector_load %arg12[%parallel_loop3A_897, %parallel_loop3A_898] {strides = array<i32>} : memref<64x200xf32, #tpu.memory_space<vmem>>, vector<16xf32>,
      tpu.vector_store %arg12[%parallel_loop3A_897, %parallel_loop3A_898], %parallel_loop3A_896 {strides = array<i32>} : memref<64x200xf32, #tpu.memory_space<vmem>>, vector<16xf32>,
      %parallel_loop3A_900 = arith.index_cast %parallel_loop3A_815 : i32 to index
      %parallel_loop3A_901 = arith.constant 184 : index
      %parallel_loop3A_902 = tpu.vector_load %arg9[%parallel_loop3A_900, %parallel_loop3A_901] {strides = array<i32>} : memref<64x200xi32, #tpu.memory_space<vmem>>, vector<16xi32>,
      %parallel_loop3A_903 = tpu.vector_load_idx %arg8[%parallel_loop3A_902] : memref<112xf32, #tpu.memory_space<vmem>>[vector<16xi32>], vector<16xf32>,
      %parallel_loop3A_904 = arith.index_cast %parallel_loop3A_815 : i32 to index
      %parallel_loop3A_905 = arith.constant 184 : index
      %parallel_loop3A_906 = tpu.vector_load %arg12[%parallel_loop3A_904, %parallel_loop3A_905] {strides = array<i32>} : memref<64x200xf32, #tpu.memory_space<vmem>>, vector<16xf32>,
      tpu.vector_store %arg12[%parallel_loop3A_904, %parallel_loop3A_905], %parallel_loop3A_903 {strides = array<i32>} : memref<64x200xf32, #tpu.memory_space<vmem>>, vector<16xf32>,
    } {sc.loop_unroll_factor = 2 : i64, sc.parallel_access}
    %add3A_717 = arith.constant 192 : i32
    %add3A_718 = arith.addi %mul3A_2, %add3A_717 : i32
    %dma_start3A_719 = arith.constant 0 : i32
    %dma_start3A_720 = tpu.memref_slice %arg5[%add3A_718, %dma_start3A_719] : memref<16384x200xf32, #tpu.memory_space<hbm>> -> memref<64x200xf32, #tpu.memory_space<hbm>>
    %dma_start3A_721 = arith.constant 0 : i32
    %dma_start3A_722 = tpu.memref_slice %arg5[%add3A_718, %dma_start3A_721] : memref<16384x200xf32, #tpu.memory_space<hbm>> -> memref<64x200xf32, #tpu.memory_space<hbm>>
    tpu.enqueue_dma source(%arg12 : memref<64x200xf32, #tpu.memory_space<vmem>>) target(%dma_start3A_722 : memref<64x200xf32, #tpu.memory_space<hbm>>) target_semaphore(%arg18 : memref<!tpu.dma_semaphore, #tpu.memory_space<semaphore_mem>>)
    %add3A_723 = arith.constant 384 : i32
    %add3A_724 = arith.addi %mul3A_2, %add3A_723 : i32
    %dma_start3A_725 = arith.constant 0 : i32
    %dma_start3A_726 = tpu.memref_slice %arg2[%add3A_724, %dma_start3A_725] : memref<16384x200xi32, #tpu.memory_space<hbm>> -> memref<64x200xi32, #tpu.memory_space<hbm>>
    %dma_start3A_727 = arith.constant 0 : i32
    %dma_start3A_728 = tpu.memref_slice %arg2[%add3A_724, %dma_start3A_727] : memref<16384x200xi32, #tpu.memory_space<hbm>> -> memref<64x200xi32, #tpu.memory_space<hbm>>
    tpu.enqueue_dma source(%dma_start3A_728 : memref<64x200xi32, #tpu.memory_space<hbm>>) target(%arg9 : memref<64x200xi32, #tpu.memory_space<vmem>>) target_semaphore(%arg15 : memref<!tpu.dma_semaphore, #tpu.memory_space<semaphore_mem>>)
    %dma_wait3A_729 = arith.constant 0 : i32
    %dma_wait3A_730 = tpu.memref_slice %arg2[%add3A_682, %dma_wait3A_729] : memref<16384x200xi32, #tpu.memory_space<hbm>> -> memref<64x200xi32, #tpu.memory_space<hbm>>
    %dma_wait3A_731 = arith.constant 0 : i32
    %dma_wait3A_732 = tpu.memref_slice %arg2[%add3A_682, %dma_wait3A_731] : memref<16384x200xi32, #tpu.memory_space<hbm>> -> memref<64x200xi32, #tpu.memory_space<hbm>>
    tpu.wait_dma2 semaphore(%arg16 : memref<!tpu.dma_semaphore, #tpu.memory_space<semaphore_mem>>) src(%dma_wait3A_732 : memref<64x200xi32, #tpu.memory_space<hbm>>) dst(%arg10 : memref<64x200xi32, #tpu.memory_space<vmem>>)
    %dma_wait3A_733 = arith.constant 0 : i32
    %dma_wait3A_734 = tpu.memref_slice %arg5[%add3A_676, %dma_wait3A_733] : memref<16384x200xf32, #tpu.memory_space<hbm>> -> memref<64x200xf32, #tpu.memory_space<hbm>>
    %dma_wait3A_735 = arith.constant 0 : i32
    %dma_wait3A_736 = tpu.memref_slice %arg5[%add3A_676, %dma_wait3A_735] : memref<16384x200xf32, #tpu.memory_space<hbm>> -> memref<64x200xf32, #tpu.memory_space<hbm>>
    tpu.wait_dma2 semaphore(%arg19 : memref<!tpu.dma_semaphore, #tpu.memory_space<semaphore_mem>>) src(%arg13 : memref<64x200xf32, #tpu.memory_space<vmem>>) dst(%dma_wait3A_736 : memref<64x200xf32, #tpu.memory_space<hbm>>)
    %parallel_loop3A_737 = arith.constant 0 : i32
    %parallel_loop3A_738 = arith.constant 64 : i32
    %parallel_loop3A_739 = arith.constant 1 : i32
    scf.for %parallel_loop3A_815 = %parallel_loop3A_737 to %parallel_loop3A_738 step %parallel_loop3A_739  : i32 {
      %parallel_loop3A_816 = arith.index_cast %parallel_loop3A_815 : i32 to index
      %parallel_loop3A_817 = arith.constant 0 : index
      %parallel_loop3A_818 = tpu.vector_load %arg10[%parallel_loop3A_816, %parallel_loop3A_817] {strides = array<i32>} : memref<64x200xi32, #tpu.memory_space<vmem>>, vector<16xi32>,
      %parallel_loop3A_819 = tpu.vector_load_idx %arg8[%parallel_loop3A_818] : memref<112xf32, #tpu.memory_space<vmem>>[vector<16xi32>], vector<16xf32>,
      %parallel_loop3A_820 = arith.index_cast %parallel_loop3A_815 : i32 to index
      %parallel_loop3A_821 = arith.constant 0 : index
      %parallel_loop3A_822 = tpu.vector_load %arg13[%parallel_loop3A_820, %parallel_loop3A_821] {strides = array<i32>} : memref<64x200xf32, #tpu.memory_space<vmem>>, vector<16xf32>,
      tpu.vector_store %arg13[%parallel_loop3A_820, %parallel_loop3A_821], %parallel_loop3A_819 {strides = array<i32>} : memref<64x200xf32, #tpu.memory_space<vmem>>, vector<16xf32>,
      %parallel_loop3A_823 = arith.index_cast %parallel_loop3A_815 : i32 to index
      %parallel_loop3A_824 = arith.constant 16 : index
      %parallel_loop3A_825 = tpu.vector_load %arg10[%parallel_loop3A_823, %parallel_loop3A_824] {strides = array<i32>} : memref<64x200xi32, #tpu.memory_space<vmem>>, vector<16xi32>,
      %parallel_loop3A_826 = tpu.vector_load_idx %arg8[%parallel_loop3A_825] : memref<112xf32, #tpu.memory_space<vmem>>[vector<16xi32>], vector<16xf32>,
      %parallel_loop3A_827 = arith.index_cast %parallel_loop3A_815 : i32 to index
      %parallel_loop3A_828 = arith.constant 16 : index
      %parallel_loop3A_829 = tpu.vector_load %arg13[%parallel_loop3A_827, %parallel_loop3A_828] {strides = array<i32>} : memref<64x200xf32, #tpu.memory_space<vmem>>, vector<16xf32>,
      tpu.vector_store %arg13[%parallel_loop3A_827, %parallel_loop3A_828], %parallel_loop3A_826 {strides = array<i32>} : memref<64x200xf32, #tpu.memory_space<vmem>>, vector<16xf32>,
      %parallel_loop3A_830 = arith.index_cast %parallel_loop3A_815 : i32 to index
      %parallel_loop3A_831 = arith.constant 32 : index
      %parallel_loop3A_832 = tpu.vector_load %arg10[%parallel_loop3A_830, %parallel_loop3A_831] {strides = array<i32>} : memref<64x200xi32, #tpu.memory_space<vmem>>, vector<16xi32>,
      %parallel_loop3A_833 = tpu.vector_load_idx %arg8[%parallel_loop3A_832] : memref<112xf32, #tpu.memory_space<vmem>>[vector<16xi32>], vector<16xf32>,
      %parallel_loop3A_834 = arith.index_cast %parallel_loop3A_815 : i32 to index
      %parallel_loop3A_835 = arith.constant 32 : index
      %parallel_loop3A_836 = tpu.vector_load %arg13[%parallel_loop3A_834, %parallel_loop3A_835] {strides = array<i32>} : memref<64x200xf32, #tpu.memory_space<vmem>>, vector<16xf32>,
      tpu.vector_store %arg13[%parallel_loop3A_834, %parallel_loop3A_835], %parallel_loop3A_833 {strides = array<i32>} : memref<64x200xf32, #tpu.memory_space<vmem>>, vector<16xf32>,
      %parallel_loop3A_837 = arith.index_cast %parallel_loop3A_815 : i32 to index
      %parallel_loop3A_838 = arith.constant 48 : index
      %parallel_loop3A_839 = tpu.vector_load %arg10[%parallel_loop3A_837, %parallel_loop3A_838] {strides = array<i32>} : memref<64x200xi32, #tpu.memory_space<vmem>>, vector<16xi32>,
      %parallel_loop3A_840 = tpu.vector_load_idx %arg8[%parallel_loop3A_839] : memref<112xf32, #tpu.memory_space<vmem>>[vector<16xi32>], vector<16xf32>,
      %parallel_loop3A_841 = arith.index_cast %parallel_loop3A_815 : i32 to index
      %parallel_loop3A_842 = arith.constant 48 : index
      %parallel_loop3A_843 = tpu.vector_load %arg13[%parallel_loop3A_841, %parallel_loop3A_842] {strides = array<i32>} : memref<64x200xf32, #tpu.memory_space<vmem>>, vector<16xf32>,
      tpu.vector_store %arg13[%parallel_loop3A_841, %parallel_loop3A_842], %parallel_loop3A_840 {strides = array<i32>} : memref<64x200xf32, #tpu.memory_space<vmem>>, vector<16xf32>,
      %parallel_loop3A_844 = arith.index_cast %parallel_loop3A_815 : i32 to index
      %parallel_loop3A_845 = arith.constant 64 : index
      %parallel_loop3A_846 = tpu.vector_load %arg10[%parallel_loop3A_844, %parallel_loop3A_845] {strides = array<i32>} : memref<64x200xi32, #tpu.memory_space<vmem>>, vector<16xi32>,
      %parallel_loop3A_847 = tpu.vector_load_idx %arg8[%parallel_loop3A_846] : memref<112xf32, #tpu.memory_space<vmem>>[vector<16xi32>], vector<16xf32>,
      %parallel_loop3A_848 = arith.index_cast %parallel_loop3A_815 : i32 to index
      %parallel_loop3A_849 = arith.constant 64 : index
      %parallel_loop3A_850 = tpu.vector_load %arg13[%parallel_loop3A_848, %parallel_loop3A_849] {strides = array<i32>} : memref<64x200xf32, #tpu.memory_space<vmem>>, vector<16xf32>,
      tpu.vector_store %arg13[%parallel_loop3A_848, %parallel_loop3A_849], %parallel_loop3A_847 {strides = array<i32>} : memref<64x200xf32, #tpu.memory_space<vmem>>, vector<16xf32>,
      %parallel_loop3A_851 = arith.index_cast %parallel_loop3A_815 : i32 to index
      %parallel_loop3A_852 = arith.constant 80 : index
      %parallel_loop3A_853 = tpu.vector_load %arg10[%parallel_loop3A_851, %parallel_loop3A_852] {strides = array<i32>} : memref<64x200xi32, #tpu.memory_space<vmem>>, vector<16xi32>,
      %parallel_loop3A_854 = tpu.vector_load_idx %arg8[%parallel_loop3A_853] : memref<112xf32, #tpu.memory_space<vmem>>[vector<16xi32>], vector<16xf32>,
      %parallel_loop3A_855 = arith.index_cast %parallel_loop3A_815 : i32 to index
      %parallel_loop3A_856 = arith.constant 80 : index
      %parallel_loop3A_857 = tpu.vector_load %arg13[%parallel_loop3A_855, %parallel_loop3A_856] {strides = array<i32>} : memref<64x200xf32, #tpu.memory_space<vmem>>, vector<16xf32>,
      tpu.vector_store %arg13[%parallel_loop3A_855, %parallel_loop3A_856], %parallel_loop3A_854 {strides = array<i32>} : memref<64x200xf32, #tpu.memory_space<vmem>>, vector<16xf32>,
      %parallel_loop3A_858 = arith.index_cast %parallel_loop3A_815 : i32 to index
      %parallel_loop3A_859 = arith.constant 96 : index
      %parallel_loop3A_860 = tpu.vector_load %arg10[%parallel_loop3A_858, %parallel_loop3A_859] {strides = array<i32>} : memref<64x200xi32, #tpu.memory_space<vmem>>, vector<16xi32>,
      %parallel_loop3A_861 = tpu.vector_load_idx %arg8[%parallel_loop3A_860] : memref<112xf32, #tpu.memory_space<vmem>>[vector<16xi32>], vector<16xf32>,
      %parallel_loop3A_862 = arith.index_cast %parallel_loop3A_815 : i32 to index
      %parallel_loop3A_863 = arith.constant 96 : index
      %parallel_loop3A_864 = tpu.vector_load %arg13[%parallel_loop3A_862, %parallel_loop3A_863] {strides = array<i32>} : memref<64x200xf32, #tpu.memory_space<vmem>>, vector<16xf32>,
      tpu.vector_store %arg13[%parallel_loop3A_862, %parallel_loop3A_863], %parallel_loop3A_861 {strides = array<i32>} : memref<64x200xf32, #tpu.memory_space<vmem>>, vector<16xf32>,
      %parallel_loop3A_865 = arith.index_cast %parallel_loop3A_815 : i32 to index
      %parallel_loop3A_866 = arith.constant 112 : index
      %parallel_loop3A_867 = tpu.vector_load %arg10[%parallel_loop3A_865, %parallel_loop3A_866] {strides = array<i32>} : memref<64x200xi32, #tpu.memory_space<vmem>>, vector<16xi32>,
      %parallel_loop3A_868 = tpu.vector_load_idx %arg8[%parallel_loop3A_867] : memref<112xf32, #tpu.memory_space<vmem>>[vector<16xi32>], vector<16xf32>,
      %parallel_loop3A_869 = arith.index_cast %parallel_loop3A_815 : i32 to index
      %parallel_loop3A_870 = arith.constant 112 : index
      %parallel_loop3A_871 = tpu.vector_load %arg13[%parallel_loop3A_869, %parallel_loop3A_870] {strides = array<i32>} : memref<64x200xf32, #tpu.memory_space<vmem>>, vector<16xf32>,
      tpu.vector_store %arg13[%parallel_loop3A_869, %parallel_loop3A_870], %parallel_loop3A_868 {strides = array<i32>} : memref<64x200xf32, #tpu.memory_space<vmem>>, vector<16xf32>,
      %parallel_loop3A_872 = arith.index_cast %parallel_loop3A_815 : i32 to index
      %parallel_loop3A_873 = arith.constant 128 : index
      %parallel_loop3A_874 = tpu.vector_load %arg10[%parallel_loop3A_872, %parallel_loop3A_873] {strides = array<i32>} : memref<64x200xi32, #tpu.memory_space<vmem>>, vector<16xi32>,
      %parallel_loop3A_875 = tpu.vector_load_idx %arg8[%parallel_loop3A_874] : memref<112xf32, #tpu.memory_space<vmem>>[vector<16xi32>], vector<16xf32>,
      %parallel_loop3A_876 = arith.index_cast %parallel_loop3A_815 : i32 to index
      %parallel_loop3A_877 = arith.constant 128 : index
      %parallel_loop3A_878 = tpu.vector_load %arg13[%parallel_loop3A_876, %parallel_loop3A_877] {strides = array<i32>} : memref<64x200xf32, #tpu.memory_space<vmem>>, vector<16xf32>,
      tpu.vector_store %arg13[%parallel_loop3A_876, %parallel_loop3A_877], %parallel_loop3A_875 {strides = array<i32>} : memref<64x200xf32, #tpu.memory_space<vmem>>, vector<16xf32>,
      %parallel_loop3A_879 = arith.index_cast %parallel_loop3A_815 : i32 to index
      %parallel_loop3A_880 = arith.constant 144 : index
      %parallel_loop3A_881 = tpu.vector_load %arg10[%parallel_loop3A_879, %parallel_loop3A_880] {strides = array<i32>} : memref<64x200xi32, #tpu.memory_space<vmem>>, vector<16xi32>,
      %parallel_loop3A_882 = tpu.vector_load_idx %arg8[%parallel_loop3A_881] : memref<112xf32, #tpu.memory_space<vmem>>[vector<16xi32>], vector<16xf32>,
      %parallel_loop3A_883 = arith.index_cast %parallel_loop3A_815 : i32 to index
      %parallel_loop3A_884 = arith.constant 144 : index
      %parallel_loop3A_885 = tpu.vector_load %arg13[%parallel_loop3A_883, %parallel_loop3A_884] {strides = array<i32>} : memref<64x200xf32, #tpu.memory_space<vmem>>, vector<16xf32>,
      tpu.vector_store %arg13[%parallel_loop3A_883, %parallel_loop3A_884], %parallel_loop3A_882 {strides = array<i32>} : memref<64x200xf32, #tpu.memory_space<vmem>>, vector<16xf32>,
      %parallel_loop3A_886 = arith.index_cast %parallel_loop3A_815 : i32 to index
      %parallel_loop3A_887 = arith.constant 160 : index
      %parallel_loop3A_888 = tpu.vector_load %arg10[%parallel_loop3A_886, %parallel_loop3A_887] {strides = array<i32>} : memref<64x200xi32, #tpu.memory_space<vmem>>, vector<16xi32>,
      %parallel_loop3A_889 = tpu.vector_load_idx %arg8[%parallel_loop3A_888] : memref<112xf32, #tpu.memory_space<vmem>>[vector<16xi32>], vector<16xf32>,
      %parallel_loop3A_890 = arith.index_cast %parallel_loop3A_815 : i32 to index
      %parallel_loop3A_891 = arith.constant 160 : index
      %parallel_loop3A_892 = tpu.vector_load %arg13[%parallel_loop3A_890, %parallel_loop3A_891] {strides = array<i32>} : memref<64x200xf32, #tpu.memory_space<vmem>>, vector<16xf32>,
      tpu.vector_store %arg13[%parallel_loop3A_890, %parallel_loop3A_891], %parallel_loop3A_889 {strides = array<i32>} : memref<64x200xf32, #tpu.memory_space<vmem>>, vector<16xf32>,
      %parallel_loop3A_893 = arith.index_cast %parallel_loop3A_815 : i32 to index
      %parallel_loop3A_894 = arith.constant 176 : index
      %parallel_loop3A_895 = tpu.vector_load %arg10[%parallel_loop3A_893, %parallel_loop3A_894] {strides = array<i32>} : memref<64x200xi32, #tpu.memory_space<vmem>>, vector<16xi32>,
      %parallel_loop3A_896 = tpu.vector_load_idx %arg8[%parallel_loop3A_895] : memref<112xf32, #tpu.memory_space<vmem>>[vector<16xi32>], vector<16xf32>,
      %parallel_loop3A_897 = arith.index_cast %parallel_loop3A_815 : i32 to index
      %parallel_loop3A_898 = arith.constant 176 : index
      %parallel_loop3A_899 = tpu.vector_load %arg13[%parallel_loop3A_897, %parallel_loop3A_898] {strides = array<i32>} : memref<64x200xf32, #tpu.memory_space<vmem>>, vector<16xf32>,
      tpu.vector_store %arg13[%parallel_loop3A_897, %parallel_loop3A_898], %parallel_loop3A_896 {strides = array<i32>} : memref<64x200xf32, #tpu.memory_space<vmem>>, vector<16xf32>,
      %parallel_loop3A_900 = arith.index_cast %parallel_loop3A_815 : i32 to index
      %parallel_loop3A_901 = arith.constant 184 : index
      %parallel_loop3A_902 = tpu.vector_load %arg10[%parallel_loop3A_900, %parallel_loop3A_901] {strides = array<i32>} : memref<64x200xi32, #tpu.memory_space<vmem>>, vector<16xi32>,
      %parallel_loop3A_903 = tpu.vector_load_idx %arg8[%parallel_loop3A_902] : memref<112xf32, #tpu.memory_space<vmem>>[vector<16xi32>], vector<16xf32>,
      %parallel_loop3A_904 = arith.index_cast %parallel_loop3A_815 : i32 to index
      %parallel_loop3A_905 = arith.constant 184 : index
      %parallel_loop3A_906 = tpu.vector_load %arg13[%parallel_loop3A_904, %parallel_loop3A_905] {strides = array<i32>} : memref<64x200xf32, #tpu.memory_space<vmem>>, vector<16xf32>,
      tpu.vector_store %arg13[%parallel_loop3A_904, %parallel_loop3A_905], %parallel_loop3A_903 {strides = array<i32>} : memref<64x200xf32, #tpu.memory_space<vmem>>, vector<16xf32>,
    } {sc.loop_unroll_factor = 2 : i64, sc.parallel_access}
    %add3A_740 = arith.constant 256 : i32
    %add3A_741 = arith.addi %mul3A_2, %add3A_740 : i32
    %dma_start3A_742 = arith.constant 0 : i32
    %dma_start3A_743 = tpu.memref_slice %arg5[%add3A_741, %dma_start3A_742] : memref<16384x200xf32, #tpu.memory_space<hbm>> -> memref<64x200xf32, #tpu.memory_space<hbm>>
    %dma_start3A_744 = arith.constant 0 : i32
    %dma_start3A_745 = tpu.memref_slice %arg5[%add3A_741, %dma_start3A_744] : memref<16384x200xf32, #tpu.memory_space<hbm>> -> memref<64x200xf32, #tpu.memory_space<hbm>>
    tpu.enqueue_dma source(%arg13 : memref<64x200xf32, #tpu.memory_space<vmem>>) target(%dma_start3A_745 : memref<64x200xf32, #tpu.memory_space<hbm>>) target_semaphore(%arg19 : memref<!tpu.dma_semaphore, #tpu.memory_space<semaphore_mem>>)
    %add3A_746 = arith.constant 448 : i32
    %add3A_747 = arith.addi %mul3A_2, %add3A_746 : i32
    %dma_start3A_748 = arith.constant 0 : i32
    %dma_start3A_749 = tpu.memref_slice %arg2[%add3A_747, %dma_start3A_748] : memref<16384x200xi32, #tpu.memory_space<hbm>> -> memref<64x200xi32, #tpu.memory_space<hbm>>
    %dma_start3A_750 = arith.constant 0 : i32
    %dma_start3A_751 = tpu.memref_slice %arg2[%add3A_747, %dma_start3A_750] : memref<16384x200xi32, #tpu.memory_space<hbm>> -> memref<64x200xi32, #tpu.memory_space<hbm>>
    tpu.enqueue_dma source(%dma_start3A_751 : memref<64x200xi32, #tpu.memory_space<hbm>>) target(%arg10 : memref<64x200xi32, #tpu.memory_space<vmem>>) target_semaphore(%arg16 : memref<!tpu.dma_semaphore, #tpu.memory_space<semaphore_mem>>)
    %dma_wait3A_752 = arith.constant 0 : i32
    %dma_wait3A_753 = tpu.memref_slice %arg2[%add3A_701, %dma_wait3A_752] : memref<16384x200xi32, #tpu.memory_space<hbm>> -> memref<64x200xi32, #tpu.memory_space<hbm>>
    %dma_wait3A_754 = arith.constant 0 : i32
    %dma_wait3A_755 = tpu.memref_slice %arg2[%add3A_701, %dma_wait3A_754] : memref<16384x200xi32, #tpu.memory_space<hbm>> -> memref<64x200xi32, #tpu.memory_space<hbm>>
    tpu.wait_dma2 semaphore(%arg17 : memref<!tpu.dma_semaphore, #tpu.memory_space<semaphore_mem>>) src(%dma_wait3A_755 : memref<64x200xi32, #tpu.memory_space<hbm>>) dst(%arg11 : memref<64x200xi32, #tpu.memory_space<vmem>>)
    %dma_wait3A_756 = arith.constant 0 : i32
    %dma_wait3A_757 = tpu.memref_slice %arg5[%add3A_695, %dma_wait3A_756] : memref<16384x200xf32, #tpu.memory_space<hbm>> -> memref<64x200xf32, #tpu.memory_space<hbm>>
    %dma_wait3A_758 = arith.constant 0 : i32
    %dma_wait3A_759 = tpu.memref_slice %arg5[%add3A_695, %dma_wait3A_758] : memref<16384x200xf32, #tpu.memory_space<hbm>> -> memref<64x200xf32, #tpu.memory_space<hbm>>
    tpu.wait_dma2 semaphore(%arg20 : memref<!tpu.dma_semaphore, #tpu.memory_space<semaphore_mem>>) src(%arg14 : memref<64x200xf32, #tpu.memory_space<vmem>>) dst(%dma_wait3A_759 : memref<64x200xf32, #tpu.memory_space<hbm>>)
    %parallel_loop3A_760 = arith.constant 0 : i32
    %parallel_loop3A_761 = arith.constant 64 : i32
    %parallel_loop3A_762 = arith.constant 1 : i32
    scf.for %parallel_loop3A_815 = %parallel_loop3A_760 to %parallel_loop3A_761 step %parallel_loop3A_762  : i32 {
      %parallel_loop3A_816 = arith.index_cast %parallel_loop3A_815 : i32 to index
      %parallel_loop3A_817 = arith.constant 0 : index
      %parallel_loop3A_818 = tpu.vector_load %arg11[%parallel_loop3A_816, %parallel_loop3A_817] {strides = array<i32>} : memref<64x200xi32, #tpu.memory_space<vmem>>, vector<16xi32>,
      %parallel_loop3A_819 = tpu.vector_load_idx %arg8[%parallel_loop3A_818] : memref<112xf32, #tpu.memory_space<vmem>>[vector<16xi32>], vector<16xf32>,
      %parallel_loop3A_820 = arith.index_cast %parallel_loop3A_815 : i32 to index
      %parallel_loop3A_821 = arith.constant 0 : index
      %parallel_loop3A_822 = tpu.vector_load %arg14[%parallel_loop3A_820, %parallel_loop3A_821] {strides = array<i32>} : memref<64x200xf32, #tpu.memory_space<vmem>>, vector<16xf32>,
      tpu.vector_store %arg14[%parallel_loop3A_820, %parallel_loop3A_821], %parallel_loop3A_819 {strides = array<i32>} : memref<64x200xf32, #tpu.memory_space<vmem>>, vector<16xf32>,
      %parallel_loop3A_823 = arith.index_cast %parallel_loop3A_815 : i32 to index
      %parallel_loop3A_824 = arith.constant 16 : index
      %parallel_loop3A_825 = tpu.vector_load %arg11[%parallel_loop3A_823, %parallel_loop3A_824] {strides = array<i32>} : memref<64x200xi32, #tpu.memory_space<vmem>>, vector<16xi32>,
      %parallel_loop3A_826 = tpu.vector_load_idx %arg8[%parallel_loop3A_825] : memref<112xf32, #tpu.memory_space<vmem>>[vector<16xi32>], vector<16xf32>,
      %parallel_loop3A_827 = arith.index_cast %parallel_loop3A_815 : i32 to index
      %parallel_loop3A_828 = arith.constant 16 : index
      %parallel_loop3A_829 = tpu.vector_load %arg14[%parallel_loop3A_827, %parallel_loop3A_828] {strides = array<i32>} : memref<64x200xf32, #tpu.memory_space<vmem>>, vector<16xf32>,
      tpu.vector_store %arg14[%parallel_loop3A_827, %parallel_loop3A_828], %parallel_loop3A_826 {strides = array<i32>} : memref<64x200xf32, #tpu.memory_space<vmem>>, vector<16xf32>,
      %parallel_loop3A_830 = arith.index_cast %parallel_loop3A_815 : i32 to index
      %parallel_loop3A_831 = arith.constant 32 : index
      %parallel_loop3A_832 = tpu.vector_load %arg11[%parallel_loop3A_830, %parallel_loop3A_831] {strides = array<i32>} : memref<64x200xi32, #tpu.memory_space<vmem>>, vector<16xi32>,
      %parallel_loop3A_833 = tpu.vector_load_idx %arg8[%parallel_loop3A_832] : memref<112xf32, #tpu.memory_space<vmem>>[vector<16xi32>], vector<16xf32>,
      %parallel_loop3A_834 = arith.index_cast %parallel_loop3A_815 : i32 to index
      %parallel_loop3A_835 = arith.constant 32 : index
      %parallel_loop3A_836 = tpu.vector_load %arg14[%parallel_loop3A_834, %parallel_loop3A_835] {strides = array<i32>} : memref<64x200xf32, #tpu.memory_space<vmem>>, vector<16xf32>,
      tpu.vector_store %arg14[%parallel_loop3A_834, %parallel_loop3A_835], %parallel_loop3A_833 {strides = array<i32>} : memref<64x200xf32, #tpu.memory_space<vmem>>, vector<16xf32>,
      %parallel_loop3A_837 = arith.index_cast %parallel_loop3A_815 : i32 to index
      %parallel_loop3A_838 = arith.constant 48 : index
      %parallel_loop3A_839 = tpu.vector_load %arg11[%parallel_loop3A_837, %parallel_loop3A_838] {strides = array<i32>} : memref<64x200xi32, #tpu.memory_space<vmem>>, vector<16xi32>,
      %parallel_loop3A_840 = tpu.vector_load_idx %arg8[%parallel_loop3A_839] : memref<112xf32, #tpu.memory_space<vmem>>[vector<16xi32>], vector<16xf32>,
      %parallel_loop3A_841 = arith.index_cast %parallel_loop3A_815 : i32 to index
      %parallel_loop3A_842 = arith.constant 48 : index
      %parallel_loop3A_843 = tpu.vector_load %arg14[%parallel_loop3A_841, %parallel_loop3A_842] {strides = array<i32>} : memref<64x200xf32, #tpu.memory_space<vmem>>, vector<16xf32>,
      tpu.vector_store %arg14[%parallel_loop3A_841, %parallel_loop3A_842], %parallel_loop3A_840 {strides = array<i32>} : memref<64x200xf32, #tpu.memory_space<vmem>>, vector<16xf32>,
      %parallel_loop3A_844 = arith.index_cast %parallel_loop3A_815 : i32 to index
      %parallel_loop3A_845 = arith.constant 64 : index
      %parallel_loop3A_846 = tpu.vector_load %arg11[%parallel_loop3A_844, %parallel_loop3A_845] {strides = array<i32>} : memref<64x200xi32, #tpu.memory_space<vmem>>, vector<16xi32>,
      %parallel_loop3A_847 = tpu.vector_load_idx %arg8[%parallel_loop3A_846] : memref<112xf32, #tpu.memory_space<vmem>>[vector<16xi32>], vector<16xf32>,
      %parallel_loop3A_848 = arith.index_cast %parallel_loop3A_815 : i32 to index
      %parallel_loop3A_849 = arith.constant 64 : index
      %parallel_loop3A_850 = tpu.vector_load %arg14[%parallel_loop3A_848, %parallel_loop3A_849] {strides = array<i32>} : memref<64x200xf32, #tpu.memory_space<vmem>>, vector<16xf32>,
      tpu.vector_store %arg14[%parallel_loop3A_848, %parallel_loop3A_849], %parallel_loop3A_847 {strides = array<i32>} : memref<64x200xf32, #tpu.memory_space<vmem>>, vector<16xf32>,
      %parallel_loop3A_851 = arith.index_cast %parallel_loop3A_815 : i32 to index
      %parallel_loop3A_852 = arith.constant 80 : index
      %parallel_loop3A_853 = tpu.vector_load %arg11[%parallel_loop3A_851, %parallel_loop3A_852] {strides = array<i32>} : memref<64x200xi32, #tpu.memory_space<vmem>>, vector<16xi32>,
      %parallel_loop3A_854 = tpu.vector_load_idx %arg8[%parallel_loop3A_853] : memref<112xf32, #tpu.memory_space<vmem>>[vector<16xi32>], vector<16xf32>,
      %parallel_loop3A_855 = arith.index_cast %parallel_loop3A_815 : i32 to index
      %parallel_loop3A_856 = arith.constant 80 : index
      %parallel_loop3A_857 = tpu.vector_load %arg14[%parallel_loop3A_855, %parallel_loop3A_856] {strides = array<i32>} : memref<64x200xf32, #tpu.memory_space<vmem>>, vector<16xf32>,
      tpu.vector_store %arg14[%parallel_loop3A_855, %parallel_loop3A_856], %parallel_loop3A_854 {strides = array<i32>} : memref<64x200xf32, #tpu.memory_space<vmem>>, vector<16xf32>,
      %parallel_loop3A_858 = arith.index_cast %parallel_loop3A_815 : i32 to index
      %parallel_loop3A_859 = arith.constant 96 : index
      %parallel_loop3A_860 = tpu.vector_load %arg11[%parallel_loop3A_858, %parallel_loop3A_859] {strides = array<i32>} : memref<64x200xi32, #tpu.memory_space<vmem>>, vector<16xi32>,
      %parallel_loop3A_861 = tpu.vector_load_idx %arg8[%parallel_loop3A_860] : memref<112xf32, #tpu.memory_space<vmem>>[vector<16xi32>], vector<16xf32>,
      %parallel_loop3A_862 = arith.index_cast %parallel_loop3A_815 : i32 to index
      %parallel_loop3A_863 = arith.constant 96 : index
      %parallel_loop3A_864 = tpu.vector_load %arg14[%parallel_loop3A_862, %parallel_loop3A_863] {strides = array<i32>} : memref<64x200xf32, #tpu.memory_space<vmem>>, vector<16xf32>,
      tpu.vector_store %arg14[%parallel_loop3A_862, %parallel_loop3A_863], %parallel_loop3A_861 {strides = array<i32>} : memref<64x200xf32, #tpu.memory_space<vmem>>, vector<16xf32>,
      %parallel_loop3A_865 = arith.index_cast %parallel_loop3A_815 : i32 to index
      %parallel_loop3A_866 = arith.constant 112 : index
      %parallel_loop3A_867 = tpu.vector_load %arg11[%parallel_loop3A_865, %parallel_loop3A_866] {strides = array<i32>} : memref<64x200xi32, #tpu.memory_space<vmem>>, vector<16xi32>,
      %parallel_loop3A_868 = tpu.vector_load_idx %arg8[%parallel_loop3A_867] : memref<112xf32, #tpu.memory_space<vmem>>[vector<16xi32>], vector<16xf32>,
      %parallel_loop3A_869 = arith.index_cast %parallel_loop3A_815 : i32 to index
      %parallel_loop3A_870 = arith.constant 112 : index
      %parallel_loop3A_871 = tpu.vector_load %arg14[%parallel_loop3A_869, %parallel_loop3A_870] {strides = array<i32>} : memref<64x200xf32, #tpu.memory_space<vmem>>, vector<16xf32>,
      tpu.vector_store %arg14[%parallel_loop3A_869, %parallel_loop3A_870], %parallel_loop3A_868 {strides = array<i32>} : memref<64x200xf32, #tpu.memory_space<vmem>>, vector<16xf32>,
      %parallel_loop3A_872 = arith.index_cast %parallel_loop3A_815 : i32 to index
      %parallel_loop3A_873 = arith.constant 128 : index
      %parallel_loop3A_874 = tpu.vector_load %arg11[%parallel_loop3A_872, %parallel_loop3A_873] {strides = array<i32>} : memref<64x200xi32, #tpu.memory_space<vmem>>, vector<16xi32>,
      %parallel_loop3A_875 = tpu.vector_load_idx %arg8[%parallel_loop3A_874] : memref<112xf32, #tpu.memory_space<vmem>>[vector<16xi32>], vector<16xf32>,
      %parallel_loop3A_876 = arith.index_cast %parallel_loop3A_815 : i32 to index
      %parallel_loop3A_877 = arith.constant 128 : index
      %parallel_loop3A_878 = tpu.vector_load %arg14[%parallel_loop3A_876, %parallel_loop3A_877] {strides = array<i32>} : memref<64x200xf32, #tpu.memory_space<vmem>>, vector<16xf32>,
      tpu.vector_store %arg14[%parallel_loop3A_876, %parallel_loop3A_877], %parallel_loop3A_875 {strides = array<i32>} : memref<64x200xf32, #tpu.memory_space<vmem>>, vector<16xf32>,
      %parallel_loop3A_879 = arith.index_cast %parallel_loop3A_815 : i32 to index
      %parallel_loop3A_880 = arith.constant 144 : index
      %parallel_loop3A_881 = tpu.vector_load %arg11[%parallel_loop3A_879, %parallel_loop3A_880] {strides = array<i32>} : memref<64x200xi32, #tpu.memory_space<vmem>>, vector<16xi32>,
      %parallel_loop3A_882 = tpu.vector_load_idx %arg8[%parallel_loop3A_881] : memref<112xf32, #tpu.memory_space<vmem>>[vector<16xi32>], vector<16xf32>,
      %parallel_loop3A_883 = arith.index_cast %parallel_loop3A_815 : i32 to index
      %parallel_loop3A_884 = arith.constant 144 : index
      %parallel_loop3A_885 = tpu.vector_load %arg14[%parallel_loop3A_883, %parallel_loop3A_884] {strides = array<i32>} : memref<64x200xf32, #tpu.memory_space<vmem>>, vector<16xf32>,
      tpu.vector_store %arg14[%parallel_loop3A_883, %parallel_loop3A_884], %parallel_loop3A_882 {strides = array<i32>} : memref<64x200xf32, #tpu.memory_space<vmem>>, vector<16xf32>,
      %parallel_loop3A_886 = arith.index_cast %parallel_loop3A_815 : i32 to index
      %parallel_loop3A_887 = arith.constant 160 : index
      %parallel_loop3A_888 = tpu.vector_load %arg11[%parallel_loop3A_886, %parallel_loop3A_887] {strides = array<i32>} : memref<64x200xi32, #tpu.memory_space<vmem>>, vector<16xi32>,
      %parallel_loop3A_889 = tpu.vector_load_idx %arg8[%parallel_loop3A_888] : memref<112xf32, #tpu.memory_space<vmem>>[vector<16xi32>], vector<16xf32>,
      %parallel_loop3A_890 = arith.index_cast %parallel_loop3A_815 : i32 to index
      %parallel_loop3A_891 = arith.constant 160 : index
      %parallel_loop3A_892 = tpu.vector_load %arg14[%parallel_loop3A_890, %parallel_loop3A_891] {strides = array<i32>} : memref<64x200xf32, #tpu.memory_space<vmem>>, vector<16xf32>,
      tpu.vector_store %arg14[%parallel_loop3A_890, %parallel_loop3A_891], %parallel_loop3A_889 {strides = array<i32>} : memref<64x200xf32, #tpu.memory_space<vmem>>, vector<16xf32>,
      %parallel_loop3A_893 = arith.index_cast %parallel_loop3A_815 : i32 to index
      %parallel_loop3A_894 = arith.constant 176 : index
      %parallel_loop3A_895 = tpu.vector_load %arg11[%parallel_loop3A_893, %parallel_loop3A_894] {strides = array<i32>} : memref<64x200xi32, #tpu.memory_space<vmem>>, vector<16xi32>,
      %parallel_loop3A_896 = tpu.vector_load_idx %arg8[%parallel_loop3A_895] : memref<112xf32, #tpu.memory_space<vmem>>[vector<16xi32>], vector<16xf32>,
      %parallel_loop3A_897 = arith.index_cast %parallel_loop3A_815 : i32 to index
      %parallel_loop3A_898 = arith.constant 176 : index
      %parallel_loop3A_899 = tpu.vector_load %arg14[%parallel_loop3A_897, %parallel_loop3A_898] {strides = array<i32>} : memref<64x200xf32, #tpu.memory_space<vmem>>, vector<16xf32>,
      tpu.vector_store %arg14[%parallel_loop3A_897, %parallel_loop3A_898], %parallel_loop3A_896 {strides = array<i32>} : memref<64x200xf32, #tpu.memory_space<vmem>>, vector<16xf32>,
      %parallel_loop3A_900 = arith.index_cast %parallel_loop3A_815 : i32 to index
      %parallel_loop3A_901 = arith.constant 184 : index
      %parallel_loop3A_902 = tpu.vector_load %arg11[%parallel_loop3A_900, %parallel_loop3A_901] {strides = array<i32>} : memref<64x200xi32, #tpu.memory_space<vmem>>, vector<16xi32>,
      %parallel_loop3A_903 = tpu.vector_load_idx %arg8[%parallel_loop3A_902] : memref<112xf32, #tpu.memory_space<vmem>>[vector<16xi32>], vector<16xf32>,
      %parallel_loop3A_904 = arith.index_cast %parallel_loop3A_815 : i32 to index
      %parallel_loop3A_905 = arith.constant 184 : index
      %parallel_loop3A_906 = tpu.vector_load %arg14[%parallel_loop3A_904, %parallel_loop3A_905] {strides = array<i32>} : memref<64x200xf32, #tpu.memory_space<vmem>>, vector<16xf32>,
      tpu.vector_store %arg14[%parallel_loop3A_904, %parallel_loop3A_905], %parallel_loop3A_903 {strides = array<i32>} : memref<64x200xf32, #tpu.memory_space<vmem>>, vector<16xf32>,
    } {sc.loop_unroll_factor = 2 : i64, sc.parallel_access}
    %add3A_763 = arith.constant 320 : i32
    %add3A_764 = arith.addi %mul3A_2, %add3A_763 : i32
    %dma_start3A_765 = arith.constant 0 : i32
    %dma_start3A_766 = tpu.memref_slice %arg5[%add3A_764, %dma_start3A_765] : memref<16384x200xf32, #tpu.memory_space<hbm>> -> memref<64x200xf32, #tpu.memory_space<hbm>>
    %dma_start3A_767 = arith.constant 0 : i32
    %dma_start3A_768 = tpu.memref_slice %arg5[%add3A_764, %dma_start3A_767] : memref<16384x200xf32, #tpu.memory_space<hbm>> -> memref<64x200xf32, #tpu.memory_space<hbm>>
    tpu.enqueue_dma source(%arg14 : memref<64x200xf32, #tpu.memory_space<vmem>>) target(%dma_start3A_768 : memref<64x200xf32, #tpu.memory_space<hbm>>) target_semaphore(%arg20 : memref<!tpu.dma_semaphore, #tpu.memory_space<semaphore_mem>>)
    %dma_wait3A_769 = arith.constant 0 : i32
    %dma_wait3A_770 = tpu.memref_slice %arg2[%add3A_724, %dma_wait3A_769] : memref<16384x200xi32, #tpu.memory_space<hbm>> -> memref<64x200xi32, #tpu.memory_space<hbm>>
    %dma_wait3A_771 = arith.constant 0 : i32
    %dma_wait3A_772 = tpu.memref_slice %arg2[%add3A_724, %dma_wait3A_771] : memref<16384x200xi32, #tpu.memory_space<hbm>> -> memref<64x200xi32, #tpu.memory_space<hbm>>
    tpu.wait_dma2 semaphore(%arg15 : memref<!tpu.dma_semaphore, #tpu.memory_space<semaphore_mem>>) src(%dma_wait3A_772 : memref<64x200xi32, #tpu.memory_space<hbm>>) dst(%arg9 : memref<64x200xi32, #tpu.memory_space<vmem>>)
    %dma_wait3A_773 = arith.constant 0 : i32
    %dma_wait3A_774 = tpu.memref_slice %arg5[%add3A_718, %dma_wait3A_773] : memref<16384x200xf32, #tpu.memory_space<hbm>> -> memref<64x200xf32, #tpu.memory_space<hbm>>
    %dma_wait3A_775 = arith.constant 0 : i32
    %dma_wait3A_776 = tpu.memref_slice %arg5[%add3A_718, %dma_wait3A_775] : memref<16384x200xf32, #tpu.memory_space<hbm>> -> memref<64x200xf32, #tpu.memory_space<hbm>>
    tpu.wait_dma2 semaphore(%arg18 : memref<!tpu.dma_semaphore, #tpu.memory_space<semaphore_mem>>) src(%arg12 : memref<64x200xf32, #tpu.memory_space<vmem>>) dst(%dma_wait3A_776 : memref<64x200xf32, #tpu.memory_space<hbm>>)
    %parallel_loop3A_777 = arith.constant 0 : i32
    %parallel_loop3A_778 = arith.constant 64 : i32
    %parallel_loop3A_779 = arith.constant 1 : i32
    scf.for %parallel_loop3A_815 = %parallel_loop3A_777 to %parallel_loop3A_778 step %parallel_loop3A_779  : i32 {
      %parallel_loop3A_816 = arith.index_cast %parallel_loop3A_815 : i32 to index
      %parallel_loop3A_817 = arith.constant 0 : index
      %parallel_loop3A_818 = tpu.vector_load %arg9[%parallel_loop3A_816, %parallel_loop3A_817] {strides = array<i32>} : memref<64x200xi32, #tpu.memory_space<vmem>>, vector<16xi32>,
      %parallel_loop3A_819 = tpu.vector_load_idx %arg8[%parallel_loop3A_818] : memref<112xf32, #tpu.memory_space<vmem>>[vector<16xi32>], vector<16xf32>,
      %parallel_loop3A_820 = arith.index_cast %parallel_loop3A_815 : i32 to index
      %parallel_loop3A_821 = arith.constant 0 : index
      %parallel_loop3A_822 = tpu.vector_load %arg12[%parallel_loop3A_820, %parallel_loop3A_821] {strides = array<i32>} : memref<64x200xf32, #tpu.memory_space<vmem>>, vector<16xf32>,
      tpu.vector_store %arg12[%parallel_loop3A_820, %parallel_loop3A_821], %parallel_loop3A_819 {strides = array<i32>} : memref<64x200xf32, #tpu.memory_space<vmem>>, vector<16xf32>,
      %parallel_loop3A_823 = arith.index_cast %parallel_loop3A_815 : i32 to index
      %parallel_loop3A_824 = arith.constant 16 : index
      %parallel_loop3A_825 = tpu.vector_load %arg9[%parallel_loop3A_823, %parallel_loop3A_824] {strides = array<i32>} : memref<64x200xi32, #tpu.memory_space<vmem>>, vector<16xi32>,
      %parallel_loop3A_826 = tpu.vector_load_idx %arg8[%parallel_loop3A_825] : memref<112xf32, #tpu.memory_space<vmem>>[vector<16xi32>], vector<16xf32>,
      %parallel_loop3A_827 = arith.index_cast %parallel_loop3A_815 : i32 to index
      %parallel_loop3A_828 = arith.constant 16 : index
      %parallel_loop3A_829 = tpu.vector_load %arg12[%parallel_loop3A_827, %parallel_loop3A_828] {strides = array<i32>} : memref<64x200xf32, #tpu.memory_space<vmem>>, vector<16xf32>,
      tpu.vector_store %arg12[%parallel_loop3A_827, %parallel_loop3A_828], %parallel_loop3A_826 {strides = array<i32>} : memref<64x200xf32, #tpu.memory_space<vmem>>, vector<16xf32>,
      %parallel_loop3A_830 = arith.index_cast %parallel_loop3A_815 : i32 to index
      %parallel_loop3A_831 = arith.constant 32 : index
      %parallel_loop3A_832 = tpu.vector_load %arg9[%parallel_loop3A_830, %parallel_loop3A_831] {strides = array<i32>} : memref<64x200xi32, #tpu.memory_space<vmem>>, vector<16xi32>,
      %parallel_loop3A_833 = tpu.vector_load_idx %arg8[%parallel_loop3A_832] : memref<112xf32, #tpu.memory_space<vmem>>[vector<16xi32>], vector<16xf32>,
      %parallel_loop3A_834 = arith.index_cast %parallel_loop3A_815 : i32 to index
      %parallel_loop3A_835 = arith.constant 32 : index
      %parallel_loop3A_836 = tpu.vector_load %arg12[%parallel_loop3A_834, %parallel_loop3A_835] {strides = array<i32>} : memref<64x200xf32, #tpu.memory_space<vmem>>, vector<16xf32>,
      tpu.vector_store %arg12[%parallel_loop3A_834, %parallel_loop3A_835], %parallel_loop3A_833 {strides = array<i32>} : memref<64x200xf32, #tpu.memory_space<vmem>>, vector<16xf32>,
      %parallel_loop3A_837 = arith.index_cast %parallel_loop3A_815 : i32 to index
      %parallel_loop3A_838 = arith.constant 48 : index
      %parallel_loop3A_839 = tpu.vector_load %arg9[%parallel_loop3A_837, %parallel_loop3A_838] {strides = array<i32>} : memref<64x200xi32, #tpu.memory_space<vmem>>, vector<16xi32>,
      %parallel_loop3A_840 = tpu.vector_load_idx %arg8[%parallel_loop3A_839] : memref<112xf32, #tpu.memory_space<vmem>>[vector<16xi32>], vector<16xf32>,
      %parallel_loop3A_841 = arith.index_cast %parallel_loop3A_815 : i32 to index
      %parallel_loop3A_842 = arith.constant 48 : index
      %parallel_loop3A_843 = tpu.vector_load %arg12[%parallel_loop3A_841, %parallel_loop3A_842] {strides = array<i32>} : memref<64x200xf32, #tpu.memory_space<vmem>>, vector<16xf32>,
      tpu.vector_store %arg12[%parallel_loop3A_841, %parallel_loop3A_842], %parallel_loop3A_840 {strides = array<i32>} : memref<64x200xf32, #tpu.memory_space<vmem>>, vector<16xf32>,
      %parallel_loop3A_844 = arith.index_cast %parallel_loop3A_815 : i32 to index
      %parallel_loop3A_845 = arith.constant 64 : index
      %parallel_loop3A_846 = tpu.vector_load %arg9[%parallel_loop3A_844, %parallel_loop3A_845] {strides = array<i32>} : memref<64x200xi32, #tpu.memory_space<vmem>>, vector<16xi32>,
      %parallel_loop3A_847 = tpu.vector_load_idx %arg8[%parallel_loop3A_846] : memref<112xf32, #tpu.memory_space<vmem>>[vector<16xi32>], vector<16xf32>,
      %parallel_loop3A_848 = arith.index_cast %parallel_loop3A_815 : i32 to index
      %parallel_loop3A_849 = arith.constant 64 : index
      %parallel_loop3A_850 = tpu.vector_load %arg12[%parallel_loop3A_848, %parallel_loop3A_849] {strides = array<i32>} : memref<64x200xf32, #tpu.memory_space<vmem>>, vector<16xf32>,
      tpu.vector_store %arg12[%parallel_loop3A_848, %parallel_loop3A_849], %parallel_loop3A_847 {strides = array<i32>} : memref<64x200xf32, #tpu.memory_space<vmem>>, vector<16xf32>,
      %parallel_loop3A_851 = arith.index_cast %parallel_loop3A_815 : i32 to index
      %parallel_loop3A_852 = arith.constant 80 : index
      %parallel_loop3A_853 = tpu.vector_load %arg9[%parallel_loop3A_851, %parallel_loop3A_852] {strides = array<i32>} : memref<64x200xi32, #tpu.memory_space<vmem>>, vector<16xi32>,
      %parallel_loop3A_854 = tpu.vector_load_idx %arg8[%parallel_loop3A_853] : memref<112xf32, #tpu.memory_space<vmem>>[vector<16xi32>], vector<16xf32>,
      %parallel_loop3A_855 = arith.index_cast %parallel_loop3A_815 : i32 to index
      %parallel_loop3A_856 = arith.constant 80 : index
      %parallel_loop3A_857 = tpu.vector_load %arg12[%parallel_loop3A_855, %parallel_loop3A_856] {strides = array<i32>} : memref<64x200xf32, #tpu.memory_space<vmem>>, vector<16xf32>,
      tpu.vector_store %arg12[%parallel_loop3A_855, %parallel_loop3A_856], %parallel_loop3A_854 {strides = array<i32>} : memref<64x200xf32, #tpu.memory_space<vmem>>, vector<16xf32>,
      %parallel_loop3A_858 = arith.index_cast %parallel_loop3A_815 : i32 to index
      %parallel_loop3A_859 = arith.constant 96 : index
      %parallel_loop3A_860 = tpu.vector_load %arg9[%parallel_loop3A_858, %parallel_loop3A_859] {strides = array<i32>} : memref<64x200xi32, #tpu.memory_space<vmem>>, vector<16xi32>,
      %parallel_loop3A_861 = tpu.vector_load_idx %arg8[%parallel_loop3A_860] : memref<112xf32, #tpu.memory_space<vmem>>[vector<16xi32>], vector<16xf32>,
      %parallel_loop3A_862 = arith.index_cast %parallel_loop3A_815 : i32 to index
      %parallel_loop3A_863 = arith.constant 96 : index
      %parallel_loop3A_864 = tpu.vector_load %arg12[%parallel_loop3A_862, %parallel_loop3A_863] {strides = array<i32>} : memref<64x200xf32, #tpu.memory_space<vmem>>, vector<16xf32>,
      tpu.vector_store %arg12[%parallel_loop3A_862, %parallel_loop3A_863], %parallel_loop3A_861 {strides = array<i32>} : memref<64x200xf32, #tpu.memory_space<vmem>>, vector<16xf32>,
      %parallel_loop3A_865 = arith.index_cast %parallel_loop3A_815 : i32 to index
      %parallel_loop3A_866 = arith.constant 112 : index
      %parallel_loop3A_867 = tpu.vector_load %arg9[%parallel_loop3A_865, %parallel_loop3A_866] {strides = array<i32>} : memref<64x200xi32, #tpu.memory_space<vmem>>, vector<16xi32>,
      %parallel_loop3A_868 = tpu.vector_load_idx %arg8[%parallel_loop3A_867] : memref<112xf32, #tpu.memory_space<vmem>>[vector<16xi32>], vector<16xf32>,
      %parallel_loop3A_869 = arith.index_cast %parallel_loop3A_815 : i32 to index
      %parallel_loop3A_870 = arith.constant 112 : index
      %parallel_loop3A_871 = tpu.vector_load %arg12[%parallel_loop3A_869, %parallel_loop3A_870] {strides = array<i32>} : memref<64x200xf32, #tpu.memory_space<vmem>>, vector<16xf32>,
      tpu.vector_store %arg12[%parallel_loop3A_869, %parallel_loop3A_870], %parallel_loop3A_868 {strides = array<i32>} : memref<64x200xf32, #tpu.memory_space<vmem>>, vector<16xf32>,
      %parallel_loop3A_872 = arith.index_cast %parallel_loop3A_815 : i32 to index
      %parallel_loop3A_873 = arith.constant 128 : index
      %parallel_loop3A_874 = tpu.vector_load %arg9[%parallel_loop3A_872, %parallel_loop3A_873] {strides = array<i32>} : memref<64x200xi32, #tpu.memory_space<vmem>>, vector<16xi32>,
      %parallel_loop3A_875 = tpu.vector_load_idx %arg8[%parallel_loop3A_874] : memref<112xf32, #tpu.memory_space<vmem>>[vector<16xi32>], vector<16xf32>,
      %parallel_loop3A_876 = arith.index_cast %parallel_loop3A_815 : i32 to index
      %parallel_loop3A_877 = arith.constant 128 : index
      %parallel_loop3A_878 = tpu.vector_load %arg12[%parallel_loop3A_876, %parallel_loop3A_877] {strides = array<i32>} : memref<64x200xf32, #tpu.memory_space<vmem>>, vector<16xf32>,
      tpu.vector_store %arg12[%parallel_loop3A_876, %parallel_loop3A_877], %parallel_loop3A_875 {strides = array<i32>} : memref<64x200xf32, #tpu.memory_space<vmem>>, vector<16xf32>,
      %parallel_loop3A_879 = arith.index_cast %parallel_loop3A_815 : i32 to index
      %parallel_loop3A_880 = arith.constant 144 : index
      %parallel_loop3A_881 = tpu.vector_load %arg9[%parallel_loop3A_879, %parallel_loop3A_880] {strides = array<i32>} : memref<64x200xi32, #tpu.memory_space<vmem>>, vector<16xi32>,
      %parallel_loop3A_882 = tpu.vector_load_idx %arg8[%parallel_loop3A_881] : memref<112xf32, #tpu.memory_space<vmem>>[vector<16xi32>], vector<16xf32>,
      %parallel_loop3A_883 = arith.index_cast %parallel_loop3A_815 : i32 to index
      %parallel_loop3A_884 = arith.constant 144 : index
      %parallel_loop3A_885 = tpu.vector_load %arg12[%parallel_loop3A_883, %parallel_loop3A_884] {strides = array<i32>} : memref<64x200xf32, #tpu.memory_space<vmem>>, vector<16xf32>,
      tpu.vector_store %arg12[%parallel_loop3A_883, %parallel_loop3A_884], %parallel_loop3A_882 {strides = array<i32>} : memref<64x200xf32, #tpu.memory_space<vmem>>, vector<16xf32>,
      %parallel_loop3A_886 = arith.index_cast %parallel_loop3A_815 : i32 to index
      %parallel_loop3A_887 = arith.constant 160 : index
      %parallel_loop3A_888 = tpu.vector_load %arg9[%parallel_loop3A_886, %parallel_loop3A_887] {strides = array<i32>} : memref<64x200xi32, #tpu.memory_space<vmem>>, vector<16xi32>,
      %parallel_loop3A_889 = tpu.vector_load_idx %arg8[%parallel_loop3A_888] : memref<112xf32, #tpu.memory_space<vmem>>[vector<16xi32>], vector<16xf32>,
      %parallel_loop3A_890 = arith.index_cast %parallel_loop3A_815 : i32 to index
      %parallel_loop3A_891 = arith.constant 160 : index
      %parallel_loop3A_892 = tpu.vector_load %arg12[%parallel_loop3A_890, %parallel_loop3A_891] {strides = array<i32>} : memref<64x200xf32, #tpu.memory_space<vmem>>, vector<16xf32>,
      tpu.vector_store %arg12[%parallel_loop3A_890, %parallel_loop3A_891], %parallel_loop3A_889 {strides = array<i32>} : memref<64x200xf32, #tpu.memory_space<vmem>>, vector<16xf32>,
      %parallel_loop3A_893 = arith.index_cast %parallel_loop3A_815 : i32 to index
      %parallel_loop3A_894 = arith.constant 176 : index
      %parallel_loop3A_895 = tpu.vector_load %arg9[%parallel_loop3A_893, %parallel_loop3A_894] {strides = array<i32>} : memref<64x200xi32, #tpu.memory_space<vmem>>, vector<16xi32>,
      %parallel_loop3A_896 = tpu.vector_load_idx %arg8[%parallel_loop3A_895] : memref<112xf32, #tpu.memory_space<vmem>>[vector<16xi32>], vector<16xf32>,
      %parallel_loop3A_897 = arith.index_cast %parallel_loop3A_815 : i32 to index
      %parallel_loop3A_898 = arith.constant 176 : index
      %parallel_loop3A_899 = tpu.vector_load %arg12[%parallel_loop3A_897, %parallel_loop3A_898] {strides = array<i32>} : memref<64x200xf32, #tpu.memory_space<vmem>>, vector<16xf32>,
      tpu.vector_store %arg12[%parallel_loop3A_897, %parallel_loop3A_898], %parallel_loop3A_896 {strides = array<i32>} : memref<64x200xf32, #tpu.memory_space<vmem>>, vector<16xf32>,
      %parallel_loop3A_900 = arith.index_cast %parallel_loop3A_815 : i32 to index
      %parallel_loop3A_901 = arith.constant 184 : index
      %parallel_loop3A_902 = tpu.vector_load %arg9[%parallel_loop3A_900, %parallel_loop3A_901] {strides = array<i32>} : memref<64x200xi32, #tpu.memory_space<vmem>>, vector<16xi32>,
      %parallel_loop3A_903 = tpu.vector_load_idx %arg8[%parallel_loop3A_902] : memref<112xf32, #tpu.memory_space<vmem>>[vector<16xi32>], vector<16xf32>,
      %parallel_loop3A_904 = arith.index_cast %parallel_loop3A_815 : i32 to index
      %parallel_loop3A_905 = arith.constant 184 : index
      %parallel_loop3A_906 = tpu.vector_load %arg12[%parallel_loop3A_904, %parallel_loop3A_905] {strides = array<i32>} : memref<64x200xf32, #tpu.memory_space<vmem>>, vector<16xf32>,
      tpu.vector_store %arg12[%parallel_loop3A_904, %parallel_loop3A_905], %parallel_loop3A_903 {strides = array<i32>} : memref<64x200xf32, #tpu.memory_space<vmem>>, vector<16xf32>,
    } {sc.loop_unroll_factor = 2 : i64, sc.parallel_access}
    %add3A_780 = arith.constant 384 : i32
    %add3A_781 = arith.addi %mul3A_2, %add3A_780 : i32
    %dma_start3A_782 = arith.constant 0 : i32
    %dma_start3A_783 = tpu.memref_slice %arg5[%add3A_781, %dma_start3A_782] : memref<16384x200xf32, #tpu.memory_space<hbm>> -> memref<64x200xf32, #tpu.memory_space<hbm>>
    %dma_start3A_784 = arith.constant 0 : i32
    %dma_start3A_785 = tpu.memref_slice %arg5[%add3A_781, %dma_start3A_784] : memref<16384x200xf32, #tpu.memory_space<hbm>> -> memref<64x200xf32, #tpu.memory_space<hbm>>
    tpu.enqueue_dma source(%arg12 : memref<64x200xf32, #tpu.memory_space<vmem>>) target(%dma_start3A_785 : memref<64x200xf32, #tpu.memory_space<hbm>>) target_semaphore(%arg18 : memref<!tpu.dma_semaphore, #tpu.memory_space<semaphore_mem>>)
    %dma_wait3A_786 = arith.constant 0 : i32
    %dma_wait3A_787 = tpu.memref_slice %arg2[%add3A_747, %dma_wait3A_786] : memref<16384x200xi32, #tpu.memory_space<hbm>> -> memref<64x200xi32, #tpu.memory_space<hbm>>
    %dma_wait3A_788 = arith.constant 0 : i32
    %dma_wait3A_789 = tpu.memref_slice %arg2[%add3A_747, %dma_wait3A_788] : memref<16384x200xi32, #tpu.memory_space<hbm>> -> memref<64x200xi32, #tpu.memory_space<hbm>>
    tpu.wait_dma2 semaphore(%arg16 : memref<!tpu.dma_semaphore, #tpu.memory_space<semaphore_mem>>) src(%dma_wait3A_789 : memref<64x200xi32, #tpu.memory_space<hbm>>) dst(%arg10 : memref<64x200xi32, #tpu.memory_space<vmem>>)
    %dma_wait3A_790 = arith.constant 0 : i32
    %dma_wait3A_791 = tpu.memref_slice %arg5[%add3A_741, %dma_wait3A_790] : memref<16384x200xf32, #tpu.memory_space<hbm>> -> memref<64x200xf32, #tpu.memory_space<hbm>>
    %dma_wait3A_792 = arith.constant 0 : i32
    %dma_wait3A_793 = tpu.memref_slice %arg5[%add3A_741, %dma_wait3A_792] : memref<16384x200xf32, #tpu.memory_space<hbm>> -> memref<64x200xf32, #tpu.memory_space<hbm>>
    tpu.wait_dma2 semaphore(%arg19 : memref<!tpu.dma_semaphore, #tpu.memory_space<semaphore_mem>>) src(%arg13 : memref<64x200xf32, #tpu.memory_space<vmem>>) dst(%dma_wait3A_793 : memref<64x200xf32, #tpu.memory_space<hbm>>)
    %parallel_loop3A_794 = arith.constant 0 : i32
    %parallel_loop3A_795 = arith.constant 64 : i32
    %parallel_loop3A_796 = arith.constant 1 : i32
    scf.for %parallel_loop3A_815 = %parallel_loop3A_794 to %parallel_loop3A_795 step %parallel_loop3A_796  : i32 {
      %parallel_loop3A_816 = arith.index_cast %parallel_loop3A_815 : i32 to index
      %parallel_loop3A_817 = arith.constant 0 : index
      %parallel_loop3A_818 = tpu.vector_load %arg10[%parallel_loop3A_816, %parallel_loop3A_817] {strides = array<i32>} : memref<64x200xi32, #tpu.memory_space<vmem>>, vector<16xi32>,
      %parallel_loop3A_819 = tpu.vector_load_idx %arg8[%parallel_loop3A_818] : memref<112xf32, #tpu.memory_space<vmem>>[vector<16xi32>], vector<16xf32>,
      %parallel_loop3A_820 = arith.index_cast %parallel_loop3A_815 : i32 to index
      %parallel_loop3A_821 = arith.constant 0 : index
      %parallel_loop3A_822 = tpu.vector_load %arg13[%parallel_loop3A_820, %parallel_loop3A_821] {strides = array<i32>} : memref<64x200xf32, #tpu.memory_space<vmem>>, vector<16xf32>,
      tpu.vector_store %arg13[%parallel_loop3A_820, %parallel_loop3A_821], %parallel_loop3A_819 {strides = array<i32>} : memref<64x200xf32, #tpu.memory_space<vmem>>, vector<16xf32>,
      %parallel_loop3A_823 = arith.index_cast %parallel_loop3A_815 : i32 to index
      %parallel_loop3A_824 = arith.constant 16 : index
      %parallel_loop3A_825 = tpu.vector_load %arg10[%parallel_loop3A_823, %parallel_loop3A_824] {strides = array<i32>} : memref<64x200xi32, #tpu.memory_space<vmem>>, vector<16xi32>,
      %parallel_loop3A_826 = tpu.vector_load_idx %arg8[%parallel_loop3A_825] : memref<112xf32, #tpu.memory_space<vmem>>[vector<16xi32>], vector<16xf32>,
      %parallel_loop3A_827 = arith.index_cast %parallel_loop3A_815 : i32 to index
      %parallel_loop3A_828 = arith.constant 16 : index
      %parallel_loop3A_829 = tpu.vector_load %arg13[%parallel_loop3A_827, %parallel_loop3A_828] {strides = array<i32>} : memref<64x200xf32, #tpu.memory_space<vmem>>, vector<16xf32>,
      tpu.vector_store %arg13[%parallel_loop3A_827, %parallel_loop3A_828], %parallel_loop3A_826 {strides = array<i32>} : memref<64x200xf32, #tpu.memory_space<vmem>>, vector<16xf32>,
      %parallel_loop3A_830 = arith.index_cast %parallel_loop3A_815 : i32 to index
      %parallel_loop3A_831 = arith.constant 32 : index
      %parallel_loop3A_832 = tpu.vector_load %arg10[%parallel_loop3A_830, %parallel_loop3A_831] {strides = array<i32>} : memref<64x200xi32, #tpu.memory_space<vmem>>, vector<16xi32>,
      %parallel_loop3A_833 = tpu.vector_load_idx %arg8[%parallel_loop3A_832] : memref<112xf32, #tpu.memory_space<vmem>>[vector<16xi32>], vector<16xf32>,
      %parallel_loop3A_834 = arith.index_cast %parallel_loop3A_815 : i32 to index
      %parallel_loop3A_835 = arith.constant 32 : index
      %parallel_loop3A_836 = tpu.vector_load %arg13[%parallel_loop3A_834, %parallel_loop3A_835] {strides = array<i32>} : memref<64x200xf32, #tpu.memory_space<vmem>>, vector<16xf32>,
      tpu.vector_store %arg13[%parallel_loop3A_834, %parallel_loop3A_835], %parallel_loop3A_833 {strides = array<i32>} : memref<64x200xf32, #tpu.memory_space<vmem>>, vector<16xf32>,
      %parallel_loop3A_837 = arith.index_cast %parallel_loop3A_815 : i32 to index
      %parallel_loop3A_838 = arith.constant 48 : index
      %parallel_loop3A_839 = tpu.vector_load %arg10[%parallel_loop3A_837, %parallel_loop3A_838] {strides = array<i32>} : memref<64x200xi32, #tpu.memory_space<vmem>>, vector<16xi32>,
      %parallel_loop3A_840 = tpu.vector_load_idx %arg8[%parallel_loop3A_839] : memref<112xf32, #tpu.memory_space<vmem>>[vector<16xi32>], vector<16xf32>,
      %parallel_loop3A_841 = arith.index_cast %parallel_loop3A_815 : i32 to index
      %parallel_loop3A_842 = arith.constant 48 : index
      %parallel_loop3A_843 = tpu.vector_load %arg13[%parallel_loop3A_841, %parallel_loop3A_842] {strides = array<i32>} : memref<64x200xf32, #tpu.memory_space<vmem>>, vector<16xf32>,
      tpu.vector_store %arg13[%parallel_loop3A_841, %parallel_loop3A_842], %parallel_loop3A_840 {strides = array<i32>} : memref<64x200xf32, #tpu.memory_space<vmem>>, vector<16xf32>,
      %parallel_loop3A_844 = arith.index_cast %parallel_loop3A_815 : i32 to index
      %parallel_loop3A_845 = arith.constant 64 : index
      %parallel_loop3A_846 = tpu.vector_load %arg10[%parallel_loop3A_844, %parallel_loop3A_845] {strides = array<i32>} : memref<64x200xi32, #tpu.memory_space<vmem>>, vector<16xi32>,
      %parallel_loop3A_847 = tpu.vector_load_idx %arg8[%parallel_loop3A_846] : memref<112xf32, #tpu.memory_space<vmem>>[vector<16xi32>], vector<16xf32>,
      %parallel_loop3A_848 = arith.index_cast %parallel_loop3A_815 : i32 to index
      %parallel_loop3A_849 = arith.constant 64 : index
      %parallel_loop3A_850 = tpu.vector_load %arg13[%parallel_loop3A_848, %parallel_loop3A_849] {strides = array<i32>} : memref<64x200xf32, #tpu.memory_space<vmem>>, vector<16xf32>,
      tpu.vector_store %arg13[%parallel_loop3A_848, %parallel_loop3A_849], %parallel_loop3A_847 {strides = array<i32>} : memref<64x200xf32, #tpu.memory_space<vmem>>, vector<16xf32>,
      %parallel_loop3A_851 = arith.index_cast %parallel_loop3A_815 : i32 to index
      %parallel_loop3A_852 = arith.constant 80 : index
      %parallel_loop3A_853 = tpu.vector_load %arg10[%parallel_loop3A_851, %parallel_loop3A_852] {strides = array<i32>} : memref<64x200xi32, #tpu.memory_space<vmem>>, vector<16xi32>,
      %parallel_loop3A_854 = tpu.vector_load_idx %arg8[%parallel_loop3A_853] : memref<112xf32, #tpu.memory_space<vmem>>[vector<16xi32>], vector<16xf32>,
      %parallel_loop3A_855 = arith.index_cast %parallel_loop3A_815 : i32 to index
      %parallel_loop3A_856 = arith.constant 80 : index
      %parallel_loop3A_857 = tpu.vector_load %arg13[%parallel_loop3A_855, %parallel_loop3A_856] {strides = array<i32>} : memref<64x200xf32, #tpu.memory_space<vmem>>, vector<16xf32>,
      tpu.vector_store %arg13[%parallel_loop3A_855, %parallel_loop3A_856], %parallel_loop3A_854 {strides = array<i32>} : memref<64x200xf32, #tpu.memory_space<vmem>>, vector<16xf32>,
      %parallel_loop3A_858 = arith.index_cast %parallel_loop3A_815 : i32 to index
      %parallel_loop3A_859 = arith.constant 96 : index
      %parallel_loop3A_860 = tpu.vector_load %arg10[%parallel_loop3A_858, %parallel_loop3A_859] {strides = array<i32>} : memref<64x200xi32, #tpu.memory_space<vmem>>, vector<16xi32>,
      %parallel_loop3A_861 = tpu.vector_load_idx %arg8[%parallel_loop3A_860] : memref<112xf32, #tpu.memory_space<vmem>>[vector<16xi32>], vector<16xf32>,
      %parallel_loop3A_862 = arith.index_cast %parallel_loop3A_815 : i32 to index
      %parallel_loop3A_863 = arith.constant 96 : index
      %parallel_loop3A_864 = tpu.vector_load %arg13[%parallel_loop3A_862, %parallel_loop3A_863] {strides = array<i32>} : memref<64x200xf32, #tpu.memory_space<vmem>>, vector<16xf32>,
      tpu.vector_store %arg13[%parallel_loop3A_862, %parallel_loop3A_863], %parallel_loop3A_861 {strides = array<i32>} : memref<64x200xf32, #tpu.memory_space<vmem>>, vector<16xf32>,
      %parallel_loop3A_865 = arith.index_cast %parallel_loop3A_815 : i32 to index
      %parallel_loop3A_866 = arith.constant 112 : index
      %parallel_loop3A_867 = tpu.vector_load %arg10[%parallel_loop3A_865, %parallel_loop3A_866] {strides = array<i32>} : memref<64x200xi32, #tpu.memory_space<vmem>>, vector<16xi32>,
      %parallel_loop3A_868 = tpu.vector_load_idx %arg8[%parallel_loop3A_867] : memref<112xf32, #tpu.memory_space<vmem>>[vector<16xi32>], vector<16xf32>,
      %parallel_loop3A_869 = arith.index_cast %parallel_loop3A_815 : i32 to index
      %parallel_loop3A_870 = arith.constant 112 : index
      %parallel_loop3A_871 = tpu.vector_load %arg13[%parallel_loop3A_869, %parallel_loop3A_870] {strides = array<i32>} : memref<64x200xf32, #tpu.memory_space<vmem>>, vector<16xf32>,
      tpu.vector_store %arg13[%parallel_loop3A_869, %parallel_loop3A_870], %parallel_loop3A_868 {strides = array<i32>} : memref<64x200xf32, #tpu.memory_space<vmem>>, vector<16xf32>,
      %parallel_loop3A_872 = arith.index_cast %parallel_loop3A_815 : i32 to index
      %parallel_loop3A_873 = arith.constant 128 : index
      %parallel_loop3A_874 = tpu.vector_load %arg10[%parallel_loop3A_872, %parallel_loop3A_873] {strides = array<i32>} : memref<64x200xi32, #tpu.memory_space<vmem>>, vector<16xi32>,
      %parallel_loop3A_875 = tpu.vector_load_idx %arg8[%parallel_loop3A_874] : memref<112xf32, #tpu.memory_space<vmem>>[vector<16xi32>], vector<16xf32>,
      %parallel_loop3A_876 = arith.index_cast %parallel_loop3A_815 : i32 to index
      %parallel_loop3A_877 = arith.constant 128 : index
      %parallel_loop3A_878 = tpu.vector_load %arg13[%parallel_loop3A_876, %parallel_loop3A_877] {strides = array<i32>} : memref<64x200xf32, #tpu.memory_space<vmem>>, vector<16xf32>,
      tpu.vector_store %arg13[%parallel_loop3A_876, %parallel_loop3A_877], %parallel_loop3A_875 {strides = array<i32>} : memref<64x200xf32, #tpu.memory_space<vmem>>, vector<16xf32>,
      %parallel_loop3A_879 = arith.index_cast %parallel_loop3A_815 : i32 to index
      %parallel_loop3A_880 = arith.constant 144 : index
      %parallel_loop3A_881 = tpu.vector_load %arg10[%parallel_loop3A_879, %parallel_loop3A_880] {strides = array<i32>} : memref<64x200xi32, #tpu.memory_space<vmem>>, vector<16xi32>,
      %parallel_loop3A_882 = tpu.vector_load_idx %arg8[%parallel_loop3A_881] : memref<112xf32, #tpu.memory_space<vmem>>[vector<16xi32>], vector<16xf32>,
      %parallel_loop3A_883 = arith.index_cast %parallel_loop3A_815 : i32 to index
      %parallel_loop3A_884 = arith.constant 144 : index
      %parallel_loop3A_885 = tpu.vector_load %arg13[%parallel_loop3A_883, %parallel_loop3A_884] {strides = array<i32>} : memref<64x200xf32, #tpu.memory_space<vmem>>, vector<16xf32>,
      tpu.vector_store %arg13[%parallel_loop3A_883, %parallel_loop3A_884], %parallel_loop3A_882 {strides = array<i32>} : memref<64x200xf32, #tpu.memory_space<vmem>>, vector<16xf32>,
      %parallel_loop3A_886 = arith.index_cast %parallel_loop3A_815 : i32 to index
      %parallel_loop3A_887 = arith.constant 160 : index
      %parallel_loop3A_888 = tpu.vector_load %arg10[%parallel_loop3A_886, %parallel_loop3A_887] {strides = array<i32>} : memref<64x200xi32, #tpu.memory_space<vmem>>, vector<16xi32>,
      %parallel_loop3A_889 = tpu.vector_load_idx %arg8[%parallel_loop3A_888] : memref<112xf32, #tpu.memory_space<vmem>>[vector<16xi32>], vector<16xf32>,
      %parallel_loop3A_890 = arith.index_cast %parallel_loop3A_815 : i32 to index
      %parallel_loop3A_891 = arith.constant 160 : index
      %parallel_loop3A_892 = tpu.vector_load %arg13[%parallel_loop3A_890, %parallel_loop3A_891] {strides = array<i32>} : memref<64x200xf32, #tpu.memory_space<vmem>>, vector<16xf32>,
      tpu.vector_store %arg13[%parallel_loop3A_890, %parallel_loop3A_891], %parallel_loop3A_889 {strides = array<i32>} : memref<64x200xf32, #tpu.memory_space<vmem>>, vector<16xf32>,
      %parallel_loop3A_893 = arith.index_cast %parallel_loop3A_815 : i32 to index
      %parallel_loop3A_894 = arith.constant 176 : index
      %parallel_loop3A_895 = tpu.vector_load %arg10[%parallel_loop3A_893, %parallel_loop3A_894] {strides = array<i32>} : memref<64x200xi32, #tpu.memory_space<vmem>>, vector<16xi32>,
      %parallel_loop3A_896 = tpu.vector_load_idx %arg8[%parallel_loop3A_895] : memref<112xf32, #tpu.memory_space<vmem>>[vector<16xi32>], vector<16xf32>,
      %parallel_loop3A_897 = arith.index_cast %parallel_loop3A_815 : i32 to index
      %parallel_loop3A_898 = arith.constant 176 : index
      %parallel_loop3A_899 = tpu.vector_load %arg13[%parallel_loop3A_897, %parallel_loop3A_898] {strides = array<i32>} : memref<64x200xf32, #tpu.memory_space<vmem>>, vector<16xf32>,
      tpu.vector_store %arg13[%parallel_loop3A_897, %parallel_loop3A_898], %parallel_loop3A_896 {strides = array<i32>} : memref<64x200xf32, #tpu.memory_space<vmem>>, vector<16xf32>,
      %parallel_loop3A_900 = arith.index_cast %parallel_loop3A_815 : i32 to index
      %parallel_loop3A_901 = arith.constant 184 : index
      %parallel_loop3A_902 = tpu.vector_load %arg10[%parallel_loop3A_900, %parallel_loop3A_901] {strides = array<i32>} : memref<64x200xi32, #tpu.memory_space<vmem>>, vector<16xi32>,
      %parallel_loop3A_903 = tpu.vector_load_idx %arg8[%parallel_loop3A_902] : memref<112xf32, #tpu.memory_space<vmem>>[vector<16xi32>], vector<16xf32>,
      %parallel_loop3A_904 = arith.index_cast %parallel_loop3A_815 : i32 to index
      %parallel_loop3A_905 = arith.constant 184 : index
      %parallel_loop3A_906 = tpu.vector_load %arg13[%parallel_loop3A_904, %parallel_loop3A_905] {strides = array<i32>} : memref<64x200xf32, #tpu.memory_space<vmem>>, vector<16xf32>,
      tpu.vector_store %arg13[%parallel_loop3A_904, %parallel_loop3A_905], %parallel_loop3A_903 {strides = array<i32>} : memref<64x200xf32, #tpu.memory_space<vmem>>, vector<16xf32>,
    } {sc.loop_unroll_factor = 2 : i64, sc.parallel_access}
    %add3A_797 = arith.constant 448 : i32
    %add3A_798 = arith.addi %mul3A_2, %add3A_797 : i32
    %dma_start3A_799 = arith.constant 0 : i32
    %dma_start3A_800 = tpu.memref_slice %arg5[%add3A_798, %dma_start3A_799] : memref<16384x200xf32, #tpu.memory_space<hbm>> -> memref<64x200xf32, #tpu.memory_space<hbm>>
    %dma_start3A_801 = arith.constant 0 : i32
    %dma_start3A_802 = tpu.memref_slice %arg5[%add3A_798, %dma_start3A_801] : memref<16384x200xf32, #tpu.memory_space<hbm>> -> memref<64x200xf32, #tpu.memory_space<hbm>>
    tpu.enqueue_dma source(%arg13 : memref<64x200xf32, #tpu.memory_space<vmem>>) target(%dma_start3A_802 : memref<64x200xf32, #tpu.memory_space<hbm>>) target_semaphore(%arg19 : memref<!tpu.dma_semaphore, #tpu.memory_space<semaphore_mem>>)
    %dma_wait3A_803 = arith.constant 0 : i32
    %dma_wait3A_804 = tpu.memref_slice %arg5[%add3A_798, %dma_wait3A_803] : memref<16384x200xf32, #tpu.memory_space<hbm>> -> memref<64x200xf32, #tpu.memory_space<hbm>>
    %dma_wait3A_805 = arith.constant 0 : i32
    %dma_wait3A_806 = tpu.memref_slice %arg5[%add3A_798, %dma_wait3A_805] : memref<16384x200xf32, #tpu.memory_space<hbm>> -> memref<64x200xf32, #tpu.memory_space<hbm>>
    tpu.wait_dma2 semaphore(%arg19 : memref<!tpu.dma_semaphore, #tpu.memory_space<semaphore_mem>>) src(%arg13 : memref<64x200xf32, #tpu.memory_space<vmem>>) dst(%dma_wait3A_806 : memref<64x200xf32, #tpu.memory_space<hbm>>)
    %dma_wait3A_807 = arith.constant 0 : i32
    %dma_wait3A_808 = tpu.memref_slice %arg5[%add3A_781, %dma_wait3A_807] : memref<16384x200xf32, #tpu.memory_space<hbm>> -> memref<64x200xf32, #tpu.memory_space<hbm>>
    %dma_wait3A_809 = arith.constant 0 : i32
    %dma_wait3A_810 = tpu.memref_slice %arg5[%add3A_781, %dma_wait3A_809] : memref<16384x200xf32, #tpu.memory_space<hbm>> -> memref<64x200xf32, #tpu.memory_space<hbm>>
    tpu.wait_dma2 semaphore(%arg18 : memref<!tpu.dma_semaphore, #tpu.memory_space<semaphore_mem>>) src(%arg12 : memref<64x200xf32, #tpu.memory_space<vmem>>) dst(%dma_wait3A_810 : memref<64x200xf32, #tpu.memory_space<hbm>>)
    %dma_wait3A_811 = arith.constant 0 : i32
    %dma_wait3A_812 = tpu.memref_slice %arg5[%add3A_764, %dma_wait3A_811] : memref<16384x200xf32, #tpu.memory_space<hbm>> -> memref<64x200xf32, #tpu.memory_space<hbm>>
    %dma_wait3A_813 = arith.constant 0 : i32
    %dma_wait3A_814 = tpu.memref_slice %arg5[%add3A_764, %dma_wait3A_813] : memref<16384x200xf32, #tpu.memory_space<hbm>> -> memref<64x200xf32, #tpu.memory_space<hbm>>
    tpu.wait_dma2 semaphore(%arg20 : memref<!tpu.dma_semaphore, #tpu.memory_space<semaphore_mem>>) src(%arg14 : memref<64x200xf32, #tpu.memory_space<vmem>>) dst(%dma_wait3A_814 : memref<64x200xf32, #tpu.memory_space<hbm>>)
    return
  }
}

</mosaic_0001>

<sc_bundles>
// kernel: kernel.3.cloned.1.call-start
scs
__scs_entry_jumppad:
0x0: {  	(pc) =	sbr.rel $0x88, $3  }
0x1: {  	(tag) =	ssettag $0x0;
	lr =	simm.s32 $0x1  }
0x2: {  	[smem:$0x3F9D] =	sst lr;
	_ =	strace $0xD0000000  }
0x3: {  	_ = 	snop  }
0x4: {  	_ = 	snop  }
0x5: {  	_ = 	snop  }
0x6: {  	_ = 	snop  }
0x7: {  	_ = 	snop  }
__scs_overlays_trampoline_lowered:
0x8: {  	[smem:$0x3FAC] =	sst s0  }
0x9: {  	[smem:$0x3FAD] =	sst s1  }
0xa: {  	[smem:$0x3FAE] =	sst s2  }
0xb: {  	[smem:$0x3FAF] =	sst s3  }
0xc: {  	[smem:$0x3FB0] =	sst s4  }
0xd: {  	[smem:$0x3FB1] =	sst s5  }
0xe: {  	[smem:$0x3FB2] =	sst s6  }
0xf: {  	[smem:$0x3FB3] =	sst s7  }
0x10: {  	[smem:$0x3FB4] =	sst s8  }
0x11: {  	[smem:$0x3FB5] =	sst s9;
	s0 =	simm.s32 @!p0 $0x0  }
0x12: {  	s1 =	sld [smem:$0x3F9B];
	s0 =	simm.s32 @p0 $0x1  }
0x13: {  	[smem:$0x3FB6] =	sst s0;
	s0 =	simm.s32 @!p1 $0x0  }
0x14: {  	s2 =	sld [smem:$0x3F9A];
	s0 =	simm.s32 @p1 $0x1  }
0x15: {  	[smem:$0x3FB7] =	sst s0;
	s0 =	simm.s32 @!p2 $0x0  }
0x16: {  	s3 =	sld [smem:$0x3FDB];
	s0 =	simm.s32 @p2 $0x1  }
0x17: {  	s4 =	simm.s32 $0x1BF5;
	[smem:$0x3FB9] =	sst s0  }
0x18: {  	s0 =	sld [smem:$0x3F9C];
	_ =	swait.ge [sflag:s4], $0x0  }
0x19: {  	s7 =	sld [smem:$0x3F9D]  }
0x1a: {  	s8 =	sadd.s32 $0xFFFFE003, lr  }
0x1b: {  	s9 =	sadd.s32 $0xFFFFFEF7, lr;
	s5 =	simm.s32 $0xFFFFFFFF;
	p2 =	slt.u32 s8, $0xFFFFF086  }
0x1c: {  	p1 =	slt.u32 s9, $0xF7A;
	s5 =	simm.s32 @!p2 $0x0  }
0x1d: {  	s5 =	simm.s32 @p1 $0x1;
	p0 =	seq.s32 s7, s2  }
0x1e: {  	s7 =	smul.u32 @!p0 $0xF7A, s2;
	p2 =	seq.s32 @!p0 s5, $0x0  }
0x1f: {  	s9 =	smul.u32 $0xF7A, s1;
	s8 =	simm.s32 @!p0 $0x1BF5;
	p2 =	por !p2, p0  }
0x20: {  	[sflag:s8] =	ssyncset.s32 @!p0 $0xFFFFF086;
	s6 =	sadd.s32 @!p0 s3, s7;
	s7 =	simm.s32 @!p0 $0x108  }
0x21: {  	s3 =	sadd.s32 s3, s9;
	s6 =	sadd.s32 @!p0 $0x88, s6;
	s7 =	simm.s32 @p2 $0x1082  }
0x22: {  	[simem:s7], [sflag:s8] =	dma.local @!p0 [hbm:s6], $0xF7A  }
0x23: {  	s9 =	sor.u32 $0xD0000000, s2;
	s6 =	simm.s32 $0x108;
	_ =	swait.ge @!p0 [sflag:s8], $0x0  }
0x24: {  	s3 =	sadd.s32 $0x88, s3;
	s6 =	simm.s32 @!p1 $0x1082;
	[sflag:s4] =	ssyncset.s32 $0xFFFFF086  }
0x25: {  	[simem:s6], [sflag:s4] =	dma.local [hbm:s3], $0xF7A  }
0x26: {  	[smem:$0x3F9D] =	sst s1;
	(tag) =	ssettag s2;
	_ =	strace s9  }
0x27: {  	s1 =	sld [smem:$0x3FAD]  }
0x28: {  	s2 =	sld [smem:$0x3FAE]  }
0x29: {  	s4 =	sld [smem:$0x3FB0]  }
0x2a: {  	p0 =	seq.s32 s5, $0x0;
	s5 =	sld [smem:$0x3FB1]  }
0x2b: {  	s6 =	sld [smem:$0x3FB2]  }
0x2c: {  	s7 =	sld [smem:$0x3FB3]  }
0x2d: {  	s3 =	simm.s32 $0x108;
	s8 =	sld [smem:$0x3FB4]  }
0x2e: {  	s3 =	simm.s32 @!p0 $0x1082;
	s9 =	sld [smem:$0x3FB5]  }
0x2f: {  	lr =	sadd.s32 s0, s3;
	s0 =	sld [smem:$0x3FAC]  }
0x30: {  	s3 =	sld [smem:$0x3FAF]  }
0x31: {  	[smem:$0x3FB8] =	sst s10  }
0x32: {  	s10 =	sld [smem:$0x3FB6];
	_ =	sdelay $0x3  }
0x33: {  	p0 =	seq.s32 s10, $0x1;
	s10 =	sld [smem:$0x3FB8];
	_ =	sdelay $0x3  }
0x34: {  	[smem:$0x3FB8] =	sst s10  }
0x35: {  	s10 =	sld [smem:$0x3FB7];
	_ =	sdelay $0x3  }
0x36: {  	p1 =	seq.s32 s10, $0x1;
	s10 =	sld [smem:$0x3FB8];
	_ =	sdelay $0x3  }
0x37: {  	[smem:$0x3FB8] =	sst s10  }
0x38: {  	s10 =	sld [smem:$0x3FB9]  }
0x39: {  	_ = 	snop;
	(pc) =	sbr.ind lr, $3  }
0x3a: {  	_ = 	snop  }
0x3b: {  	_ = 	snop  }
0x3c: {  	p2 =	seq.s32 s10, $0x1;
	s10 =	sld [smem:$0x3FB8]  }
0x3d: {  	_ =	shalt  }
0x3e: {  	_ =	shalt  }
0x3f: {  	_ =	shalt  }
0x40: {  	_ =	shalt  }
0x41: {  	_ =	shalt  }
0x42: {  	_ =	shalt  }
0x43: {  	_ =	shalt  }
0x44: {  	_ =	shalt  }
0x45: {  	_ =	shalt  }
0x46: {  	_ =	shalt  }
0x47: {  	_ =	shalt  }
0x48: {  	_ =	shalt  }
0x49: {  	_ =	shalt  }
0x4a: {  	_ =	shalt  }
0x4b: {  	_ =	shalt  }
0x4c: {  	_ =	shalt  }
0x4d: {  	_ =	shalt  }
0x4e: {  	_ =	shalt  }
0x4f: {  	_ =	shalt  }
0x50: {  	_ =	shalt  }
0x51: {  	_ =	shalt  }
0x52: {  	_ =	shalt  }
0x53: {  	_ =	shalt  }
0x54: {  	_ =	shalt  }
0x55: {  	_ =	shalt  }
0x56: {  	_ =	shalt  }
0x57: {  	_ =	shalt  }
0x58: {  	_ =	shalt  }
0x59: {  	_ =	shalt  }
0x5a: {  	_ =	shalt  }
0x5b: {  	_ =	shalt  }
0x5c: {  	_ =	shalt  }
0x5d: {  	_ =	shalt  }
0x5e: {  	_ =	shalt  }
0x5f: {  	_ =	shalt  }
0x60: {  	_ =	shalt  }
0x61: {  	_ =	shalt  }
0x62: {  	_ =	shalt  }
0x63: {  	_ =	shalt  }
0x64: {  	_ =	shalt  }
0x65: {  	_ =	shalt  }
0x66: {  	_ =	shalt  }
0x67: {  	_ =	shalt  }
0x68: {  	_ =	shalt  }
0x69: {  	_ =	shalt  }
0x6a: {  	_ =	shalt  }
0x6b: {  	_ =	shalt  }
0x6c: {  	_ =	shalt  }
0x6d: {  	_ =	shalt  }
0x6e: {  	_ =	shalt  }
0x6f: {  	_ =	shalt  }
0x70: {  	_ =	shalt  }
0x71: {  	_ =	shalt  }
0x72: {  	_ =	shalt  }
0x73: {  	_ =	shalt  }
0x74: {  	_ =	shalt  }
0x75: {  	_ =	shalt  }
0x76: {  	_ =	shalt  }
0x77: {  	_ =	shalt  }
0x78: {  	_ =	shalt  }
0x79: {  	_ =	shalt  }
0x7a: {  	_ =	shalt  }
0x7b: {  	_ =	shalt  }
0x7c: {  	_ =	shalt  }
0x7d: {  	_ =	shalt  }
0x7e: {  	_ =	shalt  }
0x7f: {  	_ =	shalt  }
0x80: {  	_ =	shalt  }
0x81: {  	_ =	shalt  }
0x82: {  	_ =	shalt  }
0x83: {  	_ =	shalt  }
0x84: {  	_ =	shalt  }
0x85: {  	_ =	shalt  }
0x86: {  	_ =	shalt  }
0x87: {  	_ =	shalt  }
.Lfunc_end0:
.L_simem_size_0:
called_computation_lowered:
.L_overlay_start_0:
0x88: {  	s2 =	sld [smem:$0x3FD9]  }
0x89: {  	s3 =	sld [smem:$0x3FFE];
	_ =	sdelay $0x1  }
0x8a: {  	s1 =	srdreg.scid  }
0x8b: {  	s0 =	sand.u32 $0x1, s1  }
0x8c: {  	s17 =	sshll.u32 s0, $0xA;
	s2 =	sadd.s32 s3, s2  }
0x8d: {  	s2 =	sadd.s32 s2, s17  }
0x8e: {  	[smem:$0x3FC4] =	sst s2  }
0x8f: {  	_ = 	snop  }
0x90: {  	s2 =	sld [smem:$0x3FD0];
	(tm) =	ssettm $0x1  }
0x91: {  	s18 =	sld [smem:$0x3FFB];
	_ =	sdelay $0x3  }
0x92: {  	_ =	strace s18  }
0x93: {  	s3 =	sld [smem:$0x3FFC];
	_ =	sdelay $0x3  }
0x94: {  	_ =	strace s3  }
0x95: {  	s3 =	sld [smem:$0x3FFD];
	_ =	sdelay $0x3  }
0x96: {  	_ =	strace s3  }
0x97: {  	_ =	strace $0x8FFFFFFF  }
0x98: {  	s19 =	sld [smem:$0x3FDB];
	_ =	sdelay $0x1  }
0x99: {  	s4 =	simm.s32 $_scs_section_size  }
0x9a: {  	s5 =	simm.s32 $_size__tile_overlayer_lowered;
	s6 =	simm.s32 $_tile_overlayer_lowered  }
0x9b: {  	s22 =	simm.s32 $0x1BFF;
	s21 =	sshll.u32 s6, $0x1;
	s3 =	sadd.s32 s4, s19  }
0x9c: {  	s7 =	simm.s32 $0x0;
	s20 =	sshll.u32 s5, $0x1;
	s5 =	sadd.s32 s21, s3  }
0x9d: {  	[timem:s7], [sflag:s22] =	dma.local [hbm:s5], s20  }
0x9e: {  	_ =	swait.ge [sflag:s22], s20  }
0x9f: {  	s4 =	ssub.s32 $0x0, s20;
	[sflag:s22] =	ssyncset.done $0x0  }
0xa0: {  	[sflag:s22] =	ssyncadd.s32 s4;
	_ =	sdelay $0x1  }
0xa1: {  	s23 =	simm.s32 $0x1B8B  }
0xa2: {  	_ =	swait.ge [sflag:s23], $0x1  }
0xa3: {  	[sflag:s23] =	ssyncset.done $0x0  }
0xa4: {  	s25 =	simm.s32 $0x1B8E;
	s24 =	sld [smem:$0x3FFE];
	[sflag:s23] =	ssyncadd.s32 $0xFFFFFFFF  }
0xa5: {  	s26 =	simm.s32 $execute0_lowered;
	[smem:$0x3FD2] =	sst s25  }
0xa6: {  	s5 =	sshll.u32 s26, $0x1;
	_ =	strace $0x80000046;
	[dreg:$0x1] =	wrdreg $0xFFFFFFFF  }
0xa7: {  	s28 =	simm.s32 $_size_execute0_lowered;
	s3 =	sadd.s32 s3, s5;
	[dreg:$0x0] =	wrdreg $0x0  }
0xa8: {  	s5 =	sshll.u32 s28, $0x1;
	[dreg:$0x2] =	wrdreg s3  }
0xa9: {  	[dreg:$0x3] =	wrdreg s5  }
0xaa: {  	[dreg:$0x4] =	wrdreg $0xC0  }
0xab: {  	_ =	task [dreg:s7], $0x5FFFF  }
0xac: {  	[dreg:$0x1] =	wrdreg $0xFFFFFFFF  }
0xad: {  	[dreg:$0x0] =	wrdreg $0x60  }
0xae: {  	[dreg:$0x2] =	wrdreg s24  }
0xaf: {  	[dreg:$0x3] =	wrdreg s2  }
0xb0: {  	[dreg:$0x4] =	wrdreg $0x9  }
0xb1: {  	_ =	task.clear_ibuf [dreg:s7], $0x5FFFF;
	_ =	strace $0x90000046  }
0xb2: {  	s29 =	simm.s32 $0x9;
	_ =	strace $0x80000048  }
0xb3: {  	_ =	swait.ge [sflag:s29], $0x1  }
0xb4: {  	[sflag:s29] =	ssyncadd.s32 $0xFFFFFFFF  }
0xb5: {  	_ =	strace $0x90000048  }
0xb6: {  	_ =	sfence  }
0xb7: {  	s30 =	sld [smem:$0x0];
	_ =	sdelay $0x2  }
0xb8: {  	s31 =	sshll.u32 s1, $0xD;
	s1 =	sshrl.u32 s1, $0x2  }
0xb9: {  	s3 =	sand.u32 $0x4000, s31;
	s1 =	sadd.s32 s1, s30  }
0xba: {  	s0 =	sor.u32 s3, s0;
	s1 =	sshll.u32 s1, $0x11  }
0xbb: {  	s0 =	sor.u32 s1, s0  }
0xbc: {  	s0 =	sadd.s32 $0x8F2B, s0  }
0xbd: {  	[sflag:s0] =	ssyncadd.remote.s32 $0x1  }
0xbe: {  	_ =	sfence.sel $0xFFFF  }
0xbf: {  	[dreg:$0x0] =	wrdreg $0xFFFFFFFF;
	(pc) =	sbr.abs _section_cstart, $3  }
0xc0: {  	[dreg:$0x1] =	wrdreg $0xFFFFFFFF  }
0xc1: {  	_ =	task.clear_ibuf [dreg:s7], $0x2FFFF;
	_ =	strace $0x9FFFFFFF  }
0xc2: {  	(tm) =	ssettm $0x7FFFFFFF  }
0xc3: {  	_ =	shalt  }
tec
execute0_lowered:
.L_overlay_start_1:
0x0: {  	(tag) =	ssettag $0x1  }
0x1: {  	v0 =	vlaneseq.u32  }
0x2: {  	v0 =	vmul.u32 $0x80, v0;
	_ =	sdelay $0x1  }
0x3: {  	v3 =	vor.u32 $0x1, v0  }
0x4: {  	[tilespmem:$0x1FDD0] =	vst v3;
	v3 =	vor.u32 $0x2, v0  }
0x5: {  	[tilespmem:$0x1FDE0] =	vst v3;
	v3 =	vor.u32 $0x3, v0  }
0x6: {  	[tilespmem:$0x1FDF0] =	vst v3;
	v3 =	vor.u32 $0x4, v0  }
0x7: {  	[tilespmem:$0x1FE00] =	vst v3;
	v3 =	vor.u32 $0x5, v0  }
0x8: {  	[tilespmem:$0x1FE10] =	vst v3;
	v3 =	vor.u32 $0x6, v0  }
0x9: {  	[tilespmem:$0x1FE20] =	vst v3;
	v3 =	vor.u32 $0x7, v0  }
0xa: {  	[tilespmem:$0x1FE30] =	vst v3;
	v3 =	vor.u32 $0x8, v0  }
0xb: {  	[tilespmem:$0x1FE40] =	vst v3;
	v3 =	vor.u32 $0x9, v0  }
0xc: {  	[tilespmem:$0x1FE50] =	vst v3;
	v3 =	vor.u32 $0x800, v0  }
0xd: {  	[tilespmem:$0x1FE60] =	vst v3;
	v3 =	vor.u32 $0x801, v0  }
0xe: {  	[tilespmem:$0x1FE70] =	vst v3;
	v3 =	vor.u32 $0x802, v0  }
0xf: {  	[tilespmem:$0x1FE80] =	vst v3;
	v3 =	vor.u32 $0x803, v0  }
0x10: {  	[tilespmem:$0x1FE90] =	vst v3;
	v3 =	vor.u32 $0x804, v0  }
0x11: {  	[tilespmem:$0x1FEA0] =	vst v3;
	v3 =	vor.u32 $0x805, v0  }
0x12: {  	[tilespmem:$0x1FEB0] =	vst v3;
	v3 =	vor.u32 $0x806, v0  }
0x13: {  	[tilespmem:$0x1FEC0] =	vst v3;
	v3 =	vor.u32 $0x807, v0  }
0x14: {  	[tilespmem:$0x1FED0] =	vst v3;
	v3 =	vor.u32 $0x808, v0  }
0x15: {  	[tilespmem:$0x1FEE0] =	vst v3;
	v3 =	vor.u32 $0x809, v0  }
0x16: {  	[tilespmem:$0x1FEF0] =	vst v3;
	v3 =	vor.u32 $0x1000, v0  }
0x17: {  	[tilespmem:$0x1FF00] =	vst v3;
	v3 =	vor.u32 $0x1001, v0  }
0x18: {  	[tilespmem:$0x1FF10] =	vst v3;
	v3 =	vor.u32 $0x1002, v0  }
0x19: {  	[tilespmem:$0x1FF20] =	vst v3;
	v3 =	vor.u32 $0x1003, v0  }
0x1a: {  	[tilespmem:$0x1FF30] =	vst v3;
	v3 =	vor.u32 $0x1004, v0  }
0x1b: {  	[tilespmem:$0x1FF40] =	vst v3;
	v3 =	vor.u32 $0x1005, v0  }
0x1c: {  	v1 =	vimm.s32 $0xB;
	v2 =	vimm.s32 $0x1;
	[tilespmem:$0x1FF50] =	vst v3;
	v3 =	vor.u32 $0x1006, v0  }
0x1d: {  	v4 =	vimm.s32 $0x2;
	v6 =	vimm.s32 $0x3;
	[tilespmem:$0x1FF60] =	vst v3;
	v3 =	vor.u32 $0x1007, v0  }
0x1e: {  	v8 =	vimm.s32 $0x4;
	v10 =	vimm.s32 $0x5;
	[tilespmem:$0x1FF70] =	vst v3;
	v3 =	vor.u32 $0x1008, v0  }
0x1f: {  	v12 =	vimm.s32 $0x6;
	v14 =	vimm.s32 $0x7;
	[tilespmem:$0x1FF80] =	vst v3;
	v3 =	vor.u32 $0x1009, v0  }
0x20: {  	v16 =	vimm.s32 $0x8;
	v18 =	vimm.s32 $0x9;
	[tilespmem:$0x1FF90] =	vst v3;
	v3 =	vor.u32 $0x1800, v0  }
0x21: {  	v20 =	vimm.s32 $0xA;
	s0 =	rddreg [dreg:$0x0];
	s2 =	simm.s32 $0x0;
	vm1 =	vcmask $0x300;
	[tilespmem:$0x1FFA0] =	vst v3;
	v3 =	vor.u32 $0x1801, v0  }
0x22: {  	s1 =	srdreg.scid;
	vm0 =	vcmask $0x704;
	s5 =	stileid.u32;
	vm2 =	vcmask $0xB08;
	s28 =	simm.s32 $0x1;
	[tilespmem:$0x1FFB0] =	vst v3;
	v3 =	vor.u32 $0x1802, v0  }
0x23: {  	v5 =	vimm.s32 $0x3182;
	v7 =	vimm.s32 $0x3183;
	s29 =	simm.s32 $0x3480;
	s30 =	simm.s32 $0xF500;
	s31 =	simm.s32 $0x2;
	[tilespmem:$0x1FFC0] =	vst v3;
	v3 =	vor.u32 $0x1803, v0  }
0x24: {  	[smem:$0x7FF] =	sst s2;
	s3 =	sadd.s32 $0x600, s0;
	s1 =	sand.u32 $0x1, s1;
	v5 =	vsel vm1, $0x3002, v5;
	v7 =	vsel vm1, $0x3003, v7;
	[tilespmem:$0x1FFD0] =	vst v3;
	v3 =	vor.u32 $0x1804, v0  }
0x25: {  	s5 =	sshll.u32 s5, $0xF;
	s4 =	ssub.s32 $0x2, s1;
	s1 =	sshll.u32 s1, $0xE;
	v47 =	vor.u32 $0x1806, v0;
	v48 =	vor.u32 $0x1807, v0;
	[tilespmem:$0x1FFE0] =	vst v3;
	v3 =	vor.u32 $0x1805, v0  }
0x26: {  	s6 =	sadd.s32 $0x80600, s0;
	v49 =	vor.u32 $0x1808, v0;
	v50 =	vor.u32 $0x1809, v0;
	s16 =	sshrl.u32 s4, $0x1;
	s1 =	sor.u32 s1, s5;
	[tilespmem:$0x1FFF0] =	vst v3;
	v3 =	vimm.s32 $0x3180  }
0x27: {  	s0 =	sadd.s32 $0x80800, s0;
	v51 =	vor.u32 $0x2000, v0;
	v52 =	vor.u32 $0x2001, v0;
	s4 =	ssub.s32 s4, s16;
	s5 =	sor.u32 $0x800, s1;
	v3 =	vsel vm1, $0x3000, v3  }
0x28: {  	v53 =	vor.u32 $0x2002, v0;
	v9 =	vor.u32 $0x2006, v0;
	s17 =	sadd.s32 s3, s1;
	s19 =	sor.u32 $0x1000, s1;
	s20 =	sadd.s32 s0, s1;
	v3 =	vsel vm0, $0x3080, v3  }
0x29: {  	v11 =	vor.u32 $0x2007, v0;
	s21 =	sor.u32 $0x1800, s1;
	_ =	strace $0x80000047;
	[dreg:$0x3] =	wrdreg s6;
	v54 =	vsel vm2, $0x3100, v3;
	v3 =	vimm.s32 $0x3181  }
0x2a: {  	v13 =	vor.u32 $0x2008, v0;
	v15 =	vor.u32 $0x2009, v0;
	s22 =	sor.u32 $0x2000, s1;
	s18 =	sadd.s32 s3, s5;
	[dreg:$0x4] =	wrdreg s17;
	v3 =	vsel vm1, $0x3001, v3  }
0x2b: {  	v17 =	vor.u32 $0x2800, v0;
	v19 =	vor.u32 $0x2801, v0;
	s24 =	sor.u32 $0x2800, s1;
	s7 =	sadd.s32 s3, s19;
	[dreg:$0x5] =	wrdreg s18;
	v3 =	vsel vm0, $0x3081, v3  }
0x2c: {  	v21 =	vor.u32 $0x2802, v0;
	s26 =	sor.u32 $0x3000, s1;
	s1 =	sor.u32 $0x3800, s1;
	[dreg:$0x6] =	wrdreg s7;
	v55 =	vsel vm2, $0x3101, v3;
	v3 =	vsel vm0, $0x3082, v5  }
0x2d: {  	s8 =	sadd.s32 s3, s21;
	s5 =	sadd.s32 s0, s5;
	[dreg:$0x7] =	wrdreg s20;
	v5 =	vsel vm0, $0x3083, v7;
	v56 =	vsel vm2, $0x3102, v3;
	v3 =	vimm.s32 $0x3184  }
0x2e: {  	s23 =	sadd.s32 s3, s22;
	s25 =	sadd.s32 s3, s24;
	[dreg:$0x8] =	wrdreg s8;
	v57 =	vsel vm2, $0x3103, v5;
	v5 =	vimm.s32 $0x3185;
	v3 =	vsel vm1, $0x3004, v3  }
0x2f: {  	s15 =	sadd.s32 s3, s26;
	s16 =	sadd.s32 s0, s22;
	[dreg:$0x9] =	wrdreg s5;
	v7 =	vimm.s32 $0x3186;
	v5 =	vsel vm1, $0x3005, v5;
	v3 =	vsel vm0, $0x3084, v3  }
0x30: {  	s22 =	simm.s32 $0x3500;
	[dreg:$0xa] =	wrdreg s23;
	s6 =	sadd.s32 s0, s19;
	v7 =	vsel vm1, $0x3006, v7;
	v58 =	vsel vm2, $0x3104, v3;
	v3 =	vsel vm0, $0x3085, v5  }
0x31: {  	[dreg:$0xc] =	wrdreg s25;
	s7 =	sadd.s32 s0, s21;
	s17 =	sadd.s32 s3, s1;
	v5 =	vsel vm0, $0x3086, v7;
	v59 =	vsel vm2, $0x3105, v3;
	v3 =	vimm.s32 $0x3187  }
0x32: {  	s18 =	sadd.s32 s0, s24;
	s19 =	sadd.s32 s0, s26;
	s20 =	sadd.s32 s0, s1;
	v60 =	vsel vm2, $0x3106, v5;
	v5 =	vimm.s32 $0x3188;
	v3 =	vsel vm1, $0x3007, v3  }
0x33: {  	s21 =	smax.u32 s4, $0x1;
	s23 =	simm.s32 $0x7500;
	s24 =	simm.s32 $0x7;
	v7 =	vimm.s32 $0x3189;
	v5 =	vsel vm1, $0x3008, v5;
	v3 =	vsel vm0, $0x3087, v3  }
0x34: {  	s25 =	simm.s32 $0x3400;
	s0 =	simm.s32 $0x13500;
	s3 =	simm.s32 $0x3;
	v7 =	vsel vm1, $0x3009, v7;
	v61 =	vsel vm2, $0x3107, v3;
	v3 =	vsel vm0, $0x3088, v5  }
0x35: {  	s4 =	simm.s32 $0x4;
	s26 =	simm.s32 $0x5;
	[dreg:$0xb] =	wrdreg s6;
	v5 =	vsel vm0, $0x3089, v7;
	v7 =	vor.u32 $0x2005, v0;
	v62 =	vsel vm2, $0x3108, v3  }
0x36: {  	s5 =	simm.s32 $0x6;
	[dreg:$0xd] =	wrdreg s7;
	s6 =	simm.s32 $0x0;
	v63 =	vsel vm2, $0x3109, v5;
	v3 =	vor.u32 $0x2003, v0;
	v5 =	vor.u32 $0x2004, v0  }
.LBB2_1:
0x37: {  	s1 =	rddreg [dreg:$0x4]  }
0x38: {  	[tilespmem:s22], [sflag:$0x1] =	stream.linear.gather [hbm4b:s1+s2], $0x4000, $0x38;
	[tilespmem:$0x1B500] =	vst v63  }
0x39: {  	s14 =	rddreg [dreg:$0x5]  }
0x3a: {  	[tilespmem:s23], [sflag:$0x2] =	stream.linear.gather [hbm4b:s14+s2], $0x4000, $0x38;
	[tilespmem:$0x1B500] =	vst v63  }
0x3b: {  	s7 =	rddreg [dreg:$0x1]  }
0x3c: {  	[tilespmem:s2], [sflag:$0x7] =	stream.linear.gather [hbm4b:s7+s2], $0x3200, $0x38;
	[tilespmem:$0x1B500] =	vst v63  }
0x3d: {  	_ =	swait.ge [sflag:s24], $0x3200  }
0x3e: {  	[sflag:s24] =	ssyncset.done $0x0  }
0x3f: {  	s8 =	rddreg [dreg:$0x3];
	[sflag:s24] =	ssyncadd.s32 $0xFFFFCE00  }
0x40: {  	[tilespmem:s25], [sflag:$0x7] =	stream.linear.gather [hbm4b:s8+s2], $0x80, $0x38;
	[tilespmem:$0x1B500] =	vst v63  }
0x41: {  	_ =	swait.ge [sflag:s24], $0x80  }
0x42: {  	[sflag:s24] =	ssyncset.done $0x0  }
0x43: {  	[sflag:s24] =	ssyncadd.s32 $0xFFFFFF80  }
0x44: {  	v23 =	vld.idx.msk [tilespmem:v0+s2+$0x0], $0xffff  }
0x45: {  	v24 =	vld.idx.msk [tilespmem:v2+s25+$0x0], $0xffff  }
0x46: {  	v25 =	vld [tilespmem:$0x1FDD0];
	_ =	sdelay $0x1  }
0x47: {  	v27 =	vld [tilespmem:$0x1FDE0];
	_ =	sdelay $0x1  }
0x48: {  	v23 =	vmul.f32 v24, v23;
	v24 =	vld [tilespmem:$0x1FDF0];
	_ =	sdelay $0x1  }
0x49: {  	v22 =	vld.idx.msk [tilespmem:v1+s25+$0x0], $0xffff  }
0x4a: {  	v26 =	vld.idx.msk [tilespmem:v4+s25+$0x0], $0xffff  }
0x4b: {  	v25 =	vld.idx.msk [tilespmem:v25+s2+$0x0], $0xffff  }
0x4c: {  	v28 =	vld.idx.msk [tilespmem:v6+s25+$0x0], $0xffff  }
0x4d: {  	v27 =	vld.idx.msk [tilespmem:v27+s2+$0x0], $0xffff  }
0x4e: {  	v29 =	vld.idx.msk [tilespmem:v8+s25+$0x0], $0xffff  }
0x4f: {  	v24 =	vld.idx.msk [tilespmem:v24+s2+$0x0], $0xffff  }
0x50: {  	v22 =	vadd.f32 v23, v22;
	v23 =	vmul.f32 v26, v25;
	v25 =	vld [tilespmem:$0x1FE00];
	_ =	sdelay $0x1  }
0x51: {  	v22 =	vadd.f32 v23, v22;
	v23 =	vmul.f32 v28, v27;
	v27 =	vld [tilespmem:$0x1FE10];
	_ =	sdelay $0x1  }
0x52: {  	v22 =	vadd.f32 v23, v22;
	v23 =	vmul.f32 v29, v24;
	v24 =	vld [tilespmem:$0x1FE20];
	_ =	sdelay $0x2  }
0x53: {  	v26 =	vld.idx.msk [tilespmem:v10+s25+$0x0], $0xffff  }
0x54: {  	v25 =	vld.idx.msk [tilespmem:v25+s2+$0x0], $0xffff  }
0x55: {  	v28 =	vld.idx.msk [tilespmem:v12+s25+$0x0], $0xffff  }
0x56: {  	v27 =	vld.idx.msk [tilespmem:v27+s2+$0x0], $0xffff  }
0x57: {  	v29 =	vld.idx.msk [tilespmem:v14+s25+$0x0], $0xffff  }
0x58: {  	v24 =	vld.idx.msk [tilespmem:v24+s2+$0x0], $0xffff  }
0x59: {  	v22 =	vadd.f32 v23, v22;
	v23 =	vmul.f32 v26, v25;
	v25 =	vld [tilespmem:$0x1FE30];
	_ =	sdelay $0x1  }
0x5a: {  	v22 =	vadd.f32 v23, v22;
	v23 =	vmul.f32 v28, v27;
	v27 =	vld [tilespmem:$0x1FE40];
	_ =	sdelay $0x1  }
0x5b: {  	v22 =	vadd.f32 v23, v22;
	v23 =	vmul.f32 v29, v24;
	v24 =	vld [tilespmem:$0x1FE50];
	_ =	sdelay $0x2  }
0x5c: {  	v26 =	vld.idx.msk [tilespmem:v16+s25+$0x0], $0xffff  }
0x5d: {  	v25 =	vld.idx.msk [tilespmem:v25+s2+$0x0], $0xffff  }
0x5e: {  	v28 =	vld.idx.msk [tilespmem:v18+s25+$0x0], $0xffff  }
0x5f: {  	v27 =	vld.idx.msk [tilespmem:v27+s2+$0x0], $0xffff  }
0x60: {  	v29 =	vld.idx.msk [tilespmem:v20+s25+$0x0], $0xffff  }
0x61: {  	v24 =	vld.idx.msk [tilespmem:v24+s2+$0x0], $0xffff  }
0x62: {  	v22 =	vadd.f32 v23, v22;
	v23 =	vmul.f32 v26, v25;
	_ =	sdelay $0x1  }
0x63: {  	v22 =	vadd.f32 v23, v22;
	v23 =	vmul.f32 v28, v27;
	_ =	sdelay $0x1  }
0x64: {  	v22 =	vadd.f32 v23, v22;
	v23 =	vmul.f32 v29, v24;
	_ =	sdelay $0x1  }
0x65: {  	v22 =	vadd.f32 v23, v22;
	v23 =	vld [tilespmem:$0x1FE60];
	_ =	sdelay $0x5  }
0x66: {  	v25 =	vld [tilespmem:$0x1FE70];
	[tilespmem:$0x3480] =	vst v22  }
0x67: {  	v24 =	vld.idx.msk [tilespmem:v2+s25+$0x0], $0xffff  }
0x68: {  	v23 =	vld.idx.msk [tilespmem:v23+s2+$0x0], $0xffff;
	_ =	sdelay $0x1  }
0x69: {  	v27 =	vld [tilespmem:$0x1FE80];
	_ =	sdelay $0x2  }
0x6a: {  	v23 =	vmul.f32 v24, v23;
	v24 =	vld [tilespmem:$0x1FE90];
	_ =	sdelay $0x1  }
0x6b: {  	v22 =	vld.idx.msk [tilespmem:v1+s25+$0x0], $0xffff  }
0x6c: {  	v25 =	vld.idx.msk [tilespmem:v25+s2+$0x0], $0xffff  }
0x6d: {  	v26 =	vld.idx.msk [tilespmem:v4+s25+$0x0], $0xffff  }
0x6e: {  	v27 =	vld.idx.msk [tilespmem:v27+s2+$0x0], $0xffff  }
0x6f: {  	v28 =	vld.idx.msk [tilespmem:v6+s25+$0x0], $0xffff  }
0x70: {  	v29 =	vld.idx.msk [tilespmem:v8+s25+$0x0], $0xffff  }
0x71: {  	v24 =	vld.idx.msk [tilespmem:v24+s2+$0x0], $0xffff  }
0x72: {  	v22 =	vadd.f32 v23, v22;
	v23 =	vmul.f32 v26, v25;
	v25 =	vld [tilespmem:$0x1FEA0];
	_ =	sdelay $0x1  }
0x73: {  	v22 =	vadd.f32 v23, v22;
	v23 =	vmul.f32 v28, v27;
	v27 =	vld [tilespmem:$0x1FEB0];
	_ =	sdelay $0x1  }
0x74: {  	v22 =	vadd.f32 v23, v22;
	v23 =	vmul.f32 v29, v24;
	v24 =	vld [tilespmem:$0x1FEC0];
	_ =	sdelay $0x2  }
0x75: {  	v26 =	vld.idx.msk [tilespmem:v10+s25+$0x0], $0xffff  }
0x76: {  	v25 =	vld.idx.msk [tilespmem:v25+s2+$0x0], $0xffff  }
0x77: {  	v28 =	vld.idx.msk [tilespmem:v12+s25+$0x0], $0xffff  }
0x78: {  	v27 =	vld.idx.msk [tilespmem:v27+s2+$0x0], $0xffff  }
0x79: {  	v29 =	vld.idx.msk [tilespmem:v14+s25+$0x0], $0xffff  }
0x7a: {  	v24 =	vld.idx.msk [tilespmem:v24+s2+$0x0], $0xffff  }
0x7b: {  	v22 =	vadd.f32 v23, v22;
	v23 =	vmul.f32 v26, v25;
	v25 =	vld [tilespmem:$0x1FED0];
	_ =	sdelay $0x1  }
0x7c: {  	v22 =	vadd.f32 v23, v22;
	v23 =	vmul.f32 v28, v27;
	v27 =	vld [tilespmem:$0x1FEE0];
	_ =	sdelay $0x1  }
0x7d: {  	v22 =	vadd.f32 v23, v22;
	v23 =	vmul.f32 v29, v24;
	v24 =	vld [tilespmem:$0x1FEF0];
	_ =	sdelay $0x2  }
0x7e: {  	v26 =	vld.idx.msk [tilespmem:v16+s25+$0x0], $0xffff  }
0x7f: {  	v25 =	vld.idx.msk [tilespmem:v25+s2+$0x0], $0xffff  }
0x80: {  	v28 =	vld.idx.msk [tilespmem:v18+s25+$0x0], $0xffff  }
0x81: {  	v27 =	vld.idx.msk [tilespmem:v27+s2+$0x0], $0xffff  }
0x82: {  	v29 =	vld.idx.msk [tilespmem:v20+s25+$0x0], $0xffff  }
0x83: {  	v24 =	vld.idx.msk [tilespmem:v24+s2+$0x0], $0xffff  }
0x84: {  	v22 =	vadd.f32 v23, v22;
	v23 =	vmul.f32 v26, v25;
	_ =	sdelay $0x1  }
0x85: {  	v22 =	vadd.f32 v23, v22;
	v23 =	vmul.f32 v28, v27;
	_ =	sdelay $0x1  }
0x86: {  	v22 =	vadd.f32 v23, v22;
	v23 =	vmul.f32 v29, v24;
	_ =	sdelay $0x1  }
0x87: {  	v22 =	vadd.f32 v23, v22;
	v23 =	vld [tilespmem:$0x1FF00];
	_ =	sdelay $0x5  }
0x88: {  	v25 =	vld [tilespmem:$0x1FF10];
	[tilespmem:$0x3490] =	vst v22  }
0x89: {  	v24 =	vld.idx.msk [tilespmem:v2+s25+$0x0], $0xffff  }
0x8a: {  	v23 =	vld.idx.msk [tilespmem:v23+s2+$0x0], $0xffff;
	_ =	sdelay $0x1  }
0x8b: {  	v27 =	vld [tilespmem:$0x1FF20];
	_ =	sdelay $0x2  }
0x8c: {  	v23 =	vmul.f32 v24, v23;
	v24 =	vld [tilespmem:$0x1FF30];
	_ =	sdelay $0x1  }
0x8d: {  	v22 =	vld.idx.msk [tilespmem:v1+s25+$0x0], $0xffff  }
0x8e: {  	v25 =	vld.idx.msk [tilespmem:v25+s2+$0x0], $0xffff  }
0x8f: {  	v26 =	vld.idx.msk [tilespmem:v4+s25+$0x0], $0xffff  }
0x90: {  	v27 =	vld.idx.msk [tilespmem:v27+s2+$0x0], $0xffff  }
0x91: {  	v28 =	vld.idx.msk [tilespmem:v6+s25+$0x0], $0xffff  }
0x92: {  	v29 =	vld.idx.msk [tilespmem:v8+s25+$0x0], $0xffff  }
0x93: {  	v24 =	vld.idx.msk [tilespmem:v24+s2+$0x0], $0xffff  }
0x94: {  	v22 =	vadd.f32 v23, v22;
	v23 =	vmul.f32 v26, v25;
	v25 =	vld [tilespmem:$0x1FF40];
	_ =	sdelay $0x1  }
0x95: {  	v22 =	vadd.f32 v23, v22;
	v23 =	vmul.f32 v28, v27;
	v27 =	vld [tilespmem:$0x1FF50];
	_ =	sdelay $0x1  }
0x96: {  	v22 =	vadd.f32 v23, v22;
	v23 =	vmul.f32 v29, v24;
	v24 =	vld [tilespmem:$0x1FF60];
	_ =	sdelay $0x2  }
0x97: {  	v26 =	vld.idx.msk [tilespmem:v10+s25+$0x0], $0xffff  }
0x98: {  	v25 =	vld.idx.msk [tilespmem:v25+s2+$0x0], $0xffff  }
0x99: {  	v28 =	vld.idx.msk [tilespmem:v12+s25+$0x0], $0xffff  }
0x9a: {  	v27 =	vld.idx.msk [tilespmem:v27+s2+$0x0], $0xffff  }
0x9b: {  	v29 =	vld.idx.msk [tilespmem:v14+s25+$0x0], $0xffff  }
0x9c: {  	v24 =	vld.idx.msk [tilespmem:v24+s2+$0x0], $0xffff  }
0x9d: {  	v22 =	vadd.f32 v23, v22;
	v23 =	vmul.f32 v26, v25;
	v25 =	vld [tilespmem:$0x1FF70];
	_ =	sdelay $0x1  }
0x9e: {  	v22 =	vadd.f32 v23, v22;
	v23 =	vmul.f32 v28, v27;
	v27 =	vld [tilespmem:$0x1FF80];
	_ =	sdelay $0x1  }
0x9f: {  	v22 =	vadd.f32 v23, v22;
	v23 =	vmul.f32 v29, v24;
	v24 =	vld [tilespmem:$0x1FF90];
	_ =	sdelay $0x2  }
0xa0: {  	v26 =	vld.idx.msk [tilespmem:v16+s25+$0x0], $0xffff  }
0xa1: {  	v25 =	vld.idx.msk [tilespmem:v25+s2+$0x0], $0xffff  }
0xa2: {  	v28 =	vld.idx.msk [tilespmem:v18+s25+$0x0], $0xffff  }
0xa3: {  	v27 =	vld.idx.msk [tilespmem:v27+s2+$0x0], $0xffff  }
0xa4: {  	v29 =	vld.idx.msk [tilespmem:v20+s25+$0x0], $0xffff  }
0xa5: {  	v24 =	vld.idx.msk [tilespmem:v24+s2+$0x0], $0xffff  }
0xa6: {  	v22 =	vadd.f32 v23, v22;
	v23 =	vmul.f32 v26, v25;
	_ =	sdelay $0x1  }
0xa7: {  	v22 =	vadd.f32 v23, v22;
	v23 =	vmul.f32 v28, v27;
	_ =	sdelay $0x1  }
0xa8: {  	v22 =	vadd.f32 v23, v22;
	v23 =	vmul.f32 v29, v24;
	_ =	sdelay $0x1  }
0xa9: {  	v22 =	vadd.f32 v23, v22;
	v23 =	vld [tilespmem:$0x1FFA0]  }
0xaa: {  	v25 =	vld [tilespmem:$0x1FFB0];
	_ =	sdelay $0x1  }
0xab: {  	v27 =	vld [tilespmem:$0x1FFC0];
	_ =	sdelay $0x1  }
0xac: {  	[tilespmem:$0x34A0] =	vst v22  }
0xad: {  	v22 =	vld.idx.msk [tilespmem:v1+s25+$0x0], $0xffff  }
0xae: {  	v24 =	vld.idx.msk [tilespmem:v2+s25+$0x0], $0xffff  }
0xaf: {  	v23 =	vld.idx.msk [tilespmem:v23+s2+$0x0], $0xffff  }
0xb0: {  	v25 =	vld.idx.msk [tilespmem:v25+s2+$0x0], $0xffff  }
0xb1: {  	v26 =	vld.idx.msk [tilespmem:v4+s25+$0x0], $0xffff  }
0xb2: {  	v27 =	vld.idx.msk [tilespmem:v27+s2+$0x0], $0xffff  }
0xb3: {  	v28 =	vld.idx.msk [tilespmem:v6+s25+$0x0], $0xffff  }
0xb4: {  	v23 =	vmul.f32 v24, v23;
	v24 =	vld [tilespmem:$0x1FFD0];
	_ =	sdelay $0x1  }
0xb5: {  	v22 =	vadd.f32 v23, v22;
	v23 =	vmul.f32 v26, v25;
	v25 =	vld [tilespmem:$0x1FFE0];
	_ =	sdelay $0x1  }
0xb6: {  	v22 =	vadd.f32 v23, v22;
	v23 =	vmul.f32 v28, v27;
	v27 =	vld [tilespmem:$0x1FFF0];
	_ =	sdelay $0x2  }
0xb7: {  	v29 =	vld.idx.msk [tilespmem:v8+s25+$0x0], $0xffff  }
0xb8: {  	v24 =	vld.idx.msk [tilespmem:v24+s2+$0x0], $0xffff  }
0xb9: {  	v26 =	vld.idx.msk [tilespmem:v10+s25+$0x0], $0xffff  }
0xba: {  	v25 =	vld.idx.msk [tilespmem:v25+s2+$0x0], $0xffff  }
0xbb: {  	v28 =	vld.idx.msk [tilespmem:v12+s25+$0x0], $0xffff  }
0xbc: {  	v27 =	vld.idx.msk [tilespmem:v27+s2+$0x0], $0xffff  }
0xbd: {  	v22 =	vadd.f32 v23, v22;
	v23 =	vmul.f32 v29, v24;
	v24 =	vld.idx.msk [tilespmem:v47+s2+$0x0], $0xffff  }
0xbe: {  	v29 =	vld.idx.msk [tilespmem:v14+s25+$0x0], $0xffff  }
0xbf: {  	v22 =	vadd.f32 v23, v22;
	v23 =	vmul.f32 v26, v25;
	v25 =	vld.idx.msk [tilespmem:v48+s2+$0x0], $0xffff  }
0xc0: {  	v26 =	vld.idx.msk [tilespmem:v16+s25+$0x0], $0xffff  }
0xc1: {  	v22 =	vadd.f32 v23, v22;
	v23 =	vmul.f32 v28, v27;
	v27 =	vld.idx.msk [tilespmem:v49+s2+$0x0], $0xffff  }
0xc2: {  	v28 =	vld.idx.msk [tilespmem:v18+s25+$0x0], $0xffff  }
0xc3: {  	v22 =	vadd.f32 v23, v22;
	v23 =	vmul.f32 v29, v24;
	v24 =	vld.idx.msk [tilespmem:v50+s2+$0x0], $0xffff  }
0xc4: {  	v29 =	vld.idx.msk [tilespmem:v20+s25+$0x0], $0xffff  }
0xc5: {  	v22 =	vadd.f32 v23, v22;
	v23 =	vmul.f32 v26, v25;
	_ =	sdelay $0x1  }
0xc6: {  	v22 =	vadd.f32 v23, v22;
	v23 =	vmul.f32 v28, v27;
	_ =	sdelay $0x1  }
0xc7: {  	v22 =	vadd.f32 v23, v22;
	v23 =	vmul.f32 v29, v24;
	_ =	sdelay $0x1  }
0xc8: {  	v22 =	vadd.f32 v23, v22;
	_ =	sdelay $0x1  }
0xc9: {  	[tilespmem:$0x34B0] =	vst v22  }
0xca: {  	v22 =	vld.idx.msk [tilespmem:v1+s25+$0x0], $0xffff  }
0xcb: {  	v23 =	vld.idx.msk [tilespmem:v51+s2+$0x0], $0xffff  }
0xcc: {  	v24 =	vld.idx.msk [tilespmem:v2+s25+$0x0], $0xffff  }
0xcd: {  	v25 =	vld.idx.msk [tilespmem:v52+s2+$0x0], $0xffff  }
0xce: {  	v26 =	vld.idx.msk [tilespmem:v4+s25+$0x0], $0xffff  }
0xcf: {  	v27 =	vld.idx.msk [tilespmem:v53+s2+$0x0], $0xffff  }
0xd0: {  	v28 =	vld.idx.msk [tilespmem:v6+s25+$0x0], $0xffff  }
0xd1: {  	v29 =	vld.idx.msk [tilespmem:v8+s25+$0x0], $0xffff;
	v23 =	vmul.f32 v24, v23  }
0xd2: {  	v24 =	vld.idx.msk [tilespmem:v3+s2+$0x0], $0xffff  }
0xd3: {  	v22 =	vadd.f32 v23, v22;
	v23 =	vmul.f32 v26, v25;
	v25 =	vld.idx.msk [tilespmem:v5+s2+$0x0], $0xffff  }
0xd4: {  	v26 =	vld.idx.msk [tilespmem:v10+s25+$0x0], $0xffff  }
0xd5: {  	v22 =	vadd.f32 v23, v22;
	v23 =	vmul.f32 v28, v27;
	v27 =	vld.idx.msk [tilespmem:v7+s2+$0x0], $0xffff  }
0xd6: {  	v28 =	vld.idx.msk [tilespmem:v12+s25+$0x0], $0xffff  }
0xd7: {  	v22 =	vadd.f32 v23, v22;
	v23 =	vmul.f32 v29, v24;
	v24 =	vld.idx.msk [tilespmem:v9+s2+$0x0], $0xffff  }
0xd8: {  	v29 =	vld.idx.msk [tilespmem:v14+s25+$0x0], $0xffff  }
0xd9: {  	v22 =	vadd.f32 v23, v22;
	v23 =	vmul.f32 v26, v25;
	v25 =	vld.idx.msk [tilespmem:v11+s2+$0x0], $0xffff  }
0xda: {  	v26 =	vld.idx.msk [tilespmem:v16+s25+$0x0], $0xffff  }
0xdb: {  	v22 =	vadd.f32 v23, v22;
	v23 =	vmul.f32 v28, v27;
	v27 =	vld.idx.msk [tilespmem:v13+s2+$0x0], $0xffff  }
0xdc: {  	v28 =	vld.idx.msk [tilespmem:v18+s25+$0x0], $0xffff  }
0xdd: {  	v22 =	vadd.f32 v23, v22;
	v23 =	vmul.f32 v29, v24;
	v24 =	vld.idx.msk [tilespmem:v15+s2+$0x0], $0xffff  }
0xde: {  	v29 =	vld.idx.msk [tilespmem:v20+s25+$0x0], $0xffff  }
0xdf: {  	v22 =	vadd.f32 v23, v22;
	v23 =	vmul.f32 v26, v25;
	_ =	sdelay $0x1  }
0xe0: {  	v22 =	vadd.f32 v23, v22;
	v23 =	vmul.f32 v28, v27;
	_ =	sdelay $0x1  }
0xe1: {  	v22 =	vadd.f32 v23, v22;
	v23 =	vmul.f32 v29, v24;
	_ =	sdelay $0x1  }
0xe2: {  	v22 =	vadd.f32 v23, v22;
	_ =	sdelay $0x1  }
0xe3: {  	[tilespmem:$0x34C0] =	vst v22  }
0xe4: {  	v22 =	vld.idx.msk [tilespmem:v1+s25+$0x0], $0xffff  }
0xe5: {  	v23 =	vld.idx.msk [tilespmem:v17+s2+$0x0], $0xffff  }
0xe6: {  	v25 =	vor.u32 $0x2803, v0;
	v24 =	vld.idx.msk [tilespmem:v2+s25+$0x0], $0xffff  }
0xe7: {  	v26 =	vld.idx.msk [tilespmem:v19+s2+$0x0], $0xffff  }
0xe8: {  	v28 =	vor.u32 $0x2804, v0;
	v27 =	vld.idx.msk [tilespmem:v4+s25+$0x0], $0xffff  }
0xe9: {  	v29 =	vld.idx.msk [tilespmem:v21+s2+$0x0], $0xffff  }
0xea: {  	v31 =	vor.u32 $0x2805, v0;
	v30 =	vld.idx.msk [tilespmem:v6+s25+$0x0], $0xffff  }
0xeb: {  	v23 =	vmul.f32 v24, v23;
	v24 =	vld.idx.msk [tilespmem:v25+s2+$0x0], $0xffff  }
0xec: {  	v32 =	vor.u32 $0x2806, v0;
	v25 =	vld.idx.msk [tilespmem:v8+s25+$0x0], $0xffff  }
0xed: {  	v22 =	vadd.f32 v23, v22;
	v23 =	vmul.f32 v27, v26;
	v26 =	vld.idx.msk [tilespmem:v28+s2+$0x0], $0xffff  }
0xee: {  	v27 =	vld.idx.msk [tilespmem:v10+s25+$0x0], $0xffff;
	v28 =	vor.u32 $0x2807, v0  }
0xef: {  	v22 =	vadd.f32 v23, v22;
	v23 =	vmul.f32 v30, v29;
	v29 =	vld.idx.msk [tilespmem:v31+s2+$0x0], $0xffff  }
0xf0: {  	v30 =	vld.idx.msk [tilespmem:v12+s25+$0x0], $0xffff;
	v31 =	vor.u32 $0x2808, v0  }
0xf1: {  	v22 =	vadd.f32 v23, v22;
	v23 =	vmul.f32 v25, v24;
	v24 =	vld.idx.msk [tilespmem:v32+s2+$0x0], $0xffff  }
0xf2: {  	v43 =	vor.u32 $0x2809, v0;
	v25 =	vld.idx.msk [tilespmem:v14+s25+$0x0], $0xffff  }
0xf3: {  	v22 =	vadd.f32 v23, v22;
	v23 =	vmul.f32 v27, v26;
	v26 =	vld.idx.msk [tilespmem:v28+s2+$0x0], $0xffff  }
0xf4: {  	v27 =	vld.idx.msk [tilespmem:v16+s25+$0x0], $0xffff  }
0xf5: {  	v28 =	vld.idx.msk [tilespmem:v31+s2+$0x0], $0xffff;
	v22 =	vadd.f32 v23, v22;
	v23 =	vmul.f32 v30, v29  }
0xf6: {  	v29 =	vld.idx.msk [tilespmem:v18+s25+$0x0], $0xffff  }
0xf7: {  	v22 =	vadd.f32 v23, v22;
	v23 =	vmul.f32 v25, v24;
	v24 =	vld.idx.msk [tilespmem:v43+s2+$0x0], $0xffff  }
0xf8: {  	v25 =	vld.idx.msk [tilespmem:v20+s25+$0x0], $0xffff  }
0xf9: {  	v22 =	vadd.f32 v23, v22;
	v23 =	vmul.f32 v27, v26;
	_ =	sdelay $0x1  }
0xfa: {  	v22 =	vadd.f32 v23, v22;
	v23 =	vmul.f32 v29, v28;
	_ =	sdelay $0x1  }
0xfb: {  	v22 =	vadd.f32 v23, v22;
	v23 =	vmul.f32 v25, v24;
	_ =	sdelay $0x1  }
0xfc: {  	v22 =	vadd.f32 v23, v22;
	_ =	sdelay $0x1  }
0xfd: {  	[tilespmem:$0x34D0] =	vst v22  }
0xfe: {  	v22 =	vld.idx.msk [tilespmem:v1+s25+$0x0], $0xffff  }
0xff: {  	v23 =	vld.idx.msk [tilespmem:v54+s2+$0x0], $0xffff  }
0x100: {  	v24 =	vld.idx.msk [tilespmem:v2+s25+$0x0], $0xffff  }
0x101: {  	v25 =	vld.idx.msk [tilespmem:v55+s2+$0x0], $0xffff  }
0x102: {  	v26 =	vld.idx.msk [tilespmem:v4+s25+$0x0], $0xffff  }
0x103: {  	v27 =	vld.idx.msk [tilespmem:v56+s2+$0x0], $0xffff  }
0x104: {  	v28 =	vld.idx.msk [tilespmem:v6+s25+$0x0], $0xffff  }
0x105: {  	v29 =	vld.idx.msk [tilespmem:v8+s25+$0x0], $0xffff;
	v23 =	vmul.f32 v24, v23  }
0x106: {  	v24 =	vld.idx.msk [tilespmem:v57+s2+$0x0], $0xffff  }
0x107: {  	v22 =	vadd.f32 v23, v22;
	v23 =	vmul.f32 v26, v25;
	v25 =	vld.idx.msk [tilespmem:v58+s2+$0x0], $0xffff  }
0x108: {  	v26 =	vld.idx.msk [tilespmem:v10+s25+$0x0], $0xffff  }
0x109: {  	v22 =	vadd.f32 v23, v22;
	v23 =	vmul.f32 v28, v27;
	v27 =	vld.idx.msk [tilespmem:v59+s2+$0x0], $0xffff  }
0x10a: {  	v28 =	vld.idx.msk [tilespmem:v12+s25+$0x0], $0xffff  }
0x10b: {  	v22 =	vadd.f32 v23, v22;
	v23 =	vmul.f32 v29, v24;
	v24 =	vld.idx.msk [tilespmem:v60+s2+$0x0], $0xffff  }
0x10c: {  	v29 =	vld.idx.msk [tilespmem:v14+s25+$0x0], $0xffff  }
0x10d: {  	v22 =	vadd.f32 v23, v22;
	v23 =	vmul.f32 v26, v25;
	v25 =	vld.idx.msk [tilespmem:v61+s2+$0x0], $0xffff  }
0x10e: {  	v26 =	vld.idx.msk [tilespmem:v16+s25+$0x0], $0xffff  }
0x10f: {  	v22 =	vadd.f32 v23, v22;
	v23 =	vmul.f32 v28, v27;
	v27 =	vld.idx.msk [tilespmem:v62+s2+$0x0], $0xffff  }
0x110: {  	v28 =	vld.idx.msk [tilespmem:v18+s25+$0x0], $0xffff  }
0x111: {  	v22 =	vadd.f32 v23, v22;
	v23 =	vmul.f32 v29, v24;
	v24 =	vld.idx.msk [tilespmem:v63+s2+$0x0], $0xffff  }
0x112: {  	v29 =	vld.idx.msk [tilespmem:v20+s25+$0x0], $0xffff  }
0x113: {  	v22 =	vadd.f32 v23, v22;
	v23 =	vmul.f32 v26, v25;
	_ =	sdelay $0x1  }
0x114: {  	v22 =	vadd.f32 v23, v22;
	v23 =	vmul.f32 v28, v27;
	_ =	sdelay $0x1  }
0x115: {  	v22 =	vadd.f32 v23, v22;
	v23 =	vmul.f32 v29, v24;
	_ =	sdelay $0x1  }
0x116: {  	v22 =	vadd.f32 v23, v22;
	_ =	sdelay $0x1  }
0x117: {  	s7 =	simm.s32 $0xB500;
	s9 =	rddreg [dreg:$0x6];
	[tilespmem:$0x34E0] =	vst v22  }
0x118: {  	[tilespmem:s7], [sflag:$0x3] =	stream.linear.gather [hbm4b:s9+s2], $0x4000, $0x38;
	[tilespmem:$0x1B500] =	vst v63  }
0x119: {  	_ =	swait.ge [sflag:s28], $0x4000  }
0x11a: {  	s10 =	sand.u32 $0x3800, s2;
	s11 =	sand.u32 $0x300, s2;
	[sflag:s28] =	ssyncset.done $0x0  }
0x11b: {  	s1 =	sor.u32 s11, s10;
	[sflag:s28] =	ssyncadd.s32 $0xFFFFC000  }
0x11c: {  	v23 =	vld [tilespmem:s1+$0x3500];
	_ =	sdelay $0x2  }
0x11d: {  	v22 =	vld [tilespmem:s1+$0x3580]  }
0x11e: {  	v24 =	vld [tilespmem:s1+$0x3590]  }
0x11f: {  	v25 =	vld [tilespmem:s1+$0x3510]  }
0x120: {  	v26 =	vld [tilespmem:s1+$0x3520]  }
0x121: {  	v27 =	vld [tilespmem:s1+$0x3530]  }
0x122: {  	v23 =	vld.idx.msk [tilespmem:v23+s29+$0x0], $0xffff  }
0x123: {  	v28 =	vld [tilespmem:s1+$0x3540]  }
0x124: {  	v29 =	vld [tilespmem:s1+$0x3550]  }
0x125: {  	v22 =	vld.idx.msk [tilespmem:v22+s29+$0x0], $0xffff  }
0x126: {  	s12 =	simm.s32 $0x100;
	s8 =	simm.s32 $0x200;
	v30 =	vld [tilespmem:s1+$0x3560]  }
0x127: {  	s8 =	sand.u32 $0x3800, s8;
	s7 =	sand.u32 $0x300, s12;
	v31 =	vld [tilespmem:s1+$0x3570];
	[tilespmem:s1+$0xF500] =	vst v23  }
0x128: {  	s7 =	sor.u32 s7, s8;
	v23 =	vld.idx.msk [tilespmem:v25+s29+$0x0], $0xffff  }
0x129: {  	v45 =	vld [tilespmem:s7+$0x3500]  }
0x12a: {  	[tilespmem:s1+$0xF580] =	vst v22;
	v22 =	vld [tilespmem:s1+$0x35A0]  }
0x12b: {  	v33 =	vld [tilespmem:s7+$0x3510]  }
0x12c: {  	v24 =	vld.idx.msk [tilespmem:v24+s29+$0x0], $0xffff  }
0x12d: {  	v34 =	vld [tilespmem:s7+$0x3520];
	[tilespmem:s1+$0xF510] =	vst v23  }
0x12e: {  	v23 =	vld.idx.msk [tilespmem:v26+s29+$0x0], $0xffff  }
0x12f: {  	v35 =	vld [tilespmem:s7+$0x3530]  }
0x130: {  	v36 =	vld [tilespmem:s7+$0x3590]  }
0x131: {  	[tilespmem:s1+$0xF590] =	vst v24;
	v24 =	vld [tilespmem:s1+$0x35B0]  }
0x132: {  	v22 =	vld.idx.msk [tilespmem:v22+s29+$0x0], $0xffff  }
0x133: {  	v37 =	vld [tilespmem:s7+$0x3540];
	[tilespmem:s1+$0xF520] =	vst v23  }
0x134: {  	v23 =	vld.idx.msk [tilespmem:v27+s29+$0x0], $0xffff  }
0x135: {  	v38 =	vld [tilespmem:s7+$0x3550]  }
0x136: {  	v42 =	vld [tilespmem:s7+$0x3560]  }
0x137: {  	[tilespmem:s1+$0xF5A0] =	vst v22;
	v22 =	vld [tilespmem:s1+$0x35C0]  }
0x138: {  	v39 =	vld [tilespmem:s7+$0x3570]  }
0x139: {  	v24 =	vld.idx.msk [tilespmem:v24+s29+$0x0], $0xffff;
	[tilespmem:s1+$0xF530] =	vst v23  }
0x13a: {  	v28 =	vld.idx.msk [tilespmem:v28+s29+$0x0], $0xffff  }
0x13b: {  	s13 =	simm.s32 $0x200;
	s9 =	simm.s32 $0x400;
	v43 =	vld [tilespmem:s7+$0x35B0]  }
0x13c: {  	s9 =	sand.u32 $0x3800, s9;
	s8 =	sand.u32 $0x300, s13;
	v32 =	vld.idx.msk [tilespmem:v45+s29+$0x0], $0xffff  }
0x13d: {  	s8 =	sor.u32 s8, s9;
	v25 =	vld [tilespmem:s1+$0x35D0]  }
0x13e: {  	v40 =	vld [tilespmem:s8+$0x3530];
	[tilespmem:s1+$0xF5B0] =	vst v24  }
0x13f: {  	v22 =	vld.idx.msk [tilespmem:v22+s29+$0x0], $0xffff;
	[tilespmem:s1+$0xF540] =	vst v28  }
0x140: {  	v28 =	vld.idx.msk [tilespmem:v29+s29+$0x0], $0xffff  }
0x141: {  	v41 =	vld [tilespmem:s8+$0x3590]  }
0x142: {  	v45 =	vld [tilespmem:s8+$0x3500];
	[tilespmem:s7+$0xF500] =	vst v32  }
0x143: {  	v33 =	vld.idx.msk [tilespmem:v33+s29+$0x0], $0xffff  }
0x144: {  	[tilespmem:s1+$0xF5C0] =	vst v22;
	v22 =	vld [tilespmem:s1+$0x35E0]  }
0x145: {  	v44 =	vld.idx.msk [tilespmem:v25+s29+$0x0], $0xffff;
	[tilespmem:s1+$0xF550] =	vst v28  }
0x146: {  	v28 =	vld.idx.msk [tilespmem:v30+s29+$0x0], $0xffff  }
0x147: {  	v30 =	vld [tilespmem:s7+$0x3580]  }
0x148: {  	v26 =	vld [tilespmem:s1+$0x3900]  }
0x149: {  	v27 =	vld [tilespmem:s1+$0x3910]  }
0x14a: {  	v23 =	vld [tilespmem:s1+$0x3920]  }
0x14b: {  	v29 =	vld [tilespmem:s1+$0x35F0]  }
0x14c: {  	v24 =	vld [tilespmem:s1+$0x3930];
	[tilespmem:s1+$0xF5D0] =	vst v44  }
0x14d: {  	v22 =	vld.idx.msk [tilespmem:v22+s29+$0x0], $0xffff  }
0x14e: {  	v25 =	vld [tilespmem:s1+$0x3938]  }
0x14f: {  	v30 =	vld.idx.msk [tilespmem:v30+s29+$0x0], $0xffff  }
0x150: {  	[tilespmem:s7+$0xF510] =	vst v33;
	v44 =	vld [tilespmem:s7+$0x35D0]  }
0x151: {  	[tilespmem:s1+$0xF560] =	vst v28;
	v28 =	vld.idx.msk [tilespmem:v34+s29+$0x0], $0xffff  }
0x152: {  	[tilespmem:s1+$0xF5E0] =	vst v22;
	v22 =	vld [tilespmem:s1+$0x3980]  }
0x153: {  	v29 =	vld.idx.msk [tilespmem:v29+s29+$0x0], $0xffff  }
0x154: {  	[tilespmem:s7+$0xF580] =	vst v30;
	v30 =	vld [tilespmem:s7+$0x35A0]  }
0x155: {  	v34 =	vld [tilespmem:s7+$0x3900]  }
0x156: {  	v46 =	vld.idx.msk [tilespmem:v36+s29+$0x0], $0xffff  }
0x157: {  	v31 =	vld.idx.msk [tilespmem:v31+s29+$0x0], $0xffff;
	[tilespmem:s7+$0xF520] =	vst v28  }
0x158: {  	[tilespmem:s1+$0xF5F0] =	vst v29;
	v29 =	vld [tilespmem:s1+$0x3990]  }
0x159: {  	v28 =	vld.idx.msk [tilespmem:v35+s29+$0x0], $0xffff  }
0x15a: {  	v22 =	vld.idx.msk [tilespmem:v22+s29+$0x0], $0xffff  }
0x15b: {  	v35 =	vld [tilespmem:s7+$0x3910];
	[tilespmem:s7+$0xF590] =	vst v46  }
0x15c: {  	v30 =	vld.idx.msk [tilespmem:v30+s29+$0x0], $0xffff  }
0x15d: {  	[tilespmem:s1+$0xF570] =	vst v31;
	v31 =	vld [tilespmem:s7+$0x3930]  }
0x15e: {  	v26 =	vld.idx.msk [tilespmem:v26+s29+$0x0], $0xffff  }
0x15f: {  	[tilespmem:s1+$0xF980] =	vst v22;
	v22 =	vld [tilespmem:s1+$0x39A0]  }
0x160: {  	[tilespmem:s7+$0xF530] =	vst v28;
	v29 =	vld.idx.msk [tilespmem:v29+s29+$0x0], $0xffff  }
0x161: {  	[tilespmem:s7+$0xF5A0] =	vst v30;
	v30 =	vld [tilespmem:s7+$0x35C0]  }
0x162: {  	v28 =	vld.idx.msk [tilespmem:v37+s29+$0x0], $0xffff  }
0x163: {  	v32 =	vld.idx.msk [tilespmem:v43+s29+$0x0], $0xffff  }
0x164: {  	v37 =	vld [tilespmem:s7+$0x3920];
	[tilespmem:s1+$0xF900] =	vst v26  }
0x165: {  	[tilespmem:s1+$0xF990] =	vst v29;
	v29 =	vld [tilespmem:s1+$0x39B0]  }
0x166: {  	v27 =	vld.idx.msk [tilespmem:v27+s29+$0x0], $0xffff  }
0x167: {  	v22 =	vld.idx.msk [tilespmem:v22+s29+$0x0], $0xffff  }
0x168: {  	v46 =	vld [tilespmem:s8+$0x3510];
	[tilespmem:s7+$0xF5B0] =	vst v32  }
0x169: {  	v30 =	vld.idx.msk [tilespmem:v30+s29+$0x0], $0xffff  }
0x16a: {  	[tilespmem:s7+$0xF540] =	vst v28;
	v28 =	vld [tilespmem:s7+$0x35F0]  }
0x16b: {  	v26 =	vld.idx.msk [tilespmem:v38+s29+$0x0], $0xffff  }
0x16c: {  	v38 =	vld [tilespmem:s8+$0x3520];
	[tilespmem:s1+$0xF9A0] =	vst v22  }
0x16d: {  	v29 =	vld.idx.msk [tilespmem:v29+s29+$0x0], $0xffff  }
0x16e: {  	[tilespmem:s7+$0xF5C0] =	vst v30;
	v30 =	vld [tilespmem:s7+$0x35E0]  }
0x16f: {  	v22 =	vld [tilespmem:s1+$0x39B8]  }
0x170: {  	v32 =	vld.idx.msk [tilespmem:v44+s29+$0x0], $0xffff  }
0x171: {  	v43 =	vld [tilespmem:s8+$0x3550];
	[tilespmem:s7+$0xF550] =	vst v26  }
0x172: {  	[tilespmem:s1+$0xF9B0] =	vst v29;
	v29 =	vld.idx.msk [tilespmem:v42+s29+$0x0], $0xffff  }
0x173: {  	v42 =	vld [tilespmem:s8+$0x3540]  }
0x174: {  	v44 =	vld [tilespmem:s8+$0x3570]  }
0x175: {  	[tilespmem:s7+$0xF5D0] =	vst v32;
	v32 =	vld.idx.msk [tilespmem:v45+s29+$0x0], $0xffff  }
0x176: {  	v26 =	vld.idx.msk [tilespmem:v30+s29+$0x0], $0xffff  }
0x177: {  	v30 =	vld [tilespmem:s8+$0x3580]  }
0x178: {  	v33 =	vld.idx.msk [tilespmem:v22+s29+$0x0], $0xffff  }
0x179: {  	v22 =	vld [tilespmem:s7+$0x3938]  }
0x17a: {  	v45 =	vld [tilespmem:s8+$0x35B0];
	[tilespmem:s8+$0xF500] =	vst v32  }
0x17b: {  	s10 =	simm.s32 $0x600;
	s14 =	simm.s32 $0x300;
	[tilespmem:s7+$0xF5E0] =	vst v26;
	v26 =	vld [tilespmem:s7+$0x3980]  }
0x17c: {  	s10 =	sand.u32 $0x3800, s10;
	s9 =	sand.u32 $0x300, s14;
	v36 =	vld.idx.msk [tilespmem:v46+s29+$0x0], $0xffff  }
0x17d: {  	s9 =	sor.u32 s9, s10;
	v28 =	vld.idx.msk [tilespmem:v28+s29+$0x0], $0xffff  }
0x17e: {  	[tilespmem:s1+$0xF9B8] =	vst v33;
	v33 =	vld [tilespmem:s9+$0x3938]  }
0x17f: {  	[tilespmem:s7+$0xF560] =	vst v29;
	v30 =	vld.idx.msk [tilespmem:v30+s29+$0x0], $0xffff  }
0x180: {  	v46 =	vld.idx.msk [tilespmem:v39+s29+$0x0], $0xffff  }
0x181: {  	[tilespmem:s8+$0xF510] =	vst v36;
	v36 =	vld [tilespmem:s9+$0x3520]  }
0x182: {  	[tilespmem:s7+$0xF5F0] =	vst v28;
	v28 =	vld [tilespmem:s7+$0x3990]  }
0x183: {  	v26 =	vld.idx.msk [tilespmem:v26+s29+$0x0], $0xffff  }
0x184: {  	[tilespmem:s8+$0xF580] =	vst v30;
	v30 =	vld [tilespmem:s8+$0x35A0]  }
0x185: {  	v29 =	vld.idx.msk [tilespmem:v38+s29+$0x0], $0xffff  }
0x186: {  	v32 =	vld.idx.msk [tilespmem:v41+s29+$0x0], $0xffff  }
0x187: {  	v38 =	vld [tilespmem:s8+$0x3900]  }
0x188: {  	[tilespmem:s7+$0xF980] =	vst v26;
	v26 =	vld [tilespmem:s7+$0x39A0]  }
0x189: {  	[tilespmem:s7+$0xF570] =	vst v46;
	v41 =	vld [tilespmem:s8+$0x3560]  }
0x18a: {  	[tilespmem:s8+$0xF520] =	vst v29;
	v28 =	vld.idx.msk [tilespmem:v28+s29+$0x0], $0xffff  }
0x18b: {  	v29 =	vld.idx.msk [tilespmem:v34+s29+$0x0], $0xffff;
	[tilespmem:s8+$0xF590] =	vst v32  }
0x18c: {  	v30 =	vld.idx.msk [tilespmem:v30+s29+$0x0], $0xffff  }
0x18d: {  	v34 =	vld [tilespmem:s8+$0x3910]  }
0x18e: {  	v32 =	vld [tilespmem:s9+$0x3510]  }
0x18f: {  	[tilespmem:s7+$0xF990] =	vst v28;
	v28 =	vld [tilespmem:s7+$0x39B0]  }
0x190: {  	[tilespmem:s1+$0xF910] =	vst v27;
	v26 =	vld.idx.msk [tilespmem:v26+s29+$0x0], $0xffff  }
0x191: {  	[tilespmem:s8+$0xF5A0] =	vst v30;
	v30 =	vld [tilespmem:s8+$0x35C0]  }
0x192: {  	[tilespmem:s7+$0xF900] =	vst v29;
	v27 =	vld.idx.msk [tilespmem:v45+s29+$0x0], $0xffff  }
0x193: {  	v29 =	vld.idx.msk [tilespmem:v35+s29+$0x0], $0xffff  }
0x194: {  	v45 =	vld.idx.msk [tilespmem:v23+s29+$0x0], $0xffff  }
0x195: {  	v23 =	vld.idx.msk [tilespmem:v40+s29+$0x0], $0xffff  }
0x196: {  	[tilespmem:s7+$0xF9A0] =	vst v26;
	v26 =	vld [tilespmem:s7+$0x39B8]  }
0x197: {  	[tilespmem:s8+$0xF5B0] =	vst v27;
	v27 =	vld [tilespmem:s8+$0x35D0]  }
0x198: {  	v28 =	vld.idx.msk [tilespmem:v28+s29+$0x0], $0xffff  }
0x199: {  	v30 =	vld.idx.msk [tilespmem:v30+s29+$0x0], $0xffff  }
0x19a: {  	v35 =	vld [tilespmem:s8+$0x3920];
	[tilespmem:s8+$0xF530] =	vst v23  }
0x19b: {  	v46 =	vld.idx.msk [tilespmem:v42+s29+$0x0], $0xffff  }
0x19c: {  	[tilespmem:s7+$0xF910] =	vst v29;
	v29 =	vld [tilespmem:s9+$0x3580]  }
0x19d: {  	v40 =	vld.idx.msk [tilespmem:v37+s29+$0x0], $0xffff;
	[tilespmem:s7+$0xF9B0] =	vst v28  }
0x19e: {  	[tilespmem:s8+$0xF5C0] =	vst v30;
	v30 =	vld [tilespmem:s8+$0x35E0]  }
0x19f: {  	v39 =	vld.idx.msk [tilespmem:v26+s29+$0x0], $0xffff  }
0x1a0: {  	[tilespmem:s8+$0xF540] =	vst v46;
	v27 =	vld.idx.msk [tilespmem:v27+s29+$0x0], $0xffff  }
0x1a1: {  	v26 =	vld.idx.msk [tilespmem:v43+s29+$0x0], $0xffff  }
0x1a2: {  	v37 =	vld [tilespmem:s9+$0x3530]  }
0x1a3: {  	v23 =	vld [tilespmem:s8+$0x3930]  }
0x1a4: {  	[tilespmem:s1+$0xF920] =	vst v45;
	v45 =	vld [tilespmem:s9+$0x3550]  }
0x1a5: {  	[tilespmem:s8+$0xF5D0] =	vst v27;
	v27 =	vld [tilespmem:s8+$0x35F0]  }
0x1a6: {  	[tilespmem:s8+$0xF550] =	vst v26;
	v26 =	vld.idx.msk [tilespmem:v30+s29+$0x0], $0xffff  }
0x1a7: {  	v30 =	vld [tilespmem:s9+$0x3500]  }
0x1a8: {  	v42 =	vld.idx.msk [tilespmem:v24+s29+$0x0], $0xffff  }
0x1a9: {  	v29 =	vld.idx.msk [tilespmem:v29+s29+$0x0], $0xffff  }
0x1aa: {  	v28 =	vld.idx.msk [tilespmem:v41+s29+$0x0], $0xffff  }
0x1ab: {  	[tilespmem:s8+$0xF5E0] =	vst v26;
	v26 =	vld [tilespmem:s8+$0x3980]  }
0x1ac: {  	v41 =	vld [tilespmem:s9+$0x3590]  }
0x1ad: {  	v27 =	vld.idx.msk [tilespmem:v27+s29+$0x0], $0xffff  }
0x1ae: {  	v24 =	vld [tilespmem:s8+$0x3938]  }
0x1af: {  	v30 =	vld.idx.msk [tilespmem:v30+s29+$0x0], $0xffff  }
0x1b0: {  	v46 =	vld [tilespmem:s8+$0x39A0]  }
0x1b1: {  	[tilespmem:s9+$0xF580] =	vst v29;
	v29 =	vld [tilespmem:s9+$0x35A0]  }
0x1b2: {  	[tilespmem:s8+$0xF5F0] =	vst v27;
	v27 =	vld [tilespmem:s8+$0x3990]  }
0x1b3: {  	v26 =	vld.idx.msk [tilespmem:v26+s29+$0x0], $0xffff  }
0x1b4: {  	[tilespmem:s9+$0xF500] =	vst v30;
	v30 =	vld.idx.msk [tilespmem:v41+s29+$0x0], $0xffff  }
0x1b5: {  	v43 =	vld [tilespmem:s9+$0x3540]  }
0x1b6: {  	v41 =	vld.idx.msk [tilespmem:v32+s29+$0x0], $0xffff  }
0x1b7: {  	v32 =	vld [tilespmem:s9+$0x3560]  }
0x1b8: {  	[tilespmem:s8+$0xF980] =	vst v26;
	v26 =	vld [tilespmem:s9+$0x3570]  }
0x1b9: {  	[tilespmem:s9+$0xF590] =	vst v30;
	v30 =	vld [tilespmem:s9+$0x35B0]  }
0x1ba: {  	v27 =	vld.idx.msk [tilespmem:v27+s29+$0x0], $0xffff  }
0x1bb: {  	[tilespmem:s9+$0xF510] =	vst v41;
	v29 =	vld.idx.msk [tilespmem:v29+s29+$0x0], $0xffff  }
0x1bc: {  	[tilespmem:s8+$0xF560] =	vst v28;
	v28 =	vld.idx.msk [tilespmem:v36+s29+$0x0], $0xffff  }
0x1bd: {  	v36 =	vld.idx.msk [tilespmem:v44+s29+$0x0], $0xffff  }
0x1be: {  	v41 =	vld [tilespmem:s8+$0x39B0]  }
0x1bf: {  	[tilespmem:s8+$0xF990] =	vst v27;
	v27 =	vld [tilespmem:s9+$0x3900]  }
0x1c0: {  	[tilespmem:s9+$0xF5A0] =	vst v29;
	v29 =	vld [tilespmem:s9+$0x3910]  }
0x1c1: {  	v44 =	vld.idx.msk [tilespmem:v46+s29+$0x0], $0xffff  }
0x1c2: {  	v46 =	vld [tilespmem:s9+$0x35C0];
	[tilespmem:s8+$0xF570] =	vst v36  }
0x1c3: {  	v36 =	vld.idx.msk [tilespmem:v38+s29+$0x0], $0xffff  }
0x1c4: {  	[tilespmem:s9+$0xF520] =	vst v28;
	v28 =	vld.idx.msk [tilespmem:v30+s29+$0x0], $0xffff  }
0x1c5: {  	v30 =	vld.idx.msk [tilespmem:v37+s29+$0x0], $0xffff  }
0x1c6: {  	v37 =	vld [tilespmem:s8+$0x39B8];
	[tilespmem:s8+$0xF9A0] =	vst v44  }
0x1c7: {  	v38 =	vld.idx.msk [tilespmem:v41+s29+$0x0], $0xffff  }
0x1c8: {  	v41 =	vld [tilespmem:s9+$0x35D0];
	[tilespmem:s8+$0xF900] =	vst v36  }
0x1c9: {  	[tilespmem:s9+$0xF5B0] =	vst v28;
	v34 =	vld.idx.msk [tilespmem:v34+s29+$0x0], $0xffff  }
0x1ca: {  	[tilespmem:s9+$0xF530] =	vst v30;
	v28 =	vld.idx.msk [tilespmem:v46+s29+$0x0], $0xffff  }
0x1cb: {  	v43 =	vld.idx.msk [tilespmem:v43+s29+$0x0], $0xffff  }
0x1cc: {  	[tilespmem:s7+$0xF920] =	vst v40;
	v30 =	vld [tilespmem:s9+$0x3920]  }
0x1cd: {  	v36 =	vld [tilespmem:s9+$0x35E0];
	[tilespmem:s8+$0xF9B0] =	vst v38  }
0x1ce: {  	v38 =	vld.idx.msk [tilespmem:v37+s29+$0x0], $0xffff;
	[tilespmem:s8+$0xF910] =	vst v34  }
0x1cf: {  	v34 =	vld.idx.msk [tilespmem:v31+s29+$0x0], $0xffff;
	[tilespmem:s9+$0xF5C0] =	vst v28  }
0x1d0: {  	[tilespmem:s9+$0xF540] =	vst v43;
	v41 =	vld.idx.msk [tilespmem:v41+s29+$0x0], $0xffff  }
0x1d1: {  	v37 =	vld.idx.msk [tilespmem:v45+s29+$0x0], $0xffff  }
0x1d2: {  	[tilespmem:s1+$0xF930] =	vst v42;
	v35 =	vld.idx.msk [tilespmem:v35+s29+$0x0], $0xffff  }
0x1d3: {  	[tilespmem:s7+$0xF9B8] =	vst v39;
	v31 =	vld.idx.msk [tilespmem:v25+s29+$0x0], $0xffff  }
0x1d4: {  	v28 =	vld [tilespmem:s9+$0x3930];
	[tilespmem:s8+$0xF9B8] =	vst v38  }
0x1d5: {  	s11 =	simm.s32 $0x400;
	s12 =	simm.s32 $0x800;
	s10 =	simm.s32 $0x6;
	v38 =	vld [tilespmem:s9+$0x35F0];
	[tilespmem:s9+$0xF5D0] =	vst v41  }
.LBB2_2:
0x1d6: {  	s13 =	sand.u32 $0x3800, s12;
	s14 =	sand.u32 $0x300, s11;
	s10 =	sadd.s32 $0x2, s10;
	[tilespmem:s9+$0xF550] =	vst v37;
	v36 =	vld.idx.msk [tilespmem:v36+s29+$0x0], $0xffff  }
0x1d7: {  	s13 =	sor.u32 s14, s13;
	p0 =	slt.u32 s10, $0x3E;
	v32 =	vld.idx.msk [tilespmem:v32+s29+$0x0], $0xffff;
	[tilespmem:s8+$0xF920] =	vst v35  }
0x1d8: {  	v35 =	vld [tilespmem:s13+$0x3580];
	[tilespmem:s7+$0xF930] =	vst v34;
	v25 =	vmov v33  }
0x1d9: {  	v33 =	vld [tilespmem:s13+$0x3500]  }
0x1da: {  	v34 =	vld [tilespmem:s13+$0x3510];
	[tilespmem:s1+$0xF938] =	vst v31;
	s1 =	smov.u32 s7;
	s7 =	smov.u32 s8;
	s8 =	smov.u32 s9  }
0x1db: {  	s9 =	smov.u32 s13;
	v31 =	vld [tilespmem:s13+$0x3520]  }
0x1dc: {  	[tilespmem:s8+$0xF5E0] =	vst v36;
	v36 =	vld [tilespmem:s8+$0x3980]  }
0x1dd: {  	[tilespmem:s8+$0xF560] =	vst v32;
	v32 =	vld.idx.msk [tilespmem:v38+s29+$0x0], $0xffff  }
0x1de: {  	v37 =	vld [tilespmem:s9+$0x3530]  }
0x1df: {  	v38 =	vld [tilespmem:s9+$0x3590]  }
0x1e0: {  	v35 =	vld.idx.msk [tilespmem:v35+s29+$0x0], $0xffff  }
0x1e1: {  	v33 =	vld.idx.msk [tilespmem:v33+s29+$0x0], $0xffff  }
0x1e2: {  	v39 =	vld [tilespmem:s9+$0x3540]  }
0x1e3: {  	[tilespmem:s8+$0xF5F0] =	vst v32;
	v40 =	vld [tilespmem:s8+$0x3990]  }
0x1e4: {  	v36 =	vld.idx.msk [tilespmem:v36+s29+$0x0], $0xffff  }
0x1e5: {  	v41 =	vld [tilespmem:s9+$0x3550]  }
0x1e6: {  	[tilespmem:s9+$0xF580] =	vst v35;
	v35 =	vld [tilespmem:s9+$0x35A0]  }
0x1e7: {  	[tilespmem:s9+$0xF500] =	vst v33;
	v33 =	vld.idx.msk [tilespmem:v38+s29+$0x0], $0xffff  }
0x1e8: {  	v34 =	vld.idx.msk [tilespmem:v34+s29+$0x0], $0xffff  }
0x1e9: {  	v32 =	vld [tilespmem:s9+$0x3560]  }
0x1ea: {  	[tilespmem:s8+$0xF980] =	vst v36;
	v36 =	vld [tilespmem:s8+$0x39A0]  }
0x1eb: {  	v38 =	vld.idx.msk [tilespmem:v40+s29+$0x0], $0xffff  }
0x1ec: {  	v40 =	vld [tilespmem:s9+$0x3570]  }
0x1ed: {  	[tilespmem:s9+$0xF590] =	vst v33;
	v33 =	vld [tilespmem:s9+$0x35B0]  }
0x1ee: {  	[tilespmem:s9+$0xF510] =	vst v34;
	v34 =	vld.idx.msk [tilespmem:v35+s29+$0x0], $0xffff  }
0x1ef: {  	v31 =	vld.idx.msk [tilespmem:v31+s29+$0x0], $0xffff  }
0x1f0: {  	v35 =	vld.idx.msk [tilespmem:v26+s29+$0x0], $0xffff  }
0x1f1: {  	[tilespmem:s8+$0xF990] =	vst v38;
	v38 =	vld [tilespmem:s8+$0x39B0];
	v26 =	vmov v40  }
0x1f2: {  	v36 =	vld.idx.msk [tilespmem:v36+s29+$0x0], $0xffff  }
0x1f3: {  	v40 =	vld [tilespmem:s9+$0x3900]  }
0x1f4: {  	[tilespmem:s9+$0xF5A0] =	vst v34;
	v34 =	vld [tilespmem:s9+$0x35C0]  }
0x1f5: {  	[tilespmem:s9+$0xF520] =	vst v31;
	v31 =	vld.idx.msk [tilespmem:v33+s29+$0x0], $0xffff  }
0x1f6: {  	v33 =	vld.idx.msk [tilespmem:v37+s29+$0x0], $0xffff;
	[tilespmem:s8+$0xF570] =	vst v35  }
0x1f7: {  	v35 =	vld.idx.msk [tilespmem:v27+s29+$0x0], $0xffff  }
0x1f8: {  	[tilespmem:s8+$0xF9A0] =	vst v36;
	v36 =	vld [tilespmem:s8+$0x39B8];
	v27 =	vmov v40  }
0x1f9: {  	v37 =	vld.idx.msk [tilespmem:v38+s29+$0x0], $0xffff  }
0x1fa: {  	v38 =	vld [tilespmem:s9+$0x3910]  }
0x1fb: {  	[tilespmem:s9+$0xF5B0] =	vst v31;
	v31 =	vld [tilespmem:s9+$0x35D0]  }
0x1fc: {  	[tilespmem:s9+$0xF530] =	vst v33;
	v33 =	vld.idx.msk [tilespmem:v34+s29+$0x0], $0xffff  }
0x1fd: {  	v34 =	vld.idx.msk [tilespmem:v39+s29+$0x0], $0xffff;
	[tilespmem:s8+$0xF900] =	vst v35  }
0x1fe: {  	v35 =	vld.idx.msk [tilespmem:v29+s29+$0x0], $0xffff  }
0x1ff: {  	v39 =	vld [tilespmem:s9+$0x3920];
	[tilespmem:s8+$0xF9B0] =	vst v37;
	v29 =	vmov v38  }
0x200: {  	v38 =	vld.idx.msk [tilespmem:v36+s29+$0x0], $0xffff  }
0x201: {  	v40 =	vld [tilespmem:s9+$0x3930]  }
0x202: {  	[tilespmem:s9+$0xF5C0] =	vst v33;
	v36 =	vld [tilespmem:s9+$0x35E0]  }
0x203: {  	[tilespmem:s9+$0xF540] =	vst v34;
	v42 =	vld.idx.msk [tilespmem:v31+s29+$0x0], $0xffff  }
0x204: {  	v37 =	vld.idx.msk [tilespmem:v41+s29+$0x0], $0xffff;
	[tilespmem:s8+$0xF910] =	vst v35  }
.Ltmp0:
0x205: {  	v35 =	vld.idx.msk [tilespmem:v30+s29+$0x0], $0xffff;
	v30 =	vmov v39;
	(pc) =	sbr.rel @p0 .LBB2_2-.Ltmp0, $4  }
0x206: {  	[tilespmem:s8+$0xF9B8] =	vst v38;
	v34 =	vld.idx.msk [tilespmem:v23+s29+$0x0], $0xffff;
	v23 =	vmov v28;
	v28 =	vmov v40  }
0x207: {  	v33 =	vld [tilespmem:s9+$0x3938]  }
0x208: {  	v31 =	vld.idx.msk [tilespmem:v22+s29+$0x0], $0xffff;
	v22 =	vmov v24;
	v24 =	vmov v25  }
0x209: {  	s11 =	sadd.s32 $0x100, s11;
	s12 =	sadd.s32 $0x200, s12;
	[tilespmem:s9+$0xF5D0] =	vst v42;
	v38 =	vld [tilespmem:s9+$0x35F0]  }
0x20a: {  	_ =	sdelay $0x3  }
0x20b: {  	v25 =	vld.idx.msk [tilespmem:v36+s29+$0x0], $0xffff;
	_ =	sdelay $0x3  }
0x20c: {  	[tilespmem:s9+$0xF550] =	vst v37  }
0x20d: {  	[tilespmem:s9+$0xF5E0] =	vst v25;
	v25 =	vld [tilespmem:s9+$0x3980]  }
0x20e: {  	v32 =	vld.idx.msk [tilespmem:v32+s29+$0x0], $0xffff  }
0x20f: {  	v45 =	vld.idx.msk [tilespmem:v38+s29+$0x0], $0xffff;
	_ =	sdelay $0x3  }
0x210: {  	v46 =	vld [tilespmem:s9+$0x3990];
	[tilespmem:s9+$0xF560] =	vst v32  }
0x211: {  	v26 =	vld.idx.msk [tilespmem:v26+s29+$0x0], $0xffff;
	[tilespmem:s9+$0xF5F0] =	vst v45  }
0x212: {  	v25 =	vld.idx.msk [tilespmem:v25+s29+$0x0], $0xffff;
	_ =	sdelay $0x3  }
0x213: {  	[tilespmem:s9+$0xF570] =	vst v26  }
0x214: {  	[tilespmem:s9+$0xF980] =	vst v25;
	v25 =	vld [tilespmem:s9+$0x39A0]  }
0x215: {  	v26 =	vld.idx.msk [tilespmem:v27+s29+$0x0], $0xffff  }
0x216: {  	v40 =	vld.idx.msk [tilespmem:v46+s29+$0x0], $0xffff;
	_ =	sdelay $0x3  }
0x217: {  	[tilespmem:s9+$0xF900] =	vst v26  }
0x218: {  	v26 =	vld.idx.msk [tilespmem:v29+s29+$0x0], $0xffff;
	[tilespmem:s9+$0xF990] =	vst v40  }
0x219: {  	v25 =	vld.idx.msk [tilespmem:v25+s29+$0x0], $0xffff;
	_ =	sdelay $0x1  }
0x21a: {  	v27 =	vld [tilespmem:s9+$0x39B0];
	_ =	sdelay $0x1  }
0x21b: {  	[tilespmem:s9+$0xF910] =	vst v26  }
0x21c: {  	[tilespmem:s9+$0xF9A0] =	vst v25;
	v25 =	vld.idx.msk [tilespmem:v30+s29+$0x0], $0xffff;
	_ =	sdelay $0x2  }
0x21d: {  	[tilespmem:s8+$0xF920] =	vst v35;
	v26 =	vld [tilespmem:s9+$0x39B8]  }
0x21e: {  	v23 =	vld.idx.msk [tilespmem:v23+s29+$0x0], $0xffff  }
0x21f: {  	v27 =	vld.idx.msk [tilespmem:v27+s29+$0x0], $0xffff;
	[tilespmem:s9+$0xF920] =	vst v25  }
0x220: {  	v25 =	vld.idx.msk [tilespmem:v28+s29+$0x0], $0xffff;
	_ =	sdelay $0x1  }
0x221: {  	[tilespmem:s7+$0xF930] =	vst v34  }
0x222: {  	v22 =	vld.idx.msk [tilespmem:v22+s29+$0x0], $0xffff;
	[tilespmem:s8+$0xF930] =	vst v23  }
0x223: {  	v23 =	vld.idx.msk [tilespmem:v24+s29+$0x0], $0xffff;
	[tilespmem:s9+$0xF9B0] =	vst v27  }
0x224: {  	v26 =	vld.idx.msk [tilespmem:v26+s29+$0x0], $0xffff;
	[tilespmem:s9+$0xF930] =	vst v25  }
0x225: {  	v24 =	vld.idx.msk [tilespmem:v33+s29+$0x0], $0xffff  }
0x226: {  	[tilespmem:s1+$0xF938] =	vst v31  }
0x227: {  	[tilespmem:s7+$0xF938] =	vst v22  }
0x228: {  	[tilespmem:s8+$0xF938] =	vst v23  }
0x229: {  	[tilespmem:s9+$0xF9B8] =	vst v26  }
0x22a: {  	[tilespmem:s9+$0xF938] =	vst v24  }
0x22b: {  	s14 =	simm.s32 $0x0;
	s7 =	rddreg [dreg:$0x7]  }
0x22c: {  	[hbm4b:s7+s14] =	stream.linear.scatter [tilespmem:s30], [sflag:$0x4], $0x4000, $0x38;
	[tilespmem:$0x1B500] =	vst v63  }
0x22d: {  	s8 =	rddreg [dreg:$0x8]  }
0x22e: {  	[tilespmem:s22], [sflag:$0x1] =	stream.linear.gather [hbm4b:s8+s14], $0x4000, $0x38;
	[tilespmem:$0x1B500] =	vst v63  }
0x22f: {  	_ =	swait.ge [sflag:s31], $0x4000  }
0x230: {  	s1 =	sand.u32 $0x300, s14;
	s9 =	sand.u32 $0x3800, s14;
	[sflag:s31] =	ssyncset.done $0x0  }
0x231: {  	s1 =	sor.u32 s1, s9;
	[sflag:s31] =	ssyncadd.s32 $0xFFFFC000  }
0x232: {  	v23 =	vld [tilespmem:s1+$0x7500];
	_ =	sdelay $0x2  }
0x233: {  	v22 =	vld [tilespmem:s1+$0x7580]  }
0x234: {  	v24 =	vld [tilespmem:s1+$0x7590]  }
0x235: {  	v25 =	vld [tilespmem:s1+$0x7510]  }
0x236: {  	v26 =	vld [tilespmem:s1+$0x7520]  }
0x237: {  	v27 =	vld [tilespmem:s1+$0x7530]  }
0x238: {  	v23 =	vld.idx.msk [tilespmem:v23+s29+$0x0], $0xffff  }
0x239: {  	v28 =	vld [tilespmem:s1+$0x7540]  }
0x23a: {  	v29 =	vld [tilespmem:s1+$0x7550]  }
0x23b: {  	v22 =	vld.idx.msk [tilespmem:v22+s29+$0x0], $0xffff  }
0x23c: {  	s10 =	simm.s32 $0x100;
	s11 =	simm.s32 $0x200;
	v30 =	vld [tilespmem:s1+$0x7560]  }
0x23d: {  	s7 =	sand.u32 $0x300, s10;
	s8 =	sand.u32 $0x3800, s11;
	v31 =	vld [tilespmem:s1+$0x7570];
	[tilespmem:s1+$0x13500] =	vst v23  }
0x23e: {  	s7 =	sor.u32 s7, s8;
	v23 =	vld.idx.msk [tilespmem:v25+s29+$0x0], $0xffff  }
0x23f: {  	v42 =	vld [tilespmem:s7+$0x7500]  }
0x240: {  	[tilespmem:s1+$0x13580] =	vst v22;
	v22 =	vld [tilespmem:s1+$0x75A0]  }
0x241: {  	v43 =	vld [tilespmem:s7+$0x7510]  }
0x242: {  	v24 =	vld.idx.msk [tilespmem:v24+s29+$0x0], $0xffff  }
0x243: {  	v34 =	vld [tilespmem:s7+$0x7520];
	[tilespmem:s1+$0x13510] =	vst v23  }
0x244: {  	v23 =	vld.idx.msk [tilespmem:v26+s29+$0x0], $0xffff  }
0x245: {  	v35 =	vld [tilespmem:s7+$0x7530]  }
0x246: {  	v44 =	vld [tilespmem:s7+$0x7590]  }
0x247: {  	[tilespmem:s1+$0x13590] =	vst v24;
	v24 =	vld [tilespmem:s1+$0x75B0]  }
0x248: {  	v22 =	vld.idx.msk [tilespmem:v22+s29+$0x0], $0xffff  }
0x249: {  	v37 =	vld [tilespmem:s7+$0x7540];
	[tilespmem:s1+$0x13520] =	vst v23  }
0x24a: {  	v23 =	vld.idx.msk [tilespmem:v27+s29+$0x0], $0xffff  }
0x24b: {  	s12 =	simm.s32 $0x200;
	s13 =	simm.s32 $0x400;
	v45 =	vld [tilespmem:s7+$0x7550]  }
0x24c: {  	s9 =	sand.u32 $0x3800, s13;
	s8 =	sand.u32 $0x300, s12;
	v39 =	vld [tilespmem:s7+$0x7570]  }
0x24d: {  	s8 =	sor.u32 s8, s9;
	[tilespmem:s1+$0x135A0] =	vst v22;
	v22 =	vld [tilespmem:s1+$0x75C0]  }
0x24e: {  	v38 =	vld [tilespmem:s8+$0x7520]  }
0x24f: {  	v24 =	vld.idx.msk [tilespmem:v24+s29+$0x0], $0xffff;
	[tilespmem:s1+$0x13530] =	vst v23  }
0x250: {  	v28 =	vld.idx.msk [tilespmem:v28+s29+$0x0], $0xffff  }
0x251: {  	v32 =	vld.idx.msk [tilespmem:v42+s29+$0x0], $0xffff  }
0x252: {  	v40 =	vld [tilespmem:s8+$0x7530]  }
0x253: {  	v25 =	vld [tilespmem:s1+$0x75D0]  }
0x254: {  	v42 =	vld [tilespmem:s7+$0x7560];
	[tilespmem:s1+$0x135B0] =	vst v24  }
0x255: {  	v22 =	vld.idx.msk [tilespmem:v22+s29+$0x0], $0xffff;
	[tilespmem:s1+$0x13540] =	vst v28  }
0x256: {  	[tilespmem:s7+$0x13500] =	vst v32;
	v28 =	vld.idx.msk [tilespmem:v29+s29+$0x0], $0xffff  }
0x257: {  	v33 =	vld.idx.msk [tilespmem:v43+s29+$0x0], $0xffff  }
0x258: {  	v43 =	vld [tilespmem:s7+$0x75B0]  }
0x259: {  	v26 =	vld [tilespmem:s1+$0x7900]  }
0x25a: {  	[tilespmem:s1+$0x135C0] =	vst v22;
	v22 =	vld [tilespmem:s1+$0x75E0]  }
0x25b: {  	v41 =	vld.idx.msk [tilespmem:v25+s29+$0x0], $0xffff;
	[tilespmem:s1+$0x13550] =	vst v28  }
0x25c: {  	v28 =	vld.idx.msk [tilespmem:v30+s29+$0x0], $0xffff  }
0x25d: {  	v30 =	vld [tilespmem:s7+$0x7580]  }
0x25e: {  	v27 =	vld [tilespmem:s1+$0x7910]  }
0x25f: {  	v23 =	vld [tilespmem:s1+$0x7920]  }
0x260: {  	v24 =	vld [tilespmem:s1+$0x7930]  }
0x261: {  	v29 =	vld [tilespmem:s1+$0x75F0]  }
0x262: {  	v25 =	vld [tilespmem:s1+$0x7938];
	[tilespmem:s1+$0x135D0] =	vst v41  }
0x263: {  	v22 =	vld.idx.msk [tilespmem:v22+s29+$0x0], $0xffff  }
0x264: {  	v41 =	vld [tilespmem:s8+$0x7590]  }
0x265: {  	[tilespmem:s7+$0x13510] =	vst v33;
	v30 =	vld.idx.msk [tilespmem:v30+s29+$0x0], $0xffff  }
0x266: {  	[tilespmem:s1+$0x13560] =	vst v28;
	v28 =	vld.idx.msk [tilespmem:v34+s29+$0x0], $0xffff  }
0x267: {  	v34 =	vld [tilespmem:s7+$0x7900]  }
0x268: {  	[tilespmem:s1+$0x135E0] =	vst v22;
	v22 =	vld [tilespmem:s1+$0x7980]  }
0x269: {  	v29 =	vld.idx.msk [tilespmem:v29+s29+$0x0], $0xffff  }
0x26a: {  	[tilespmem:s7+$0x13580] =	vst v30;
	v30 =	vld [tilespmem:s7+$0x75A0]  }
0x26b: {  	v31 =	vld.idx.msk [tilespmem:v31+s29+$0x0], $0xffff  }
0x26c: {  	[tilespmem:s7+$0x13520] =	vst v28;
	v46 =	vld.idx.msk [tilespmem:v44+s29+$0x0], $0xffff  }
0x26d: {  	v28 =	vld.idx.msk [tilespmem:v35+s29+$0x0], $0xffff  }
0x26e: {  	[tilespmem:s1+$0x135F0] =	vst v29;
	v29 =	vld [tilespmem:s1+$0x7990]  }
0x26f: {  	v35 =	vld [tilespmem:s7+$0x7910]  }
0x270: {  	[tilespmem:s1+$0x13570] =	vst v31;
	v22 =	vld.idx.msk [tilespmem:v22+s29+$0x0], $0xffff  }
0x271: {  	v31 =	vld [tilespmem:s7+$0x7930];
	[tilespmem:s7+$0x13590] =	vst v46  }
0x272: {  	v30 =	vld.idx.msk [tilespmem:v30+s29+$0x0], $0xffff  }
0x273: {  	v26 =	vld.idx.msk [tilespmem:v26+s29+$0x0], $0xffff  }
0x274: {  	v44 =	vld [tilespmem:s7+$0x75D0]  }
0x275: {  	[tilespmem:s1+$0x13980] =	vst v22;
	v22 =	vld [tilespmem:s1+$0x79A0]  }
0x276: {  	[tilespmem:s7+$0x13530] =	vst v28;
	v29 =	vld.idx.msk [tilespmem:v29+s29+$0x0], $0xffff  }
0x277: {  	[tilespmem:s7+$0x135A0] =	vst v30;
	v30 =	vld [tilespmem:s7+$0x75C0]  }
0x278: {  	v28 =	vld.idx.msk [tilespmem:v37+s29+$0x0], $0xffff  }
0x279: {  	v32 =	vld.idx.msk [tilespmem:v43+s29+$0x0], $0xffff  }
0x27a: {  	v37 =	vld [tilespmem:s7+$0x7920];
	[tilespmem:s1+$0x13900] =	vst v26  }
0x27b: {  	[tilespmem:s1+$0x13990] =	vst v29;
	v29 =	vld [tilespmem:s1+$0x79B0]  }
0x27c: {  	v27 =	vld.idx.msk [tilespmem:v27+s29+$0x0], $0xffff  }
0x27d: {  	v22 =	vld.idx.msk [tilespmem:v22+s29+$0x0], $0xffff  }
0x27e: {  	v46 =	vld [tilespmem:s8+$0x7510];
	[tilespmem:s7+$0x135B0] =	vst v32  }
0x27f: {  	v30 =	vld.idx.msk [tilespmem:v30+s29+$0x0], $0xffff  }
0x280: {  	[tilespmem:s7+$0x13540] =	vst v28;
	v28 =	vld [tilespmem:s7+$0x75F0]  }
0x281: {  	v26 =	vld.idx.msk [tilespmem:v45+s29+$0x0], $0xffff  }
0x282: {  	v45 =	vld [tilespmem:s8+$0x7500];
	[tilespmem:s1+$0x139A0] =	vst v22  }
0x283: {  	v29 =	vld.idx.msk [tilespmem:v29+s29+$0x0], $0xffff  }
0x284: {  	[tilespmem:s7+$0x135C0] =	vst v30;
	v30 =	vld [tilespmem:s7+$0x75E0]  }
0x285: {  	v22 =	vld [tilespmem:s1+$0x79B8]  }
0x286: {  	v32 =	vld.idx.msk [tilespmem:v44+s29+$0x0], $0xffff  }
0x287: {  	v43 =	vld [tilespmem:s8+$0x7550];
	[tilespmem:s7+$0x13550] =	vst v26  }
0x288: {  	[tilespmem:s1+$0x139B0] =	vst v29;
	v29 =	vld.idx.msk [tilespmem:v42+s29+$0x0], $0xffff  }
0x289: {  	v42 =	vld [tilespmem:s8+$0x7540]  }
0x28a: {  	v44 =	vld [tilespmem:s8+$0x7570]  }
0x28b: {  	[tilespmem:s7+$0x135D0] =	vst v32;
	v32 =	vld.idx.msk [tilespmem:v45+s29+$0x0], $0xffff  }
0x28c: {  	v26 =	vld.idx.msk [tilespmem:v30+s29+$0x0], $0xffff  }
0x28d: {  	v30 =	vld [tilespmem:s8+$0x7580]  }
0x28e: {  	v33 =	vld.idx.msk [tilespmem:v22+s29+$0x0], $0xffff  }
0x28f: {  	v22 =	vld [tilespmem:s7+$0x7938]  }
0x290: {  	v45 =	vld [tilespmem:s8+$0x75B0];
	[tilespmem:s8+$0x13500] =	vst v32  }
0x291: {  	s10 =	simm.s32 $0x600;
	s14 =	simm.s32 $0x300;
	[tilespmem:s7+$0x135E0] =	vst v26;
	v26 =	vld [tilespmem:s7+$0x7980]  }
0x292: {  	s10 =	sand.u32 $0x3800, s10;
	s9 =	sand.u32 $0x300, s14;
	v36 =	vld.idx.msk [tilespmem:v46+s29+$0x0], $0xffff  }
0x293: {  	s9 =	sor.u32 s9, s10;
	v28 =	vld.idx.msk [tilespmem:v28+s29+$0x0], $0xffff  }
0x294: {  	[tilespmem:s1+$0x139B8] =	vst v33;
	v33 =	vld [tilespmem:s9+$0x7938]  }
0x295: {  	[tilespmem:s7+$0x13560] =	vst v29;
	v30 =	vld.idx.msk [tilespmem:v30+s29+$0x0], $0xffff  }
0x296: {  	v46 =	vld.idx.msk [tilespmem:v39+s29+$0x0], $0xffff  }
0x297: {  	[tilespmem:s8+$0x13510] =	vst v36;
	v36 =	vld [tilespmem:s9+$0x7520]  }
0x298: {  	[tilespmem:s7+$0x135F0] =	vst v28;
	v28 =	vld [tilespmem:s7+$0x7990]  }
0x299: {  	v26 =	vld.idx.msk [tilespmem:v26+s29+$0x0], $0xffff  }
0x29a: {  	[tilespmem:s8+$0x13580] =	vst v30;
	v30 =	vld [tilespmem:s8+$0x75A0]  }
0x29b: {  	v29 =	vld.idx.msk [tilespmem:v38+s29+$0x0], $0xffff  }
0x29c: {  	v32 =	vld.idx.msk [tilespmem:v41+s29+$0x0], $0xffff  }
0x29d: {  	v38 =	vld [tilespmem:s8+$0x7900]  }
0x29e: {  	[tilespmem:s7+$0x13980] =	vst v26;
	v26 =	vld [tilespmem:s7+$0x79A0]  }
0x29f: {  	[tilespmem:s7+$0x13570] =	vst v46;
	v41 =	vld [tilespmem:s8+$0x7560]  }
0x2a0: {  	[tilespmem:s8+$0x13520] =	vst v29;
	v28 =	vld.idx.msk [tilespmem:v28+s29+$0x0], $0xffff  }
0x2a1: {  	v29 =	vld.idx.msk [tilespmem:v34+s29+$0x0], $0xffff;
	[tilespmem:s8+$0x13590] =	vst v32  }
0x2a2: {  	v30 =	vld.idx.msk [tilespmem:v30+s29+$0x0], $0xffff  }
0x2a3: {  	v34 =	vld [tilespmem:s8+$0x7910]  }
0x2a4: {  	v32 =	vld [tilespmem:s9+$0x7510]  }
0x2a5: {  	[tilespmem:s7+$0x13990] =	vst v28;
	v28 =	vld [tilespmem:s7+$0x79B0]  }
0x2a6: {  	[tilespmem:s1+$0x13910] =	vst v27;
	v26 =	vld.idx.msk [tilespmem:v26+s29+$0x0], $0xffff  }
0x2a7: {  	[tilespmem:s8+$0x135A0] =	vst v30;
	v30 =	vld [tilespmem:s8+$0x75C0]  }
0x2a8: {  	[tilespmem:s7+$0x13900] =	vst v29;
	v27 =	vld.idx.msk [tilespmem:v45+s29+$0x0], $0xffff  }
0x2a9: {  	v29 =	vld.idx.msk [tilespmem:v35+s29+$0x0], $0xffff  }
0x2aa: {  	v45 =	vld.idx.msk [tilespmem:v23+s29+$0x0], $0xffff  }
0x2ab: {  	v23 =	vld.idx.msk [tilespmem:v40+s29+$0x0], $0xffff  }
0x2ac: {  	[tilespmem:s7+$0x139A0] =	vst v26;
	v26 =	vld [tilespmem:s7+$0x79B8]  }
0x2ad: {  	[tilespmem:s8+$0x135B0] =	vst v27;
	v27 =	vld [tilespmem:s8+$0x75D0]  }
0x2ae: {  	v28 =	vld.idx.msk [tilespmem:v28+s29+$0x0], $0xffff  }
0x2af: {  	v30 =	vld.idx.msk [tilespmem:v30+s29+$0x0], $0xffff  }
0x2b0: {  	v35 =	vld [tilespmem:s8+$0x7920];
	[tilespmem:s8+$0x13530] =	vst v23  }
0x2b1: {  	v46 =	vld.idx.msk [tilespmem:v42+s29+$0x0], $0xffff  }
0x2b2: {  	[tilespmem:s7+$0x13910] =	vst v29;
	v29 =	vld [tilespmem:s9+$0x7580]  }
0x2b3: {  	v40 =	vld.idx.msk [tilespmem:v37+s29+$0x0], $0xffff;
	[tilespmem:s7+$0x139B0] =	vst v28  }
0x2b4: {  	[tilespmem:s8+$0x135C0] =	vst v30;
	v30 =	vld [tilespmem:s8+$0x75E0]  }
0x2b5: {  	v39 =	vld.idx.msk [tilespmem:v26+s29+$0x0], $0xffff  }
0x2b6: {  	[tilespmem:s8+$0x13540] =	vst v46;
	v27 =	vld.idx.msk [tilespmem:v27+s29+$0x0], $0xffff  }
0x2b7: {  	v26 =	vld.idx.msk [tilespmem:v43+s29+$0x0], $0xffff  }
0x2b8: {  	v37 =	vld [tilespmem:s9+$0x7530]  }
0x2b9: {  	v23 =	vld [tilespmem:s8+$0x7930]  }
0x2ba: {  	[tilespmem:s1+$0x13920] =	vst v45;
	v45 =	vld [tilespmem:s9+$0x7550]  }
0x2bb: {  	[tilespmem:s8+$0x135D0] =	vst v27;
	v27 =	vld [tilespmem:s8+$0x75F0]  }
0x2bc: {  	[tilespmem:s8+$0x13550] =	vst v26;
	v26 =	vld.idx.msk [tilespmem:v30+s29+$0x0], $0xffff  }
0x2bd: {  	v30 =	vld [tilespmem:s9+$0x7500]  }
0x2be: {  	v42 =	vld.idx.msk [tilespmem:v24+s29+$0x0], $0xffff  }
0x2bf: {  	v29 =	vld.idx.msk [tilespmem:v29+s29+$0x0], $0xffff  }
0x2c0: {  	v28 =	vld.idx.msk [tilespmem:v41+s29+$0x0], $0xffff  }
0x2c1: {  	[tilespmem:s8+$0x135E0] =	vst v26;
	v26 =	vld [tilespmem:s8+$0x7980]  }
0x2c2: {  	v41 =	vld [tilespmem:s9+$0x7590]  }
0x2c3: {  	v27 =	vld.idx.msk [tilespmem:v27+s29+$0x0], $0xffff  }
0x2c4: {  	v24 =	vld [tilespmem:s8+$0x7938]  }
0x2c5: {  	v30 =	vld.idx.msk [tilespmem:v30+s29+$0x0], $0xffff  }
0x2c6: {  	v46 =	vld [tilespmem:s8+$0x79A0]  }
0x2c7: {  	[tilespmem:s9+$0x13580] =	vst v29;
	v29 =	vld [tilespmem:s9+$0x75A0]  }
0x2c8: {  	[tilespmem:s8+$0x135F0] =	vst v27;
	v27 =	vld [tilespmem:s8+$0x7990]  }
0x2c9: {  	v26 =	vld.idx.msk [tilespmem:v26+s29+$0x0], $0xffff  }
0x2ca: {  	[tilespmem:s9+$0x13500] =	vst v30;
	v30 =	vld.idx.msk [tilespmem:v41+s29+$0x0], $0xffff  }
0x2cb: {  	v43 =	vld [tilespmem:s9+$0x7540]  }
0x2cc: {  	v41 =	vld.idx.msk [tilespmem:v32+s29+$0x0], $0xffff  }
0x2cd: {  	v32 =	vld [tilespmem:s9+$0x7560]  }
0x2ce: {  	[tilespmem:s8+$0x13980] =	vst v26;
	v26 =	vld [tilespmem:s9+$0x7570]  }
0x2cf: {  	[tilespmem:s9+$0x13590] =	vst v30;
	v30 =	vld [tilespmem:s9+$0x75B0]  }
0x2d0: {  	v27 =	vld.idx.msk [tilespmem:v27+s29+$0x0], $0xffff  }
0x2d1: {  	[tilespmem:s9+$0x13510] =	vst v41;
	v29 =	vld.idx.msk [tilespmem:v29+s29+$0x0], $0xffff  }
0x2d2: {  	[tilespmem:s8+$0x13560] =	vst v28;
	v28 =	vld.idx.msk [tilespmem:v36+s29+$0x0], $0xffff  }
0x2d3: {  	v36 =	vld.idx.msk [tilespmem:v44+s29+$0x0], $0xffff  }
0x2d4: {  	v41 =	vld [tilespmem:s8+$0x79B0]  }
0x2d5: {  	[tilespmem:s8+$0x13990] =	vst v27;
	v27 =	vld [tilespmem:s9+$0x7900]  }
0x2d6: {  	[tilespmem:s9+$0x135A0] =	vst v29;
	v29 =	vld [tilespmem:s9+$0x7910]  }
0x2d7: {  	v44 =	vld.idx.msk [tilespmem:v46+s29+$0x0], $0xffff  }
0x2d8: {  	v46 =	vld [tilespmem:s9+$0x75C0];
	[tilespmem:s8+$0x13570] =	vst v36  }
0x2d9: {  	v36 =	vld.idx.msk [tilespmem:v38+s29+$0x0], $0xffff  }
0x2da: {  	[tilespmem:s9+$0x13520] =	vst v28;
	v28 =	vld.idx.msk [tilespmem:v30+s29+$0x0], $0xffff  }
0x2db: {  	v30 =	vld.idx.msk [tilespmem:v37+s29+$0x0], $0xffff  }
0x2dc: {  	v37 =	vld [tilespmem:s8+$0x79B8];
	[tilespmem:s8+$0x139A0] =	vst v44  }
0x2dd: {  	v38 =	vld.idx.msk [tilespmem:v41+s29+$0x0], $0xffff  }
0x2de: {  	v41 =	vld [tilespmem:s9+$0x75D0];
	[tilespmem:s8+$0x13900] =	vst v36  }
0x2df: {  	[tilespmem:s9+$0x135B0] =	vst v28;
	v34 =	vld.idx.msk [tilespmem:v34+s29+$0x0], $0xffff  }
0x2e0: {  	[tilespmem:s9+$0x13530] =	vst v30;
	v28 =	vld.idx.msk [tilespmem:v46+s29+$0x0], $0xffff  }
0x2e1: {  	v43 =	vld.idx.msk [tilespmem:v43+s29+$0x0], $0xffff  }
0x2e2: {  	[tilespmem:s7+$0x13920] =	vst v40;
	v30 =	vld [tilespmem:s9+$0x7920]  }
0x2e3: {  	v36 =	vld [tilespmem:s9+$0x75E0];
	[tilespmem:s8+$0x139B0] =	vst v38  }
0x2e4: {  	v38 =	vld.idx.msk [tilespmem:v37+s29+$0x0], $0xffff;
	[tilespmem:s8+$0x13910] =	vst v34  }
0x2e5: {  	v34 =	vld.idx.msk [tilespmem:v31+s29+$0x0], $0xffff;
	[tilespmem:s9+$0x135C0] =	vst v28  }
0x2e6: {  	[tilespmem:s9+$0x13540] =	vst v43;
	v41 =	vld.idx.msk [tilespmem:v41+s29+$0x0], $0xffff  }
0x2e7: {  	v37 =	vld.idx.msk [tilespmem:v45+s29+$0x0], $0xffff  }
0x2e8: {  	[tilespmem:s1+$0x13930] =	vst v42;
	v35 =	vld.idx.msk [tilespmem:v35+s29+$0x0], $0xffff  }
0x2e9: {  	[tilespmem:s7+$0x139B8] =	vst v39;
	v31 =	vld.idx.msk [tilespmem:v25+s29+$0x0], $0xffff  }
0x2ea: {  	v28 =	vld [tilespmem:s9+$0x7930];
	[tilespmem:s8+$0x139B8] =	vst v38  }
0x2eb: {  	s11 =	simm.s32 $0x400;
	s12 =	simm.s32 $0x800;
	s10 =	simm.s32 $0x6;
	v38 =	vld [tilespmem:s9+$0x75F0];
	[tilespmem:s9+$0x135D0] =	vst v41  }
.LBB2_4:
0x2ec: {  	s13 =	sand.u32 $0x3800, s12;
	s14 =	sand.u32 $0x300, s11;
	s10 =	sadd.s32 $0x2, s10;
	[tilespmem:s9+$0x13550] =	vst v37;
	v36 =	vld.idx.msk [tilespmem:v36+s29+$0x0], $0xffff  }
0x2ed: {  	s13 =	sor.u32 s14, s13;
	p0 =	slt.u32 s10, $0x3E;
	v32 =	vld.idx.msk [tilespmem:v32+s29+$0x0], $0xffff;
	[tilespmem:s8+$0x13920] =	vst v35  }
0x2ee: {  	v35 =	vld [tilespmem:s13+$0x7580];
	[tilespmem:s7+$0x13930] =	vst v34;
	v25 =	vmov v33  }
0x2ef: {  	v33 =	vld [tilespmem:s13+$0x7500]  }
0x2f0: {  	v34 =	vld [tilespmem:s13+$0x7510];
	[tilespmem:s1+$0x13938] =	vst v31;
	s1 =	smov.u32 s7;
	s7 =	smov.u32 s8;
	s8 =	smov.u32 s9  }
0x2f1: {  	s9 =	smov.u32 s13;
	v31 =	vld [tilespmem:s13+$0x7520]  }
0x2f2: {  	[tilespmem:s8+$0x135E0] =	vst v36;
	v36 =	vld [tilespmem:s8+$0x7980]  }
0x2f3: {  	[tilespmem:s8+$0x13560] =	vst v32;
	v32 =	vld.idx.msk [tilespmem:v38+s29+$0x0], $0xffff  }
0x2f4: {  	v37 =	vld [tilespmem:s9+$0x7530]  }
0x2f5: {  	v38 =	vld [tilespmem:s9+$0x7590]  }
0x2f6: {  	v35 =	vld.idx.msk [tilespmem:v35+s29+$0x0], $0xffff  }
0x2f7: {  	v33 =	vld.idx.msk [tilespmem:v33+s29+$0x0], $0xffff  }
0x2f8: {  	v39 =	vld [tilespmem:s9+$0x7540]  }
0x2f9: {  	[tilespmem:s8+$0x135F0] =	vst v32;
	v40 =	vld [tilespmem:s8+$0x7990]  }
0x2fa: {  	v36 =	vld.idx.msk [tilespmem:v36+s29+$0x0], $0xffff  }
0x2fb: {  	v41 =	vld [tilespmem:s9+$0x7550]  }
0x2fc: {  	[tilespmem:s9+$0x13580] =	vst v35;
	v35 =	vld [tilespmem:s9+$0x75A0]  }
0x2fd: {  	[tilespmem:s9+$0x13500] =	vst v33;
	v33 =	vld.idx.msk [tilespmem:v38+s29+$0x0], $0xffff  }
0x2fe: {  	v34 =	vld.idx.msk [tilespmem:v34+s29+$0x0], $0xffff  }
0x2ff: {  	v32 =	vld [tilespmem:s9+$0x7560]  }
0x300: {  	[tilespmem:s8+$0x13980] =	vst v36;
	v36 =	vld [tilespmem:s8+$0x79A0]  }
0x301: {  	v38 =	vld.idx.msk [tilespmem:v40+s29+$0x0], $0xffff  }
0x302: {  	v40 =	vld [tilespmem:s9+$0x7570]  }
0x303: {  	[tilespmem:s9+$0x13590] =	vst v33;
	v33 =	vld [tilespmem:s9+$0x75B0]  }
0x304: {  	[tilespmem:s9+$0x13510] =	vst v34;
	v34 =	vld.idx.msk [tilespmem:v35+s29+$0x0], $0xffff  }
0x305: {  	v31 =	vld.idx.msk [tilespmem:v31+s29+$0x0], $0xffff  }
0x306: {  	v35 =	vld.idx.msk [tilespmem:v26+s29+$0x0], $0xffff  }
0x307: {  	[tilespmem:s8+$0x13990] =	vst v38;
	v38 =	vld [tilespmem:s8+$0x79B0];
	v26 =	vmov v40  }
0x308: {  	v36 =	vld.idx.msk [tilespmem:v36+s29+$0x0], $0xffff  }
0x309: {  	v40 =	vld [tilespmem:s9+$0x7900]  }
0x30a: {  	[tilespmem:s9+$0x135A0] =	vst v34;
	v34 =	vld [tilespmem:s9+$0x75C0]  }
0x30b: {  	[tilespmem:s9+$0x13520] =	vst v31;
	v31 =	vld.idx.msk [tilespmem:v33+s29+$0x0], $0xffff  }
0x30c: {  	v33 =	vld.idx.msk [tilespmem:v37+s29+$0x0], $0xffff;
	[tilespmem:s8+$0x13570] =	vst v35  }
0x30d: {  	v35 =	vld.idx.msk [tilespmem:v27+s29+$0x0], $0xffff  }
0x30e: {  	[tilespmem:s8+$0x139A0] =	vst v36;
	v36 =	vld [tilespmem:s8+$0x79B8];
	v27 =	vmov v40  }
0x30f: {  	v37 =	vld.idx.msk [tilespmem:v38+s29+$0x0], $0xffff  }
0x310: {  	v38 =	vld [tilespmem:s9+$0x7910]  }
0x311: {  	[tilespmem:s9+$0x135B0] =	vst v31;
	v31 =	vld [tilespmem:s9+$0x75D0]  }
0x312: {  	[tilespmem:s9+$0x13530] =	vst v33;
	v33 =	vld.idx.msk [tilespmem:v34+s29+$0x0], $0xffff  }
0x313: {  	v34 =	vld.idx.msk [tilespmem:v39+s29+$0x0], $0xffff;
	[tilespmem:s8+$0x13900] =	vst v35  }
0x314: {  	v35 =	vld.idx.msk [tilespmem:v29+s29+$0x0], $0xffff  }
0x315: {  	v39 =	vld [tilespmem:s9+$0x7920];
	[tilespmem:s8+$0x139B0] =	vst v37;
	v29 =	vmov v38  }
0x316: {  	v38 =	vld.idx.msk [tilespmem:v36+s29+$0x0], $0xffff  }
0x317: {  	v40 =	vld [tilespmem:s9+$0x7930]  }
0x318: {  	[tilespmem:s9+$0x135C0] =	vst v33;
	v36 =	vld [tilespmem:s9+$0x75E0]  }
0x319: {  	[tilespmem:s9+$0x13540] =	vst v34;
	v42 =	vld.idx.msk [tilespmem:v31+s29+$0x0], $0xffff  }
0x31a: {  	v37 =	vld.idx.msk [tilespmem:v41+s29+$0x0], $0xffff;
	[tilespmem:s8+$0x13910] =	vst v35  }
.Ltmp1:
0x31b: {  	v35 =	vld.idx.msk [tilespmem:v30+s29+$0x0], $0xffff;
	v30 =	vmov v39;
	(pc) =	sbr.rel @p0 .LBB2_4-.Ltmp1, $4  }
0x31c: {  	[tilespmem:s8+$0x139B8] =	vst v38;
	v34 =	vld.idx.msk [tilespmem:v23+s29+$0x0], $0xffff;
	v23 =	vmov v28;
	v28 =	vmov v40  }
0x31d: {  	v33 =	vld [tilespmem:s9+$0x7938]  }
0x31e: {  	v31 =	vld.idx.msk [tilespmem:v22+s29+$0x0], $0xffff;
	v22 =	vmov v24;
	v24 =	vmov v25  }
0x31f: {  	s11 =	sadd.s32 $0x100, s11;
	s12 =	sadd.s32 $0x200, s12;
	[tilespmem:s9+$0x135D0] =	vst v42;
	v38 =	vld [tilespmem:s9+$0x75F0]  }
0x320: {  	_ =	sdelay $0x3  }
0x321: {  	v25 =	vld.idx.msk [tilespmem:v36+s29+$0x0], $0xffff;
	_ =	sdelay $0x3  }
0x322: {  	[tilespmem:s9+$0x13550] =	vst v37  }
0x323: {  	[tilespmem:s9+$0x135E0] =	vst v25;
	v25 =	vld [tilespmem:s9+$0x7980]  }
0x324: {  	v32 =	vld.idx.msk [tilespmem:v32+s29+$0x0], $0xffff  }
0x325: {  	v45 =	vld.idx.msk [tilespmem:v38+s29+$0x0], $0xffff;
	_ =	sdelay $0x3  }
0x326: {  	v46 =	vld [tilespmem:s9+$0x7990];
	[tilespmem:s9+$0x13560] =	vst v32  }
0x327: {  	v26 =	vld.idx.msk [tilespmem:v26+s29+$0x0], $0xffff;
	[tilespmem:s9+$0x135F0] =	vst v45  }
0x328: {  	v25 =	vld.idx.msk [tilespmem:v25+s29+$0x0], $0xffff;
	_ =	sdelay $0x3  }
0x329: {  	[tilespmem:s9+$0x13570] =	vst v26  }
0x32a: {  	[tilespmem:s9+$0x13980] =	vst v25;
	v25 =	vld [tilespmem:s9+$0x79A0]  }
0x32b: {  	v26 =	vld.idx.msk [tilespmem:v27+s29+$0x0], $0xffff  }
0x32c: {  	v40 =	vld.idx.msk [tilespmem:v46+s29+$0x0], $0xffff;
	_ =	sdelay $0x3  }
0x32d: {  	[tilespmem:s9+$0x13900] =	vst v26  }
0x32e: {  	v26 =	vld.idx.msk [tilespmem:v29+s29+$0x0], $0xffff;
	[tilespmem:s9+$0x13990] =	vst v40  }
0x32f: {  	v25 =	vld.idx.msk [tilespmem:v25+s29+$0x0], $0xffff;
	_ =	sdelay $0x1  }
0x330: {  	v27 =	vld [tilespmem:s9+$0x79B0];
	_ =	sdelay $0x1  }
0x331: {  	[tilespmem:s9+$0x13910] =	vst v26  }
0x332: {  	[tilespmem:s9+$0x139A0] =	vst v25;
	v25 =	vld.idx.msk [tilespmem:v30+s29+$0x0], $0xffff;
	_ =	sdelay $0x2  }
0x333: {  	[tilespmem:s8+$0x13920] =	vst v35;
	v26 =	vld [tilespmem:s9+$0x79B8]  }
0x334: {  	v23 =	vld.idx.msk [tilespmem:v23+s29+$0x0], $0xffff  }
0x335: {  	v27 =	vld.idx.msk [tilespmem:v27+s29+$0x0], $0xffff;
	[tilespmem:s9+$0x13920] =	vst v25  }
0x336: {  	v25 =	vld.idx.msk [tilespmem:v28+s29+$0x0], $0xffff;
	_ =	sdelay $0x1  }
0x337: {  	[tilespmem:s7+$0x13930] =	vst v34  }
0x338: {  	v22 =	vld.idx.msk [tilespmem:v22+s29+$0x0], $0xffff;
	[tilespmem:s8+$0x13930] =	vst v23  }
0x339: {  	v23 =	vld.idx.msk [tilespmem:v24+s29+$0x0], $0xffff;
	[tilespmem:s9+$0x139B0] =	vst v27  }
0x33a: {  	v26 =	vld.idx.msk [tilespmem:v26+s29+$0x0], $0xffff;
	[tilespmem:s9+$0x13930] =	vst v25  }
0x33b: {  	v24 =	vld.idx.msk [tilespmem:v33+s29+$0x0], $0xffff  }
0x33c: {  	[tilespmem:s1+$0x13938] =	vst v31  }
0x33d: {  	[tilespmem:s7+$0x13938] =	vst v22  }
0x33e: {  	[tilespmem:s8+$0x13938] =	vst v23  }
0x33f: {  	[tilespmem:s9+$0x139B8] =	vst v26  }
0x340: {  	[tilespmem:s9+$0x13938] =	vst v24  }
0x341: {  	s14 =	simm.s32 $0x0;
	s7 =	rddreg [dreg:$0x9]  }
0x342: {  	[hbm4b:s7+s14] =	stream.linear.scatter [tilespmem:s0], [sflag:$0x5], $0x4000, $0x38;
	[tilespmem:$0x1B500] =	vst v63  }
0x343: {  	s8 =	rddreg [dreg:$0xa]  }
0x344: {  	[tilespmem:s23], [sflag:$0x2] =	stream.linear.gather [hbm4b:s8+s14], $0x4000, $0x38;
	[tilespmem:$0x1B500] =	vst v63  }
0x345: {  	_ =	swait.ge [sflag:s3], $0x4000  }
0x346: {  	s1 =	sand.u32 $0x300, s14;
	s9 =	sand.u32 $0x3800, s14;
	[sflag:s3] =	ssyncset.done $0x0  }
0x347: {  	s1 =	sor.u32 s1, s9;
	[sflag:s3] =	ssyncadd.s32 $0xFFFFC000  }
0x348: {  	v23 =	vld [tilespmem:s1+$0xB500];
	_ =	sdelay $0x2  }
0x349: {  	v22 =	vld [tilespmem:s1+$0xB580]  }
0x34a: {  	v24 =	vld [tilespmem:s1+$0xB590]  }
0x34b: {  	v25 =	vld [tilespmem:s1+$0xB510]  }
0x34c: {  	v26 =	vld [tilespmem:s1+$0xB520]  }
0x34d: {  	v27 =	vld [tilespmem:s1+$0xB530]  }
0x34e: {  	v23 =	vld.idx.msk [tilespmem:v23+s29+$0x0], $0xffff  }
0x34f: {  	v28 =	vld [tilespmem:s1+$0xB540]  }
0x350: {  	v29 =	vld [tilespmem:s1+$0xB550]  }
0x351: {  	v22 =	vld.idx.msk [tilespmem:v22+s29+$0x0], $0xffff  }
0x352: {  	s10 =	simm.s32 $0x100;
	s11 =	simm.s32 $0x200;
	v30 =	vld [tilespmem:s1+$0xB560]  }
0x353: {  	s7 =	sand.u32 $0x300, s10;
	s8 =	sand.u32 $0x3800, s11;
	v31 =	vld [tilespmem:s1+$0xB570];
	[tilespmem:s1+$0x17500] =	vst v23  }
0x354: {  	s7 =	sor.u32 s7, s8;
	v23 =	vld.idx.msk [tilespmem:v25+s29+$0x0], $0xffff  }
0x355: {  	v42 =	vld [tilespmem:s7+$0xB500]  }
0x356: {  	[tilespmem:s1+$0x17580] =	vst v22;
	v22 =	vld [tilespmem:s1+$0xB5A0]  }
0x357: {  	v43 =	vld [tilespmem:s7+$0xB510]  }
0x358: {  	v24 =	vld.idx.msk [tilespmem:v24+s29+$0x0], $0xffff  }
0x359: {  	v34 =	vld [tilespmem:s7+$0xB520];
	[tilespmem:s1+$0x17510] =	vst v23  }
0x35a: {  	v23 =	vld.idx.msk [tilespmem:v26+s29+$0x0], $0xffff  }
0x35b: {  	v35 =	vld [tilespmem:s7+$0xB530]  }
0x35c: {  	v44 =	vld [tilespmem:s7+$0xB590]  }
0x35d: {  	[tilespmem:s1+$0x17590] =	vst v24;
	v24 =	vld [tilespmem:s1+$0xB5B0]  }
0x35e: {  	v22 =	vld.idx.msk [tilespmem:v22+s29+$0x0], $0xffff  }
0x35f: {  	v37 =	vld [tilespmem:s7+$0xB540];
	[tilespmem:s1+$0x17520] =	vst v23  }
0x360: {  	v23 =	vld.idx.msk [tilespmem:v27+s29+$0x0], $0xffff  }
0x361: {  	s12 =	simm.s32 $0x200;
	s13 =	simm.s32 $0x400;
	v45 =	vld [tilespmem:s7+$0xB550]  }
0x362: {  	s9 =	sand.u32 $0x3800, s13;
	s8 =	sand.u32 $0x300, s12;
	v39 =	vld [tilespmem:s7+$0xB570]  }
0x363: {  	s8 =	sor.u32 s8, s9;
	[tilespmem:s1+$0x175A0] =	vst v22;
	v22 =	vld [tilespmem:s1+$0xB5C0]  }
0x364: {  	v38 =	vld [tilespmem:s8+$0xB520]  }
0x365: {  	v24 =	vld.idx.msk [tilespmem:v24+s29+$0x0], $0xffff;
	[tilespmem:s1+$0x17530] =	vst v23  }
0x366: {  	v28 =	vld.idx.msk [tilespmem:v28+s29+$0x0], $0xffff  }
0x367: {  	v32 =	vld.idx.msk [tilespmem:v42+s29+$0x0], $0xffff  }
0x368: {  	v40 =	vld [tilespmem:s8+$0xB530]  }
0x369: {  	v25 =	vld [tilespmem:s1+$0xB5D0]  }
0x36a: {  	v42 =	vld [tilespmem:s7+$0xB560];
	[tilespmem:s1+$0x175B0] =	vst v24  }
0x36b: {  	v22 =	vld.idx.msk [tilespmem:v22+s29+$0x0], $0xffff;
	[tilespmem:s1+$0x17540] =	vst v28  }
0x36c: {  	[tilespmem:s7+$0x17500] =	vst v32;
	v28 =	vld.idx.msk [tilespmem:v29+s29+$0x0], $0xffff  }
0x36d: {  	v33 =	vld.idx.msk [tilespmem:v43+s29+$0x0], $0xffff  }
0x36e: {  	v43 =	vld [tilespmem:s7+$0xB5B0]  }
0x36f: {  	v26 =	vld [tilespmem:s1+$0xB900]  }
0x370: {  	[tilespmem:s1+$0x175C0] =	vst v22;
	v22 =	vld [tilespmem:s1+$0xB5E0]  }
0x371: {  	v41 =	vld.idx.msk [tilespmem:v25+s29+$0x0], $0xffff;
	[tilespmem:s1+$0x17550] =	vst v28  }
0x372: {  	v28 =	vld.idx.msk [tilespmem:v30+s29+$0x0], $0xffff  }
0x373: {  	v30 =	vld [tilespmem:s7+$0xB580]  }
0x374: {  	v27 =	vld [tilespmem:s1+$0xB910]  }
0x375: {  	v23 =	vld [tilespmem:s1+$0xB920]  }
0x376: {  	v24 =	vld [tilespmem:s1+$0xB930]  }
0x377: {  	v29 =	vld [tilespmem:s1+$0xB5F0]  }
0x378: {  	v25 =	vld [tilespmem:s1+$0xB938];
	[tilespmem:s1+$0x175D0] =	vst v41  }
0x379: {  	v22 =	vld.idx.msk [tilespmem:v22+s29+$0x0], $0xffff  }
0x37a: {  	v41 =	vld [tilespmem:s8+$0xB590]  }
0x37b: {  	[tilespmem:s7+$0x17510] =	vst v33;
	v30 =	vld.idx.msk [tilespmem:v30+s29+$0x0], $0xffff  }
0x37c: {  	[tilespmem:s1+$0x17560] =	vst v28;
	v28 =	vld.idx.msk [tilespmem:v34+s29+$0x0], $0xffff  }
0x37d: {  	v34 =	vld [tilespmem:s7+$0xB900]  }
0x37e: {  	[tilespmem:s1+$0x175E0] =	vst v22;
	v22 =	vld [tilespmem:s1+$0xB980]  }
0x37f: {  	v29 =	vld.idx.msk [tilespmem:v29+s29+$0x0], $0xffff  }
0x380: {  	[tilespmem:s7+$0x17580] =	vst v30;
	v30 =	vld [tilespmem:s7+$0xB5A0]  }
0x381: {  	v31 =	vld.idx.msk [tilespmem:v31+s29+$0x0], $0xffff  }
0x382: {  	[tilespmem:s7+$0x17520] =	vst v28;
	v46 =	vld.idx.msk [tilespmem:v44+s29+$0x0], $0xffff  }
0x383: {  	v28 =	vld.idx.msk [tilespmem:v35+s29+$0x0], $0xffff  }
0x384: {  	[tilespmem:s1+$0x175F0] =	vst v29;
	v29 =	vld [tilespmem:s1+$0xB990]  }
0x385: {  	v35 =	vld [tilespmem:s7+$0xB910]  }
0x386: {  	[tilespmem:s1+$0x17570] =	vst v31;
	v22 =	vld.idx.msk [tilespmem:v22+s29+$0x0], $0xffff  }
0x387: {  	v31 =	vld [tilespmem:s7+$0xB930];
	[tilespmem:s7+$0x17590] =	vst v46  }
0x388: {  	v30 =	vld.idx.msk [tilespmem:v30+s29+$0x0], $0xffff  }
0x389: {  	v26 =	vld.idx.msk [tilespmem:v26+s29+$0x0], $0xffff  }
0x38a: {  	v44 =	vld [tilespmem:s7+$0xB5D0]  }
0x38b: {  	[tilespmem:s1+$0x17980] =	vst v22;
	v22 =	vld [tilespmem:s1+$0xB9A0]  }
0x38c: {  	[tilespmem:s7+$0x17530] =	vst v28;
	v29 =	vld.idx.msk [tilespmem:v29+s29+$0x0], $0xffff  }
0x38d: {  	[tilespmem:s7+$0x175A0] =	vst v30;
	v30 =	vld [tilespmem:s7+$0xB5C0]  }
0x38e: {  	v28 =	vld.idx.msk [tilespmem:v37+s29+$0x0], $0xffff  }
0x38f: {  	v32 =	vld.idx.msk [tilespmem:v43+s29+$0x0], $0xffff  }
0x390: {  	v37 =	vld [tilespmem:s7+$0xB920];
	[tilespmem:s1+$0x17900] =	vst v26  }
0x391: {  	[tilespmem:s1+$0x17990] =	vst v29;
	v29 =	vld [tilespmem:s1+$0xB9B0]  }
0x392: {  	v27 =	vld.idx.msk [tilespmem:v27+s29+$0x0], $0xffff  }
0x393: {  	v22 =	vld.idx.msk [tilespmem:v22+s29+$0x0], $0xffff  }
0x394: {  	v46 =	vld [tilespmem:s8+$0xB510];
	[tilespmem:s7+$0x175B0] =	vst v32  }
0x395: {  	v30 =	vld.idx.msk [tilespmem:v30+s29+$0x0], $0xffff  }
0x396: {  	[tilespmem:s7+$0x17540] =	vst v28;
	v28 =	vld [tilespmem:s7+$0xB5F0]  }
0x397: {  	v26 =	vld.idx.msk [tilespmem:v45+s29+$0x0], $0xffff  }
0x398: {  	v45 =	vld [tilespmem:s8+$0xB500];
	[tilespmem:s1+$0x179A0] =	vst v22  }
0x399: {  	v29 =	vld.idx.msk [tilespmem:v29+s29+$0x0], $0xffff  }
0x39a: {  	[tilespmem:s7+$0x175C0] =	vst v30;
	v30 =	vld [tilespmem:s7+$0xB5E0]  }
0x39b: {  	v22 =	vld [tilespmem:s1+$0xB9B8]  }
0x39c: {  	v32 =	vld.idx.msk [tilespmem:v44+s29+$0x0], $0xffff  }
0x39d: {  	v43 =	vld [tilespmem:s8+$0xB550];
	[tilespmem:s7+$0x17550] =	vst v26  }
0x39e: {  	[tilespmem:s1+$0x179B0] =	vst v29;
	v29 =	vld.idx.msk [tilespmem:v42+s29+$0x0], $0xffff  }
0x39f: {  	v42 =	vld [tilespmem:s8+$0xB540]  }
0x3a0: {  	v44 =	vld [tilespmem:s8+$0xB570]  }
0x3a1: {  	[tilespmem:s7+$0x175D0] =	vst v32;
	v32 =	vld.idx.msk [tilespmem:v45+s29+$0x0], $0xffff  }
0x3a2: {  	v26 =	vld.idx.msk [tilespmem:v30+s29+$0x0], $0xffff  }
0x3a3: {  	v30 =	vld [tilespmem:s8+$0xB580]  }
0x3a4: {  	v33 =	vld.idx.msk [tilespmem:v22+s29+$0x0], $0xffff  }
0x3a5: {  	v22 =	vld [tilespmem:s7+$0xB938]  }
0x3a6: {  	v45 =	vld [tilespmem:s8+$0xB5B0];
	[tilespmem:s8+$0x17500] =	vst v32  }
0x3a7: {  	s10 =	simm.s32 $0x600;
	s14 =	simm.s32 $0x300;
	[tilespmem:s7+$0x175E0] =	vst v26;
	v26 =	vld [tilespmem:s7+$0xB980]  }
0x3a8: {  	s10 =	sand.u32 $0x3800, s10;
	s9 =	sand.u32 $0x300, s14;
	v36 =	vld.idx.msk [tilespmem:v46+s29+$0x0], $0xffff  }
0x3a9: {  	s9 =	sor.u32 s9, s10;
	v28 =	vld.idx.msk [tilespmem:v28+s29+$0x0], $0xffff  }
0x3aa: {  	[tilespmem:s1+$0x179B8] =	vst v33;
	v33 =	vld [tilespmem:s9+$0xB938]  }
0x3ab: {  	[tilespmem:s7+$0x17560] =	vst v29;
	v30 =	vld.idx.msk [tilespmem:v30+s29+$0x0], $0xffff  }
0x3ac: {  	v46 =	vld.idx.msk [tilespmem:v39+s29+$0x0], $0xffff  }
0x3ad: {  	[tilespmem:s8+$0x17510] =	vst v36;
	v36 =	vld [tilespmem:s9+$0xB520]  }
0x3ae: {  	[tilespmem:s7+$0x175F0] =	vst v28;
	v28 =	vld [tilespmem:s7+$0xB990]  }
0x3af: {  	v26 =	vld.idx.msk [tilespmem:v26+s29+$0x0], $0xffff  }
0x3b0: {  	[tilespmem:s8+$0x17580] =	vst v30;
	v30 =	vld [tilespmem:s8+$0xB5A0]  }
0x3b1: {  	v29 =	vld.idx.msk [tilespmem:v38+s29+$0x0], $0xffff  }
0x3b2: {  	v32 =	vld.idx.msk [tilespmem:v41+s29+$0x0], $0xffff  }
0x3b3: {  	v38 =	vld [tilespmem:s8+$0xB900]  }
0x3b4: {  	[tilespmem:s7+$0x17980] =	vst v26;
	v26 =	vld [tilespmem:s7+$0xB9A0]  }
0x3b5: {  	[tilespmem:s7+$0x17570] =	vst v46;
	v41 =	vld [tilespmem:s8+$0xB560]  }
0x3b6: {  	[tilespmem:s8+$0x17520] =	vst v29;
	v28 =	vld.idx.msk [tilespmem:v28+s29+$0x0], $0xffff  }
0x3b7: {  	v29 =	vld.idx.msk [tilespmem:v34+s29+$0x0], $0xffff;
	[tilespmem:s8+$0x17590] =	vst v32  }
0x3b8: {  	v30 =	vld.idx.msk [tilespmem:v30+s29+$0x0], $0xffff  }
0x3b9: {  	v34 =	vld [tilespmem:s8+$0xB910]  }
0x3ba: {  	v32 =	vld [tilespmem:s9+$0xB510]  }
0x3bb: {  	[tilespmem:s7+$0x17990] =	vst v28;
	v28 =	vld [tilespmem:s7+$0xB9B0]  }
0x3bc: {  	[tilespmem:s1+$0x17910] =	vst v27;
	v26 =	vld.idx.msk [tilespmem:v26+s29+$0x0], $0xffff  }
0x3bd: {  	[tilespmem:s8+$0x175A0] =	vst v30;
	v30 =	vld [tilespmem:s8+$0xB5C0]  }
0x3be: {  	[tilespmem:s7+$0x17900] =	vst v29;
	v27 =	vld.idx.msk [tilespmem:v45+s29+$0x0], $0xffff  }
0x3bf: {  	v29 =	vld.idx.msk [tilespmem:v35+s29+$0x0], $0xffff  }
0x3c0: {  	v45 =	vld.idx.msk [tilespmem:v23+s29+$0x0], $0xffff  }
0x3c1: {  	v23 =	vld.idx.msk [tilespmem:v40+s29+$0x0], $0xffff  }
0x3c2: {  	[tilespmem:s7+$0x179A0] =	vst v26;
	v26 =	vld [tilespmem:s7+$0xB9B8]  }
0x3c3: {  	[tilespmem:s8+$0x175B0] =	vst v27;
	v27 =	vld [tilespmem:s8+$0xB5D0]  }
0x3c4: {  	v28 =	vld.idx.msk [tilespmem:v28+s29+$0x0], $0xffff  }
0x3c5: {  	v30 =	vld.idx.msk [tilespmem:v30+s29+$0x0], $0xffff  }
0x3c6: {  	v35 =	vld [tilespmem:s8+$0xB920];
	[tilespmem:s8+$0x17530] =	vst v23  }
0x3c7: {  	v46 =	vld.idx.msk [tilespmem:v42+s29+$0x0], $0xffff  }
0x3c8: {  	[tilespmem:s7+$0x17910] =	vst v29;
	v29 =	vld [tilespmem:s9+$0xB580]  }
0x3c9: {  	v40 =	vld.idx.msk [tilespmem:v37+s29+$0x0], $0xffff;
	[tilespmem:s7+$0x179B0] =	vst v28  }
0x3ca: {  	[tilespmem:s8+$0x175C0] =	vst v30;
	v30 =	vld [tilespmem:s8+$0xB5E0]  }
0x3cb: {  	v39 =	vld.idx.msk [tilespmem:v26+s29+$0x0], $0xffff  }
0x3cc: {  	[tilespmem:s8+$0x17540] =	vst v46;
	v27 =	vld.idx.msk [tilespmem:v27+s29+$0x0], $0xffff  }
0x3cd: {  	v26 =	vld.idx.msk [tilespmem:v43+s29+$0x0], $0xffff  }
0x3ce: {  	v37 =	vld [tilespmem:s9+$0xB530]  }
0x3cf: {  	v23 =	vld [tilespmem:s8+$0xB930]  }
0x3d0: {  	[tilespmem:s1+$0x17920] =	vst v45;
	v45 =	vld [tilespmem:s9+$0xB550]  }
0x3d1: {  	[tilespmem:s8+$0x175D0] =	vst v27;
	v27 =	vld [tilespmem:s8+$0xB5F0]  }
0x3d2: {  	[tilespmem:s8+$0x17550] =	vst v26;
	v26 =	vld.idx.msk [tilespmem:v30+s29+$0x0], $0xffff  }
0x3d3: {  	v30 =	vld [tilespmem:s9+$0xB500]  }
0x3d4: {  	v42 =	vld.idx.msk [tilespmem:v24+s29+$0x0], $0xffff  }
0x3d5: {  	v29 =	vld.idx.msk [tilespmem:v29+s29+$0x0], $0xffff  }
0x3d6: {  	v28 =	vld.idx.msk [tilespmem:v41+s29+$0x0], $0xffff  }
0x3d7: {  	[tilespmem:s8+$0x175E0] =	vst v26;
	v26 =	vld [tilespmem:s8+$0xB980]  }
0x3d8: {  	v41 =	vld [tilespmem:s9+$0xB590]  }
0x3d9: {  	v27 =	vld.idx.msk [tilespmem:v27+s29+$0x0], $0xffff  }
0x3da: {  	v24 =	vld [tilespmem:s8+$0xB938]  }
0x3db: {  	v30 =	vld.idx.msk [tilespmem:v30+s29+$0x0], $0xffff  }
0x3dc: {  	v46 =	vld [tilespmem:s8+$0xB9A0]  }
0x3dd: {  	[tilespmem:s9+$0x17580] =	vst v29;
	v29 =	vld [tilespmem:s9+$0xB5A0]  }
0x3de: {  	[tilespmem:s8+$0x175F0] =	vst v27;
	v27 =	vld [tilespmem:s8+$0xB990]  }
0x3df: {  	v26 =	vld.idx.msk [tilespmem:v26+s29+$0x0], $0xffff  }
0x3e0: {  	[tilespmem:s9+$0x17500] =	vst v30;
	v30 =	vld.idx.msk [tilespmem:v41+s29+$0x0], $0xffff  }
0x3e1: {  	v43 =	vld [tilespmem:s9+$0xB540]  }
0x3e2: {  	v41 =	vld.idx.msk [tilespmem:v32+s29+$0x0], $0xffff  }
0x3e3: {  	v32 =	vld [tilespmem:s9+$0xB560]  }
0x3e4: {  	[tilespmem:s8+$0x17980] =	vst v26;
	v26 =	vld [tilespmem:s9+$0xB570]  }
0x3e5: {  	[tilespmem:s9+$0x17590] =	vst v30;
	v30 =	vld [tilespmem:s9+$0xB5B0]  }
0x3e6: {  	v27 =	vld.idx.msk [tilespmem:v27+s29+$0x0], $0xffff  }
0x3e7: {  	[tilespmem:s9+$0x17510] =	vst v41;
	v29 =	vld.idx.msk [tilespmem:v29+s29+$0x0], $0xffff  }
0x3e8: {  	[tilespmem:s8+$0x17560] =	vst v28;
	v28 =	vld.idx.msk [tilespmem:v36+s29+$0x0], $0xffff  }
0x3e9: {  	v36 =	vld.idx.msk [tilespmem:v44+s29+$0x0], $0xffff  }
0x3ea: {  	v41 =	vld [tilespmem:s8+$0xB9B0]  }
0x3eb: {  	[tilespmem:s8+$0x17990] =	vst v27;
	v27 =	vld [tilespmem:s9+$0xB900]  }
0x3ec: {  	[tilespmem:s9+$0x175A0] =	vst v29;
	v29 =	vld [tilespmem:s9+$0xB910]  }
0x3ed: {  	v44 =	vld.idx.msk [tilespmem:v46+s29+$0x0], $0xffff  }
0x3ee: {  	v46 =	vld [tilespmem:s9+$0xB5C0];
	[tilespmem:s8+$0x17570] =	vst v36  }
0x3ef: {  	v36 =	vld.idx.msk [tilespmem:v38+s29+$0x0], $0xffff  }
0x3f0: {  	[tilespmem:s9+$0x17520] =	vst v28;
	v28 =	vld.idx.msk [tilespmem:v30+s29+$0x0], $0xffff  }
0x3f1: {  	v30 =	vld.idx.msk [tilespmem:v37+s29+$0x0], $0xffff  }
0x3f2: {  	v37 =	vld [tilespmem:s8+$0xB9B8];
	[tilespmem:s8+$0x179A0] =	vst v44  }
0x3f3: {  	v38 =	vld.idx.msk [tilespmem:v41+s29+$0x0], $0xffff  }
0x3f4: {  	v41 =	vld [tilespmem:s9+$0xB5D0];
	[tilespmem:s8+$0x17900] =	vst v36  }
0x3f5: {  	[tilespmem:s9+$0x175B0] =	vst v28;
	v34 =	vld.idx.msk [tilespmem:v34+s29+$0x0], $0xffff  }
0x3f6: {  	[tilespmem:s9+$0x17530] =	vst v30;
	v28 =	vld.idx.msk [tilespmem:v46+s29+$0x0], $0xffff  }
0x3f7: {  	v43 =	vld.idx.msk [tilespmem:v43+s29+$0x0], $0xffff  }
0x3f8: {  	[tilespmem:s7+$0x17920] =	vst v40;
	v30 =	vld [tilespmem:s9+$0xB920]  }
0x3f9: {  	v36 =	vld [tilespmem:s9+$0xB5E0];
	[tilespmem:s8+$0x179B0] =	vst v38  }
0x3fa: {  	v38 =	vld.idx.msk [tilespmem:v37+s29+$0x0], $0xffff;
	[tilespmem:s8+$0x17910] =	vst v34  }
0x3fb: {  	v34 =	vld.idx.msk [tilespmem:v31+s29+$0x0], $0xffff;
	[tilespmem:s9+$0x175C0] =	vst v28  }
0x3fc: {  	[tilespmem:s9+$0x17540] =	vst v43;
	v41 =	vld.idx.msk [tilespmem:v41+s29+$0x0], $0xffff  }
0x3fd: {  	v37 =	vld.idx.msk [tilespmem:v45+s29+$0x0], $0xffff  }
0x3fe: {  	[tilespmem:s1+$0x17930] =	vst v42;
	v35 =	vld.idx.msk [tilespmem:v35+s29+$0x0], $0xffff  }
0x3ff: {  	[tilespmem:s7+$0x179B8] =	vst v39;
	v31 =	vld.idx.msk [tilespmem:v25+s29+$0x0], $0xffff  }
0x400: {  	v28 =	vld [tilespmem:s9+$0xB930];
	[tilespmem:s8+$0x179B8] =	vst v38  }
0x401: {  	s11 =	simm.s32 $0x400;
	s12 =	simm.s32 $0x800;
	s10 =	simm.s32 $0x6;
	v38 =	vld [tilespmem:s9+$0xB5F0];
	[tilespmem:s9+$0x175D0] =	vst v41  }
.LBB2_6:
0x402: {  	s13 =	sand.u32 $0x3800, s12;
	s14 =	sand.u32 $0x300, s11;
	s10 =	sadd.s32 $0x2, s10;
	[tilespmem:s9+$0x17550] =	vst v37;
	v36 =	vld.idx.msk [tilespmem:v36+s29+$0x0], $0xffff  }
0x403: {  	s13 =	sor.u32 s14, s13;
	p0 =	slt.u32 s10, $0x3E;
	v32 =	vld.idx.msk [tilespmem:v32+s29+$0x0], $0xffff;
	[tilespmem:s8+$0x17920] =	vst v35  }
0x404: {  	v35 =	vld [tilespmem:s13+$0xB580];
	[tilespmem:s7+$0x17930] =	vst v34;
	v25 =	vmov v33  }
0x405: {  	v33 =	vld [tilespmem:s13+$0xB500]  }
0x406: {  	v34 =	vld [tilespmem:s13+$0xB510];
	[tilespmem:s1+$0x17938] =	vst v31;
	s1 =	smov.u32 s7;
	s7 =	smov.u32 s8;
	s8 =	smov.u32 s9  }
0x407: {  	s9 =	smov.u32 s13;
	v31 =	vld [tilespmem:s13+$0xB520]  }
0x408: {  	[tilespmem:s8+$0x175E0] =	vst v36;
	v36 =	vld [tilespmem:s8+$0xB980]  }
0x409: {  	[tilespmem:s8+$0x17560] =	vst v32;
	v32 =	vld.idx.msk [tilespmem:v38+s29+$0x0], $0xffff  }
0x40a: {  	v37 =	vld [tilespmem:s9+$0xB530]  }
0x40b: {  	v38 =	vld [tilespmem:s9+$0xB590]  }
0x40c: {  	v35 =	vld.idx.msk [tilespmem:v35+s29+$0x0], $0xffff  }
0x40d: {  	v33 =	vld.idx.msk [tilespmem:v33+s29+$0x0], $0xffff  }
0x40e: {  	v39 =	vld [tilespmem:s9+$0xB540]  }
0x40f: {  	[tilespmem:s8+$0x175F0] =	vst v32;
	v40 =	vld [tilespmem:s8+$0xB990]  }
0x410: {  	v36 =	vld.idx.msk [tilespmem:v36+s29+$0x0], $0xffff  }
0x411: {  	v41 =	vld [tilespmem:s9+$0xB550]  }
0x412: {  	[tilespmem:s9+$0x17580] =	vst v35;
	v35 =	vld [tilespmem:s9+$0xB5A0]  }
0x413: {  	[tilespmem:s9+$0x17500] =	vst v33;
	v33 =	vld.idx.msk [tilespmem:v38+s29+$0x0], $0xffff  }
0x414: {  	v34 =	vld.idx.msk [tilespmem:v34+s29+$0x0], $0xffff  }
0x415: {  	v32 =	vld [tilespmem:s9+$0xB560]  }
0x416: {  	[tilespmem:s8+$0x17980] =	vst v36;
	v36 =	vld [tilespmem:s8+$0xB9A0]  }
0x417: {  	v38 =	vld.idx.msk [tilespmem:v40+s29+$0x0], $0xffff  }
0x418: {  	v40 =	vld [tilespmem:s9+$0xB570]  }
0x419: {  	[tilespmem:s9+$0x17590] =	vst v33;
	v33 =	vld [tilespmem:s9+$0xB5B0]  }
0x41a: {  	[tilespmem:s9+$0x17510] =	vst v34;
	v34 =	vld.idx.msk [tilespmem:v35+s29+$0x0], $0xffff  }
0x41b: {  	v31 =	vld.idx.msk [tilespmem:v31+s29+$0x0], $0xffff  }
0x41c: {  	v35 =	vld.idx.msk [tilespmem:v26+s29+$0x0], $0xffff  }
0x41d: {  	[tilespmem:s8+$0x17990] =	vst v38;
	v38 =	vld [tilespmem:s8+$0xB9B0];
	v26 =	vmov v40  }
0x41e: {  	v36 =	vld.idx.msk [tilespmem:v36+s29+$0x0], $0xffff  }
0x41f: {  	v40 =	vld [tilespmem:s9+$0xB900]  }
0x420: {  	[tilespmem:s9+$0x175A0] =	vst v34;
	v34 =	vld [tilespmem:s9+$0xB5C0]  }
0x421: {  	[tilespmem:s9+$0x17520] =	vst v31;
	v31 =	vld.idx.msk [tilespmem:v33+s29+$0x0], $0xffff  }
0x422: {  	v33 =	vld.idx.msk [tilespmem:v37+s29+$0x0], $0xffff;
	[tilespmem:s8+$0x17570] =	vst v35  }
0x423: {  	v35 =	vld.idx.msk [tilespmem:v27+s29+$0x0], $0xffff  }
0x424: {  	[tilespmem:s8+$0x179A0] =	vst v36;
	v36 =	vld [tilespmem:s8+$0xB9B8];
	v27 =	vmov v40  }
0x425: {  	v37 =	vld.idx.msk [tilespmem:v38+s29+$0x0], $0xffff  }
0x426: {  	v38 =	vld [tilespmem:s9+$0xB910]  }
0x427: {  	[tilespmem:s9+$0x175B0] =	vst v31;
	v31 =	vld [tilespmem:s9+$0xB5D0]  }
0x428: {  	[tilespmem:s9+$0x17530] =	vst v33;
	v33 =	vld.idx.msk [tilespmem:v34+s29+$0x0], $0xffff  }
0x429: {  	v34 =	vld.idx.msk [tilespmem:v39+s29+$0x0], $0xffff;
	[tilespmem:s8+$0x17900] =	vst v35  }
0x42a: {  	v35 =	vld.idx.msk [tilespmem:v29+s29+$0x0], $0xffff  }
0x42b: {  	v39 =	vld [tilespmem:s9+$0xB920];
	[tilespmem:s8+$0x179B0] =	vst v37;
	v29 =	vmov v38  }
0x42c: {  	v38 =	vld.idx.msk [tilespmem:v36+s29+$0x0], $0xffff  }
0x42d: {  	v40 =	vld [tilespmem:s9+$0xB930]  }
0x42e: {  	[tilespmem:s9+$0x175C0] =	vst v33;
	v36 =	vld [tilespmem:s9+$0xB5E0]  }
0x42f: {  	[tilespmem:s9+$0x17540] =	vst v34;
	v42 =	vld.idx.msk [tilespmem:v31+s29+$0x0], $0xffff  }
0x430: {  	v37 =	vld.idx.msk [tilespmem:v41+s29+$0x0], $0xffff;
	[tilespmem:s8+$0x17910] =	vst v35  }
.Ltmp2:
0x431: {  	v35 =	vld.idx.msk [tilespmem:v30+s29+$0x0], $0xffff;
	v30 =	vmov v39;
	(pc) =	sbr.rel @p0 .LBB2_6-.Ltmp2, $4  }
0x432: {  	[tilespmem:s8+$0x179B8] =	vst v38;
	v34 =	vld.idx.msk [tilespmem:v23+s29+$0x0], $0xffff;
	v23 =	vmov v28;
	v28 =	vmov v40  }
0x433: {  	v33 =	vld [tilespmem:s9+$0xB938]  }
0x434: {  	v31 =	vld.idx.msk [tilespmem:v22+s29+$0x0], $0xffff;
	v22 =	vmov v24;
	v24 =	vmov v25  }
0x435: {  	s11 =	sadd.s32 $0x100, s11;
	s12 =	sadd.s32 $0x200, s12;
	[tilespmem:s9+$0x175D0] =	vst v42;
	v38 =	vld [tilespmem:s9+$0xB5F0]  }
0x436: {  	_ =	sdelay $0x3  }
0x437: {  	v25 =	vld.idx.msk [tilespmem:v36+s29+$0x0], $0xffff;
	_ =	sdelay $0x3  }
0x438: {  	[tilespmem:s9+$0x17550] =	vst v37  }
0x439: {  	[tilespmem:s9+$0x175E0] =	vst v25;
	v25 =	vld [tilespmem:s9+$0xB980]  }
0x43a: {  	v32 =	vld.idx.msk [tilespmem:v32+s29+$0x0], $0xffff  }
0x43b: {  	v45 =	vld.idx.msk [tilespmem:v38+s29+$0x0], $0xffff;
	_ =	sdelay $0x3  }
0x43c: {  	v46 =	vld [tilespmem:s9+$0xB990];
	[tilespmem:s9+$0x17560] =	vst v32  }
0x43d: {  	v26 =	vld.idx.msk [tilespmem:v26+s29+$0x0], $0xffff;
	[tilespmem:s9+$0x175F0] =	vst v45  }
0x43e: {  	v25 =	vld.idx.msk [tilespmem:v25+s29+$0x0], $0xffff;
	_ =	sdelay $0x3  }
0x43f: {  	[tilespmem:s9+$0x17570] =	vst v26  }
0x440: {  	[tilespmem:s9+$0x17980] =	vst v25;
	v25 =	vld [tilespmem:s9+$0xB9A0]  }
0x441: {  	v26 =	vld.idx.msk [tilespmem:v27+s29+$0x0], $0xffff  }
0x442: {  	v40 =	vld.idx.msk [tilespmem:v46+s29+$0x0], $0xffff;
	_ =	sdelay $0x3  }
0x443: {  	[tilespmem:s9+$0x17900] =	vst v26  }
0x444: {  	v26 =	vld.idx.msk [tilespmem:v29+s29+$0x0], $0xffff;
	[tilespmem:s9+$0x17990] =	vst v40  }
0x445: {  	v25 =	vld.idx.msk [tilespmem:v25+s29+$0x0], $0xffff;
	_ =	sdelay $0x1  }
0x446: {  	v27 =	vld [tilespmem:s9+$0xB9B0];
	_ =	sdelay $0x1  }
0x447: {  	[tilespmem:s9+$0x17910] =	vst v26  }
0x448: {  	[tilespmem:s9+$0x179A0] =	vst v25;
	v25 =	vld.idx.msk [tilespmem:v30+s29+$0x0], $0xffff;
	_ =	sdelay $0x2  }
0x449: {  	[tilespmem:s8+$0x17920] =	vst v35;
	v26 =	vld [tilespmem:s9+$0xB9B8]  }
0x44a: {  	v23 =	vld.idx.msk [tilespmem:v23+s29+$0x0], $0xffff  }
0x44b: {  	v27 =	vld.idx.msk [tilespmem:v27+s29+$0x0], $0xffff;
	[tilespmem:s9+$0x17920] =	vst v25  }
0x44c: {  	v25 =	vld.idx.msk [tilespmem:v28+s29+$0x0], $0xffff;
	_ =	sdelay $0x1  }
0x44d: {  	[tilespmem:s7+$0x17930] =	vst v34  }
0x44e: {  	v22 =	vld.idx.msk [tilespmem:v22+s29+$0x0], $0xffff;
	[tilespmem:s8+$0x17930] =	vst v23  }
0x44f: {  	v23 =	vld.idx.msk [tilespmem:v24+s29+$0x0], $0xffff;
	[tilespmem:s9+$0x179B0] =	vst v27  }
0x450: {  	v26 =	vld.idx.msk [tilespmem:v26+s29+$0x0], $0xffff;
	[tilespmem:s9+$0x17930] =	vst v25  }
0x451: {  	v24 =	vld.idx.msk [tilespmem:v33+s29+$0x0], $0xffff  }
0x452: {  	[tilespmem:s1+$0x17938] =	vst v31  }
0x453: {  	[tilespmem:s7+$0x17938] =	vst v22  }
0x454: {  	[tilespmem:s8+$0x17938] =	vst v23  }
0x455: {  	[tilespmem:s9+$0x179B8] =	vst v26  }
0x456: {  	[tilespmem:s9+$0x17938] =	vst v24  }
0x457: {  	s11 =	simm.s32 $0x0;
	s12 =	simm.s32 $0x17500;
	s7 =	rddreg [dreg:$0xb]  }
0x458: {  	[hbm4b:s7+s11] =	stream.linear.scatter [tilespmem:s12], [sflag:$0x6], $0x4000, $0x38;
	[tilespmem:$0x1B500] =	vst v63  }
0x459: {  	s14 =	simm.s32 $0xB500;
	s13 =	rddreg [dreg:$0xc]  }
0x45a: {  	[tilespmem:s14], [sflag:$0x3] =	stream.linear.gather [hbm4b:s13+s11], $0x4000, $0x38;
	[tilespmem:$0x1B500] =	vst v63  }
0x45b: {  	_ =	swait.ge [sflag:s28], $0x4000  }
0x45c: {  	[sflag:s28] =	ssyncset.done $0x0  }
0x45d: {  	[sflag:s28] =	ssyncadd.s32 $0xFFFFC000  }
0x45e: {  	_ =	swait.ge [sflag:s4], $0x4000  }
0x45f: {  	s1 =	sand.u32 $0x300, s11;
	s9 =	sand.u32 $0x3800, s11;
	[sflag:s4] =	ssyncset.done $0x0  }
0x460: {  	s1 =	sor.u32 s1, s9;
	[sflag:s4] =	ssyncadd.s32 $0xFFFFC000  }
0x461: {  	v23 =	vld [tilespmem:s1+$0x3500];
	_ =	sdelay $0x2  }
0x462: {  	v22 =	vld [tilespmem:s1+$0x3580]  }
0x463: {  	v24 =	vld [tilespmem:s1+$0x3590]  }
0x464: {  	v25 =	vld [tilespmem:s1+$0x3510]  }
0x465: {  	v26 =	vld [tilespmem:s1+$0x3520]  }
0x466: {  	v27 =	vld [tilespmem:s1+$0x3530]  }
0x467: {  	v23 =	vld.idx.msk [tilespmem:v23+s29+$0x0], $0xffff  }
0x468: {  	v28 =	vld [tilespmem:s1+$0x3540]  }
0x469: {  	v29 =	vld [tilespmem:s1+$0x3550]  }
0x46a: {  	v22 =	vld.idx.msk [tilespmem:v22+s29+$0x0], $0xffff  }
0x46b: {  	s10 =	simm.s32 $0x100;
	s11 =	simm.s32 $0x200;
	v30 =	vld [tilespmem:s1+$0x3560]  }
0x46c: {  	s7 =	sand.u32 $0x300, s10;
	s8 =	sand.u32 $0x3800, s11;
	v31 =	vld [tilespmem:s1+$0x3570];
	[tilespmem:s1+$0xF500] =	vst v23  }
0x46d: {  	s7 =	sor.u32 s7, s8;
	v23 =	vld.idx.msk [tilespmem:v25+s29+$0x0], $0xffff  }
0x46e: {  	v42 =	vld [tilespmem:s7+$0x3500]  }
0x46f: {  	[tilespmem:s1+$0xF580] =	vst v22;
	v22 =	vld [tilespmem:s1+$0x35A0]  }
0x470: {  	v43 =	vld [tilespmem:s7+$0x3510]  }
0x471: {  	v24 =	vld.idx.msk [tilespmem:v24+s29+$0x0], $0xffff  }
0x472: {  	v34 =	vld [tilespmem:s7+$0x3520];
	[tilespmem:s1+$0xF510] =	vst v23  }
0x473: {  	v23 =	vld.idx.msk [tilespmem:v26+s29+$0x0], $0xffff  }
0x474: {  	v35 =	vld [tilespmem:s7+$0x3530]  }
0x475: {  	v44 =	vld [tilespmem:s7+$0x3590]  }
0x476: {  	[tilespmem:s1+$0xF590] =	vst v24;
	v24 =	vld [tilespmem:s1+$0x35B0]  }
0x477: {  	v22 =	vld.idx.msk [tilespmem:v22+s29+$0x0], $0xffff  }
0x478: {  	v37 =	vld [tilespmem:s7+$0x3540];
	[tilespmem:s1+$0xF520] =	vst v23  }
0x479: {  	v23 =	vld.idx.msk [tilespmem:v27+s29+$0x0], $0xffff  }
0x47a: {  	s12 =	simm.s32 $0x200;
	s13 =	simm.s32 $0x400;
	v45 =	vld [tilespmem:s7+$0x3550]  }
0x47b: {  	s9 =	sand.u32 $0x3800, s13;
	s8 =	sand.u32 $0x300, s12;
	v39 =	vld [tilespmem:s7+$0x3570]  }
0x47c: {  	s8 =	sor.u32 s8, s9;
	[tilespmem:s1+$0xF5A0] =	vst v22;
	v22 =	vld [tilespmem:s1+$0x35C0]  }
0x47d: {  	v38 =	vld [tilespmem:s8+$0x3520]  }
0x47e: {  	v24 =	vld.idx.msk [tilespmem:v24+s29+$0x0], $0xffff;
	[tilespmem:s1+$0xF530] =	vst v23  }
0x47f: {  	v28 =	vld.idx.msk [tilespmem:v28+s29+$0x0], $0xffff  }
0x480: {  	v32 =	vld.idx.msk [tilespmem:v42+s29+$0x0], $0xffff  }
0x481: {  	v40 =	vld [tilespmem:s8+$0x3530]  }
0x482: {  	v25 =	vld [tilespmem:s1+$0x35D0]  }
0x483: {  	v42 =	vld [tilespmem:s7+$0x3560];
	[tilespmem:s1+$0xF5B0] =	vst v24  }
0x484: {  	v22 =	vld.idx.msk [tilespmem:v22+s29+$0x0], $0xffff;
	[tilespmem:s1+$0xF540] =	vst v28  }
0x485: {  	[tilespmem:s7+$0xF500] =	vst v32;
	v28 =	vld.idx.msk [tilespmem:v29+s29+$0x0], $0xffff  }
0x486: {  	v33 =	vld.idx.msk [tilespmem:v43+s29+$0x0], $0xffff  }
0x487: {  	v43 =	vld [tilespmem:s7+$0x35B0]  }
0x488: {  	v26 =	vld [tilespmem:s1+$0x3900]  }
0x489: {  	[tilespmem:s1+$0xF5C0] =	vst v22;
	v22 =	vld [tilespmem:s1+$0x35E0]  }
0x48a: {  	v41 =	vld.idx.msk [tilespmem:v25+s29+$0x0], $0xffff;
	[tilespmem:s1+$0xF550] =	vst v28  }
0x48b: {  	v28 =	vld.idx.msk [tilespmem:v30+s29+$0x0], $0xffff  }
0x48c: {  	v30 =	vld [tilespmem:s7+$0x3580]  }
0x48d: {  	v27 =	vld [tilespmem:s1+$0x3910]  }
0x48e: {  	v23 =	vld [tilespmem:s1+$0x3920]  }
0x48f: {  	v24 =	vld [tilespmem:s1+$0x3930]  }
0x490: {  	v29 =	vld [tilespmem:s1+$0x35F0]  }
0x491: {  	v25 =	vld [tilespmem:s1+$0x3938];
	[tilespmem:s1+$0xF5D0] =	vst v41  }
0x492: {  	v22 =	vld.idx.msk [tilespmem:v22+s29+$0x0], $0xffff  }
0x493: {  	v41 =	vld [tilespmem:s8+$0x3590]  }
0x494: {  	[tilespmem:s7+$0xF510] =	vst v33;
	v30 =	vld.idx.msk [tilespmem:v30+s29+$0x0], $0xffff  }
0x495: {  	[tilespmem:s1+$0xF560] =	vst v28;
	v28 =	vld.idx.msk [tilespmem:v34+s29+$0x0], $0xffff  }
0x496: {  	v34 =	vld [tilespmem:s7+$0x3900]  }
0x497: {  	[tilespmem:s1+$0xF5E0] =	vst v22;
	v22 =	vld [tilespmem:s1+$0x3980]  }
0x498: {  	v29 =	vld.idx.msk [tilespmem:v29+s29+$0x0], $0xffff  }
0x499: {  	[tilespmem:s7+$0xF580] =	vst v30;
	v30 =	vld [tilespmem:s7+$0x35A0]  }
0x49a: {  	v31 =	vld.idx.msk [tilespmem:v31+s29+$0x0], $0xffff  }
0x49b: {  	[tilespmem:s7+$0xF520] =	vst v28;
	v46 =	vld.idx.msk [tilespmem:v44+s29+$0x0], $0xffff  }
0x49c: {  	v28 =	vld.idx.msk [tilespmem:v35+s29+$0x0], $0xffff  }
0x49d: {  	[tilespmem:s1+$0xF5F0] =	vst v29;
	v29 =	vld [tilespmem:s1+$0x3990]  }
0x49e: {  	v35 =	vld [tilespmem:s7+$0x3910]  }
0x49f: {  	[tilespmem:s1+$0xF570] =	vst v31;
	v22 =	vld.idx.msk [tilespmem:v22+s29+$0x0], $0xffff  }
0x4a0: {  	v31 =	vld [tilespmem:s7+$0x3930];
	[tilespmem:s7+$0xF590] =	vst v46  }
0x4a1: {  	v30 =	vld.idx.msk [tilespmem:v30+s29+$0x0], $0xffff  }
0x4a2: {  	v26 =	vld.idx.msk [tilespmem:v26+s29+$0x0], $0xffff  }
0x4a3: {  	v44 =	vld [tilespmem:s7+$0x35D0]  }
0x4a4: {  	[tilespmem:s1+$0xF980] =	vst v22;
	v22 =	vld [tilespmem:s1+$0x39A0]  }
0x4a5: {  	[tilespmem:s7+$0xF530] =	vst v28;
	v29 =	vld.idx.msk [tilespmem:v29+s29+$0x0], $0xffff  }
0x4a6: {  	[tilespmem:s7+$0xF5A0] =	vst v30;
	v30 =	vld [tilespmem:s7+$0x35C0]  }
0x4a7: {  	v28 =	vld.idx.msk [tilespmem:v37+s29+$0x0], $0xffff  }
0x4a8: {  	v32 =	vld.idx.msk [tilespmem:v43+s29+$0x0], $0xffff  }
0x4a9: {  	v37 =	vld [tilespmem:s7+$0x3920];
	[tilespmem:s1+$0xF900] =	vst v26  }
0x4aa: {  	[tilespmem:s1+$0xF990] =	vst v29;
	v29 =	vld [tilespmem:s1+$0x39B0]  }
0x4ab: {  	v27 =	vld.idx.msk [tilespmem:v27+s29+$0x0], $0xffff  }
0x4ac: {  	v22 =	vld.idx.msk [tilespmem:v22+s29+$0x0], $0xffff  }
0x4ad: {  	v46 =	vld [tilespmem:s8+$0x3510];
	[tilespmem:s7+$0xF5B0] =	vst v32  }
0x4ae: {  	v30 =	vld.idx.msk [tilespmem:v30+s29+$0x0], $0xffff  }
0x4af: {  	[tilespmem:s7+$0xF540] =	vst v28;
	v28 =	vld [tilespmem:s7+$0x35F0]  }
0x4b0: {  	v26 =	vld.idx.msk [tilespmem:v45+s29+$0x0], $0xffff  }
0x4b1: {  	v45 =	vld [tilespmem:s8+$0x3500];
	[tilespmem:s1+$0xF9A0] =	vst v22  }
0x4b2: {  	v29 =	vld.idx.msk [tilespmem:v29+s29+$0x0], $0xffff  }
0x4b3: {  	[tilespmem:s7+$0xF5C0] =	vst v30;
	v30 =	vld [tilespmem:s7+$0x35E0]  }
0x4b4: {  	v22 =	vld [tilespmem:s1+$0x39B8]  }
0x4b5: {  	v32 =	vld.idx.msk [tilespmem:v44+s29+$0x0], $0xffff  }
0x4b6: {  	v43 =	vld [tilespmem:s8+$0x3550];
	[tilespmem:s7+$0xF550] =	vst v26  }
0x4b7: {  	[tilespmem:s1+$0xF9B0] =	vst v29;
	v29 =	vld.idx.msk [tilespmem:v42+s29+$0x0], $0xffff  }
0x4b8: {  	v42 =	vld [tilespmem:s8+$0x3540]  }
0x4b9: {  	v44 =	vld [tilespmem:s8+$0x3570]  }
0x4ba: {  	[tilespmem:s7+$0xF5D0] =	vst v32;
	v32 =	vld.idx.msk [tilespmem:v45+s29+$0x0], $0xffff  }
0x4bb: {  	v26 =	vld.idx.msk [tilespmem:v30+s29+$0x0], $0xffff  }
0x4bc: {  	v30 =	vld [tilespmem:s8+$0x3580]  }
0x4bd: {  	v33 =	vld.idx.msk [tilespmem:v22+s29+$0x0], $0xffff  }
0x4be: {  	v22 =	vld [tilespmem:s7+$0x3938]  }
0x4bf: {  	v45 =	vld [tilespmem:s8+$0x35B0];
	[tilespmem:s8+$0xF500] =	vst v32  }
0x4c0: {  	s10 =	simm.s32 $0x600;
	s14 =	simm.s32 $0x300;
	[tilespmem:s7+$0xF5E0] =	vst v26;
	v26 =	vld [tilespmem:s7+$0x3980]  }
0x4c1: {  	s10 =	sand.u32 $0x3800, s10;
	s9 =	sand.u32 $0x300, s14;
	v36 =	vld.idx.msk [tilespmem:v46+s29+$0x0], $0xffff  }
0x4c2: {  	s9 =	sor.u32 s9, s10;
	v28 =	vld.idx.msk [tilespmem:v28+s29+$0x0], $0xffff  }
0x4c3: {  	[tilespmem:s1+$0xF9B8] =	vst v33;
	v33 =	vld [tilespmem:s9+$0x3938]  }
0x4c4: {  	[tilespmem:s7+$0xF560] =	vst v29;
	v30 =	vld.idx.msk [tilespmem:v30+s29+$0x0], $0xffff  }
0x4c5: {  	v46 =	vld.idx.msk [tilespmem:v39+s29+$0x0], $0xffff  }
0x4c6: {  	[tilespmem:s8+$0xF510] =	vst v36;
	v36 =	vld [tilespmem:s9+$0x3520]  }
0x4c7: {  	[tilespmem:s7+$0xF5F0] =	vst v28;
	v28 =	vld [tilespmem:s7+$0x3990]  }
0x4c8: {  	v26 =	vld.idx.msk [tilespmem:v26+s29+$0x0], $0xffff  }
0x4c9: {  	[tilespmem:s8+$0xF580] =	vst v30;
	v30 =	vld [tilespmem:s8+$0x35A0]  }
0x4ca: {  	v29 =	vld.idx.msk [tilespmem:v38+s29+$0x0], $0xffff  }
0x4cb: {  	v32 =	vld.idx.msk [tilespmem:v41+s29+$0x0], $0xffff  }
0x4cc: {  	v38 =	vld [tilespmem:s8+$0x3900]  }
0x4cd: {  	[tilespmem:s7+$0xF980] =	vst v26;
	v26 =	vld [tilespmem:s7+$0x39A0]  }
0x4ce: {  	[tilespmem:s7+$0xF570] =	vst v46;
	v41 =	vld [tilespmem:s8+$0x3560]  }
0x4cf: {  	[tilespmem:s8+$0xF520] =	vst v29;
	v28 =	vld.idx.msk [tilespmem:v28+s29+$0x0], $0xffff  }
0x4d0: {  	v29 =	vld.idx.msk [tilespmem:v34+s29+$0x0], $0xffff;
	[tilespmem:s8+$0xF590] =	vst v32  }
0x4d1: {  	v30 =	vld.idx.msk [tilespmem:v30+s29+$0x0], $0xffff  }
0x4d2: {  	v34 =	vld [tilespmem:s8+$0x3910]  }
0x4d3: {  	v32 =	vld [tilespmem:s9+$0x3510]  }
0x4d4: {  	[tilespmem:s7+$0xF990] =	vst v28;
	v28 =	vld [tilespmem:s7+$0x39B0]  }
0x4d5: {  	[tilespmem:s1+$0xF910] =	vst v27;
	v26 =	vld.idx.msk [tilespmem:v26+s29+$0x0], $0xffff  }
0x4d6: {  	[tilespmem:s8+$0xF5A0] =	vst v30;
	v30 =	vld [tilespmem:s8+$0x35C0]  }
0x4d7: {  	[tilespmem:s7+$0xF900] =	vst v29;
	v27 =	vld.idx.msk [tilespmem:v45+s29+$0x0], $0xffff  }
0x4d8: {  	v29 =	vld.idx.msk [tilespmem:v35+s29+$0x0], $0xffff  }
0x4d9: {  	v45 =	vld.idx.msk [tilespmem:v23+s29+$0x0], $0xffff  }
0x4da: {  	v23 =	vld.idx.msk [tilespmem:v40+s29+$0x0], $0xffff  }
0x4db: {  	[tilespmem:s7+$0xF9A0] =	vst v26;
	v26 =	vld [tilespmem:s7+$0x39B8]  }
0x4dc: {  	[tilespmem:s8+$0xF5B0] =	vst v27;
	v27 =	vld [tilespmem:s8+$0x35D0]  }
0x4dd: {  	v28 =	vld.idx.msk [tilespmem:v28+s29+$0x0], $0xffff  }
0x4de: {  	v30 =	vld.idx.msk [tilespmem:v30+s29+$0x0], $0xffff  }
0x4df: {  	v35 =	vld [tilespmem:s8+$0x3920];
	[tilespmem:s8+$0xF530] =	vst v23  }
0x4e0: {  	v46 =	vld.idx.msk [tilespmem:v42+s29+$0x0], $0xffff  }
0x4e1: {  	[tilespmem:s7+$0xF910] =	vst v29;
	v29 =	vld [tilespmem:s9+$0x3580]  }
0x4e2: {  	v40 =	vld.idx.msk [tilespmem:v37+s29+$0x0], $0xffff;
	[tilespmem:s7+$0xF9B0] =	vst v28  }
0x4e3: {  	[tilespmem:s8+$0xF5C0] =	vst v30;
	v30 =	vld [tilespmem:s8+$0x35E0]  }
0x4e4: {  	v39 =	vld.idx.msk [tilespmem:v26+s29+$0x0], $0xffff  }
0x4e5: {  	[tilespmem:s8+$0xF540] =	vst v46;
	v27 =	vld.idx.msk [tilespmem:v27+s29+$0x0], $0xffff  }
0x4e6: {  	v26 =	vld.idx.msk [tilespmem:v43+s29+$0x0], $0xffff  }
0x4e7: {  	v37 =	vld [tilespmem:s9+$0x3530]  }
0x4e8: {  	v23 =	vld [tilespmem:s8+$0x3930]  }
0x4e9: {  	[tilespmem:s1+$0xF920] =	vst v45;
	v45 =	vld [tilespmem:s9+$0x3550]  }
0x4ea: {  	[tilespmem:s8+$0xF5D0] =	vst v27;
	v27 =	vld [tilespmem:s8+$0x35F0]  }
0x4eb: {  	[tilespmem:s8+$0xF550] =	vst v26;
	v26 =	vld.idx.msk [tilespmem:v30+s29+$0x0], $0xffff  }
0x4ec: {  	v30 =	vld [tilespmem:s9+$0x3500]  }
0x4ed: {  	v42 =	vld.idx.msk [tilespmem:v24+s29+$0x0], $0xffff  }
0x4ee: {  	v29 =	vld.idx.msk [tilespmem:v29+s29+$0x0], $0xffff  }
0x4ef: {  	v28 =	vld.idx.msk [tilespmem:v41+s29+$0x0], $0xffff  }
0x4f0: {  	[tilespmem:s8+$0xF5E0] =	vst v26;
	v26 =	vld [tilespmem:s8+$0x3980]  }
0x4f1: {  	v41 =	vld [tilespmem:s9+$0x3590]  }
0x4f2: {  	v27 =	vld.idx.msk [tilespmem:v27+s29+$0x0], $0xffff  }
0x4f3: {  	v24 =	vld [tilespmem:s8+$0x3938]  }
0x4f4: {  	v30 =	vld.idx.msk [tilespmem:v30+s29+$0x0], $0xffff  }
0x4f5: {  	v46 =	vld [tilespmem:s8+$0x39A0]  }
0x4f6: {  	[tilespmem:s9+$0xF580] =	vst v29;
	v29 =	vld [tilespmem:s9+$0x35A0]  }
0x4f7: {  	[tilespmem:s8+$0xF5F0] =	vst v27;
	v27 =	vld [tilespmem:s8+$0x3990]  }
0x4f8: {  	v26 =	vld.idx.msk [tilespmem:v26+s29+$0x0], $0xffff  }
0x4f9: {  	[tilespmem:s9+$0xF500] =	vst v30;
	v30 =	vld.idx.msk [tilespmem:v41+s29+$0x0], $0xffff  }
0x4fa: {  	v43 =	vld [tilespmem:s9+$0x3540]  }
0x4fb: {  	v41 =	vld.idx.msk [tilespmem:v32+s29+$0x0], $0xffff  }
0x4fc: {  	v32 =	vld [tilespmem:s9+$0x3560]  }
0x4fd: {  	[tilespmem:s8+$0xF980] =	vst v26;
	v26 =	vld [tilespmem:s9+$0x3570]  }
0x4fe: {  	[tilespmem:s9+$0xF590] =	vst v30;
	v30 =	vld [tilespmem:s9+$0x35B0]  }
0x4ff: {  	v27 =	vld.idx.msk [tilespmem:v27+s29+$0x0], $0xffff  }
0x500: {  	[tilespmem:s9+$0xF510] =	vst v41;
	v29 =	vld.idx.msk [tilespmem:v29+s29+$0x0], $0xffff  }
0x501: {  	[tilespmem:s8+$0xF560] =	vst v28;
	v28 =	vld.idx.msk [tilespmem:v36+s29+$0x0], $0xffff  }
0x502: {  	v36 =	vld.idx.msk [tilespmem:v44+s29+$0x0], $0xffff  }
0x503: {  	v41 =	vld [tilespmem:s8+$0x39B0]  }
0x504: {  	[tilespmem:s8+$0xF990] =	vst v27;
	v27 =	vld [tilespmem:s9+$0x3900]  }
0x505: {  	[tilespmem:s9+$0xF5A0] =	vst v29;
	v29 =	vld [tilespmem:s9+$0x3910]  }
0x506: {  	v44 =	vld.idx.msk [tilespmem:v46+s29+$0x0], $0xffff  }
0x507: {  	v46 =	vld [tilespmem:s9+$0x35C0];
	[tilespmem:s8+$0xF570] =	vst v36  }
0x508: {  	v36 =	vld.idx.msk [tilespmem:v38+s29+$0x0], $0xffff  }
0x509: {  	[tilespmem:s9+$0xF520] =	vst v28;
	v28 =	vld.idx.msk [tilespmem:v30+s29+$0x0], $0xffff  }
0x50a: {  	v30 =	vld.idx.msk [tilespmem:v37+s29+$0x0], $0xffff  }
0x50b: {  	v37 =	vld [tilespmem:s8+$0x39B8];
	[tilespmem:s8+$0xF9A0] =	vst v44  }
0x50c: {  	v38 =	vld.idx.msk [tilespmem:v41+s29+$0x0], $0xffff  }
0x50d: {  	v41 =	vld [tilespmem:s9+$0x35D0];
	[tilespmem:s8+$0xF900] =	vst v36  }
0x50e: {  	[tilespmem:s9+$0xF5B0] =	vst v28;
	v34 =	vld.idx.msk [tilespmem:v34+s29+$0x0], $0xffff  }
0x50f: {  	[tilespmem:s9+$0xF530] =	vst v30;
	v28 =	vld.idx.msk [tilespmem:v46+s29+$0x0], $0xffff  }
0x510: {  	v43 =	vld.idx.msk [tilespmem:v43+s29+$0x0], $0xffff  }
0x511: {  	[tilespmem:s7+$0xF920] =	vst v40;
	v30 =	vld [tilespmem:s9+$0x3920]  }
0x512: {  	v36 =	vld [tilespmem:s9+$0x35E0];
	[tilespmem:s8+$0xF9B0] =	vst v38  }
0x513: {  	v38 =	vld.idx.msk [tilespmem:v37+s29+$0x0], $0xffff;
	[tilespmem:s8+$0xF910] =	vst v34  }
0x514: {  	v34 =	vld.idx.msk [tilespmem:v31+s29+$0x0], $0xffff;
	[tilespmem:s9+$0xF5C0] =	vst v28  }
0x515: {  	[tilespmem:s9+$0xF540] =	vst v43;
	v41 =	vld.idx.msk [tilespmem:v41+s29+$0x0], $0xffff  }
0x516: {  	v37 =	vld.idx.msk [tilespmem:v45+s29+$0x0], $0xffff  }
0x517: {  	[tilespmem:s1+$0xF930] =	vst v42;
	v35 =	vld.idx.msk [tilespmem:v35+s29+$0x0], $0xffff  }
0x518: {  	[tilespmem:s7+$0xF9B8] =	vst v39;
	v31 =	vld.idx.msk [tilespmem:v25+s29+$0x0], $0xffff  }
0x519: {  	v28 =	vld [tilespmem:s9+$0x3930];
	[tilespmem:s8+$0xF9B8] =	vst v38  }
0x51a: {  	s11 =	simm.s32 $0x400;
	s12 =	simm.s32 $0x800;
	s10 =	simm.s32 $0x6;
	v38 =	vld [tilespmem:s9+$0x35F0];
	[tilespmem:s9+$0xF5D0] =	vst v41  }
.LBB2_8:
0x51b: {  	s13 =	sand.u32 $0x3800, s12;
	s14 =	sand.u32 $0x300, s11;
	s10 =	sadd.s32 $0x2, s10;
	[tilespmem:s9+$0xF550] =	vst v37;
	v36 =	vld.idx.msk [tilespmem:v36+s29+$0x0], $0xffff  }
0x51c: {  	s13 =	sor.u32 s14, s13;
	p0 =	slt.u32 s10, $0x3E;
	v32 =	vld.idx.msk [tilespmem:v32+s29+$0x0], $0xffff;
	[tilespmem:s8+$0xF920] =	vst v35  }
0x51d: {  	v35 =	vld [tilespmem:s13+$0x3580];
	[tilespmem:s7+$0xF930] =	vst v34;
	v25 =	vmov v33  }
0x51e: {  	v33 =	vld [tilespmem:s13+$0x3500]  }
0x51f: {  	v34 =	vld [tilespmem:s13+$0x3510];
	[tilespmem:s1+$0xF938] =	vst v31;
	s1 =	smov.u32 s7;
	s7 =	smov.u32 s8;
	s8 =	smov.u32 s9  }
0x520: {  	s9 =	smov.u32 s13;
	v31 =	vld [tilespmem:s13+$0x3520]  }
0x521: {  	[tilespmem:s8+$0xF5E0] =	vst v36;
	v36 =	vld [tilespmem:s8+$0x3980]  }
0x522: {  	[tilespmem:s8+$0xF560] =	vst v32;
	v32 =	vld.idx.msk [tilespmem:v38+s29+$0x0], $0xffff  }
0x523: {  	v37 =	vld [tilespmem:s9+$0x3530]  }
0x524: {  	v38 =	vld [tilespmem:s9+$0x3590]  }
0x525: {  	v35 =	vld.idx.msk [tilespmem:v35+s29+$0x0], $0xffff  }
0x526: {  	v33 =	vld.idx.msk [tilespmem:v33+s29+$0x0], $0xffff  }
0x527: {  	v39 =	vld [tilespmem:s9+$0x3540]  }
0x528: {  	[tilespmem:s8+$0xF5F0] =	vst v32;
	v40 =	vld [tilespmem:s8+$0x3990]  }
0x529: {  	v36 =	vld.idx.msk [tilespmem:v36+s29+$0x0], $0xffff  }
0x52a: {  	v41 =	vld [tilespmem:s9+$0x3550]  }
0x52b: {  	[tilespmem:s9+$0xF580] =	vst v35;
	v35 =	vld [tilespmem:s9+$0x35A0]  }
0x52c: {  	[tilespmem:s9+$0xF500] =	vst v33;
	v33 =	vld.idx.msk [tilespmem:v38+s29+$0x0], $0xffff  }
0x52d: {  	v34 =	vld.idx.msk [tilespmem:v34+s29+$0x0], $0xffff  }
0x52e: {  	v32 =	vld [tilespmem:s9+$0x3560]  }
0x52f: {  	[tilespmem:s8+$0xF980] =	vst v36;
	v36 =	vld [tilespmem:s8+$0x39A0]  }
0x530: {  	v38 =	vld.idx.msk [tilespmem:v40+s29+$0x0], $0xffff  }
0x531: {  	v40 =	vld [tilespmem:s9+$0x3570]  }
0x532: {  	[tilespmem:s9+$0xF590] =	vst v33;
	v33 =	vld [tilespmem:s9+$0x35B0]  }
0x533: {  	[tilespmem:s9+$0xF510] =	vst v34;
	v34 =	vld.idx.msk [tilespmem:v35+s29+$0x0], $0xffff  }
0x534: {  	v31 =	vld.idx.msk [tilespmem:v31+s29+$0x0], $0xffff  }
0x535: {  	v35 =	vld.idx.msk [tilespmem:v26+s29+$0x0], $0xffff  }
0x536: {  	[tilespmem:s8+$0xF990] =	vst v38;
	v38 =	vld [tilespmem:s8+$0x39B0];
	v26 =	vmov v40  }
0x537: {  	v36 =	vld.idx.msk [tilespmem:v36+s29+$0x0], $0xffff  }
0x538: {  	v40 =	vld [tilespmem:s9+$0x3900]  }
0x539: {  	[tilespmem:s9+$0xF5A0] =	vst v34;
	v34 =	vld [tilespmem:s9+$0x35C0]  }
0x53a: {  	[tilespmem:s9+$0xF520] =	vst v31;
	v31 =	vld.idx.msk [tilespmem:v33+s29+$0x0], $0xffff  }
0x53b: {  	v33 =	vld.idx.msk [tilespmem:v37+s29+$0x0], $0xffff;
	[tilespmem:s8+$0xF570] =	vst v35  }
0x53c: {  	v35 =	vld.idx.msk [tilespmem:v27+s29+$0x0], $0xffff  }
0x53d: {  	[tilespmem:s8+$0xF9A0] =	vst v36;
	v36 =	vld [tilespmem:s8+$0x39B8];
	v27 =	vmov v40  }
0x53e: {  	v37 =	vld.idx.msk [tilespmem:v38+s29+$0x0], $0xffff  }
0x53f: {  	v38 =	vld [tilespmem:s9+$0x3910]  }
0x540: {  	[tilespmem:s9+$0xF5B0] =	vst v31;
	v31 =	vld [tilespmem:s9+$0x35D0]  }
0x541: {  	[tilespmem:s9+$0xF530] =	vst v33;
	v33 =	vld.idx.msk [tilespmem:v34+s29+$0x0], $0xffff  }
0x542: {  	v34 =	vld.idx.msk [tilespmem:v39+s29+$0x0], $0xffff;
	[tilespmem:s8+$0xF900] =	vst v35  }
0x543: {  	v35 =	vld.idx.msk [tilespmem:v29+s29+$0x0], $0xffff  }
0x544: {  	v39 =	vld [tilespmem:s9+$0x3920];
	[tilespmem:s8+$0xF9B0] =	vst v37;
	v29 =	vmov v38  }
0x545: {  	v38 =	vld.idx.msk [tilespmem:v36+s29+$0x0], $0xffff  }
0x546: {  	v40 =	vld [tilespmem:s9+$0x3930]  }
0x547: {  	[tilespmem:s9+$0xF5C0] =	vst v33;
	v36 =	vld [tilespmem:s9+$0x35E0]  }
0x548: {  	[tilespmem:s9+$0xF540] =	vst v34;
	v42 =	vld.idx.msk [tilespmem:v31+s29+$0x0], $0xffff  }
0x549: {  	v37 =	vld.idx.msk [tilespmem:v41+s29+$0x0], $0xffff;
	[tilespmem:s8+$0xF910] =	vst v35  }
.Ltmp3:
0x54a: {  	v35 =	vld.idx.msk [tilespmem:v30+s29+$0x0], $0xffff;
	v30 =	vmov v39;
	(pc) =	sbr.rel @p0 .LBB2_8-.Ltmp3, $4  }
0x54b: {  	[tilespmem:s8+$0xF9B8] =	vst v38;
	v34 =	vld.idx.msk [tilespmem:v23+s29+$0x0], $0xffff;
	v23 =	vmov v28;
	v28 =	vmov v40  }
0x54c: {  	v33 =	vld [tilespmem:s9+$0x3938]  }
0x54d: {  	v31 =	vld.idx.msk [tilespmem:v22+s29+$0x0], $0xffff;
	v22 =	vmov v24;
	v24 =	vmov v25  }
0x54e: {  	s11 =	sadd.s32 $0x100, s11;
	s12 =	sadd.s32 $0x200, s12;
	[tilespmem:s9+$0xF5D0] =	vst v42;
	v38 =	vld [tilespmem:s9+$0x35F0]  }
0x54f: {  	_ =	sdelay $0x3  }
0x550: {  	v25 =	vld.idx.msk [tilespmem:v36+s29+$0x0], $0xffff;
	_ =	sdelay $0x3  }
0x551: {  	[tilespmem:s9+$0xF550] =	vst v37  }
0x552: {  	[tilespmem:s9+$0xF5E0] =	vst v25;
	v25 =	vld [tilespmem:s9+$0x3980]  }
0x553: {  	v32 =	vld.idx.msk [tilespmem:v32+s29+$0x0], $0xffff  }
0x554: {  	v45 =	vld.idx.msk [tilespmem:v38+s29+$0x0], $0xffff;
	_ =	sdelay $0x3  }
0x555: {  	v46 =	vld [tilespmem:s9+$0x3990];
	[tilespmem:s9+$0xF560] =	vst v32  }
0x556: {  	v26 =	vld.idx.msk [tilespmem:v26+s29+$0x0], $0xffff;
	[tilespmem:s9+$0xF5F0] =	vst v45  }
0x557: {  	v25 =	vld.idx.msk [tilespmem:v25+s29+$0x0], $0xffff;
	_ =	sdelay $0x3  }
0x558: {  	[tilespmem:s9+$0xF570] =	vst v26  }
0x559: {  	[tilespmem:s9+$0xF980] =	vst v25;
	v25 =	vld [tilespmem:s9+$0x39A0]  }
0x55a: {  	v26 =	vld.idx.msk [tilespmem:v27+s29+$0x0], $0xffff  }
0x55b: {  	v40 =	vld.idx.msk [tilespmem:v46+s29+$0x0], $0xffff;
	_ =	sdelay $0x3  }
0x55c: {  	[tilespmem:s9+$0xF900] =	vst v26  }
0x55d: {  	v26 =	vld.idx.msk [tilespmem:v29+s29+$0x0], $0xffff;
	[tilespmem:s9+$0xF990] =	vst v40  }
0x55e: {  	v25 =	vld.idx.msk [tilespmem:v25+s29+$0x0], $0xffff;
	_ =	sdelay $0x1  }
0x55f: {  	v27 =	vld [tilespmem:s9+$0x39B0];
	_ =	sdelay $0x1  }
0x560: {  	[tilespmem:s9+$0xF910] =	vst v26  }
0x561: {  	[tilespmem:s9+$0xF9A0] =	vst v25;
	v25 =	vld.idx.msk [tilespmem:v30+s29+$0x0], $0xffff;
	_ =	sdelay $0x2  }
0x562: {  	[tilespmem:s8+$0xF920] =	vst v35;
	v26 =	vld [tilespmem:s9+$0x39B8]  }
0x563: {  	v23 =	vld.idx.msk [tilespmem:v23+s29+$0x0], $0xffff  }
0x564: {  	v27 =	vld.idx.msk [tilespmem:v27+s29+$0x0], $0xffff;
	[tilespmem:s9+$0xF920] =	vst v25  }
0x565: {  	v25 =	vld.idx.msk [tilespmem:v28+s29+$0x0], $0xffff;
	_ =	sdelay $0x1  }
0x566: {  	[tilespmem:s7+$0xF930] =	vst v34  }
0x567: {  	v22 =	vld.idx.msk [tilespmem:v22+s29+$0x0], $0xffff;
	[tilespmem:s8+$0xF930] =	vst v23  }
0x568: {  	v23 =	vld.idx.msk [tilespmem:v24+s29+$0x0], $0xffff;
	[tilespmem:s9+$0xF9B0] =	vst v27  }
0x569: {  	v26 =	vld.idx.msk [tilespmem:v26+s29+$0x0], $0xffff;
	[tilespmem:s9+$0xF930] =	vst v25  }
0x56a: {  	v24 =	vld.idx.msk [tilespmem:v33+s29+$0x0], $0xffff  }
0x56b: {  	[tilespmem:s1+$0xF938] =	vst v31  }
0x56c: {  	[tilespmem:s7+$0xF938] =	vst v22  }
0x56d: {  	[tilespmem:s8+$0xF938] =	vst v23  }
0x56e: {  	[tilespmem:s9+$0xF9B8] =	vst v26  }
0x56f: {  	[tilespmem:s9+$0xF938] =	vst v24  }
0x570: {  	s8 =	simm.s32 $0x0;
	s7 =	rddreg [dreg:$0xd]  }
0x571: {  	[hbm4b:s7+s8] =	stream.linear.scatter [tilespmem:s30], [sflag:$0x4], $0x4000, $0x38;
	[tilespmem:$0x1B500] =	vst v63  }
0x572: {  	_ = 	snop  }
0x573: {  	[tilespmem:s22], [sflag:$0x1] =	stream.linear.gather [hbm4b:s15+s8], $0x4000, $0x38;
	[tilespmem:$0x1B500] =	vst v63  }
0x574: {  	_ =	swait.ge [sflag:s31], $0x4000  }
0x575: {  	[sflag:s31] =	ssyncset.done $0x0  }
0x576: {  	[sflag:s31] =	ssyncadd.s32 $0xFFFFC000  }
0x577: {  	_ =	swait.ge [sflag:s26], $0x4000  }
0x578: {  	s1 =	sand.u32 $0x300, s8;
	s9 =	sand.u32 $0x3800, s8;
	[sflag:s26] =	ssyncset.done $0x0  }
0x579: {  	s1 =	sor.u32 s1, s9;
	[sflag:s26] =	ssyncadd.s32 $0xFFFFC000  }
0x57a: {  	v23 =	vld [tilespmem:s1+$0x7500];
	_ =	sdelay $0x2  }
0x57b: {  	v22 =	vld [tilespmem:s1+$0x7580]  }
0x57c: {  	v24 =	vld [tilespmem:s1+$0x7590]  }
0x57d: {  	v25 =	vld [tilespmem:s1+$0x7510]  }
0x57e: {  	v26 =	vld [tilespmem:s1+$0x7520]  }
0x57f: {  	v27 =	vld [tilespmem:s1+$0x7530]  }
0x580: {  	v23 =	vld.idx.msk [tilespmem:v23+s29+$0x0], $0xffff  }
0x581: {  	v28 =	vld [tilespmem:s1+$0x7540]  }
0x582: {  	v29 =	vld [tilespmem:s1+$0x7550]  }
0x583: {  	v22 =	vld.idx.msk [tilespmem:v22+s29+$0x0], $0xffff  }
0x584: {  	s10 =	simm.s32 $0x100;
	s11 =	simm.s32 $0x200;
	v30 =	vld [tilespmem:s1+$0x7560]  }
0x585: {  	s7 =	sand.u32 $0x300, s10;
	s8 =	sand.u32 $0x3800, s11;
	v31 =	vld [tilespmem:s1+$0x7570];
	[tilespmem:s1+$0x13500] =	vst v23  }
0x586: {  	s7 =	sor.u32 s7, s8;
	v23 =	vld.idx.msk [tilespmem:v25+s29+$0x0], $0xffff  }
0x587: {  	v42 =	vld [tilespmem:s7+$0x7500]  }
0x588: {  	[tilespmem:s1+$0x13580] =	vst v22;
	v22 =	vld [tilespmem:s1+$0x75A0]  }
0x589: {  	v43 =	vld [tilespmem:s7+$0x7510]  }
0x58a: {  	v24 =	vld.idx.msk [tilespmem:v24+s29+$0x0], $0xffff  }
0x58b: {  	v34 =	vld [tilespmem:s7+$0x7520];
	[tilespmem:s1+$0x13510] =	vst v23  }
0x58c: {  	v23 =	vld.idx.msk [tilespmem:v26+s29+$0x0], $0xffff  }
0x58d: {  	v35 =	vld [tilespmem:s7+$0x7530]  }
0x58e: {  	v44 =	vld [tilespmem:s7+$0x7590]  }
0x58f: {  	[tilespmem:s1+$0x13590] =	vst v24;
	v24 =	vld [tilespmem:s1+$0x75B0]  }
0x590: {  	v22 =	vld.idx.msk [tilespmem:v22+s29+$0x0], $0xffff  }
0x591: {  	v37 =	vld [tilespmem:s7+$0x7540];
	[tilespmem:s1+$0x13520] =	vst v23  }
0x592: {  	v23 =	vld.idx.msk [tilespmem:v27+s29+$0x0], $0xffff  }
0x593: {  	s12 =	simm.s32 $0x200;
	s13 =	simm.s32 $0x400;
	v45 =	vld [tilespmem:s7+$0x7550]  }
0x594: {  	s9 =	sand.u32 $0x3800, s13;
	s8 =	sand.u32 $0x300, s12;
	v39 =	vld [tilespmem:s7+$0x7570]  }
0x595: {  	s8 =	sor.u32 s8, s9;
	[tilespmem:s1+$0x135A0] =	vst v22;
	v22 =	vld [tilespmem:s1+$0x75C0]  }
0x596: {  	v38 =	vld [tilespmem:s8+$0x7520]  }
0x597: {  	v24 =	vld.idx.msk [tilespmem:v24+s29+$0x0], $0xffff;
	[tilespmem:s1+$0x13530] =	vst v23  }
0x598: {  	v28 =	vld.idx.msk [tilespmem:v28+s29+$0x0], $0xffff  }
0x599: {  	v32 =	vld.idx.msk [tilespmem:v42+s29+$0x0], $0xffff  }
0x59a: {  	v40 =	vld [tilespmem:s8+$0x7530]  }
0x59b: {  	v25 =	vld [tilespmem:s1+$0x75D0]  }
0x59c: {  	v42 =	vld [tilespmem:s7+$0x7560];
	[tilespmem:s1+$0x135B0] =	vst v24  }
0x59d: {  	v22 =	vld.idx.msk [tilespmem:v22+s29+$0x0], $0xffff;
	[tilespmem:s1+$0x13540] =	vst v28  }
0x59e: {  	[tilespmem:s7+$0x13500] =	vst v32;
	v28 =	vld.idx.msk [tilespmem:v29+s29+$0x0], $0xffff  }
0x59f: {  	v33 =	vld.idx.msk [tilespmem:v43+s29+$0x0], $0xffff  }
0x5a0: {  	v43 =	vld [tilespmem:s7+$0x75B0]  }
0x5a1: {  	v26 =	vld [tilespmem:s1+$0x7900]  }
0x5a2: {  	[tilespmem:s1+$0x135C0] =	vst v22;
	v22 =	vld [tilespmem:s1+$0x75E0]  }
0x5a3: {  	v41 =	vld.idx.msk [tilespmem:v25+s29+$0x0], $0xffff;
	[tilespmem:s1+$0x13550] =	vst v28  }
0x5a4: {  	v28 =	vld.idx.msk [tilespmem:v30+s29+$0x0], $0xffff  }
0x5a5: {  	v30 =	vld [tilespmem:s7+$0x7580]  }
0x5a6: {  	v27 =	vld [tilespmem:s1+$0x7910]  }
0x5a7: {  	v23 =	vld [tilespmem:s1+$0x7920]  }
0x5a8: {  	v24 =	vld [tilespmem:s1+$0x7930]  }
0x5a9: {  	v29 =	vld [tilespmem:s1+$0x75F0]  }
0x5aa: {  	v25 =	vld [tilespmem:s1+$0x7938];
	[tilespmem:s1+$0x135D0] =	vst v41  }
0x5ab: {  	v22 =	vld.idx.msk [tilespmem:v22+s29+$0x0], $0xffff  }
0x5ac: {  	v41 =	vld [tilespmem:s8+$0x7590]  }
0x5ad: {  	[tilespmem:s7+$0x13510] =	vst v33;
	v30 =	vld.idx.msk [tilespmem:v30+s29+$0x0], $0xffff  }
0x5ae: {  	[tilespmem:s1+$0x13560] =	vst v28;
	v28 =	vld.idx.msk [tilespmem:v34+s29+$0x0], $0xffff  }
0x5af: {  	v34 =	vld [tilespmem:s7+$0x7900]  }
0x5b0: {  	[tilespmem:s1+$0x135E0] =	vst v22;
	v22 =	vld [tilespmem:s1+$0x7980]  }
0x5b1: {  	v29 =	vld.idx.msk [tilespmem:v29+s29+$0x0], $0xffff  }
0x5b2: {  	[tilespmem:s7+$0x13580] =	vst v30;
	v30 =	vld [tilespmem:s7+$0x75A0]  }
0x5b3: {  	v31 =	vld.idx.msk [tilespmem:v31+s29+$0x0], $0xffff  }
0x5b4: {  	[tilespmem:s7+$0x13520] =	vst v28;
	v46 =	vld.idx.msk [tilespmem:v44+s29+$0x0], $0xffff  }
0x5b5: {  	v28 =	vld.idx.msk [tilespmem:v35+s29+$0x0], $0xffff  }
0x5b6: {  	[tilespmem:s1+$0x135F0] =	vst v29;
	v29 =	vld [tilespmem:s1+$0x7990]  }
0x5b7: {  	v35 =	vld [tilespmem:s7+$0x7910]  }
0x5b8: {  	[tilespmem:s1+$0x13570] =	vst v31;
	v22 =	vld.idx.msk [tilespmem:v22+s29+$0x0], $0xffff  }
0x5b9: {  	v31 =	vld [tilespmem:s7+$0x7930];
	[tilespmem:s7+$0x13590] =	vst v46  }
0x5ba: {  	v30 =	vld.idx.msk [tilespmem:v30+s29+$0x0], $0xffff  }
0x5bb: {  	v26 =	vld.idx.msk [tilespmem:v26+s29+$0x0], $0xffff  }
0x5bc: {  	v44 =	vld [tilespmem:s7+$0x75D0]  }
0x5bd: {  	[tilespmem:s1+$0x13980] =	vst v22;
	v22 =	vld [tilespmem:s1+$0x79A0]  }
0x5be: {  	[tilespmem:s7+$0x13530] =	vst v28;
	v29 =	vld.idx.msk [tilespmem:v29+s29+$0x0], $0xffff  }
0x5bf: {  	[tilespmem:s7+$0x135A0] =	vst v30;
	v30 =	vld [tilespmem:s7+$0x75C0]  }
0x5c0: {  	v28 =	vld.idx.msk [tilespmem:v37+s29+$0x0], $0xffff  }
0x5c1: {  	v32 =	vld.idx.msk [tilespmem:v43+s29+$0x0], $0xffff  }
0x5c2: {  	v37 =	vld [tilespmem:s7+$0x7920];
	[tilespmem:s1+$0x13900] =	vst v26  }
0x5c3: {  	[tilespmem:s1+$0x13990] =	vst v29;
	v29 =	vld [tilespmem:s1+$0x79B0]  }
0x5c4: {  	v27 =	vld.idx.msk [tilespmem:v27+s29+$0x0], $0xffff  }
0x5c5: {  	v22 =	vld.idx.msk [tilespmem:v22+s29+$0x0], $0xffff  }
0x5c6: {  	v46 =	vld [tilespmem:s8+$0x7510];
	[tilespmem:s7+$0x135B0] =	vst v32  }
0x5c7: {  	v30 =	vld.idx.msk [tilespmem:v30+s29+$0x0], $0xffff  }
0x5c8: {  	[tilespmem:s7+$0x13540] =	vst v28;
	v28 =	vld [tilespmem:s7+$0x75F0]  }
0x5c9: {  	v26 =	vld.idx.msk [tilespmem:v45+s29+$0x0], $0xffff  }
0x5ca: {  	v45 =	vld [tilespmem:s8+$0x7500];
	[tilespmem:s1+$0x139A0] =	vst v22  }
0x5cb: {  	v29 =	vld.idx.msk [tilespmem:v29+s29+$0x0], $0xffff  }
0x5cc: {  	[tilespmem:s7+$0x135C0] =	vst v30;
	v30 =	vld [tilespmem:s7+$0x75E0]  }
0x5cd: {  	v22 =	vld [tilespmem:s1+$0x79B8]  }
0x5ce: {  	v32 =	vld.idx.msk [tilespmem:v44+s29+$0x0], $0xffff  }
0x5cf: {  	v43 =	vld [tilespmem:s8+$0x7550];
	[tilespmem:s7+$0x13550] =	vst v26  }
0x5d0: {  	[tilespmem:s1+$0x139B0] =	vst v29;
	v29 =	vld.idx.msk [tilespmem:v42+s29+$0x0], $0xffff  }
0x5d1: {  	v42 =	vld [tilespmem:s8+$0x7540]  }
0x5d2: {  	v44 =	vld [tilespmem:s8+$0x7570]  }
0x5d3: {  	[tilespmem:s7+$0x135D0] =	vst v32;
	v32 =	vld.idx.msk [tilespmem:v45+s29+$0x0], $0xffff  }
0x5d4: {  	v26 =	vld.idx.msk [tilespmem:v30+s29+$0x0], $0xffff  }
0x5d5: {  	v30 =	vld [tilespmem:s8+$0x7580]  }
0x5d6: {  	v33 =	vld.idx.msk [tilespmem:v22+s29+$0x0], $0xffff  }
0x5d7: {  	v22 =	vld [tilespmem:s7+$0x7938]  }
0x5d8: {  	v45 =	vld [tilespmem:s8+$0x75B0];
	[tilespmem:s8+$0x13500] =	vst v32  }
0x5d9: {  	s14 =	simm.s32 $0x300;
	s10 =	simm.s32 $0x600;
	[tilespmem:s7+$0x135E0] =	vst v26;
	v26 =	vld [tilespmem:s7+$0x7980]  }
0x5da: {  	s10 =	sand.u32 $0x3800, s10;
	s9 =	sand.u32 $0x300, s14;
	v36 =	vld.idx.msk [tilespmem:v46+s29+$0x0], $0xffff  }
0x5db: {  	s9 =	sor.u32 s9, s10;
	v28 =	vld.idx.msk [tilespmem:v28+s29+$0x0], $0xffff  }
0x5dc: {  	[tilespmem:s1+$0x139B8] =	vst v33;
	v33 =	vld [tilespmem:s9+$0x7938]  }
0x5dd: {  	[tilespmem:s7+$0x13560] =	vst v29;
	v30 =	vld.idx.msk [tilespmem:v30+s29+$0x0], $0xffff  }
0x5de: {  	v46 =	vld.idx.msk [tilespmem:v39+s29+$0x0], $0xffff  }
0x5df: {  	[tilespmem:s8+$0x13510] =	vst v36;
	v36 =	vld [tilespmem:s9+$0x7520]  }
0x5e0: {  	[tilespmem:s7+$0x135F0] =	vst v28;
	v28 =	vld [tilespmem:s7+$0x7990]  }
0x5e1: {  	v26 =	vld.idx.msk [tilespmem:v26+s29+$0x0], $0xffff  }
0x5e2: {  	[tilespmem:s8+$0x13580] =	vst v30;
	v30 =	vld [tilespmem:s8+$0x75A0]  }
0x5e3: {  	v29 =	vld.idx.msk [tilespmem:v38+s29+$0x0], $0xffff  }
0x5e4: {  	v32 =	vld.idx.msk [tilespmem:v41+s29+$0x0], $0xffff  }
0x5e5: {  	v38 =	vld [tilespmem:s8+$0x7900]  }
0x5e6: {  	[tilespmem:s7+$0x13980] =	vst v26;
	v26 =	vld [tilespmem:s7+$0x79A0]  }
0x5e7: {  	[tilespmem:s7+$0x13570] =	vst v46;
	v41 =	vld [tilespmem:s8+$0x7560]  }
0x5e8: {  	[tilespmem:s8+$0x13520] =	vst v29;
	v28 =	vld.idx.msk [tilespmem:v28+s29+$0x0], $0xffff  }
0x5e9: {  	v29 =	vld.idx.msk [tilespmem:v34+s29+$0x0], $0xffff;
	[tilespmem:s8+$0x13590] =	vst v32  }
0x5ea: {  	v30 =	vld.idx.msk [tilespmem:v30+s29+$0x0], $0xffff  }
0x5eb: {  	v34 =	vld [tilespmem:s8+$0x7910]  }
0x5ec: {  	v32 =	vld [tilespmem:s9+$0x7510]  }
0x5ed: {  	[tilespmem:s7+$0x13990] =	vst v28;
	v28 =	vld [tilespmem:s7+$0x79B0]  }
0x5ee: {  	[tilespmem:s1+$0x13910] =	vst v27;
	v26 =	vld.idx.msk [tilespmem:v26+s29+$0x0], $0xffff  }
0x5ef: {  	[tilespmem:s8+$0x135A0] =	vst v30;
	v30 =	vld [tilespmem:s8+$0x75C0]  }
0x5f0: {  	[tilespmem:s7+$0x13900] =	vst v29;
	v27 =	vld.idx.msk [tilespmem:v45+s29+$0x0], $0xffff  }
0x5f1: {  	v29 =	vld.idx.msk [tilespmem:v35+s29+$0x0], $0xffff  }
0x5f2: {  	v45 =	vld.idx.msk [tilespmem:v23+s29+$0x0], $0xffff  }
0x5f3: {  	v23 =	vld.idx.msk [tilespmem:v40+s29+$0x0], $0xffff  }
0x5f4: {  	[tilespmem:s7+$0x139A0] =	vst v26;
	v26 =	vld [tilespmem:s7+$0x79B8]  }
0x5f5: {  	[tilespmem:s8+$0x135B0] =	vst v27;
	v27 =	vld [tilespmem:s8+$0x75D0]  }
0x5f6: {  	v28 =	vld.idx.msk [tilespmem:v28+s29+$0x0], $0xffff  }
0x5f7: {  	v30 =	vld.idx.msk [tilespmem:v30+s29+$0x0], $0xffff  }
0x5f8: {  	v35 =	vld [tilespmem:s8+$0x7920];
	[tilespmem:s8+$0x13530] =	vst v23  }
0x5f9: {  	v46 =	vld.idx.msk [tilespmem:v42+s29+$0x0], $0xffff  }
0x5fa: {  	[tilespmem:s7+$0x13910] =	vst v29;
	v29 =	vld [tilespmem:s9+$0x7580]  }
0x5fb: {  	v40 =	vld.idx.msk [tilespmem:v37+s29+$0x0], $0xffff;
	[tilespmem:s7+$0x139B0] =	vst v28  }
0x5fc: {  	[tilespmem:s8+$0x135C0] =	vst v30;
	v30 =	vld [tilespmem:s8+$0x75E0]  }
0x5fd: {  	v39 =	vld.idx.msk [tilespmem:v26+s29+$0x0], $0xffff  }
0x5fe: {  	[tilespmem:s8+$0x13540] =	vst v46;
	v27 =	vld.idx.msk [tilespmem:v27+s29+$0x0], $0xffff  }
0x5ff: {  	v26 =	vld.idx.msk [tilespmem:v43+s29+$0x0], $0xffff  }
0x600: {  	v37 =	vld [tilespmem:s9+$0x7530]  }
0x601: {  	v23 =	vld [tilespmem:s8+$0x7930]  }
0x602: {  	[tilespmem:s1+$0x13920] =	vst v45;
	v45 =	vld [tilespmem:s9+$0x7550]  }
0x603: {  	[tilespmem:s8+$0x135D0] =	vst v27;
	v27 =	vld [tilespmem:s8+$0x75F0]  }
0x604: {  	[tilespmem:s8+$0x13550] =	vst v26;
	v26 =	vld.idx.msk [tilespmem:v30+s29+$0x0], $0xffff  }
0x605: {  	v30 =	vld [tilespmem:s9+$0x7500]  }
0x606: {  	v42 =	vld.idx.msk [tilespmem:v24+s29+$0x0], $0xffff  }
0x607: {  	v29 =	vld.idx.msk [tilespmem:v29+s29+$0x0], $0xffff  }
0x608: {  	v28 =	vld.idx.msk [tilespmem:v41+s29+$0x0], $0xffff  }
0x609: {  	[tilespmem:s8+$0x135E0] =	vst v26;
	v26 =	vld [tilespmem:s8+$0x7980]  }
0x60a: {  	v41 =	vld [tilespmem:s9+$0x7590]  }
0x60b: {  	v27 =	vld.idx.msk [tilespmem:v27+s29+$0x0], $0xffff  }
0x60c: {  	v24 =	vld [tilespmem:s8+$0x7938]  }
0x60d: {  	v30 =	vld.idx.msk [tilespmem:v30+s29+$0x0], $0xffff  }
0x60e: {  	v46 =	vld [tilespmem:s8+$0x79A0]  }
0x60f: {  	[tilespmem:s9+$0x13580] =	vst v29;
	v29 =	vld [tilespmem:s9+$0x75A0]  }
0x610: {  	[tilespmem:s8+$0x135F0] =	vst v27;
	v27 =	vld [tilespmem:s8+$0x7990]  }
0x611: {  	v26 =	vld.idx.msk [tilespmem:v26+s29+$0x0], $0xffff  }
0x612: {  	[tilespmem:s9+$0x13500] =	vst v30;
	v30 =	vld.idx.msk [tilespmem:v41+s29+$0x0], $0xffff  }
0x613: {  	v43 =	vld [tilespmem:s9+$0x7540]  }
0x614: {  	v41 =	vld.idx.msk [tilespmem:v32+s29+$0x0], $0xffff  }
0x615: {  	v32 =	vld [tilespmem:s9+$0x7560]  }
0x616: {  	[tilespmem:s8+$0x13980] =	vst v26;
	v26 =	vld [tilespmem:s9+$0x7570]  }
0x617: {  	[tilespmem:s9+$0x13590] =	vst v30;
	v30 =	vld [tilespmem:s9+$0x75B0]  }
0x618: {  	v27 =	vld.idx.msk [tilespmem:v27+s29+$0x0], $0xffff  }
0x619: {  	[tilespmem:s9+$0x13510] =	vst v41;
	v29 =	vld.idx.msk [tilespmem:v29+s29+$0x0], $0xffff  }
0x61a: {  	[tilespmem:s8+$0x13560] =	vst v28;
	v28 =	vld.idx.msk [tilespmem:v36+s29+$0x0], $0xffff  }
0x61b: {  	v36 =	vld.idx.msk [tilespmem:v44+s29+$0x0], $0xffff  }
0x61c: {  	v41 =	vld [tilespmem:s8+$0x79B0]  }
0x61d: {  	[tilespmem:s8+$0x13990] =	vst v27;
	v27 =	vld [tilespmem:s9+$0x7900]  }
0x61e: {  	[tilespmem:s9+$0x135A0] =	vst v29;
	v29 =	vld [tilespmem:s9+$0x7910]  }
0x61f: {  	v44 =	vld.idx.msk [tilespmem:v46+s29+$0x0], $0xffff  }
0x620: {  	v46 =	vld [tilespmem:s9+$0x75C0];
	[tilespmem:s8+$0x13570] =	vst v36  }
0x621: {  	v36 =	vld.idx.msk [tilespmem:v38+s29+$0x0], $0xffff  }
0x622: {  	[tilespmem:s9+$0x13520] =	vst v28;
	v28 =	vld.idx.msk [tilespmem:v30+s29+$0x0], $0xffff  }
0x623: {  	v30 =	vld.idx.msk [tilespmem:v37+s29+$0x0], $0xffff  }
0x624: {  	v37 =	vld [tilespmem:s8+$0x79B8];
	[tilespmem:s8+$0x139A0] =	vst v44  }
0x625: {  	v38 =	vld.idx.msk [tilespmem:v41+s29+$0x0], $0xffff  }
0x626: {  	v41 =	vld [tilespmem:s9+$0x75D0];
	[tilespmem:s8+$0x13900] =	vst v36  }
0x627: {  	[tilespmem:s9+$0x135B0] =	vst v28;
	v34 =	vld.idx.msk [tilespmem:v34+s29+$0x0], $0xffff  }
0x628: {  	[tilespmem:s9+$0x13530] =	vst v30;
	v28 =	vld.idx.msk [tilespmem:v46+s29+$0x0], $0xffff  }
0x629: {  	v43 =	vld.idx.msk [tilespmem:v43+s29+$0x0], $0xffff  }
0x62a: {  	[tilespmem:s7+$0x13920] =	vst v40;
	v30 =	vld [tilespmem:s9+$0x7920]  }
0x62b: {  	v36 =	vld [tilespmem:s9+$0x75E0];
	[tilespmem:s8+$0x139B0] =	vst v38  }
0x62c: {  	v38 =	vld.idx.msk [tilespmem:v37+s29+$0x0], $0xffff;
	[tilespmem:s8+$0x13910] =	vst v34  }
0x62d: {  	v34 =	vld.idx.msk [tilespmem:v31+s29+$0x0], $0xffff;
	[tilespmem:s9+$0x135C0] =	vst v28  }
0x62e: {  	[tilespmem:s9+$0x13540] =	vst v43;
	v41 =	vld.idx.msk [tilespmem:v41+s29+$0x0], $0xffff  }
0x62f: {  	v37 =	vld.idx.msk [tilespmem:v45+s29+$0x0], $0xffff  }
0x630: {  	[tilespmem:s1+$0x13930] =	vst v42;
	v35 =	vld.idx.msk [tilespmem:v35+s29+$0x0], $0xffff  }
0x631: {  	[tilespmem:s7+$0x139B8] =	vst v39;
	v31 =	vld.idx.msk [tilespmem:v25+s29+$0x0], $0xffff  }
0x632: {  	v28 =	vld [tilespmem:s9+$0x7930];
	[tilespmem:s8+$0x139B8] =	vst v38  }
0x633: {  	s11 =	simm.s32 $0x400;
	s12 =	simm.s32 $0x800;
	s10 =	simm.s32 $0x6;
	v38 =	vld [tilespmem:s9+$0x75F0];
	[tilespmem:s9+$0x135D0] =	vst v41  }
.LBB2_10:
0x634: {  	s13 =	sand.u32 $0x3800, s12;
	s14 =	sand.u32 $0x300, s11;
	s10 =	sadd.s32 $0x2, s10;
	[tilespmem:s9+$0x13550] =	vst v37;
	v36 =	vld.idx.msk [tilespmem:v36+s29+$0x0], $0xffff  }
0x635: {  	s13 =	sor.u32 s14, s13;
	p0 =	slt.u32 s10, $0x3E;
	v32 =	vld.idx.msk [tilespmem:v32+s29+$0x0], $0xffff;
	[tilespmem:s8+$0x13920] =	vst v35  }
0x636: {  	v35 =	vld [tilespmem:s13+$0x7580];
	[tilespmem:s7+$0x13930] =	vst v34;
	v25 =	vmov v33  }
0x637: {  	v33 =	vld [tilespmem:s13+$0x7500]  }
0x638: {  	v34 =	vld [tilespmem:s13+$0x7510];
	[tilespmem:s1+$0x13938] =	vst v31;
	s1 =	smov.u32 s7;
	s7 =	smov.u32 s8;
	s8 =	smov.u32 s9  }
0x639: {  	s9 =	smov.u32 s13;
	v31 =	vld [tilespmem:s13+$0x7520]  }
0x63a: {  	[tilespmem:s8+$0x135E0] =	vst v36;
	v36 =	vld [tilespmem:s8+$0x7980]  }
0x63b: {  	[tilespmem:s8+$0x13560] =	vst v32;
	v32 =	vld.idx.msk [tilespmem:v38+s29+$0x0], $0xffff  }
0x63c: {  	v37 =	vld [tilespmem:s9+$0x7530]  }
0x63d: {  	v38 =	vld [tilespmem:s9+$0x7590]  }
0x63e: {  	v35 =	vld.idx.msk [tilespmem:v35+s29+$0x0], $0xffff  }
0x63f: {  	v33 =	vld.idx.msk [tilespmem:v33+s29+$0x0], $0xffff  }
0x640: {  	v39 =	vld [tilespmem:s9+$0x7540]  }
0x641: {  	[tilespmem:s8+$0x135F0] =	vst v32;
	v40 =	vld [tilespmem:s8+$0x7990]  }
0x642: {  	v36 =	vld.idx.msk [tilespmem:v36+s29+$0x0], $0xffff  }
0x643: {  	v41 =	vld [tilespmem:s9+$0x7550]  }
0x644: {  	[tilespmem:s9+$0x13580] =	vst v35;
	v35 =	vld [tilespmem:s9+$0x75A0]  }
0x645: {  	[tilespmem:s9+$0x13500] =	vst v33;
	v33 =	vld.idx.msk [tilespmem:v38+s29+$0x0], $0xffff  }
0x646: {  	v34 =	vld.idx.msk [tilespmem:v34+s29+$0x0], $0xffff  }
0x647: {  	v32 =	vld [tilespmem:s9+$0x7560]  }
0x648: {  	[tilespmem:s8+$0x13980] =	vst v36;
	v36 =	vld [tilespmem:s8+$0x79A0]  }
0x649: {  	v38 =	vld.idx.msk [tilespmem:v40+s29+$0x0], $0xffff  }
0x64a: {  	v40 =	vld [tilespmem:s9+$0x7570]  }
0x64b: {  	[tilespmem:s9+$0x13590] =	vst v33;
	v33 =	vld [tilespmem:s9+$0x75B0]  }
0x64c: {  	[tilespmem:s9+$0x13510] =	vst v34;
	v34 =	vld.idx.msk [tilespmem:v35+s29+$0x0], $0xffff  }
0x64d: {  	v31 =	vld.idx.msk [tilespmem:v31+s29+$0x0], $0xffff  }
0x64e: {  	v35 =	vld.idx.msk [tilespmem:v26+s29+$0x0], $0xffff  }
0x64f: {  	[tilespmem:s8+$0x13990] =	vst v38;
	v38 =	vld [tilespmem:s8+$0x79B0];
	v26 =	vmov v40  }
0x650: {  	v36 =	vld.idx.msk [tilespmem:v36+s29+$0x0], $0xffff  }
0x651: {  	v40 =	vld [tilespmem:s9+$0x7900]  }
0x652: {  	[tilespmem:s9+$0x135A0] =	vst v34;
	v34 =	vld [tilespmem:s9+$0x75C0]  }
0x653: {  	[tilespmem:s9+$0x13520] =	vst v31;
	v31 =	vld.idx.msk [tilespmem:v33+s29+$0x0], $0xffff  }
0x654: {  	v33 =	vld.idx.msk [tilespmem:v37+s29+$0x0], $0xffff;
	[tilespmem:s8+$0x13570] =	vst v35  }
0x655: {  	v35 =	vld.idx.msk [tilespmem:v27+s29+$0x0], $0xffff  }
0x656: {  	[tilespmem:s8+$0x139A0] =	vst v36;
	v36 =	vld [tilespmem:s8+$0x79B8];
	v27 =	vmov v40  }
0x657: {  	v37 =	vld.idx.msk [tilespmem:v38+s29+$0x0], $0xffff  }
0x658: {  	v38 =	vld [tilespmem:s9+$0x7910]  }
0x659: {  	[tilespmem:s9+$0x135B0] =	vst v31;
	v31 =	vld [tilespmem:s9+$0x75D0]  }
0x65a: {  	[tilespmem:s9+$0x13530] =	vst v33;
	v33 =	vld.idx.msk [tilespmem:v34+s29+$0x0], $0xffff  }
0x65b: {  	v34 =	vld.idx.msk [tilespmem:v39+s29+$0x0], $0xffff;
	[tilespmem:s8+$0x13900] =	vst v35  }
0x65c: {  	v35 =	vld.idx.msk [tilespmem:v29+s29+$0x0], $0xffff  }
0x65d: {  	v39 =	vld [tilespmem:s9+$0x7920];
	[tilespmem:s8+$0x139B0] =	vst v37;
	v29 =	vmov v38  }
0x65e: {  	v38 =	vld.idx.msk [tilespmem:v36+s29+$0x0], $0xffff  }
0x65f: {  	v40 =	vld [tilespmem:s9+$0x7930]  }
0x660: {  	[tilespmem:s9+$0x135C0] =	vst v33;
	v36 =	vld [tilespmem:s9+$0x75E0]  }
0x661: {  	[tilespmem:s9+$0x13540] =	vst v34;
	v42 =	vld.idx.msk [tilespmem:v31+s29+$0x0], $0xffff  }
0x662: {  	v37 =	vld.idx.msk [tilespmem:v41+s29+$0x0], $0xffff;
	[tilespmem:s8+$0x13910] =	vst v35  }
.Ltmp4:
0x663: {  	v35 =	vld.idx.msk [tilespmem:v30+s29+$0x0], $0xffff;
	v30 =	vmov v39;
	(pc) =	sbr.rel @p0 .LBB2_10-.Ltmp4, $4  }
0x664: {  	[tilespmem:s8+$0x139B8] =	vst v38;
	v34 =	vld.idx.msk [tilespmem:v23+s29+$0x0], $0xffff;
	v23 =	vmov v28;
	v28 =	vmov v40  }
0x665: {  	v33 =	vld [tilespmem:s9+$0x7938]  }
0x666: {  	v31 =	vld.idx.msk [tilespmem:v22+s29+$0x0], $0xffff;
	v22 =	vmov v24;
	v24 =	vmov v25  }
0x667: {  	s11 =	sadd.s32 $0x100, s11;
	s12 =	sadd.s32 $0x200, s12;
	[tilespmem:s9+$0x135D0] =	vst v42;
	v38 =	vld [tilespmem:s9+$0x75F0]  }
0x668: {  	_ =	sdelay $0x3  }
0x669: {  	v25 =	vld.idx.msk [tilespmem:v36+s29+$0x0], $0xffff;
	_ =	sdelay $0x3  }
0x66a: {  	[tilespmem:s9+$0x13550] =	vst v37  }
0x66b: {  	[tilespmem:s9+$0x135E0] =	vst v25;
	v25 =	vld [tilespmem:s9+$0x7980]  }
0x66c: {  	v32 =	vld.idx.msk [tilespmem:v32+s29+$0x0], $0xffff  }
0x66d: {  	v45 =	vld.idx.msk [tilespmem:v38+s29+$0x0], $0xffff;
	_ =	sdelay $0x3  }
0x66e: {  	v46 =	vld [tilespmem:s9+$0x7990];
	[tilespmem:s9+$0x13560] =	vst v32  }
0x66f: {  	v26 =	vld.idx.msk [tilespmem:v26+s29+$0x0], $0xffff;
	[tilespmem:s9+$0x135F0] =	vst v45  }
0x670: {  	v25 =	vld.idx.msk [tilespmem:v25+s29+$0x0], $0xffff;
	_ =	sdelay $0x3  }
0x671: {  	[tilespmem:s9+$0x13570] =	vst v26  }
0x672: {  	[tilespmem:s9+$0x13980] =	vst v25;
	v25 =	vld [tilespmem:s9+$0x79A0]  }
0x673: {  	v26 =	vld.idx.msk [tilespmem:v27+s29+$0x0], $0xffff  }
0x674: {  	v40 =	vld.idx.msk [tilespmem:v46+s29+$0x0], $0xffff;
	_ =	sdelay $0x3  }
0x675: {  	[tilespmem:s9+$0x13900] =	vst v26  }
0x676: {  	v26 =	vld.idx.msk [tilespmem:v29+s29+$0x0], $0xffff;
	[tilespmem:s9+$0x13990] =	vst v40  }
0x677: {  	v25 =	vld.idx.msk [tilespmem:v25+s29+$0x0], $0xffff;
	_ =	sdelay $0x1  }
0x678: {  	v27 =	vld [tilespmem:s9+$0x79B0];
	_ =	sdelay $0x1  }
0x679: {  	[tilespmem:s9+$0x13910] =	vst v26  }
0x67a: {  	[tilespmem:s9+$0x139A0] =	vst v25;
	v25 =	vld.idx.msk [tilespmem:v30+s29+$0x0], $0xffff;
	_ =	sdelay $0x2  }
0x67b: {  	[tilespmem:s8+$0x13920] =	vst v35;
	v26 =	vld [tilespmem:s9+$0x79B8]  }
0x67c: {  	v23 =	vld.idx.msk [tilespmem:v23+s29+$0x0], $0xffff  }
0x67d: {  	v27 =	vld.idx.msk [tilespmem:v27+s29+$0x0], $0xffff;
	[tilespmem:s9+$0x13920] =	vst v25  }
0x67e: {  	v25 =	vld.idx.msk [tilespmem:v28+s29+$0x0], $0xffff;
	_ =	sdelay $0x1  }
0x67f: {  	[tilespmem:s7+$0x13930] =	vst v34  }
0x680: {  	v22 =	vld.idx.msk [tilespmem:v22+s29+$0x0], $0xffff;
	[tilespmem:s8+$0x13930] =	vst v23  }
0x681: {  	v23 =	vld.idx.msk [tilespmem:v24+s29+$0x0], $0xffff;
	[tilespmem:s9+$0x139B0] =	vst v27  }
0x682: {  	v26 =	vld.idx.msk [tilespmem:v26+s29+$0x0], $0xffff;
	[tilespmem:s9+$0x13930] =	vst v25  }
0x683: {  	v24 =	vld.idx.msk [tilespmem:v33+s29+$0x0], $0xffff  }
0x684: {  	[tilespmem:s1+$0x13938] =	vst v31  }
0x685: {  	[tilespmem:s7+$0x13938] =	vst v22  }
0x686: {  	[tilespmem:s8+$0x13938] =	vst v23  }
0x687: {  	[tilespmem:s9+$0x139B8] =	vst v26  }
0x688: {  	s8 =	simm.s32 $0x0;
	[tilespmem:s9+$0x13938] =	vst v24  }
0x689: {  	[hbm4b:s16+s8] =	stream.linear.scatter [tilespmem:s0], [sflag:$0x5], $0x4000, $0x38;
	[tilespmem:$0x1B500] =	vst v63  }
0x68a: {  	_ = 	snop  }
0x68b: {  	[tilespmem:s23], [sflag:$0x2] =	stream.linear.gather [hbm4b:s17+s8], $0x4000, $0x38;
	[tilespmem:$0x1B500] =	vst v63  }
0x68c: {  	_ =	swait.ge [sflag:s3], $0x4000  }
0x68d: {  	[sflag:s3] =	ssyncset.done $0x0  }
0x68e: {  	[sflag:s3] =	ssyncadd.s32 $0xFFFFC000  }
0x68f: {  	_ =	swait.ge [sflag:s5], $0x4000  }
0x690: {  	s1 =	sand.u32 $0x300, s8;
	s9 =	sand.u32 $0x3800, s8;
	[sflag:s5] =	ssyncset.done $0x0  }
0x691: {  	s1 =	sor.u32 s1, s9;
	[sflag:s5] =	ssyncadd.s32 $0xFFFFC000  }
0x692: {  	v23 =	vld [tilespmem:s1+$0xB500];
	_ =	sdelay $0x2  }
0x693: {  	v22 =	vld [tilespmem:s1+$0xB580]  }
0x694: {  	v24 =	vld [tilespmem:s1+$0xB590]  }
0x695: {  	v25 =	vld [tilespmem:s1+$0xB510]  }
0x696: {  	v26 =	vld [tilespmem:s1+$0xB520]  }
0x697: {  	v27 =	vld [tilespmem:s1+$0xB530]  }
0x698: {  	v23 =	vld.idx.msk [tilespmem:v23+s29+$0x0], $0xffff  }
0x699: {  	v28 =	vld [tilespmem:s1+$0xB540]  }
0x69a: {  	v29 =	vld [tilespmem:s1+$0xB550]  }
0x69b: {  	v22 =	vld.idx.msk [tilespmem:v22+s29+$0x0], $0xffff  }
0x69c: {  	s10 =	simm.s32 $0x100;
	s11 =	simm.s32 $0x200;
	v30 =	vld [tilespmem:s1+$0xB560]  }
0x69d: {  	s7 =	sand.u32 $0x300, s10;
	s8 =	sand.u32 $0x3800, s11;
	v31 =	vld [tilespmem:s1+$0xB570];
	[tilespmem:s1+$0x17500] =	vst v23  }
0x69e: {  	s7 =	sor.u32 s7, s8;
	v23 =	vld.idx.msk [tilespmem:v25+s29+$0x0], $0xffff  }
0x69f: {  	v42 =	vld [tilespmem:s7+$0xB500]  }
0x6a0: {  	[tilespmem:s1+$0x17580] =	vst v22;
	v22 =	vld [tilespmem:s1+$0xB5A0]  }
0x6a1: {  	v43 =	vld [tilespmem:s7+$0xB510]  }
0x6a2: {  	v24 =	vld.idx.msk [tilespmem:v24+s29+$0x0], $0xffff  }
0x6a3: {  	v34 =	vld [tilespmem:s7+$0xB520];
	[tilespmem:s1+$0x17510] =	vst v23  }
0x6a4: {  	v23 =	vld.idx.msk [tilespmem:v26+s29+$0x0], $0xffff  }
0x6a5: {  	v35 =	vld [tilespmem:s7+$0xB530]  }
0x6a6: {  	v44 =	vld [tilespmem:s7+$0xB590]  }
0x6a7: {  	[tilespmem:s1+$0x17590] =	vst v24;
	v24 =	vld [tilespmem:s1+$0xB5B0]  }
0x6a8: {  	v22 =	vld.idx.msk [tilespmem:v22+s29+$0x0], $0xffff  }
0x6a9: {  	v37 =	vld [tilespmem:s7+$0xB540];
	[tilespmem:s1+$0x17520] =	vst v23  }
0x6aa: {  	v23 =	vld.idx.msk [tilespmem:v27+s29+$0x0], $0xffff  }
0x6ab: {  	s12 =	simm.s32 $0x200;
	s13 =	simm.s32 $0x400;
	v45 =	vld [tilespmem:s7+$0xB550]  }
0x6ac: {  	s9 =	sand.u32 $0x3800, s13;
	s8 =	sand.u32 $0x300, s12;
	v39 =	vld [tilespmem:s7+$0xB570]  }
0x6ad: {  	s8 =	sor.u32 s8, s9;
	[tilespmem:s1+$0x175A0] =	vst v22;
	v22 =	vld [tilespmem:s1+$0xB5C0]  }
0x6ae: {  	v38 =	vld [tilespmem:s8+$0xB520]  }
0x6af: {  	v24 =	vld.idx.msk [tilespmem:v24+s29+$0x0], $0xffff;
	[tilespmem:s1+$0x17530] =	vst v23  }
0x6b0: {  	v28 =	vld.idx.msk [tilespmem:v28+s29+$0x0], $0xffff  }
0x6b1: {  	v32 =	vld.idx.msk [tilespmem:v42+s29+$0x0], $0xffff  }
0x6b2: {  	v40 =	vld [tilespmem:s8+$0xB530]  }
0x6b3: {  	v25 =	vld [tilespmem:s1+$0xB5D0]  }
0x6b4: {  	v42 =	vld [tilespmem:s7+$0xB560];
	[tilespmem:s1+$0x175B0] =	vst v24  }
0x6b5: {  	v22 =	vld.idx.msk [tilespmem:v22+s29+$0x0], $0xffff;
	[tilespmem:s1+$0x17540] =	vst v28  }
0x6b6: {  	[tilespmem:s7+$0x17500] =	vst v32;
	v28 =	vld.idx.msk [tilespmem:v29+s29+$0x0], $0xffff  }
0x6b7: {  	v33 =	vld.idx.msk [tilespmem:v43+s29+$0x0], $0xffff  }
0x6b8: {  	v43 =	vld [tilespmem:s7+$0xB5B0]  }
0x6b9: {  	v26 =	vld [tilespmem:s1+$0xB900]  }
0x6ba: {  	[tilespmem:s1+$0x175C0] =	vst v22;
	v22 =	vld [tilespmem:s1+$0xB5E0]  }
0x6bb: {  	v41 =	vld.idx.msk [tilespmem:v25+s29+$0x0], $0xffff;
	[tilespmem:s1+$0x17550] =	vst v28  }
0x6bc: {  	v28 =	vld.idx.msk [tilespmem:v30+s29+$0x0], $0xffff  }
0x6bd: {  	v30 =	vld [tilespmem:s7+$0xB580]  }
0x6be: {  	v27 =	vld [tilespmem:s1+$0xB910]  }
0x6bf: {  	v23 =	vld [tilespmem:s1+$0xB920]  }
0x6c0: {  	v24 =	vld [tilespmem:s1+$0xB930]  }
0x6c1: {  	v29 =	vld [tilespmem:s1+$0xB5F0]  }
0x6c2: {  	v25 =	vld [tilespmem:s1+$0xB938];
	[tilespmem:s1+$0x175D0] =	vst v41  }
0x6c3: {  	v22 =	vld.idx.msk [tilespmem:v22+s29+$0x0], $0xffff  }
0x6c4: {  	v41 =	vld [tilespmem:s8+$0xB590]  }
0x6c5: {  	[tilespmem:s7+$0x17510] =	vst v33;
	v30 =	vld.idx.msk [tilespmem:v30+s29+$0x0], $0xffff  }
0x6c6: {  	[tilespmem:s1+$0x17560] =	vst v28;
	v28 =	vld.idx.msk [tilespmem:v34+s29+$0x0], $0xffff  }
0x6c7: {  	v34 =	vld [tilespmem:s7+$0xB900]  }
0x6c8: {  	[tilespmem:s1+$0x175E0] =	vst v22;
	v22 =	vld [tilespmem:s1+$0xB980]  }
0x6c9: {  	v29 =	vld.idx.msk [tilespmem:v29+s29+$0x0], $0xffff  }
0x6ca: {  	[tilespmem:s7+$0x17580] =	vst v30;
	v30 =	vld [tilespmem:s7+$0xB5A0]  }
0x6cb: {  	v31 =	vld.idx.msk [tilespmem:v31+s29+$0x0], $0xffff  }
0x6cc: {  	[tilespmem:s7+$0x17520] =	vst v28;
	v46 =	vld.idx.msk [tilespmem:v44+s29+$0x0], $0xffff  }
0x6cd: {  	v28 =	vld.idx.msk [tilespmem:v35+s29+$0x0], $0xffff  }
0x6ce: {  	[tilespmem:s1+$0x175F0] =	vst v29;
	v29 =	vld [tilespmem:s1+$0xB990]  }
0x6cf: {  	v35 =	vld [tilespmem:s7+$0xB910]  }
0x6d0: {  	[tilespmem:s1+$0x17570] =	vst v31;
	v22 =	vld.idx.msk [tilespmem:v22+s29+$0x0], $0xffff  }
0x6d1: {  	v31 =	vld [tilespmem:s7+$0xB930];
	[tilespmem:s7+$0x17590] =	vst v46  }
0x6d2: {  	v30 =	vld.idx.msk [tilespmem:v30+s29+$0x0], $0xffff  }
0x6d3: {  	v26 =	vld.idx.msk [tilespmem:v26+s29+$0x0], $0xffff  }
0x6d4: {  	v44 =	vld [tilespmem:s7+$0xB5D0]  }
0x6d5: {  	[tilespmem:s1+$0x17980] =	vst v22;
	v22 =	vld [tilespmem:s1+$0xB9A0]  }
0x6d6: {  	[tilespmem:s7+$0x17530] =	vst v28;
	v29 =	vld.idx.msk [tilespmem:v29+s29+$0x0], $0xffff  }
0x6d7: {  	[tilespmem:s7+$0x175A0] =	vst v30;
	v30 =	vld [tilespmem:s7+$0xB5C0]  }
0x6d8: {  	v28 =	vld.idx.msk [tilespmem:v37+s29+$0x0], $0xffff  }
0x6d9: {  	v32 =	vld.idx.msk [tilespmem:v43+s29+$0x0], $0xffff  }
0x6da: {  	v37 =	vld [tilespmem:s7+$0xB920];
	[tilespmem:s1+$0x17900] =	vst v26  }
0x6db: {  	[tilespmem:s1+$0x17990] =	vst v29;
	v29 =	vld [tilespmem:s1+$0xB9B0]  }
0x6dc: {  	v27 =	vld.idx.msk [tilespmem:v27+s29+$0x0], $0xffff  }
0x6dd: {  	v22 =	vld.idx.msk [tilespmem:v22+s29+$0x0], $0xffff  }
0x6de: {  	v46 =	vld [tilespmem:s8+$0xB510];
	[tilespmem:s7+$0x175B0] =	vst v32  }
0x6df: {  	v30 =	vld.idx.msk [tilespmem:v30+s29+$0x0], $0xffff  }
0x6e0: {  	[tilespmem:s7+$0x17540] =	vst v28;
	v28 =	vld [tilespmem:s7+$0xB5F0]  }
0x6e1: {  	v26 =	vld.idx.msk [tilespmem:v45+s29+$0x0], $0xffff  }
0x6e2: {  	v45 =	vld [tilespmem:s8+$0xB500];
	[tilespmem:s1+$0x179A0] =	vst v22  }
0x6e3: {  	v29 =	vld.idx.msk [tilespmem:v29+s29+$0x0], $0xffff  }
0x6e4: {  	[tilespmem:s7+$0x175C0] =	vst v30;
	v30 =	vld [tilespmem:s7+$0xB5E0]  }
0x6e5: {  	v22 =	vld [tilespmem:s1+$0xB9B8]  }
0x6e6: {  	v32 =	vld.idx.msk [tilespmem:v44+s29+$0x0], $0xffff  }
0x6e7: {  	v43 =	vld [tilespmem:s8+$0xB550];
	[tilespmem:s7+$0x17550] =	vst v26  }
0x6e8: {  	[tilespmem:s1+$0x179B0] =	vst v29;
	v29 =	vld.idx.msk [tilespmem:v42+s29+$0x0], $0xffff  }
0x6e9: {  	v42 =	vld [tilespmem:s8+$0xB540]  }
0x6ea: {  	v44 =	vld [tilespmem:s8+$0xB570]  }
0x6eb: {  	[tilespmem:s7+$0x175D0] =	vst v32;
	v32 =	vld.idx.msk [tilespmem:v45+s29+$0x0], $0xffff  }
0x6ec: {  	v26 =	vld.idx.msk [tilespmem:v30+s29+$0x0], $0xffff  }
0x6ed: {  	v30 =	vld [tilespmem:s8+$0xB580]  }
0x6ee: {  	v33 =	vld.idx.msk [tilespmem:v22+s29+$0x0], $0xffff  }
0x6ef: {  	v22 =	vld [tilespmem:s7+$0xB938]  }
0x6f0: {  	v45 =	vld [tilespmem:s8+$0xB5B0];
	[tilespmem:s8+$0x17500] =	vst v32  }
0x6f1: {  	s14 =	simm.s32 $0x300;
	s10 =	simm.s32 $0x600;
	[tilespmem:s7+$0x175E0] =	vst v26;
	v26 =	vld [tilespmem:s7+$0xB980]  }
0x6f2: {  	s10 =	sand.u32 $0x3800, s10;
	s9 =	sand.u32 $0x300, s14;
	v36 =	vld.idx.msk [tilespmem:v46+s29+$0x0], $0xffff  }
0x6f3: {  	s9 =	sor.u32 s9, s10;
	v28 =	vld.idx.msk [tilespmem:v28+s29+$0x0], $0xffff  }
0x6f4: {  	[tilespmem:s1+$0x179B8] =	vst v33;
	v33 =	vld [tilespmem:s9+$0xB938]  }
0x6f5: {  	[tilespmem:s7+$0x17560] =	vst v29;
	v30 =	vld.idx.msk [tilespmem:v30+s29+$0x0], $0xffff  }
0x6f6: {  	v46 =	vld.idx.msk [tilespmem:v39+s29+$0x0], $0xffff  }
0x6f7: {  	[tilespmem:s8+$0x17510] =	vst v36;
	v36 =	vld [tilespmem:s9+$0xB520]  }
0x6f8: {  	[tilespmem:s7+$0x175F0] =	vst v28;
	v28 =	vld [tilespmem:s7+$0xB990]  }
0x6f9: {  	v26 =	vld.idx.msk [tilespmem:v26+s29+$0x0], $0xffff  }
0x6fa: {  	[tilespmem:s8+$0x17580] =	vst v30;
	v30 =	vld [tilespmem:s8+$0xB5A0]  }
0x6fb: {  	v29 =	vld.idx.msk [tilespmem:v38+s29+$0x0], $0xffff  }
0x6fc: {  	v32 =	vld.idx.msk [tilespmem:v41+s29+$0x0], $0xffff  }
0x6fd: {  	v38 =	vld [tilespmem:s8+$0xB900]  }
0x6fe: {  	[tilespmem:s7+$0x17980] =	vst v26;
	v26 =	vld [tilespmem:s7+$0xB9A0]  }
0x6ff: {  	[tilespmem:s7+$0x17570] =	vst v46;
	v41 =	vld [tilespmem:s8+$0xB560]  }
0x700: {  	[tilespmem:s8+$0x17520] =	vst v29;
	v28 =	vld.idx.msk [tilespmem:v28+s29+$0x0], $0xffff  }
0x701: {  	v29 =	vld.idx.msk [tilespmem:v34+s29+$0x0], $0xffff;
	[tilespmem:s8+$0x17590] =	vst v32  }
0x702: {  	v30 =	vld.idx.msk [tilespmem:v30+s29+$0x0], $0xffff  }
0x703: {  	v34 =	vld [tilespmem:s8+$0xB910]  }
0x704: {  	v32 =	vld [tilespmem:s9+$0xB510]  }
0x705: {  	[tilespmem:s7+$0x17990] =	vst v28;
	v28 =	vld [tilespmem:s7+$0xB9B0]  }
0x706: {  	[tilespmem:s1+$0x17910] =	vst v27;
	v26 =	vld.idx.msk [tilespmem:v26+s29+$0x0], $0xffff  }
0x707: {  	[tilespmem:s8+$0x175A0] =	vst v30;
	v30 =	vld [tilespmem:s8+$0xB5C0]  }
0x708: {  	[tilespmem:s7+$0x17900] =	vst v29;
	v27 =	vld.idx.msk [tilespmem:v45+s29+$0x0], $0xffff  }
0x709: {  	v29 =	vld.idx.msk [tilespmem:v35+s29+$0x0], $0xffff  }
0x70a: {  	v45 =	vld.idx.msk [tilespmem:v23+s29+$0x0], $0xffff  }
0x70b: {  	v23 =	vld.idx.msk [tilespmem:v40+s29+$0x0], $0xffff  }
0x70c: {  	[tilespmem:s7+$0x179A0] =	vst v26;
	v26 =	vld [tilespmem:s7+$0xB9B8]  }
0x70d: {  	[tilespmem:s8+$0x175B0] =	vst v27;
	v27 =	vld [tilespmem:s8+$0xB5D0]  }
0x70e: {  	v28 =	vld.idx.msk [tilespmem:v28+s29+$0x0], $0xffff  }
0x70f: {  	v30 =	vld.idx.msk [tilespmem:v30+s29+$0x0], $0xffff  }
0x710: {  	v35 =	vld [tilespmem:s8+$0xB920];
	[tilespmem:s8+$0x17530] =	vst v23  }
0x711: {  	v46 =	vld.idx.msk [tilespmem:v42+s29+$0x0], $0xffff  }
0x712: {  	[tilespmem:s7+$0x17910] =	vst v29;
	v29 =	vld [tilespmem:s9+$0xB580]  }
0x713: {  	v40 =	vld.idx.msk [tilespmem:v37+s29+$0x0], $0xffff;
	[tilespmem:s7+$0x179B0] =	vst v28  }
0x714: {  	[tilespmem:s8+$0x175C0] =	vst v30;
	v30 =	vld [tilespmem:s8+$0xB5E0]  }
0x715: {  	v39 =	vld.idx.msk [tilespmem:v26+s29+$0x0], $0xffff  }
0x716: {  	[tilespmem:s8+$0x17540] =	vst v46;
	v27 =	vld.idx.msk [tilespmem:v27+s29+$0x0], $0xffff  }
0x717: {  	v26 =	vld.idx.msk [tilespmem:v43+s29+$0x0], $0xffff  }
0x718: {  	v37 =	vld [tilespmem:s9+$0xB530]  }
0x719: {  	v23 =	vld [tilespmem:s8+$0xB930]  }
0x71a: {  	[tilespmem:s1+$0x17920] =	vst v45;
	v45 =	vld [tilespmem:s9+$0xB550]  }
0x71b: {  	[tilespmem:s8+$0x175D0] =	vst v27;
	v27 =	vld [tilespmem:s8+$0xB5F0]  }
0x71c: {  	[tilespmem:s8+$0x17550] =	vst v26;
	v26 =	vld.idx.msk [tilespmem:v30+s29+$0x0], $0xffff  }
0x71d: {  	v30 =	vld [tilespmem:s9+$0xB500]  }
0x71e: {  	v42 =	vld.idx.msk [tilespmem:v24+s29+$0x0], $0xffff  }
0x71f: {  	v29 =	vld.idx.msk [tilespmem:v29+s29+$0x0], $0xffff  }
0x720: {  	v28 =	vld.idx.msk [tilespmem:v41+s29+$0x0], $0xffff  }
0x721: {  	[tilespmem:s8+$0x175E0] =	vst v26;
	v26 =	vld [tilespmem:s8+$0xB980]  }
0x722: {  	v41 =	vld [tilespmem:s9+$0xB590]  }
0x723: {  	v27 =	vld.idx.msk [tilespmem:v27+s29+$0x0], $0xffff  }
0x724: {  	v24 =	vld [tilespmem:s8+$0xB938]  }
0x725: {  	v30 =	vld.idx.msk [tilespmem:v30+s29+$0x0], $0xffff  }
0x726: {  	v46 =	vld [tilespmem:s8+$0xB9A0]  }
0x727: {  	[tilespmem:s9+$0x17580] =	vst v29;
	v29 =	vld [tilespmem:s9+$0xB5A0]  }
0x728: {  	[tilespmem:s8+$0x175F0] =	vst v27;
	v27 =	vld [tilespmem:s8+$0xB990]  }
0x729: {  	v26 =	vld.idx.msk [tilespmem:v26+s29+$0x0], $0xffff  }
0x72a: {  	[tilespmem:s9+$0x17500] =	vst v30;
	v30 =	vld.idx.msk [tilespmem:v41+s29+$0x0], $0xffff  }
0x72b: {  	v43 =	vld [tilespmem:s9+$0xB540]  }
0x72c: {  	v41 =	vld.idx.msk [tilespmem:v32+s29+$0x0], $0xffff  }
0x72d: {  	v32 =	vld [tilespmem:s9+$0xB560]  }
0x72e: {  	[tilespmem:s8+$0x17980] =	vst v26;
	v26 =	vld [tilespmem:s9+$0xB570]  }
0x72f: {  	[tilespmem:s9+$0x17590] =	vst v30;
	v30 =	vld [tilespmem:s9+$0xB5B0]  }
0x730: {  	v27 =	vld.idx.msk [tilespmem:v27+s29+$0x0], $0xffff  }
0x731: {  	[tilespmem:s9+$0x17510] =	vst v41;
	v29 =	vld.idx.msk [tilespmem:v29+s29+$0x0], $0xffff  }
0x732: {  	[tilespmem:s8+$0x17560] =	vst v28;
	v28 =	vld.idx.msk [tilespmem:v36+s29+$0x0], $0xffff  }
0x733: {  	v36 =	vld.idx.msk [tilespmem:v44+s29+$0x0], $0xffff  }
0x734: {  	v41 =	vld [tilespmem:s8+$0xB9B0]  }
0x735: {  	[tilespmem:s8+$0x17990] =	vst v27;
	v27 =	vld [tilespmem:s9+$0xB900]  }
0x736: {  	[tilespmem:s9+$0x175A0] =	vst v29;
	v29 =	vld [tilespmem:s9+$0xB910]  }
0x737: {  	v44 =	vld.idx.msk [tilespmem:v46+s29+$0x0], $0xffff  }
0x738: {  	v46 =	vld [tilespmem:s9+$0xB5C0];
	[tilespmem:s8+$0x17570] =	vst v36  }
0x739: {  	v36 =	vld.idx.msk [tilespmem:v38+s29+$0x0], $0xffff  }
0x73a: {  	[tilespmem:s9+$0x17520] =	vst v28;
	v28 =	vld.idx.msk [tilespmem:v30+s29+$0x0], $0xffff  }
0x73b: {  	v30 =	vld.idx.msk [tilespmem:v37+s29+$0x0], $0xffff  }
0x73c: {  	v37 =	vld [tilespmem:s8+$0xB9B8];
	[tilespmem:s8+$0x179A0] =	vst v44  }
0x73d: {  	v38 =	vld.idx.msk [tilespmem:v41+s29+$0x0], $0xffff  }
0x73e: {  	v41 =	vld [tilespmem:s9+$0xB5D0];
	[tilespmem:s8+$0x17900] =	vst v36  }
0x73f: {  	[tilespmem:s9+$0x175B0] =	vst v28;
	v34 =	vld.idx.msk [tilespmem:v34+s29+$0x0], $0xffff  }
0x740: {  	[tilespmem:s9+$0x17530] =	vst v30;
	v28 =	vld.idx.msk [tilespmem:v46+s29+$0x0], $0xffff  }
0x741: {  	v43 =	vld.idx.msk [tilespmem:v43+s29+$0x0], $0xffff  }
0x742: {  	[tilespmem:s7+$0x17920] =	vst v40;
	v30 =	vld [tilespmem:s9+$0xB920]  }
0x743: {  	v36 =	vld [tilespmem:s9+$0xB5E0];
	[tilespmem:s8+$0x179B0] =	vst v38  }
0x744: {  	v38 =	vld.idx.msk [tilespmem:v37+s29+$0x0], $0xffff;
	[tilespmem:s8+$0x17910] =	vst v34  }
0x745: {  	v34 =	vld.idx.msk [tilespmem:v31+s29+$0x0], $0xffff;
	[tilespmem:s9+$0x175C0] =	vst v28  }
0x746: {  	[tilespmem:s9+$0x17540] =	vst v43;
	v41 =	vld.idx.msk [tilespmem:v41+s29+$0x0], $0xffff  }
0x747: {  	v37 =	vld.idx.msk [tilespmem:v45+s29+$0x0], $0xffff  }
0x748: {  	[tilespmem:s1+$0x17930] =	vst v42;
	v35 =	vld.idx.msk [tilespmem:v35+s29+$0x0], $0xffff  }
0x749: {  	[tilespmem:s7+$0x179B8] =	vst v39;
	v31 =	vld.idx.msk [tilespmem:v25+s29+$0x0], $0xffff  }
0x74a: {  	v28 =	vld [tilespmem:s9+$0xB930];
	[tilespmem:s8+$0x179B8] =	vst v38  }
0x74b: {  	s11 =	simm.s32 $0x400;
	s12 =	simm.s32 $0x800;
	s10 =	simm.s32 $0x6;
	v38 =	vld [tilespmem:s9+$0xB5F0];
	[tilespmem:s9+$0x175D0] =	vst v41  }
.LBB2_12:
0x74c: {  	s13 =	sand.u32 $0x3800, s12;
	s14 =	sand.u32 $0x300, s11;
	s10 =	sadd.s32 $0x2, s10;
	[tilespmem:s9+$0x17550] =	vst v37;
	v36 =	vld.idx.msk [tilespmem:v36+s29+$0x0], $0xffff  }
0x74d: {  	s13 =	sor.u32 s14, s13;
	p0 =	slt.u32 s10, $0x3E;
	v32 =	vld.idx.msk [tilespmem:v32+s29+$0x0], $0xffff;
	[tilespmem:s8+$0x17920] =	vst v35  }
0x74e: {  	v35 =	vld [tilespmem:s13+$0xB580];
	[tilespmem:s7+$0x17930] =	vst v34;
	v25 =	vmov v33  }
0x74f: {  	v33 =	vld [tilespmem:s13+$0xB500]  }
0x750: {  	v34 =	vld [tilespmem:s13+$0xB510];
	[tilespmem:s1+$0x17938] =	vst v31;
	s1 =	smov.u32 s7;
	s7 =	smov.u32 s8;
	s8 =	smov.u32 s9  }
0x751: {  	s9 =	smov.u32 s13;
	v31 =	vld [tilespmem:s13+$0xB520]  }
0x752: {  	[tilespmem:s8+$0x175E0] =	vst v36;
	v36 =	vld [tilespmem:s8+$0xB980]  }
0x753: {  	[tilespmem:s8+$0x17560] =	vst v32;
	v32 =	vld.idx.msk [tilespmem:v38+s29+$0x0], $0xffff  }
0x754: {  	v37 =	vld [tilespmem:s9+$0xB530]  }
0x755: {  	v38 =	vld [tilespmem:s9+$0xB590]  }
0x756: {  	v35 =	vld.idx.msk [tilespmem:v35+s29+$0x0], $0xffff  }
0x757: {  	v33 =	vld.idx.msk [tilespmem:v33+s29+$0x0], $0xffff  }
0x758: {  	v39 =	vld [tilespmem:s9+$0xB540]  }
0x759: {  	[tilespmem:s8+$0x175F0] =	vst v32;
	v40 =	vld [tilespmem:s8+$0xB990]  }
0x75a: {  	v36 =	vld.idx.msk [tilespmem:v36+s29+$0x0], $0xffff  }
0x75b: {  	v41 =	vld [tilespmem:s9+$0xB550]  }
0x75c: {  	[tilespmem:s9+$0x17580] =	vst v35;
	v35 =	vld [tilespmem:s9+$0xB5A0]  }
0x75d: {  	[tilespmem:s9+$0x17500] =	vst v33;
	v33 =	vld.idx.msk [tilespmem:v38+s29+$0x0], $0xffff  }
0x75e: {  	v34 =	vld.idx.msk [tilespmem:v34+s29+$0x0], $0xffff  }
0x75f: {  	v32 =	vld [tilespmem:s9+$0xB560]  }
0x760: {  	[tilespmem:s8+$0x17980] =	vst v36;
	v36 =	vld [tilespmem:s8+$0xB9A0]  }
0x761: {  	v38 =	vld.idx.msk [tilespmem:v40+s29+$0x0], $0xffff  }
0x762: {  	v40 =	vld [tilespmem:s9+$0xB570]  }
0x763: {  	[tilespmem:s9+$0x17590] =	vst v33;
	v33 =	vld [tilespmem:s9+$0xB5B0]  }
0x764: {  	[tilespmem:s9+$0x17510] =	vst v34;
	v34 =	vld.idx.msk [tilespmem:v35+s29+$0x0], $0xffff  }
0x765: {  	v31 =	vld.idx.msk [tilespmem:v31+s29+$0x0], $0xffff  }
0x766: {  	v35 =	vld.idx.msk [tilespmem:v26+s29+$0x0], $0xffff  }
0x767: {  	[tilespmem:s8+$0x17990] =	vst v38;
	v38 =	vld [tilespmem:s8+$0xB9B0];
	v26 =	vmov v40  }
0x768: {  	v36 =	vld.idx.msk [tilespmem:v36+s29+$0x0], $0xffff  }
0x769: {  	v40 =	vld [tilespmem:s9+$0xB900]  }
0x76a: {  	[tilespmem:s9+$0x175A0] =	vst v34;
	v34 =	vld [tilespmem:s9+$0xB5C0]  }
0x76b: {  	[tilespmem:s9+$0x17520] =	vst v31;
	v31 =	vld.idx.msk [tilespmem:v33+s29+$0x0], $0xffff  }
0x76c: {  	v33 =	vld.idx.msk [tilespmem:v37+s29+$0x0], $0xffff;
	[tilespmem:s8+$0x17570] =	vst v35  }
0x76d: {  	v35 =	vld.idx.msk [tilespmem:v27+s29+$0x0], $0xffff  }
0x76e: {  	[tilespmem:s8+$0x179A0] =	vst v36;
	v36 =	vld [tilespmem:s8+$0xB9B8];
	v27 =	vmov v40  }
0x76f: {  	v37 =	vld.idx.msk [tilespmem:v38+s29+$0x0], $0xffff  }
0x770: {  	v38 =	vld [tilespmem:s9+$0xB910]  }
0x771: {  	[tilespmem:s9+$0x175B0] =	vst v31;
	v31 =	vld [tilespmem:s9+$0xB5D0]  }
0x772: {  	[tilespmem:s9+$0x17530] =	vst v33;
	v33 =	vld.idx.msk [tilespmem:v34+s29+$0x0], $0xffff  }
0x773: {  	v34 =	vld.idx.msk [tilespmem:v39+s29+$0x0], $0xffff;
	[tilespmem:s8+$0x17900] =	vst v35  }
0x774: {  	v35 =	vld.idx.msk [tilespmem:v29+s29+$0x0], $0xffff  }
0x775: {  	v39 =	vld [tilespmem:s9+$0xB920];
	[tilespmem:s8+$0x179B0] =	vst v37;
	v29 =	vmov v38  }
0x776: {  	v38 =	vld.idx.msk [tilespmem:v36+s29+$0x0], $0xffff  }
0x777: {  	v40 =	vld [tilespmem:s9+$0xB930]  }
0x778: {  	[tilespmem:s9+$0x175C0] =	vst v33;
	v36 =	vld [tilespmem:s9+$0xB5E0]  }
0x779: {  	[tilespmem:s9+$0x17540] =	vst v34;
	v42 =	vld.idx.msk [tilespmem:v31+s29+$0x0], $0xffff  }
0x77a: {  	v37 =	vld.idx.msk [tilespmem:v41+s29+$0x0], $0xffff;
	[tilespmem:s8+$0x17910] =	vst v35  }
.Ltmp5:
0x77b: {  	v35 =	vld.idx.msk [tilespmem:v30+s29+$0x0], $0xffff;
	v30 =	vmov v39;
	(pc) =	sbr.rel @p0 .LBB2_12-.Ltmp5, $4  }
0x77c: {  	[tilespmem:s8+$0x179B8] =	vst v38;
	v34 =	vld.idx.msk [tilespmem:v23+s29+$0x0], $0xffff;
	v23 =	vmov v28;
	v28 =	vmov v40  }
0x77d: {  	v33 =	vld [tilespmem:s9+$0xB938]  }
0x77e: {  	v31 =	vld.idx.msk [tilespmem:v22+s29+$0x0], $0xffff;
	v22 =	vmov v24;
	v24 =	vmov v25  }
0x77f: {  	s11 =	sadd.s32 $0x100, s11;
	s12 =	sadd.s32 $0x200, s12;
	[tilespmem:s9+$0x175D0] =	vst v42;
	v38 =	vld [tilespmem:s9+$0xB5F0]  }
0x780: {  	_ =	sdelay $0x3  }
0x781: {  	v25 =	vld.idx.msk [tilespmem:v36+s29+$0x0], $0xffff;
	_ =	sdelay $0x3  }
0x782: {  	[tilespmem:s9+$0x17550] =	vst v37  }
0x783: {  	[tilespmem:s9+$0x175E0] =	vst v25;
	v25 =	vld [tilespmem:s9+$0xB980]  }
0x784: {  	v32 =	vld.idx.msk [tilespmem:v32+s29+$0x0], $0xffff  }
0x785: {  	v45 =	vld.idx.msk [tilespmem:v38+s29+$0x0], $0xffff;
	_ =	sdelay $0x3  }
0x786: {  	v46 =	vld [tilespmem:s9+$0xB990];
	[tilespmem:s9+$0x17560] =	vst v32  }
0x787: {  	v26 =	vld.idx.msk [tilespmem:v26+s29+$0x0], $0xffff;
	[tilespmem:s9+$0x175F0] =	vst v45  }
0x788: {  	v25 =	vld.idx.msk [tilespmem:v25+s29+$0x0], $0xffff;
	_ =	sdelay $0x3  }
0x789: {  	[tilespmem:s9+$0x17570] =	vst v26  }
0x78a: {  	[tilespmem:s9+$0x17980] =	vst v25;
	v25 =	vld [tilespmem:s9+$0xB9A0]  }
0x78b: {  	v26 =	vld.idx.msk [tilespmem:v27+s29+$0x0], $0xffff  }
0x78c: {  	v40 =	vld.idx.msk [tilespmem:v46+s29+$0x0], $0xffff;
	_ =	sdelay $0x3  }
0x78d: {  	[tilespmem:s9+$0x17900] =	vst v26  }
0x78e: {  	v26 =	vld.idx.msk [tilespmem:v29+s29+$0x0], $0xffff;
	[tilespmem:s9+$0x17990] =	vst v40  }
0x78f: {  	v25 =	vld.idx.msk [tilespmem:v25+s29+$0x0], $0xffff;
	_ =	sdelay $0x1  }
0x790: {  	v27 =	vld [tilespmem:s9+$0xB9B0];
	_ =	sdelay $0x1  }
0x791: {  	[tilespmem:s9+$0x17910] =	vst v26  }
0x792: {  	[tilespmem:s9+$0x179A0] =	vst v25;
	v25 =	vld.idx.msk [tilespmem:v30+s29+$0x0], $0xffff;
	_ =	sdelay $0x2  }
0x793: {  	[tilespmem:s8+$0x17920] =	vst v35;
	v26 =	vld [tilespmem:s9+$0xB9B8]  }
0x794: {  	v23 =	vld.idx.msk [tilespmem:v23+s29+$0x0], $0xffff  }
0x795: {  	v27 =	vld.idx.msk [tilespmem:v27+s29+$0x0], $0xffff;
	[tilespmem:s9+$0x17920] =	vst v25  }
0x796: {  	v25 =	vld.idx.msk [tilespmem:v28+s29+$0x0], $0xffff;
	_ =	sdelay $0x1  }
0x797: {  	[tilespmem:s7+$0x17930] =	vst v34  }
0x798: {  	v22 =	vld.idx.msk [tilespmem:v22+s29+$0x0], $0xffff;
	[tilespmem:s8+$0x17930] =	vst v23  }
0x799: {  	v23 =	vld.idx.msk [tilespmem:v24+s29+$0x0], $0xffff;
	[tilespmem:s9+$0x179B0] =	vst v27  }
0x79a: {  	v26 =	vld.idx.msk [tilespmem:v26+s29+$0x0], $0xffff;
	[tilespmem:s9+$0x17930] =	vst v25  }
0x79b: {  	v24 =	vld.idx.msk [tilespmem:v33+s29+$0x0], $0xffff  }
0x79c: {  	[tilespmem:s1+$0x17938] =	vst v31  }
0x79d: {  	[tilespmem:s7+$0x17938] =	vst v22  }
0x79e: {  	[tilespmem:s8+$0x17938] =	vst v23  }
0x79f: {  	[tilespmem:s9+$0x179B8] =	vst v26  }
0x7a0: {  	s14 =	simm.s32 $0x0;
	s8 =	simm.s32 $0x17500;
	[tilespmem:s9+$0x17938] =	vst v24  }
0x7a1: {  	[hbm4b:s18+s14] =	stream.linear.scatter [tilespmem:s8], [sflag:$0x6], $0x4000, $0x38;
	[tilespmem:$0x1B500] =	vst v63  }
0x7a2: {  	_ =	swait.ge [sflag:s28], $0x4000  }
0x7a3: {  	[sflag:s28] =	ssyncset.done $0x0  }
0x7a4: {  	[sflag:s28] =	ssyncadd.s32 $0xFFFFC000  }
0x7a5: {  	_ =	swait.ge [sflag:s4], $0x4000  }
0x7a6: {  	s1 =	sand.u32 $0x300, s14;
	s9 =	sand.u32 $0x3800, s14;
	[sflag:s4] =	ssyncset.done $0x0  }
0x7a7: {  	s1 =	sor.u32 s1, s9;
	[sflag:s4] =	ssyncadd.s32 $0xFFFFC000  }
0x7a8: {  	v23 =	vld [tilespmem:s1+$0x3500];
	_ =	sdelay $0x2  }
0x7a9: {  	v22 =	vld [tilespmem:s1+$0x3580]  }
0x7aa: {  	v24 =	vld [tilespmem:s1+$0x3590]  }
0x7ab: {  	v25 =	vld [tilespmem:s1+$0x3510]  }
0x7ac: {  	v26 =	vld [tilespmem:s1+$0x3520]  }
0x7ad: {  	v27 =	vld [tilespmem:s1+$0x3530]  }
0x7ae: {  	v23 =	vld.idx.msk [tilespmem:v23+s29+$0x0], $0xffff  }
0x7af: {  	v28 =	vld [tilespmem:s1+$0x3540]  }
0x7b0: {  	v29 =	vld [tilespmem:s1+$0x3550]  }
0x7b1: {  	v22 =	vld.idx.msk [tilespmem:v22+s29+$0x0], $0xffff  }
0x7b2: {  	s10 =	simm.s32 $0x100;
	s11 =	simm.s32 $0x200;
	v30 =	vld [tilespmem:s1+$0x3560]  }
0x7b3: {  	s7 =	sand.u32 $0x300, s10;
	s8 =	sand.u32 $0x3800, s11;
	v31 =	vld [tilespmem:s1+$0x3570];
	[tilespmem:s1+$0xF500] =	vst v23  }
0x7b4: {  	s7 =	sor.u32 s7, s8;
	v23 =	vld.idx.msk [tilespmem:v25+s29+$0x0], $0xffff  }
0x7b5: {  	v42 =	vld [tilespmem:s7+$0x3500]  }
0x7b6: {  	[tilespmem:s1+$0xF580] =	vst v22;
	v22 =	vld [tilespmem:s1+$0x35A0]  }
0x7b7: {  	v43 =	vld [tilespmem:s7+$0x3510]  }
0x7b8: {  	v24 =	vld.idx.msk [tilespmem:v24+s29+$0x0], $0xffff  }
0x7b9: {  	v34 =	vld [tilespmem:s7+$0x3520];
	[tilespmem:s1+$0xF510] =	vst v23  }
0x7ba: {  	v23 =	vld.idx.msk [tilespmem:v26+s29+$0x0], $0xffff  }
0x7bb: {  	v35 =	vld [tilespmem:s7+$0x3530]  }
0x7bc: {  	v44 =	vld [tilespmem:s7+$0x3590]  }
0x7bd: {  	[tilespmem:s1+$0xF590] =	vst v24;
	v24 =	vld [tilespmem:s1+$0x35B0]  }
0x7be: {  	v22 =	vld.idx.msk [tilespmem:v22+s29+$0x0], $0xffff  }
0x7bf: {  	v37 =	vld [tilespmem:s7+$0x3540];
	[tilespmem:s1+$0xF520] =	vst v23  }
0x7c0: {  	v23 =	vld.idx.msk [tilespmem:v27+s29+$0x0], $0xffff  }
0x7c1: {  	s12 =	simm.s32 $0x200;
	s13 =	simm.s32 $0x400;
	v45 =	vld [tilespmem:s7+$0x3550]  }
0x7c2: {  	s9 =	sand.u32 $0x3800, s13;
	s8 =	sand.u32 $0x300, s12;
	v39 =	vld [tilespmem:s7+$0x3570]  }
0x7c3: {  	s8 =	sor.u32 s8, s9;
	[tilespmem:s1+$0xF5A0] =	vst v22;
	v22 =	vld [tilespmem:s1+$0x35C0]  }
0x7c4: {  	v38 =	vld [tilespmem:s8+$0x3520]  }
0x7c5: {  	v24 =	vld.idx.msk [tilespmem:v24+s29+$0x0], $0xffff;
	[tilespmem:s1+$0xF530] =	vst v23  }
0x7c6: {  	v28 =	vld.idx.msk [tilespmem:v28+s29+$0x0], $0xffff  }
0x7c7: {  	v32 =	vld.idx.msk [tilespmem:v42+s29+$0x0], $0xffff  }
0x7c8: {  	v40 =	vld [tilespmem:s8+$0x3530]  }
0x7c9: {  	v25 =	vld [tilespmem:s1+$0x35D0]  }
0x7ca: {  	v42 =	vld [tilespmem:s7+$0x3560];
	[tilespmem:s1+$0xF5B0] =	vst v24  }
0x7cb: {  	v22 =	vld.idx.msk [tilespmem:v22+s29+$0x0], $0xffff;
	[tilespmem:s1+$0xF540] =	vst v28  }
0x7cc: {  	[tilespmem:s7+$0xF500] =	vst v32;
	v28 =	vld.idx.msk [tilespmem:v29+s29+$0x0], $0xffff  }
0x7cd: {  	v33 =	vld.idx.msk [tilespmem:v43+s29+$0x0], $0xffff  }
0x7ce: {  	v43 =	vld [tilespmem:s7+$0x35B0]  }
0x7cf: {  	v26 =	vld [tilespmem:s1+$0x3900]  }
0x7d0: {  	[tilespmem:s1+$0xF5C0] =	vst v22;
	v22 =	vld [tilespmem:s1+$0x35E0]  }
0x7d1: {  	v41 =	vld.idx.msk [tilespmem:v25+s29+$0x0], $0xffff;
	[tilespmem:s1+$0xF550] =	vst v28  }
0x7d2: {  	v28 =	vld.idx.msk [tilespmem:v30+s29+$0x0], $0xffff  }
0x7d3: {  	v30 =	vld [tilespmem:s7+$0x3580]  }
0x7d4: {  	v27 =	vld [tilespmem:s1+$0x3910]  }
0x7d5: {  	v23 =	vld [tilespmem:s1+$0x3920]  }
0x7d6: {  	v24 =	vld [tilespmem:s1+$0x3930]  }
0x7d7: {  	v29 =	vld [tilespmem:s1+$0x35F0]  }
0x7d8: {  	v25 =	vld [tilespmem:s1+$0x3938];
	[tilespmem:s1+$0xF5D0] =	vst v41  }
0x7d9: {  	v22 =	vld.idx.msk [tilespmem:v22+s29+$0x0], $0xffff  }
0x7da: {  	v41 =	vld [tilespmem:s8+$0x3590]  }
0x7db: {  	[tilespmem:s7+$0xF510] =	vst v33;
	v30 =	vld.idx.msk [tilespmem:v30+s29+$0x0], $0xffff  }
0x7dc: {  	[tilespmem:s1+$0xF560] =	vst v28;
	v28 =	vld.idx.msk [tilespmem:v34+s29+$0x0], $0xffff  }
0x7dd: {  	v34 =	vld [tilespmem:s7+$0x3900]  }
0x7de: {  	[tilespmem:s1+$0xF5E0] =	vst v22;
	v22 =	vld [tilespmem:s1+$0x3980]  }
0x7df: {  	v29 =	vld.idx.msk [tilespmem:v29+s29+$0x0], $0xffff  }
0x7e0: {  	[tilespmem:s7+$0xF580] =	vst v30;
	v30 =	vld [tilespmem:s7+$0x35A0]  }
0x7e1: {  	v31 =	vld.idx.msk [tilespmem:v31+s29+$0x0], $0xffff  }
0x7e2: {  	[tilespmem:s7+$0xF520] =	vst v28;
	v46 =	vld.idx.msk [tilespmem:v44+s29+$0x0], $0xffff  }
0x7e3: {  	v28 =	vld.idx.msk [tilespmem:v35+s29+$0x0], $0xffff  }
0x7e4: {  	[tilespmem:s1+$0xF5F0] =	vst v29;
	v29 =	vld [tilespmem:s1+$0x3990]  }
0x7e5: {  	v35 =	vld [tilespmem:s7+$0x3910]  }
0x7e6: {  	[tilespmem:s1+$0xF570] =	vst v31;
	v22 =	vld.idx.msk [tilespmem:v22+s29+$0x0], $0xffff  }
0x7e7: {  	v31 =	vld [tilespmem:s7+$0x3930];
	[tilespmem:s7+$0xF590] =	vst v46  }
0x7e8: {  	v30 =	vld.idx.msk [tilespmem:v30+s29+$0x0], $0xffff  }
0x7e9: {  	v26 =	vld.idx.msk [tilespmem:v26+s29+$0x0], $0xffff  }
0x7ea: {  	v44 =	vld [tilespmem:s7+$0x35D0]  }
0x7eb: {  	[tilespmem:s1+$0xF980] =	vst v22;
	v22 =	vld [tilespmem:s1+$0x39A0]  }
0x7ec: {  	[tilespmem:s7+$0xF530] =	vst v28;
	v29 =	vld.idx.msk [tilespmem:v29+s29+$0x0], $0xffff  }
0x7ed: {  	[tilespmem:s7+$0xF5A0] =	vst v30;
	v30 =	vld [tilespmem:s7+$0x35C0]  }
0x7ee: {  	v28 =	vld.idx.msk [tilespmem:v37+s29+$0x0], $0xffff  }
0x7ef: {  	v32 =	vld.idx.msk [tilespmem:v43+s29+$0x0], $0xffff  }
0x7f0: {  	v37 =	vld [tilespmem:s7+$0x3920];
	[tilespmem:s1+$0xF900] =	vst v26  }
0x7f1: {  	[tilespmem:s1+$0xF990] =	vst v29;
	v29 =	vld [tilespmem:s1+$0x39B0]  }
0x7f2: {  	v27 =	vld.idx.msk [tilespmem:v27+s29+$0x0], $0xffff  }
0x7f3: {  	v22 =	vld.idx.msk [tilespmem:v22+s29+$0x0], $0xffff  }
0x7f4: {  	v46 =	vld [tilespmem:s8+$0x3510];
	[tilespmem:s7+$0xF5B0] =	vst v32  }
0x7f5: {  	v30 =	vld.idx.msk [tilespmem:v30+s29+$0x0], $0xffff  }
0x7f6: {  	[tilespmem:s7+$0xF540] =	vst v28;
	v28 =	vld [tilespmem:s7+$0x35F0]  }
0x7f7: {  	v26 =	vld.idx.msk [tilespmem:v45+s29+$0x0], $0xffff  }
0x7f8: {  	v45 =	vld [tilespmem:s8+$0x3500];
	[tilespmem:s1+$0xF9A0] =	vst v22  }
0x7f9: {  	v29 =	vld.idx.msk [tilespmem:v29+s29+$0x0], $0xffff  }
0x7fa: {  	[tilespmem:s7+$0xF5C0] =	vst v30;
	v30 =	vld [tilespmem:s7+$0x35E0]  }
0x7fb: {  	v22 =	vld [tilespmem:s1+$0x39B8]  }
0x7fc: {  	v32 =	vld.idx.msk [tilespmem:v44+s29+$0x0], $0xffff  }
0x7fd: {  	v43 =	vld [tilespmem:s8+$0x3550];
	[tilespmem:s7+$0xF550] =	vst v26  }
0x7fe: {  	[tilespmem:s1+$0xF9B0] =	vst v29;
	v29 =	vld.idx.msk [tilespmem:v42+s29+$0x0], $0xffff  }
0x7ff: {  	v42 =	vld [tilespmem:s8+$0x3540]  }
0x800: {  	v44 =	vld [tilespmem:s8+$0x3570]  }
0x801: {  	[tilespmem:s7+$0xF5D0] =	vst v32;
	v32 =	vld.idx.msk [tilespmem:v45+s29+$0x0], $0xffff  }
0x802: {  	v26 =	vld.idx.msk [tilespmem:v30+s29+$0x0], $0xffff  }
0x803: {  	v30 =	vld [tilespmem:s8+$0x3580]  }
0x804: {  	v33 =	vld.idx.msk [tilespmem:v22+s29+$0x0], $0xffff  }
0x805: {  	v22 =	vld [tilespmem:s7+$0x3938]  }
0x806: {  	v45 =	vld [tilespmem:s8+$0x35B0];
	[tilespmem:s8+$0xF500] =	vst v32  }
0x807: {  	s10 =	simm.s32 $0x600;
	s14 =	simm.s32 $0x300;
	[tilespmem:s7+$0xF5E0] =	vst v26;
	v26 =	vld [tilespmem:s7+$0x3980]  }
0x808: {  	s10 =	sand.u32 $0x3800, s10;
	s9 =	sand.u32 $0x300, s14;
	v36 =	vld.idx.msk [tilespmem:v46+s29+$0x0], $0xffff  }
0x809: {  	s9 =	sor.u32 s9, s10;
	v28 =	vld.idx.msk [tilespmem:v28+s29+$0x0], $0xffff  }
0x80a: {  	[tilespmem:s1+$0xF9B8] =	vst v33;
	v33 =	vld [tilespmem:s9+$0x3938]  }
0x80b: {  	[tilespmem:s7+$0xF560] =	vst v29;
	v30 =	vld.idx.msk [tilespmem:v30+s29+$0x0], $0xffff  }
0x80c: {  	v46 =	vld.idx.msk [tilespmem:v39+s29+$0x0], $0xffff  }
0x80d: {  	[tilespmem:s8+$0xF510] =	vst v36;
	v36 =	vld [tilespmem:s9+$0x3520]  }
0x80e: {  	[tilespmem:s7+$0xF5F0] =	vst v28;
	v28 =	vld [tilespmem:s7+$0x3990]  }
0x80f: {  	v26 =	vld.idx.msk [tilespmem:v26+s29+$0x0], $0xffff  }
0x810: {  	[tilespmem:s8+$0xF580] =	vst v30;
	v30 =	vld [tilespmem:s8+$0x35A0]  }
0x811: {  	v29 =	vld.idx.msk [tilespmem:v38+s29+$0x0], $0xffff  }
0x812: {  	v32 =	vld.idx.msk [tilespmem:v41+s29+$0x0], $0xffff  }
0x813: {  	v38 =	vld [tilespmem:s8+$0x3900]  }
0x814: {  	[tilespmem:s7+$0xF980] =	vst v26;
	v26 =	vld [tilespmem:s7+$0x39A0]  }
0x815: {  	[tilespmem:s7+$0xF570] =	vst v46;
	v41 =	vld [tilespmem:s8+$0x3560]  }
0x816: {  	[tilespmem:s8+$0xF520] =	vst v29;
	v28 =	vld.idx.msk [tilespmem:v28+s29+$0x0], $0xffff  }
0x817: {  	v29 =	vld.idx.msk [tilespmem:v34+s29+$0x0], $0xffff;
	[tilespmem:s8+$0xF590] =	vst v32  }
0x818: {  	v30 =	vld.idx.msk [tilespmem:v30+s29+$0x0], $0xffff  }
0x819: {  	v34 =	vld [tilespmem:s8+$0x3910]  }
0x81a: {  	v32 =	vld [tilespmem:s9+$0x3510]  }
0x81b: {  	[tilespmem:s7+$0xF990] =	vst v28;
	v28 =	vld [tilespmem:s7+$0x39B0]  }
0x81c: {  	[tilespmem:s1+$0xF910] =	vst v27;
	v26 =	vld.idx.msk [tilespmem:v26+s29+$0x0], $0xffff  }
0x81d: {  	[tilespmem:s8+$0xF5A0] =	vst v30;
	v30 =	vld [tilespmem:s8+$0x35C0]  }
0x81e: {  	[tilespmem:s7+$0xF900] =	vst v29;
	v27 =	vld.idx.msk [tilespmem:v45+s29+$0x0], $0xffff  }
0x81f: {  	v29 =	vld.idx.msk [tilespmem:v35+s29+$0x0], $0xffff  }
0x820: {  	v45 =	vld.idx.msk [tilespmem:v23+s29+$0x0], $0xffff  }
0x821: {  	v23 =	vld.idx.msk [tilespmem:v40+s29+$0x0], $0xffff  }
0x822: {  	[tilespmem:s7+$0xF9A0] =	vst v26;
	v26 =	vld [tilespmem:s7+$0x39B8]  }
0x823: {  	[tilespmem:s8+$0xF5B0] =	vst v27;
	v27 =	vld [tilespmem:s8+$0x35D0]  }
0x824: {  	v28 =	vld.idx.msk [tilespmem:v28+s29+$0x0], $0xffff  }
0x825: {  	v30 =	vld.idx.msk [tilespmem:v30+s29+$0x0], $0xffff  }
0x826: {  	v35 =	vld [tilespmem:s8+$0x3920];
	[tilespmem:s8+$0xF530] =	vst v23  }
0x827: {  	v46 =	vld.idx.msk [tilespmem:v42+s29+$0x0], $0xffff  }
0x828: {  	[tilespmem:s7+$0xF910] =	vst v29;
	v29 =	vld [tilespmem:s9+$0x3580]  }
0x829: {  	v40 =	vld.idx.msk [tilespmem:v37+s29+$0x0], $0xffff;
	[tilespmem:s7+$0xF9B0] =	vst v28  }
0x82a: {  	[tilespmem:s8+$0xF5C0] =	vst v30;
	v30 =	vld [tilespmem:s8+$0x35E0]  }
0x82b: {  	v39 =	vld.idx.msk [tilespmem:v26+s29+$0x0], $0xffff  }
0x82c: {  	[tilespmem:s8+$0xF540] =	vst v46;
	v27 =	vld.idx.msk [tilespmem:v27+s29+$0x0], $0xffff  }
0x82d: {  	v26 =	vld.idx.msk [tilespmem:v43+s29+$0x0], $0xffff  }
0x82e: {  	v37 =	vld [tilespmem:s9+$0x3530]  }
0x82f: {  	v23 =	vld [tilespmem:s8+$0x3930]  }
0x830: {  	[tilespmem:s1+$0xF920] =	vst v45;
	v45 =	vld [tilespmem:s9+$0x3550]  }
0x831: {  	[tilespmem:s8+$0xF5D0] =	vst v27;
	v27 =	vld [tilespmem:s8+$0x35F0]  }
0x832: {  	[tilespmem:s8+$0xF550] =	vst v26;
	v26 =	vld.idx.msk [tilespmem:v30+s29+$0x0], $0xffff  }
0x833: {  	v30 =	vld [tilespmem:s9+$0x3500]  }
0x834: {  	v42 =	vld.idx.msk [tilespmem:v24+s29+$0x0], $0xffff  }
0x835: {  	v29 =	vld.idx.msk [tilespmem:v29+s29+$0x0], $0xffff  }
0x836: {  	v28 =	vld.idx.msk [tilespmem:v41+s29+$0x0], $0xffff  }
0x837: {  	[tilespmem:s8+$0xF5E0] =	vst v26;
	v26 =	vld [tilespmem:s8+$0x3980]  }
0x838: {  	v41 =	vld [tilespmem:s9+$0x3590]  }
0x839: {  	v27 =	vld.idx.msk [tilespmem:v27+s29+$0x0], $0xffff  }
0x83a: {  	v24 =	vld [tilespmem:s8+$0x3938]  }
0x83b: {  	v30 =	vld.idx.msk [tilespmem:v30+s29+$0x0], $0xffff  }
0x83c: {  	v46 =	vld [tilespmem:s8+$0x39A0]  }
0x83d: {  	[tilespmem:s9+$0xF580] =	vst v29;
	v29 =	vld [tilespmem:s9+$0x35A0]  }
0x83e: {  	[tilespmem:s8+$0xF5F0] =	vst v27;
	v27 =	vld [tilespmem:s8+$0x3990]  }
0x83f: {  	v26 =	vld.idx.msk [tilespmem:v26+s29+$0x0], $0xffff  }
0x840: {  	[tilespmem:s9+$0xF500] =	vst v30;
	v30 =	vld.idx.msk [tilespmem:v41+s29+$0x0], $0xffff  }
0x841: {  	v43 =	vld [tilespmem:s9+$0x3540]  }
0x842: {  	v41 =	vld.idx.msk [tilespmem:v32+s29+$0x0], $0xffff  }
0x843: {  	v32 =	vld [tilespmem:s9+$0x3560]  }
0x844: {  	[tilespmem:s8+$0xF980] =	vst v26;
	v26 =	vld [tilespmem:s9+$0x3570]  }
0x845: {  	[tilespmem:s9+$0xF590] =	vst v30;
	v30 =	vld [tilespmem:s9+$0x35B0]  }
0x846: {  	v27 =	vld.idx.msk [tilespmem:v27+s29+$0x0], $0xffff  }
0x847: {  	[tilespmem:s9+$0xF510] =	vst v41;
	v29 =	vld.idx.msk [tilespmem:v29+s29+$0x0], $0xffff  }
0x848: {  	[tilespmem:s8+$0xF560] =	vst v28;
	v28 =	vld.idx.msk [tilespmem:v36+s29+$0x0], $0xffff  }
0x849: {  	v36 =	vld.idx.msk [tilespmem:v44+s29+$0x0], $0xffff  }
0x84a: {  	v41 =	vld [tilespmem:s8+$0x39B0]  }
0x84b: {  	[tilespmem:s8+$0xF990] =	vst v27;
	v27 =	vld [tilespmem:s9+$0x3900]  }
0x84c: {  	[tilespmem:s9+$0xF5A0] =	vst v29;
	v29 =	vld [tilespmem:s9+$0x3910]  }
0x84d: {  	v44 =	vld.idx.msk [tilespmem:v46+s29+$0x0], $0xffff  }
0x84e: {  	v46 =	vld [tilespmem:s9+$0x35C0];
	[tilespmem:s8+$0xF570] =	vst v36  }
0x84f: {  	v36 =	vld.idx.msk [tilespmem:v38+s29+$0x0], $0xffff  }
0x850: {  	[tilespmem:s9+$0xF520] =	vst v28;
	v28 =	vld.idx.msk [tilespmem:v30+s29+$0x0], $0xffff  }
0x851: {  	v30 =	vld.idx.msk [tilespmem:v37+s29+$0x0], $0xffff  }
0x852: {  	v37 =	vld [tilespmem:s8+$0x39B8];
	[tilespmem:s8+$0xF9A0] =	vst v44  }
0x853: {  	v38 =	vld.idx.msk [tilespmem:v41+s29+$0x0], $0xffff  }
0x854: {  	v41 =	vld [tilespmem:s9+$0x35D0];
	[tilespmem:s8+$0xF900] =	vst v36  }
0x855: {  	[tilespmem:s9+$0xF5B0] =	vst v28;
	v34 =	vld.idx.msk [tilespmem:v34+s29+$0x0], $0xffff  }
0x856: {  	[tilespmem:s9+$0xF530] =	vst v30;
	v28 =	vld.idx.msk [tilespmem:v46+s29+$0x0], $0xffff  }
0x857: {  	v43 =	vld.idx.msk [tilespmem:v43+s29+$0x0], $0xffff  }
0x858: {  	[tilespmem:s7+$0xF920] =	vst v40;
	v30 =	vld [tilespmem:s9+$0x3920]  }
0x859: {  	v36 =	vld [tilespmem:s9+$0x35E0];
	[tilespmem:s8+$0xF9B0] =	vst v38  }
0x85a: {  	v38 =	vld.idx.msk [tilespmem:v37+s29+$0x0], $0xffff;
	[tilespmem:s8+$0xF910] =	vst v34  }
0x85b: {  	v34 =	vld.idx.msk [tilespmem:v31+s29+$0x0], $0xffff;
	[tilespmem:s9+$0xF5C0] =	vst v28  }
0x85c: {  	[tilespmem:s9+$0xF540] =	vst v43;
	v41 =	vld.idx.msk [tilespmem:v41+s29+$0x0], $0xffff  }
0x85d: {  	v37 =	vld.idx.msk [tilespmem:v45+s29+$0x0], $0xffff  }
0x85e: {  	[tilespmem:s1+$0xF930] =	vst v42;
	v35 =	vld.idx.msk [tilespmem:v35+s29+$0x0], $0xffff  }
0x85f: {  	[tilespmem:s7+$0xF9B8] =	vst v39;
	v31 =	vld.idx.msk [tilespmem:v25+s29+$0x0], $0xffff  }
0x860: {  	v28 =	vld [tilespmem:s9+$0x3930];
	[tilespmem:s8+$0xF9B8] =	vst v38  }
0x861: {  	s11 =	simm.s32 $0x400;
	s12 =	simm.s32 $0x800;
	s10 =	simm.s32 $0x6;
	v38 =	vld [tilespmem:s9+$0x35F0];
	[tilespmem:s9+$0xF5D0] =	vst v41  }
.LBB2_14:
0x862: {  	s13 =	sand.u32 $0x3800, s12;
	s14 =	sand.u32 $0x300, s11;
	s10 =	sadd.s32 $0x2, s10;
	[tilespmem:s9+$0xF550] =	vst v37;
	v36 =	vld.idx.msk [tilespmem:v36+s29+$0x0], $0xffff  }
0x863: {  	s13 =	sor.u32 s14, s13;
	p0 =	slt.u32 s10, $0x3E;
	v32 =	vld.idx.msk [tilespmem:v32+s29+$0x0], $0xffff;
	[tilespmem:s8+$0xF920] =	vst v35  }
0x864: {  	v35 =	vld [tilespmem:s13+$0x3580];
	[tilespmem:s7+$0xF930] =	vst v34;
	v25 =	vmov v33  }
0x865: {  	v33 =	vld [tilespmem:s13+$0x3500]  }
0x866: {  	v34 =	vld [tilespmem:s13+$0x3510];
	[tilespmem:s1+$0xF938] =	vst v31;
	s1 =	smov.u32 s7;
	s7 =	smov.u32 s8;
	s8 =	smov.u32 s9  }
0x867: {  	s9 =	smov.u32 s13;
	v31 =	vld [tilespmem:s13+$0x3520]  }
0x868: {  	[tilespmem:s8+$0xF5E0] =	vst v36;
	v36 =	vld [tilespmem:s8+$0x3980]  }
0x869: {  	[tilespmem:s8+$0xF560] =	vst v32;
	v32 =	vld.idx.msk [tilespmem:v38+s29+$0x0], $0xffff  }
0x86a: {  	v37 =	vld [tilespmem:s9+$0x3530]  }
0x86b: {  	v38 =	vld [tilespmem:s9+$0x3590]  }
0x86c: {  	v35 =	vld.idx.msk [tilespmem:v35+s29+$0x0], $0xffff  }
0x86d: {  	v33 =	vld.idx.msk [tilespmem:v33+s29+$0x0], $0xffff  }
0x86e: {  	v39 =	vld [tilespmem:s9+$0x3540]  }
0x86f: {  	[tilespmem:s8+$0xF5F0] =	vst v32;
	v40 =	vld [tilespmem:s8+$0x3990]  }
0x870: {  	v36 =	vld.idx.msk [tilespmem:v36+s29+$0x0], $0xffff  }
0x871: {  	v41 =	vld [tilespmem:s9+$0x3550]  }
0x872: {  	[tilespmem:s9+$0xF580] =	vst v35;
	v35 =	vld [tilespmem:s9+$0x35A0]  }
0x873: {  	[tilespmem:s9+$0xF500] =	vst v33;
	v33 =	vld.idx.msk [tilespmem:v38+s29+$0x0], $0xffff  }
0x874: {  	v34 =	vld.idx.msk [tilespmem:v34+s29+$0x0], $0xffff  }
0x875: {  	v32 =	vld [tilespmem:s9+$0x3560]  }
0x876: {  	[tilespmem:s8+$0xF980] =	vst v36;
	v36 =	vld [tilespmem:s8+$0x39A0]  }
0x877: {  	v38 =	vld.idx.msk [tilespmem:v40+s29+$0x0], $0xffff  }
0x878: {  	v40 =	vld [tilespmem:s9+$0x3570]  }
0x879: {  	[tilespmem:s9+$0xF590] =	vst v33;
	v33 =	vld [tilespmem:s9+$0x35B0]  }
0x87a: {  	[tilespmem:s9+$0xF510] =	vst v34;
	v34 =	vld.idx.msk [tilespmem:v35+s29+$0x0], $0xffff  }
0x87b: {  	v31 =	vld.idx.msk [tilespmem:v31+s29+$0x0], $0xffff  }
0x87c: {  	v35 =	vld.idx.msk [tilespmem:v26+s29+$0x0], $0xffff  }
0x87d: {  	[tilespmem:s8+$0xF990] =	vst v38;
	v38 =	vld [tilespmem:s8+$0x39B0];
	v26 =	vmov v40  }
0x87e: {  	v36 =	vld.idx.msk [tilespmem:v36+s29+$0x0], $0xffff  }
0x87f: {  	v40 =	vld [tilespmem:s9+$0x3900]  }
0x880: {  	[tilespmem:s9+$0xF5A0] =	vst v34;
	v34 =	vld [tilespmem:s9+$0x35C0]  }
0x881: {  	[tilespmem:s9+$0xF520] =	vst v31;
	v31 =	vld.idx.msk [tilespmem:v33+s29+$0x0], $0xffff  }
0x882: {  	v33 =	vld.idx.msk [tilespmem:v37+s29+$0x0], $0xffff;
	[tilespmem:s8+$0xF570] =	vst v35  }
0x883: {  	v35 =	vld.idx.msk [tilespmem:v27+s29+$0x0], $0xffff  }
0x884: {  	[tilespmem:s8+$0xF9A0] =	vst v36;
	v36 =	vld [tilespmem:s8+$0x39B8];
	v27 =	vmov v40  }
0x885: {  	v37 =	vld.idx.msk [tilespmem:v38+s29+$0x0], $0xffff  }
0x886: {  	v38 =	vld [tilespmem:s9+$0x3910]  }
0x887: {  	[tilespmem:s9+$0xF5B0] =	vst v31;
	v31 =	vld [tilespmem:s9+$0x35D0]  }
0x888: {  	[tilespmem:s9+$0xF530] =	vst v33;
	v33 =	vld.idx.msk [tilespmem:v34+s29+$0x0], $0xffff  }
0x889: {  	v34 =	vld.idx.msk [tilespmem:v39+s29+$0x0], $0xffff;
	[tilespmem:s8+$0xF900] =	vst v35  }
0x88a: {  	v35 =	vld.idx.msk [tilespmem:v29+s29+$0x0], $0xffff  }
0x88b: {  	v39 =	vld [tilespmem:s9+$0x3920];
	[tilespmem:s8+$0xF9B0] =	vst v37;
	v29 =	vmov v38  }
0x88c: {  	v38 =	vld.idx.msk [tilespmem:v36+s29+$0x0], $0xffff  }
0x88d: {  	v40 =	vld [tilespmem:s9+$0x3930]  }
0x88e: {  	[tilespmem:s9+$0xF5C0] =	vst v33;
	v36 =	vld [tilespmem:s9+$0x35E0]  }
0x88f: {  	[tilespmem:s9+$0xF540] =	vst v34;
	v42 =	vld.idx.msk [tilespmem:v31+s29+$0x0], $0xffff  }
0x890: {  	v37 =	vld.idx.msk [tilespmem:v41+s29+$0x0], $0xffff;
	[tilespmem:s8+$0xF910] =	vst v35  }
.Ltmp6:
0x891: {  	v35 =	vld.idx.msk [tilespmem:v30+s29+$0x0], $0xffff;
	v30 =	vmov v39;
	(pc) =	sbr.rel @p0 .LBB2_14-.Ltmp6, $4  }
0x892: {  	[tilespmem:s8+$0xF9B8] =	vst v38;
	v34 =	vld.idx.msk [tilespmem:v23+s29+$0x0], $0xffff;
	v23 =	vmov v28;
	v28 =	vmov v40  }
0x893: {  	v33 =	vld [tilespmem:s9+$0x3938]  }
0x894: {  	v31 =	vld.idx.msk [tilespmem:v22+s29+$0x0], $0xffff;
	v22 =	vmov v24;
	v24 =	vmov v25  }
0x895: {  	s11 =	sadd.s32 $0x100, s11;
	s12 =	sadd.s32 $0x200, s12;
	[tilespmem:s9+$0xF5D0] =	vst v42;
	v38 =	vld [tilespmem:s9+$0x35F0]  }
0x896: {  	_ =	sdelay $0x3  }
0x897: {  	v25 =	vld.idx.msk [tilespmem:v36+s29+$0x0], $0xffff;
	_ =	sdelay $0x3  }
0x898: {  	[tilespmem:s9+$0xF550] =	vst v37  }
0x899: {  	[tilespmem:s9+$0xF5E0] =	vst v25;
	v25 =	vld [tilespmem:s9+$0x3980]  }
0x89a: {  	v32 =	vld.idx.msk [tilespmem:v32+s29+$0x0], $0xffff  }
0x89b: {  	v45 =	vld.idx.msk [tilespmem:v38+s29+$0x0], $0xffff;
	_ =	sdelay $0x3  }
0x89c: {  	v46 =	vld [tilespmem:s9+$0x3990];
	[tilespmem:s9+$0xF560] =	vst v32  }
0x89d: {  	v26 =	vld.idx.msk [tilespmem:v26+s29+$0x0], $0xffff;
	[tilespmem:s9+$0xF5F0] =	vst v45  }
0x89e: {  	v25 =	vld.idx.msk [tilespmem:v25+s29+$0x0], $0xffff;
	_ =	sdelay $0x3  }
0x89f: {  	[tilespmem:s9+$0xF570] =	vst v26  }
0x8a0: {  	[tilespmem:s9+$0xF980] =	vst v25;
	v25 =	vld [tilespmem:s9+$0x39A0]  }
0x8a1: {  	v26 =	vld.idx.msk [tilespmem:v27+s29+$0x0], $0xffff  }
0x8a2: {  	v40 =	vld.idx.msk [tilespmem:v46+s29+$0x0], $0xffff;
	_ =	sdelay $0x3  }
0x8a3: {  	[tilespmem:s9+$0xF900] =	vst v26  }
0x8a4: {  	v26 =	vld.idx.msk [tilespmem:v29+s29+$0x0], $0xffff;
	[tilespmem:s9+$0xF990] =	vst v40  }
0x8a5: {  	v25 =	vld.idx.msk [tilespmem:v25+s29+$0x0], $0xffff;
	_ =	sdelay $0x1  }
0x8a6: {  	v27 =	vld [tilespmem:s9+$0x39B0];
	_ =	sdelay $0x1  }
0x8a7: {  	[tilespmem:s9+$0xF910] =	vst v26  }
0x8a8: {  	[tilespmem:s9+$0xF9A0] =	vst v25;
	v25 =	vld.idx.msk [tilespmem:v30+s29+$0x0], $0xffff;
	_ =	sdelay $0x2  }
0x8a9: {  	[tilespmem:s8+$0xF920] =	vst v35;
	v26 =	vld [tilespmem:s9+$0x39B8]  }
0x8aa: {  	v23 =	vld.idx.msk [tilespmem:v23+s29+$0x0], $0xffff  }
0x8ab: {  	v27 =	vld.idx.msk [tilespmem:v27+s29+$0x0], $0xffff;
	[tilespmem:s9+$0xF920] =	vst v25  }
0x8ac: {  	v25 =	vld.idx.msk [tilespmem:v28+s29+$0x0], $0xffff;
	_ =	sdelay $0x1  }
0x8ad: {  	[tilespmem:s7+$0xF930] =	vst v34  }
0x8ae: {  	v22 =	vld.idx.msk [tilespmem:v22+s29+$0x0], $0xffff;
	[tilespmem:s8+$0xF930] =	vst v23  }
0x8af: {  	v23 =	vld.idx.msk [tilespmem:v24+s29+$0x0], $0xffff;
	[tilespmem:s9+$0xF9B0] =	vst v27  }
0x8b0: {  	v26 =	vld.idx.msk [tilespmem:v26+s29+$0x0], $0xffff;
	[tilespmem:s9+$0xF930] =	vst v25  }
0x8b1: {  	v24 =	vld.idx.msk [tilespmem:v33+s29+$0x0], $0xffff  }
0x8b2: {  	[tilespmem:s1+$0xF938] =	vst v31  }
0x8b3: {  	[tilespmem:s7+$0xF938] =	vst v22  }
0x8b4: {  	[tilespmem:s8+$0xF938] =	vst v23  }
0x8b5: {  	[tilespmem:s9+$0xF9B8] =	vst v26  }
0x8b6: {  	s8 =	simm.s32 $0x0;
	[tilespmem:s9+$0xF938] =	vst v24  }
0x8b7: {  	[hbm4b:s19+s8] =	stream.linear.scatter [tilespmem:s30], [sflag:$0x4], $0x4000, $0x38;
	[tilespmem:$0x1B500] =	vst v63  }
0x8b8: {  	_ =	swait.ge [sflag:s31], $0x4000  }
0x8b9: {  	[sflag:s31] =	ssyncset.done $0x0  }
0x8ba: {  	[sflag:s31] =	ssyncadd.s32 $0xFFFFC000  }
0x8bb: {  	_ =	swait.ge [sflag:s26], $0x4000  }
0x8bc: {  	s1 =	sand.u32 $0x300, s8;
	s9 =	sand.u32 $0x3800, s8;
	[sflag:s26] =	ssyncset.done $0x0  }
0x8bd: {  	s1 =	sor.u32 s1, s9;
	[sflag:s26] =	ssyncadd.s32 $0xFFFFC000  }
0x8be: {  	v23 =	vld [tilespmem:s1+$0x7500];
	_ =	sdelay $0x2  }
0x8bf: {  	v22 =	vld [tilespmem:s1+$0x7580]  }
0x8c0: {  	v24 =	vld [tilespmem:s1+$0x7590]  }
0x8c1: {  	v25 =	vld [tilespmem:s1+$0x7510]  }
0x8c2: {  	v26 =	vld [tilespmem:s1+$0x7520]  }
0x8c3: {  	v27 =	vld [tilespmem:s1+$0x7530]  }
0x8c4: {  	v23 =	vld.idx.msk [tilespmem:v23+s29+$0x0], $0xffff  }
0x8c5: {  	v28 =	vld [tilespmem:s1+$0x7540]  }
0x8c6: {  	v29 =	vld [tilespmem:s1+$0x7550]  }
0x8c7: {  	v22 =	vld.idx.msk [tilespmem:v22+s29+$0x0], $0xffff  }
0x8c8: {  	s10 =	simm.s32 $0x100;
	s11 =	simm.s32 $0x200;
	v30 =	vld [tilespmem:s1+$0x7560]  }
0x8c9: {  	s7 =	sand.u32 $0x300, s10;
	s8 =	sand.u32 $0x3800, s11;
	v31 =	vld [tilespmem:s1+$0x7570];
	[tilespmem:s1+$0x13500] =	vst v23  }
0x8ca: {  	s7 =	sor.u32 s7, s8;
	v23 =	vld.idx.msk [tilespmem:v25+s29+$0x0], $0xffff  }
0x8cb: {  	v42 =	vld [tilespmem:s7+$0x7500]  }
0x8cc: {  	[tilespmem:s1+$0x13580] =	vst v22;
	v22 =	vld [tilespmem:s1+$0x75A0]  }
0x8cd: {  	v43 =	vld [tilespmem:s7+$0x7510]  }
0x8ce: {  	v24 =	vld.idx.msk [tilespmem:v24+s29+$0x0], $0xffff  }
0x8cf: {  	v34 =	vld [tilespmem:s7+$0x7520];
	[tilespmem:s1+$0x13510] =	vst v23  }
0x8d0: {  	v23 =	vld.idx.msk [tilespmem:v26+s29+$0x0], $0xffff  }
0x8d1: {  	v35 =	vld [tilespmem:s7+$0x7530]  }
0x8d2: {  	v44 =	vld [tilespmem:s7+$0x7590]  }
0x8d3: {  	[tilespmem:s1+$0x13590] =	vst v24;
	v24 =	vld [tilespmem:s1+$0x75B0]  }
0x8d4: {  	v22 =	vld.idx.msk [tilespmem:v22+s29+$0x0], $0xffff  }
0x8d5: {  	v37 =	vld [tilespmem:s7+$0x7540];
	[tilespmem:s1+$0x13520] =	vst v23  }
0x8d6: {  	v23 =	vld.idx.msk [tilespmem:v27+s29+$0x0], $0xffff  }
0x8d7: {  	s12 =	simm.s32 $0x200;
	s13 =	simm.s32 $0x400;
	v45 =	vld [tilespmem:s7+$0x7550]  }
0x8d8: {  	s9 =	sand.u32 $0x3800, s13;
	s8 =	sand.u32 $0x300, s12;
	v39 =	vld [tilespmem:s7+$0x7570]  }
0x8d9: {  	s8 =	sor.u32 s8, s9;
	[tilespmem:s1+$0x135A0] =	vst v22;
	v22 =	vld [tilespmem:s1+$0x75C0]  }
0x8da: {  	v38 =	vld [tilespmem:s8+$0x7520]  }
0x8db: {  	v24 =	vld.idx.msk [tilespmem:v24+s29+$0x0], $0xffff;
	[tilespmem:s1+$0x13530] =	vst v23  }
0x8dc: {  	v28 =	vld.idx.msk [tilespmem:v28+s29+$0x0], $0xffff  }
0x8dd: {  	v32 =	vld.idx.msk [tilespmem:v42+s29+$0x0], $0xffff  }
0x8de: {  	v40 =	vld [tilespmem:s8+$0x7530]  }
0x8df: {  	v25 =	vld [tilespmem:s1+$0x75D0]  }
0x8e0: {  	v42 =	vld [tilespmem:s7+$0x7560];
	[tilespmem:s1+$0x135B0] =	vst v24  }
0x8e1: {  	v22 =	vld.idx.msk [tilespmem:v22+s29+$0x0], $0xffff;
	[tilespmem:s1+$0x13540] =	vst v28  }
0x8e2: {  	[tilespmem:s7+$0x13500] =	vst v32;
	v28 =	vld.idx.msk [tilespmem:v29+s29+$0x0], $0xffff  }
0x8e3: {  	v33 =	vld.idx.msk [tilespmem:v43+s29+$0x0], $0xffff  }
0x8e4: {  	v43 =	vld [tilespmem:s7+$0x75B0]  }
0x8e5: {  	v26 =	vld [tilespmem:s1+$0x7900]  }
0x8e6: {  	[tilespmem:s1+$0x135C0] =	vst v22;
	v22 =	vld [tilespmem:s1+$0x75E0]  }
0x8e7: {  	v41 =	vld.idx.msk [tilespmem:v25+s29+$0x0], $0xffff;
	[tilespmem:s1+$0x13550] =	vst v28  }
0x8e8: {  	v28 =	vld.idx.msk [tilespmem:v30+s29+$0x0], $0xffff  }
0x8e9: {  	v30 =	vld [tilespmem:s7+$0x7580]  }
0x8ea: {  	v27 =	vld [tilespmem:s1+$0x7910]  }
0x8eb: {  	v23 =	vld [tilespmem:s1+$0x7920]  }
0x8ec: {  	v24 =	vld [tilespmem:s1+$0x7930]  }
0x8ed: {  	v29 =	vld [tilespmem:s1+$0x75F0]  }
0x8ee: {  	v25 =	vld [tilespmem:s1+$0x7938];
	[tilespmem:s1+$0x135D0] =	vst v41  }
0x8ef: {  	v22 =	vld.idx.msk [tilespmem:v22+s29+$0x0], $0xffff  }
0x8f0: {  	v41 =	vld [tilespmem:s8+$0x7590]  }
0x8f1: {  	[tilespmem:s7+$0x13510] =	vst v33;
	v30 =	vld.idx.msk [tilespmem:v30+s29+$0x0], $0xffff  }
0x8f2: {  	[tilespmem:s1+$0x13560] =	vst v28;
	v28 =	vld.idx.msk [tilespmem:v34+s29+$0x0], $0xffff  }
0x8f3: {  	v34 =	vld [tilespmem:s7+$0x7900]  }
0x8f4: {  	[tilespmem:s1+$0x135E0] =	vst v22;
	v22 =	vld [tilespmem:s1+$0x7980]  }
0x8f5: {  	v29 =	vld.idx.msk [tilespmem:v29+s29+$0x0], $0xffff  }
0x8f6: {  	[tilespmem:s7+$0x13580] =	vst v30;
	v30 =	vld [tilespmem:s7+$0x75A0]  }
0x8f7: {  	v31 =	vld.idx.msk [tilespmem:v31+s29+$0x0], $0xffff  }
0x8f8: {  	[tilespmem:s7+$0x13520] =	vst v28;
	v46 =	vld.idx.msk [tilespmem:v44+s29+$0x0], $0xffff  }
0x8f9: {  	v28 =	vld.idx.msk [tilespmem:v35+s29+$0x0], $0xffff  }
0x8fa: {  	[tilespmem:s1+$0x135F0] =	vst v29;
	v29 =	vld [tilespmem:s1+$0x7990]  }
0x8fb: {  	v35 =	vld [tilespmem:s7+$0x7910]  }
0x8fc: {  	[tilespmem:s1+$0x13570] =	vst v31;
	v22 =	vld.idx.msk [tilespmem:v22+s29+$0x0], $0xffff  }
0x8fd: {  	v31 =	vld [tilespmem:s7+$0x7930];
	[tilespmem:s7+$0x13590] =	vst v46  }
0x8fe: {  	v30 =	vld.idx.msk [tilespmem:v30+s29+$0x0], $0xffff  }
0x8ff: {  	v26 =	vld.idx.msk [tilespmem:v26+s29+$0x0], $0xffff  }
0x900: {  	v44 =	vld [tilespmem:s7+$0x75D0]  }
0x901: {  	[tilespmem:s1+$0x13980] =	vst v22;
	v22 =	vld [tilespmem:s1+$0x79A0]  }
0x902: {  	[tilespmem:s7+$0x13530] =	vst v28;
	v29 =	vld.idx.msk [tilespmem:v29+s29+$0x0], $0xffff  }
0x903: {  	[tilespmem:s7+$0x135A0] =	vst v30;
	v30 =	vld [tilespmem:s7+$0x75C0]  }
0x904: {  	v28 =	vld.idx.msk [tilespmem:v37+s29+$0x0], $0xffff  }
0x905: {  	v32 =	vld.idx.msk [tilespmem:v43+s29+$0x0], $0xffff  }
0x906: {  	v37 =	vld [tilespmem:s7+$0x7920];
	[tilespmem:s1+$0x13900] =	vst v26  }
0x907: {  	[tilespmem:s1+$0x13990] =	vst v29;
	v29 =	vld [tilespmem:s1+$0x79B0]  }
0x908: {  	v27 =	vld.idx.msk [tilespmem:v27+s29+$0x0], $0xffff  }
0x909: {  	v22 =	vld.idx.msk [tilespmem:v22+s29+$0x0], $0xffff  }
0x90a: {  	v46 =	vld [tilespmem:s8+$0x7510];
	[tilespmem:s7+$0x135B0] =	vst v32  }
0x90b: {  	v30 =	vld.idx.msk [tilespmem:v30+s29+$0x0], $0xffff  }
0x90c: {  	[tilespmem:s7+$0x13540] =	vst v28;
	v28 =	vld [tilespmem:s7+$0x75F0]  }
0x90d: {  	v26 =	vld.idx.msk [tilespmem:v45+s29+$0x0], $0xffff  }
0x90e: {  	v45 =	vld [tilespmem:s8+$0x7500];
	[tilespmem:s1+$0x139A0] =	vst v22  }
0x90f: {  	v29 =	vld.idx.msk [tilespmem:v29+s29+$0x0], $0xffff  }
0x910: {  	[tilespmem:s7+$0x135C0] =	vst v30;
	v30 =	vld [tilespmem:s7+$0x75E0]  }
0x911: {  	v22 =	vld [tilespmem:s1+$0x79B8]  }
0x912: {  	v32 =	vld.idx.msk [tilespmem:v44+s29+$0x0], $0xffff  }
0x913: {  	v43 =	vld [tilespmem:s8+$0x7550];
	[tilespmem:s7+$0x13550] =	vst v26  }
0x914: {  	[tilespmem:s1+$0x139B0] =	vst v29;
	v29 =	vld.idx.msk [tilespmem:v42+s29+$0x0], $0xffff  }
0x915: {  	v42 =	vld [tilespmem:s8+$0x7540]  }
0x916: {  	v44 =	vld [tilespmem:s8+$0x7570]  }
0x917: {  	[tilespmem:s7+$0x135D0] =	vst v32;
	v32 =	vld.idx.msk [tilespmem:v45+s29+$0x0], $0xffff  }
0x918: {  	v26 =	vld.idx.msk [tilespmem:v30+s29+$0x0], $0xffff  }
0x919: {  	v30 =	vld [tilespmem:s8+$0x7580]  }
0x91a: {  	v33 =	vld.idx.msk [tilespmem:v22+s29+$0x0], $0xffff  }
0x91b: {  	v22 =	vld [tilespmem:s7+$0x7938]  }
0x91c: {  	v45 =	vld [tilespmem:s8+$0x75B0];
	[tilespmem:s8+$0x13500] =	vst v32  }
0x91d: {  	s14 =	simm.s32 $0x300;
	s10 =	simm.s32 $0x600;
	[tilespmem:s7+$0x135E0] =	vst v26;
	v26 =	vld [tilespmem:s7+$0x7980]  }
0x91e: {  	s10 =	sand.u32 $0x3800, s10;
	s9 =	sand.u32 $0x300, s14;
	v36 =	vld.idx.msk [tilespmem:v46+s29+$0x0], $0xffff  }
0x91f: {  	s9 =	sor.u32 s9, s10;
	v28 =	vld.idx.msk [tilespmem:v28+s29+$0x0], $0xffff  }
0x920: {  	[tilespmem:s1+$0x139B8] =	vst v33;
	v33 =	vld [tilespmem:s9+$0x7938]  }
0x921: {  	[tilespmem:s7+$0x13560] =	vst v29;
	v30 =	vld.idx.msk [tilespmem:v30+s29+$0x0], $0xffff  }
0x922: {  	v46 =	vld.idx.msk [tilespmem:v39+s29+$0x0], $0xffff  }
0x923: {  	[tilespmem:s8+$0x13510] =	vst v36;
	v36 =	vld [tilespmem:s9+$0x7520]  }
0x924: {  	[tilespmem:s7+$0x135F0] =	vst v28;
	v28 =	vld [tilespmem:s7+$0x7990]  }
0x925: {  	v26 =	vld.idx.msk [tilespmem:v26+s29+$0x0], $0xffff  }
0x926: {  	[tilespmem:s8+$0x13580] =	vst v30;
	v30 =	vld [tilespmem:s8+$0x75A0]  }
0x927: {  	v29 =	vld.idx.msk [tilespmem:v38+s29+$0x0], $0xffff  }
0x928: {  	v32 =	vld.idx.msk [tilespmem:v41+s29+$0x0], $0xffff  }
0x929: {  	v38 =	vld [tilespmem:s8+$0x7900]  }
0x92a: {  	[tilespmem:s7+$0x13980] =	vst v26;
	v26 =	vld [tilespmem:s7+$0x79A0]  }
0x92b: {  	[tilespmem:s7+$0x13570] =	vst v46;
	v41 =	vld [tilespmem:s8+$0x7560]  }
0x92c: {  	[tilespmem:s8+$0x13520] =	vst v29;
	v28 =	vld.idx.msk [tilespmem:v28+s29+$0x0], $0xffff  }
0x92d: {  	v29 =	vld.idx.msk [tilespmem:v34+s29+$0x0], $0xffff;
	[tilespmem:s8+$0x13590] =	vst v32  }
0x92e: {  	v30 =	vld.idx.msk [tilespmem:v30+s29+$0x0], $0xffff  }
0x92f: {  	v34 =	vld [tilespmem:s8+$0x7910]  }
0x930: {  	v32 =	vld [tilespmem:s9+$0x7510]  }
0x931: {  	[tilespmem:s7+$0x13990] =	vst v28;
	v28 =	vld [tilespmem:s7+$0x79B0]  }
0x932: {  	[tilespmem:s1+$0x13910] =	vst v27;
	v26 =	vld.idx.msk [tilespmem:v26+s29+$0x0], $0xffff  }
0x933: {  	[tilespmem:s8+$0x135A0] =	vst v30;
	v30 =	vld [tilespmem:s8+$0x75C0]  }
0x934: {  	[tilespmem:s7+$0x13900] =	vst v29;
	v27 =	vld.idx.msk [tilespmem:v45+s29+$0x0], $0xffff  }
0x935: {  	v29 =	vld.idx.msk [tilespmem:v35+s29+$0x0], $0xffff  }
0x936: {  	v45 =	vld.idx.msk [tilespmem:v23+s29+$0x0], $0xffff  }
0x937: {  	v23 =	vld.idx.msk [tilespmem:v40+s29+$0x0], $0xffff  }
0x938: {  	[tilespmem:s7+$0x139A0] =	vst v26;
	v26 =	vld [tilespmem:s7+$0x79B8]  }
0x939: {  	[tilespmem:s8+$0x135B0] =	vst v27;
	v27 =	vld [tilespmem:s8+$0x75D0]  }
0x93a: {  	v28 =	vld.idx.msk [tilespmem:v28+s29+$0x0], $0xffff  }
0x93b: {  	v30 =	vld.idx.msk [tilespmem:v30+s29+$0x0], $0xffff  }
0x93c: {  	v35 =	vld [tilespmem:s8+$0x7920];
	[tilespmem:s8+$0x13530] =	vst v23  }
0x93d: {  	v46 =	vld.idx.msk [tilespmem:v42+s29+$0x0], $0xffff  }
0x93e: {  	[tilespmem:s7+$0x13910] =	vst v29;
	v29 =	vld [tilespmem:s9+$0x7580]  }
0x93f: {  	v40 =	vld.idx.msk [tilespmem:v37+s29+$0x0], $0xffff;
	[tilespmem:s7+$0x139B0] =	vst v28  }
0x940: {  	[tilespmem:s8+$0x135C0] =	vst v30;
	v30 =	vld [tilespmem:s8+$0x75E0]  }
0x941: {  	v39 =	vld.idx.msk [tilespmem:v26+s29+$0x0], $0xffff  }
0x942: {  	[tilespmem:s8+$0x13540] =	vst v46;
	v27 =	vld.idx.msk [tilespmem:v27+s29+$0x0], $0xffff  }
0x943: {  	v26 =	vld.idx.msk [tilespmem:v43+s29+$0x0], $0xffff  }
0x944: {  	v37 =	vld [tilespmem:s9+$0x7530]  }
0x945: {  	v23 =	vld [tilespmem:s8+$0x7930]  }
0x946: {  	[tilespmem:s1+$0x13920] =	vst v45;
	v45 =	vld [tilespmem:s9+$0x7550]  }
0x947: {  	[tilespmem:s8+$0x135D0] =	vst v27;
	v27 =	vld [tilespmem:s8+$0x75F0]  }
0x948: {  	[tilespmem:s8+$0x13550] =	vst v26;
	v26 =	vld.idx.msk [tilespmem:v30+s29+$0x0], $0xffff  }
0x949: {  	v30 =	vld [tilespmem:s9+$0x7500]  }
0x94a: {  	v42 =	vld.idx.msk [tilespmem:v24+s29+$0x0], $0xffff  }
0x94b: {  	v29 =	vld.idx.msk [tilespmem:v29+s29+$0x0], $0xffff  }
0x94c: {  	v28 =	vld.idx.msk [tilespmem:v41+s29+$0x0], $0xffff  }
0x94d: {  	[tilespmem:s8+$0x135E0] =	vst v26;
	v26 =	vld [tilespmem:s8+$0x7980]  }
0x94e: {  	v41 =	vld [tilespmem:s9+$0x7590]  }
0x94f: {  	v27 =	vld.idx.msk [tilespmem:v27+s29+$0x0], $0xffff  }
0x950: {  	v24 =	vld [tilespmem:s8+$0x7938]  }
0x951: {  	v30 =	vld.idx.msk [tilespmem:v30+s29+$0x0], $0xffff  }
0x952: {  	v46 =	vld [tilespmem:s8+$0x79A0]  }
0x953: {  	[tilespmem:s9+$0x13580] =	vst v29;
	v29 =	vld [tilespmem:s9+$0x75A0]  }
0x954: {  	[tilespmem:s8+$0x135F0] =	vst v27;
	v27 =	vld [tilespmem:s8+$0x7990]  }
0x955: {  	v26 =	vld.idx.msk [tilespmem:v26+s29+$0x0], $0xffff  }
0x956: {  	[tilespmem:s9+$0x13500] =	vst v30;
	v30 =	vld.idx.msk [tilespmem:v41+s29+$0x0], $0xffff  }
0x957: {  	v43 =	vld [tilespmem:s9+$0x7540]  }
0x958: {  	v41 =	vld.idx.msk [tilespmem:v32+s29+$0x0], $0xffff  }
0x959: {  	v32 =	vld [tilespmem:s9+$0x7560]  }
0x95a: {  	[tilespmem:s8+$0x13980] =	vst v26;
	v26 =	vld [tilespmem:s9+$0x7570]  }
0x95b: {  	[tilespmem:s9+$0x13590] =	vst v30;
	v30 =	vld [tilespmem:s9+$0x75B0]  }
0x95c: {  	v27 =	vld.idx.msk [tilespmem:v27+s29+$0x0], $0xffff  }
0x95d: {  	[tilespmem:s9+$0x13510] =	vst v41;
	v29 =	vld.idx.msk [tilespmem:v29+s29+$0x0], $0xffff  }
0x95e: {  	[tilespmem:s8+$0x13560] =	vst v28;
	v28 =	vld.idx.msk [tilespmem:v36+s29+$0x0], $0xffff  }
0x95f: {  	v36 =	vld.idx.msk [tilespmem:v44+s29+$0x0], $0xffff  }
0x960: {  	v41 =	vld [tilespmem:s8+$0x79B0]  }
0x961: {  	[tilespmem:s8+$0x13990] =	vst v27;
	v27 =	vld [tilespmem:s9+$0x7900]  }
0x962: {  	[tilespmem:s9+$0x135A0] =	vst v29;
	v29 =	vld [tilespmem:s9+$0x7910]  }
0x963: {  	v44 =	vld.idx.msk [tilespmem:v46+s29+$0x0], $0xffff  }
0x964: {  	v46 =	vld [tilespmem:s9+$0x75C0];
	[tilespmem:s8+$0x13570] =	vst v36  }
0x965: {  	v36 =	vld.idx.msk [tilespmem:v38+s29+$0x0], $0xffff  }
0x966: {  	[tilespmem:s9+$0x13520] =	vst v28;
	v28 =	vld.idx.msk [tilespmem:v30+s29+$0x0], $0xffff  }
0x967: {  	v30 =	vld.idx.msk [tilespmem:v37+s29+$0x0], $0xffff  }
0x968: {  	v37 =	vld [tilespmem:s8+$0x79B8];
	[tilespmem:s8+$0x139A0] =	vst v44  }
0x969: {  	v38 =	vld.idx.msk [tilespmem:v41+s29+$0x0], $0xffff  }
0x96a: {  	v41 =	vld [tilespmem:s9+$0x75D0];
	[tilespmem:s8+$0x13900] =	vst v36  }
0x96b: {  	[tilespmem:s9+$0x135B0] =	vst v28;
	v34 =	vld.idx.msk [tilespmem:v34+s29+$0x0], $0xffff  }
0x96c: {  	[tilespmem:s9+$0x13530] =	vst v30;
	v28 =	vld.idx.msk [tilespmem:v46+s29+$0x0], $0xffff  }
0x96d: {  	v43 =	vld.idx.msk [tilespmem:v43+s29+$0x0], $0xffff  }
0x96e: {  	[tilespmem:s7+$0x13920] =	vst v40;
	v30 =	vld [tilespmem:s9+$0x7920]  }
0x96f: {  	v36 =	vld [tilespmem:s9+$0x75E0];
	[tilespmem:s8+$0x139B0] =	vst v38  }
0x970: {  	v38 =	vld.idx.msk [tilespmem:v37+s29+$0x0], $0xffff;
	[tilespmem:s8+$0x13910] =	vst v34  }
0x971: {  	v34 =	vld.idx.msk [tilespmem:v31+s29+$0x0], $0xffff;
	[tilespmem:s9+$0x135C0] =	vst v28  }
0x972: {  	[tilespmem:s9+$0x13540] =	vst v43;
	v41 =	vld.idx.msk [tilespmem:v41+s29+$0x0], $0xffff  }
0x973: {  	v37 =	vld.idx.msk [tilespmem:v45+s29+$0x0], $0xffff  }
0x974: {  	[tilespmem:s1+$0x13930] =	vst v42;
	v35 =	vld.idx.msk [tilespmem:v35+s29+$0x0], $0xffff  }
0x975: {  	[tilespmem:s7+$0x139B8] =	vst v39;
	v31 =	vld.idx.msk [tilespmem:v25+s29+$0x0], $0xffff  }
0x976: {  	v28 =	vld [tilespmem:s9+$0x7930];
	[tilespmem:s8+$0x139B8] =	vst v38  }
0x977: {  	s11 =	simm.s32 $0x400;
	s12 =	simm.s32 $0x800;
	s10 =	simm.s32 $0x6;
	v38 =	vld [tilespmem:s9+$0x75F0];
	[tilespmem:s9+$0x135D0] =	vst v41  }
.LBB2_16:
0x978: {  	s13 =	sand.u32 $0x3800, s12;
	s14 =	sand.u32 $0x300, s11;
	s10 =	sadd.s32 $0x2, s10;
	[tilespmem:s9+$0x13550] =	vst v37;
	v36 =	vld.idx.msk [tilespmem:v36+s29+$0x0], $0xffff  }
0x979: {  	s13 =	sor.u32 s14, s13;
	p0 =	slt.u32 s10, $0x3E;
	v32 =	vld.idx.msk [tilespmem:v32+s29+$0x0], $0xffff;
	[tilespmem:s8+$0x13920] =	vst v35  }
0x97a: {  	v35 =	vld [tilespmem:s13+$0x7580];
	[tilespmem:s7+$0x13930] =	vst v34;
	v25 =	vmov v33  }
0x97b: {  	v33 =	vld [tilespmem:s13+$0x7500]  }
0x97c: {  	v34 =	vld [tilespmem:s13+$0x7510];
	[tilespmem:s1+$0x13938] =	vst v31;
	s1 =	smov.u32 s7;
	s7 =	smov.u32 s8;
	s8 =	smov.u32 s9  }
0x97d: {  	s9 =	smov.u32 s13;
	v31 =	vld [tilespmem:s13+$0x7520]  }
0x97e: {  	[tilespmem:s8+$0x135E0] =	vst v36;
	v36 =	vld [tilespmem:s8+$0x7980]  }
0x97f: {  	[tilespmem:s8+$0x13560] =	vst v32;
	v32 =	vld.idx.msk [tilespmem:v38+s29+$0x0], $0xffff  }
0x980: {  	v37 =	vld [tilespmem:s9+$0x7530]  }
0x981: {  	v38 =	vld [tilespmem:s9+$0x7590]  }
0x982: {  	v35 =	vld.idx.msk [tilespmem:v35+s29+$0x0], $0xffff  }
0x983: {  	v33 =	vld.idx.msk [tilespmem:v33+s29+$0x0], $0xffff  }
0x984: {  	v39 =	vld [tilespmem:s9+$0x7540]  }
0x985: {  	[tilespmem:s8+$0x135F0] =	vst v32;
	v40 =	vld [tilespmem:s8+$0x7990]  }
0x986: {  	v36 =	vld.idx.msk [tilespmem:v36+s29+$0x0], $0xffff  }
0x987: {  	v41 =	vld [tilespmem:s9+$0x7550]  }
0x988: {  	[tilespmem:s9+$0x13580] =	vst v35;
	v35 =	vld [tilespmem:s9+$0x75A0]  }
0x989: {  	[tilespmem:s9+$0x13500] =	vst v33;
	v33 =	vld.idx.msk [tilespmem:v38+s29+$0x0], $0xffff  }
0x98a: {  	v34 =	vld.idx.msk [tilespmem:v34+s29+$0x0], $0xffff  }
0x98b: {  	v32 =	vld [tilespmem:s9+$0x7560]  }
0x98c: {  	[tilespmem:s8+$0x13980] =	vst v36;
	v36 =	vld [tilespmem:s8+$0x79A0]  }
0x98d: {  	v38 =	vld.idx.msk [tilespmem:v40+s29+$0x0], $0xffff  }
0x98e: {  	v40 =	vld [tilespmem:s9+$0x7570]  }
0x98f: {  	[tilespmem:s9+$0x13590] =	vst v33;
	v33 =	vld [tilespmem:s9+$0x75B0]  }
0x990: {  	[tilespmem:s9+$0x13510] =	vst v34;
	v34 =	vld.idx.msk [tilespmem:v35+s29+$0x0], $0xffff  }
0x991: {  	v31 =	vld.idx.msk [tilespmem:v31+s29+$0x0], $0xffff  }
0x992: {  	v35 =	vld.idx.msk [tilespmem:v26+s29+$0x0], $0xffff  }
0x993: {  	[tilespmem:s8+$0x13990] =	vst v38;
	v38 =	vld [tilespmem:s8+$0x79B0];
	v26 =	vmov v40  }
0x994: {  	v36 =	vld.idx.msk [tilespmem:v36+s29+$0x0], $0xffff  }
0x995: {  	v40 =	vld [tilespmem:s9+$0x7900]  }
0x996: {  	[tilespmem:s9+$0x135A0] =	vst v34;
	v34 =	vld [tilespmem:s9+$0x75C0]  }
0x997: {  	[tilespmem:s9+$0x13520] =	vst v31;
	v31 =	vld.idx.msk [tilespmem:v33+s29+$0x0], $0xffff  }
0x998: {  	v33 =	vld.idx.msk [tilespmem:v37+s29+$0x0], $0xffff;
	[tilespmem:s8+$0x13570] =	vst v35  }
0x999: {  	v35 =	vld.idx.msk [tilespmem:v27+s29+$0x0], $0xffff  }
0x99a: {  	[tilespmem:s8+$0x139A0] =	vst v36;
	v36 =	vld [tilespmem:s8+$0x79B8];
	v27 =	vmov v40  }
0x99b: {  	v37 =	vld.idx.msk [tilespmem:v38+s29+$0x0], $0xffff  }
0x99c: {  	v38 =	vld [tilespmem:s9+$0x7910]  }
0x99d: {  	[tilespmem:s9+$0x135B0] =	vst v31;
	v31 =	vld [tilespmem:s9+$0x75D0]  }
0x99e: {  	[tilespmem:s9+$0x13530] =	vst v33;
	v33 =	vld.idx.msk [tilespmem:v34+s29+$0x0], $0xffff  }
0x99f: {  	v34 =	vld.idx.msk [tilespmem:v39+s29+$0x0], $0xffff;
	[tilespmem:s8+$0x13900] =	vst v35  }
0x9a0: {  	v35 =	vld.idx.msk [tilespmem:v29+s29+$0x0], $0xffff  }
0x9a1: {  	v39 =	vld [tilespmem:s9+$0x7920];
	[tilespmem:s8+$0x139B0] =	vst v37;
	v29 =	vmov v38  }
0x9a2: {  	v38 =	vld.idx.msk [tilespmem:v36+s29+$0x0], $0xffff  }
0x9a3: {  	v40 =	vld [tilespmem:s9+$0x7930]  }
0x9a4: {  	[tilespmem:s9+$0x135C0] =	vst v33;
	v36 =	vld [tilespmem:s9+$0x75E0]  }
0x9a5: {  	[tilespmem:s9+$0x13540] =	vst v34;
	v42 =	vld.idx.msk [tilespmem:v31+s29+$0x0], $0xffff  }
0x9a6: {  	v37 =	vld.idx.msk [tilespmem:v41+s29+$0x0], $0xffff;
	[tilespmem:s8+$0x13910] =	vst v35  }
.Ltmp7:
0x9a7: {  	v35 =	vld.idx.msk [tilespmem:v30+s29+$0x0], $0xffff;
	v30 =	vmov v39;
	(pc) =	sbr.rel @p0 .LBB2_16-.Ltmp7, $4  }
0x9a8: {  	[tilespmem:s8+$0x139B8] =	vst v38;
	v34 =	vld.idx.msk [tilespmem:v23+s29+$0x0], $0xffff;
	v23 =	vmov v28;
	v28 =	vmov v40  }
0x9a9: {  	v33 =	vld [tilespmem:s9+$0x7938]  }
0x9aa: {  	v31 =	vld.idx.msk [tilespmem:v22+s29+$0x0], $0xffff;
	v22 =	vmov v24;
	v24 =	vmov v25  }
0x9ab: {  	s11 =	sadd.s32 $0x100, s11;
	s12 =	sadd.s32 $0x200, s12;
	[tilespmem:s9+$0x135D0] =	vst v42;
	v38 =	vld [tilespmem:s9+$0x75F0]  }
0x9ac: {  	_ =	sdelay $0x3  }
0x9ad: {  	v25 =	vld.idx.msk [tilespmem:v36+s29+$0x0], $0xffff;
	[tilespmem:s9+$0x13550] =	vst v37  }
0x9ae: {  	v32 =	vld.idx.msk [tilespmem:v32+s29+$0x0], $0xffff;
	_ =	sdelay $0x2  }
0x9af: {  	v45 =	vld [tilespmem:s9+$0x7980]  }
0x9b0: {  	[tilespmem:s9+$0x135E0] =	vst v25  }
0x9b1: {  	v46 =	vld.idx.msk [tilespmem:v38+s29+$0x0], $0xffff;
	[tilespmem:s9+$0x13560] =	vst v32  }
0x9b2: {  	v26 =	vld.idx.msk [tilespmem:v26+s29+$0x0], $0xffff;
	_ =	sdelay $0x2  }
0x9b3: {  	v40 =	vld [tilespmem:s9+$0x7990]  }
0x9b4: {  	[tilespmem:s9+$0x135F0] =	vst v46  }
0x9b5: {  	v25 =	vld.idx.msk [tilespmem:v45+s29+$0x0], $0xffff;
	[tilespmem:s9+$0x13570] =	vst v26  }
0x9b6: {  	v26 =	vld.idx.msk [tilespmem:v27+s29+$0x0], $0xffff;
	_ =	sdelay $0x2  }
0x9b7: {  	v41 =	vld [tilespmem:s9+$0x79A0]  }
0x9b8: {  	[tilespmem:s9+$0x13980] =	vst v25  }
0x9b9: {  	v42 =	vld.idx.msk [tilespmem:v40+s29+$0x0], $0xffff;
	[tilespmem:s9+$0x13900] =	vst v26  }
0x9ba: {  	v26 =	vld.idx.msk [tilespmem:v29+s29+$0x0], $0xffff;
	_ =	sdelay $0x2  }
0x9bb: {  	v43 =	vld [tilespmem:s9+$0x79B0]  }
0x9bc: {  	[tilespmem:s9+$0x13990] =	vst v42  }
0x9bd: {  	v25 =	vld.idx.msk [tilespmem:v41+s29+$0x0], $0xffff;
	[tilespmem:s9+$0x13910] =	vst v26  }
0x9be: {  	v44 =	vld.idx.msk [tilespmem:v30+s29+$0x0], $0xffff;
	_ =	sdelay $0x2  }
0x9bf: {  	[tilespmem:s8+$0x13920] =	vst v35;
	v45 =	vld [tilespmem:s9+$0x79B8]  }
0x9c0: {  	v23 =	vld.idx.msk [tilespmem:v23+s29+$0x0], $0xffff;
	[tilespmem:s9+$0x139A0] =	vst v25  }
0x9c1: {  	v27 =	vld.idx.msk [tilespmem:v43+s29+$0x0], $0xffff;
	[tilespmem:s9+$0x13920] =	vst v44  }
0x9c2: {  	v25 =	vld.idx.msk [tilespmem:v28+s29+$0x0], $0xffff;
	_ =	sdelay $0x1  }
0x9c3: {  	[tilespmem:s7+$0x13930] =	vst v34  }
0x9c4: {  	v22 =	vld.idx.msk [tilespmem:v22+s29+$0x0], $0xffff;
	[tilespmem:s8+$0x13930] =	vst v23  }
0x9c5: {  	v23 =	vld.idx.msk [tilespmem:v24+s29+$0x0], $0xffff;
	[tilespmem:s9+$0x139B0] =	vst v27  }
0x9c6: {  	v26 =	vld.idx.msk [tilespmem:v45+s29+$0x0], $0xffff;
	[tilespmem:s9+$0x13930] =	vst v25  }
0x9c7: {  	v46 =	vld.idx.msk [tilespmem:v33+s29+$0x0], $0xffff  }
0x9c8: {  	[tilespmem:s1+$0x13938] =	vst v31  }
0x9c9: {  	[tilespmem:s7+$0x13938] =	vst v22  }
0x9ca: {  	[tilespmem:s8+$0x13938] =	vst v23  }
0x9cb: {  	[tilespmem:s9+$0x139B8] =	vst v26  }
0x9cc: {  	[tilespmem:s9+$0x13938] =	vst v46  }
0x9cd: {  	[hbm4b:s20+s2] =	stream.linear.scatter [tilespmem:s0], [sflag:$0x5], $0x4000, $0x38;
	[tilespmem:$0x1B500] =	vst v63  }
0x9ce: {  	_ =	swait.ge [sflag:s26], $0x4000  }
0x9cf: {  	[sflag:s26] =	ssyncset.done $0x0  }
0x9d0: {  	s6 =	sadd.s32 $0x1, s6;
	[sflag:s26] =	ssyncadd.s32 $0xFFFFC000  }
0x9d1: {  	p0 =	sne.s32 s6, s21;
	_ =	swait.ge [sflag:s4], $0x4000  }
.Ltmp8:
0x9d2: {  	[sflag:s4] =	ssyncset.done $0x0;
	(pc) =	sbr.rel @p0 .LBB2_1-.Ltmp8, $4  }
0x9d3: {  	[sflag:s4] =	ssyncadd.s32 $0xFFFFC000  }
0x9d4: {  	_ =	swait.ge [sflag:s5], $0x4000  }
0x9d5: {  	[sflag:s5] =	ssyncset.done $0x0  }
0x9d6: {  	[sflag:s5] =	ssyncadd.s32 $0xFFFFC000  }
0x9d7: {  	_ =	sfence.sel $0x180000  }
0x9d8: {  	[bflag:$0x0] =	sbarrier.arrive $0xFFFF  }
0x9d9: {  	_ =	strace $0x90000047  }
0x9da: {  	s0 =	stileid.u32;
	[bflag:$0x2] =	sbarrier.arrive $0xFFFF  }
0x9db: {  	p0 =	sne.s32 s0, $0x0;
	s0 =	rddreg [dreg:$0x2]  }
0x9dc: {  	s0 =	sadd.s32 @!p0 $0x100000, s0  }
0x9dd: {  	[sflag:s0] =	ssyncadd.tile.s32 @!p0 $0x1;
	_ =	shalt  }
.Lfunc_end2:
_tile_overlayer_lowered:
.L_overlay_start_2:
0x9de: {  	(tag) =	ssettag $0x2  }
0x9df: {  	s0 =	rddreg [dreg:$0x0];
	s2 =	stileid.u32  }
0x9e0: {  	s1 =	rddreg [dreg:$0x1];
	p0 =	sne.s32 s2, $0x0  }
0x9e1: {  	s3 =	rddreg [dreg:$0x2];
	[bflag:$0x3] =	sbarrier.arrive $0xFFFF;
	s2 =	simm.s32 @!p0 $0x1C07  }
0x9e2: {  	[timem:s3], [sflag:s2] =	dma.local @!p0 [hbm:s0], s1  }
0x9e3: {  	s0 =	simm.s32 @!p0 $0x7  }
0x9e4: {  	_ =	swait.ge @!p0 [sflag:s0], s1  }
0x9e5: {  	s1 =	ssub.s32 @!p0 $0x0, s1;
	[sflag:s0] =	ssyncset.done @!p0 $0x0  }
0x9e6: {  	[sflag:s0] =	ssyncadd.s32 @!p0 s1  }
0x9e7: {  	[bflag:$0x3] =	sbarrier.arrive $0xFFFF  }
0x9e8: {  	_ =	shalt  }

</sc_bundles>
